<compile_context>
chip_gen: v7x
topology: tpu7x:2x2x1
jax: 0.10.2.dev20260603
libtpu: 0.0.44.dev20260713+nightly
codegen_flags: <defaults>
</compile_context>

<pallas_src>
import jax
import jax.numpy as jnp
from jax import lax
from jax.experimental import pallas as pl
from jax.experimental.pallas import tpu as pltpu
from jax.experimental.pallas import tpu_sc as plsc

N = 2048
D = 64
C = 16
DP = 128
E2 = 32768
NW = 32
CPT = 8
CPT2 = CPT // 2
E2H = E2 // 2
CHUNK = 128
BN = 128
EB = 1024

_HIGHEST = lax.Precision.HIGHEST


def _sigmoid(x):
    return 1.0 / (1.0 + jnp.exp(-x))


def _softplus(x):
    return jnp.maximum(x, 0.0) + jnp.log(1.0 + jnp.exp(-jnp.abs(x)))


def _tc1_body(w_ref, b_ref, alpha_ref, out_ref):
    a = alpha_ref[...]
    val = jnp.sum(w_ref[...] * a[None], axis=2) + b_ref[...]
    ones = jnp.ones((BN, 1), jnp.float32)
    pad = jnp.zeros((BN, DP - D - 1), jnp.float32)
    out_ref[...] = jnp.concatenate([val, ones, pad], axis=1)


def _tc1_call(s2p_w3, s2p_b2, alpha):
    return pl.pallas_call(
        _tc1_body,
        grid=(N // BN,),
        in_specs=[
            pl.BlockSpec((BN, D, D), lambda g: (g, 0, 0)),
            pl.BlockSpec((BN, D), lambda g: (g, 0)),
            pl.BlockSpec((1, D), lambda g: (0, 0)),
        ],
        out_specs=pl.BlockSpec((BN, DP), lambda g: (g, 0)),
        out_shape=jax.ShapeDtypeStruct((N, DP), jnp.float32),
    )(s2p_w3, s2p_b2, alpha)


def _prep_body(ei_ref, sa_ref, sb_ref):
    sa_ref[...] = lax.bitcast_convert_type(
        ei_ref[0].reshape(NW * CPT2, CHUNK), jnp.float32)
    sb_ref[...] = lax.bitcast_convert_type(
        ei_ref[1].reshape(NW * CPT2, CHUNK), jnp.float32)


def _prep_call(edge_index):
    return pl.pallas_call(
        _prep_body,
        out_shape=(
            jax.ShapeDtypeStruct((NW * CPT2, CHUNK), jnp.float32),
            jax.ShapeDtypeStruct((NW * CPT2, CHUNK), jnp.float32),
        ),
    )(edge_index)


def _load_idx_i32(f_hbm, wid, f_v, i_v):
    pltpu.sync_copy(f_hbm.at[pl.ds(wid * CPT2, CPT2)], f_v)
    for j in range(CPT2):
        for c in range(CHUNK // 16):
            sl = pl.ds(c * 16, 16)
            i_v[j, sl] = plsc.bitcast(f_v[j, sl], jnp.int32)


def _sc1_body(phi_hbm, sa_hbm, sb_hbm, out_hbm, fa_v, fb_v, ia_v, ib_v, buf,
              acc, sem):
    cid = lax.axis_index("c")
    sid = lax.axis_index("s")
    wid = cid * 16 + sid
    zero = jnp.zeros((16,), jnp.float32)

    def zrow(i, carry):
        for c in range(DP // 16):
            buf[i, pl.ds(c * 16, 16)] = zero
        return carry

    lax.fori_loop(0, CHUNK, zrow, 0)
    pltpu.sync_copy(buf, acc.at[pl.ds(sid * CHUNK, CHUNK)])
    _load_idx_i32(sa_hbm, wid, fa_v, ia_v)
    _load_idx_i32(sb_hbm, wid, fb_v, ib_v)
    plsc.subcore_barrier()
    for j in range(CPT2):
        pltpu.async_copy(phi_hbm.at[ia_v.at[j]], buf, sem).wait()
        pltpu.sync_copy(buf, acc.at[ib_v.at[j]], add=True)
    for j in range(CPT2):
        pltpu.async_copy(phi_hbm.at[ib_v.at[j]], buf, sem).wait()
        pltpu.sync_copy(buf, acc.at[ia_v.at[j]], add=True)
    plsc.subcore_barrier()
    pltpu.sync_copy(acc.at[pl.ds(sid * CHUNK, CHUNK)], buf)
    pltpu.sync_copy(buf, out_hbm.at[cid, pl.ds(sid * CHUNK, CHUNK)])


def _sc1_call(phi_ext, sa, sb):
    mesh = plsc.VectorSubcoreMesh(core_axis_name="c", subcore_axis_name="s")
    return pl.kernel(
        _sc1_body,
        out_type=jax.ShapeDtypeStruct((2, N, DP), jnp.float32),
        mesh=mesh,
        compiler_params=pltpu.CompilerParams(use_tc_tiling_on_sc=True, needs_layout_passes=False),
        scratch_types=[
            pltpu.VMEM((CPT2, CHUNK), jnp.float32),
            pltpu.VMEM((CPT2, CHUNK), jnp.float32),
            pltpu.VMEM((CPT2, CHUNK), jnp.int32),
            pltpu.VMEM((CPT2, CHUNK), jnp.int32),
            pltpu.VMEM((CHUNK, DP), jnp.float32),
            pltpu.VMEM_SHARED((N, DP), jnp.float32),
            pltpu.SemaphoreType.DMA,
        ],
    )(phi_ext, sa, sb)


def _tc2_body(phi_ext_ref, agg2_ref, alpha_ref, s2b_w_ref, s2b_b_ref,
              wihn_ref, bihn_ref, bhhn_ref, wihc_ref, bihc_ref, bhhc_ref,
              pm_ref, pmb_ref, ps_ref, psb_ref, bm_ref, bmb_ref, bs_ref,
              bsb_ref, epsp_ref, epsb_ref, dec_ref, phis_ref, bd_ref):
    phi_prior = phi_ext_ref[:, :D]
    acc = agg2_ref[0] + agg2_ref[1]
    agg = acc[:, :D]
    deg = acc[:, D:D + 1]
    ctx = jnp.where(deg == 0.0, phi_prior, agg) / jnp.maximum(deg, 1.0)

    x = jnp.concatenate([phi_prior, ctx], axis=1)
    gi = jnp.dot(x, wihn_ref[...], preferred_element_type=jnp.float32,
                 precision=_HIGHEST) + bihn_ref[...]
    bhh = bhhn_ref[...]
    r = _sigmoid(gi[:, :D] + bhh[:, :D])
    z = _sigmoid(gi[:, D:2 * D] + bhh[:, D:2 * D])
    n = jnp.tanh(gi[:, 2 * D:] + r * bhh[:, 2 * D:])
    h_phi = (1.0 - z) * n
    phi_mean = jnp.dot(h_phi, pm_ref[...], preferred_element_type=jnp.float32,
                       precision=_HIGHEST) + pmb_ref[...]
    phi_std = _softplus(jnp.dot(h_phi, ps_ref[...],
                                preferred_element_type=jnp.float32,
                                precision=_HIGHEST) + psb_ref[...])
    phis = phi_mean + phi_std * epsp_ref[...]
    phis_ref[...] = jnp.concatenate(
        [phis, jnp.zeros((N, DP - D), jnp.float32)], axis=1)

    bp = jnp.sum(s2b_w_ref[...] * alpha_ref[...][None], axis=2) + s2b_b_ref[...]
    xc = jnp.concatenate([bp, bp], axis=1)
    gic = jnp.dot(xc, wihc_ref[...], preferred_element_type=jnp.float32,
                  precision=_HIGHEST) + bihc_ref[...]
    bhc = bhhc_ref[...]
    rc = _sigmoid(gic[:, :D] + bhc[:, :D])
    zc = _sigmoid(gic[:, D:2 * D] + bhc[:, D:2 * D])
    nc = jnp.tanh(gic[:, 2 * D:] + rc * bhc[:, 2 * D:])
    h_beta = (1.0 - zc) * nc
    beta_mean = jnp.dot(h_beta, bm_ref[...], preferred_element_type=jnp.float32,
                        precision=_HIGHEST) + bmb_ref[...]
    beta_std = _softplus(jnp.dot(h_beta, bs_ref[...],
                                 preferred_element_type=jnp.float32,
                                 precision=_HIGHEST) + bsb_ref[...])
    beta_sample = beta_mean + beta_std * epsb_ref[...]
    bd_ref[...] = jnp.dot(beta_sample, dec_ref[...],
                          preferred_element_type=jnp.float32,
                          precision=_HIGHEST).astype(jnp.bfloat16)


def _tc2_call(phi_ext, agg2, alpha, s2b_w3, s2b_b2, wih_nT, bih_n2, bhh_n2,
              wih_cT, bih_c2, bhh_c2, pm_wT, pm_b2, ps_wT, ps_b2, bm_wT,
              bm_b2, bs_wT, bs_b2, eps_phi, eps_beta, dec_wT):
    return pl.pallas_call(
        _tc2_body,
        out_shape=(
            jax.ShapeDtypeStruct((N, DP), jnp.float32),
            jax.ShapeDtypeStruct((C, N), jnp.bfloat16),
        ),
    )(phi_ext, agg2, alpha, s2b_w3, s2b_b2, wih_nT, bih_n2, bhh_n2,
      wih_cT, bih_c2, bhh_c2, pm_wT, pm_b2, ps_wT, ps_b2, bm_wT, bm_b2,
      bs_wT, bs_b2, eps_phi, eps_beta, dec_wT)


def _sc2_body(phi_hbm, src_hbm, dst_hbm, out_hbm, fs_v, fd_v, src_v, dst_v,
              a_v, b_v, p_v, sem_a, sem_b):
    cid = lax.axis_index("c")
    sid = lax.axis_index("s")
    wid = cid * 16 + sid
    _load_idx_i32(src_hbm, wid, fs_v, src_v)
    _load_idx_i32(dst_hbm, wid, fd_v, dst_v)
    base = wid * (CPT2 * CHUNK)
    for j in range(CPT2):
        cp_a = pltpu.async_copy(phi_hbm.at[src_v.at[j]], a_v, sem_a)
        cp_b = pltpu.async_copy(phi_hbm.at[dst_v.at[j]], b_v, sem_b)
        cp_a.wait()
        cp_b.wait()

        def mrow(i, carry):
            for c in range(D // 16):
                sl = pl.ds(c * 16, 16)
                p_v[i, sl] = a_v[i, sl] * b_v[i, sl]
            return carry

        lax.fori_loop(0, CHUNK, mrow, 0)
        pltpu.sync_copy(p_v, out_hbm.at[pl.ds(base + j * CHUNK, CHUNK)])


def _sc2_call(phi_sample, src_half, dst_half):
    mesh = plsc.VectorSubcoreMesh(core_axis_name="c", subcore_axis_name="s")
    return pl.kernel(
        _sc2_body,
        out_type=jax.ShapeDtypeStruct((E2H, D), jnp.float32),
        mesh=mesh,
        compiler_params=pltpu.CompilerParams(use_tc_tiling_on_sc=True, needs_layout_passes=False),
        scratch_types=[
            pltpu.VMEM((CPT2, CHUNK), jnp.float32),
            pltpu.VMEM((CPT2, CHUNK), jnp.float32),
            pltpu.VMEM((CPT2, CHUNK), jnp.int32),
            pltpu.VMEM((CPT2, CHUNK), jnp.int32),
            pltpu.VMEM((CHUNK, DP), jnp.float32),
            pltpu.VMEM((CHUNK, DP), jnp.float32),
            pltpu.VMEM((CHUNK, D), jnp.float32),
            pltpu.SemaphoreType.DMA,
            pltpu.SemaphoreType.DMA,
        ],
    )(phi_sample, src_half, dst_half)


def _tc3_body(prod_ref, pi_ref, bd_ref, out_ref):
    q = jnp.dot(prod_ref[...], pi_ref[...], preferred_element_type=jnp.float32,
                precision=_HIGHEST)
    m = jnp.max(q, axis=1, keepdims=True)
    e = jnp.exp(q - m)
    zz = (e / jnp.sum(e, axis=1, keepdims=True)).astype(jnp.bfloat16)
    out_ref[...] = jnp.dot(zz, bd_ref[...], preferred_element_type=jnp.float32)


def _tc3_body_b(prod_ref, pi_ref, bd_ref, prev_ref, out_ref):
    del prev_ref
    _tc3_body(prod_ref, pi_ref, bd_ref, out_ref)


def _tc3_call_a(prod_a, pi_wT, bd):
    return pl.pallas_call(
        _tc3_body,
        grid=(E2H // EB,),
        in_specs=[
            pl.BlockSpec((EB, D), lambda g: (g, 0)),
            pl.BlockSpec((D, C), lambda g: (0, 0)),
            pl.BlockSpec((C, N), lambda g: (0, 0)),
        ],
        out_specs=pl.BlockSpec((EB, N), lambda g: (g, 0)),
        out_shape=jax.ShapeDtypeStruct((E2, N), jnp.float32),
    )(prod_a, pi_wT, bd)


def _tc3_call_b(prod_b, pi_wT, bd, out_prev):
    nblk = E2H // EB
    return pl.pallas_call(
        _tc3_body_b,
        grid=(nblk,),
        in_specs=[
            pl.BlockSpec((EB, D), lambda g: (g, 0)),
            pl.BlockSpec((D, C), lambda g: (0, 0)),
            pl.BlockSpec((C, N), lambda g: (0, 0)),
            pl.BlockSpec(memory_space=pl.ANY),
        ],
        out_specs=pl.BlockSpec((EB, N), lambda g: (g + nblk, 0)),
        out_shape=jax.ShapeDtypeStruct((E2, N), jnp.float32),
        input_output_aliases={3: 0},
    )(prod_b, pi_wT, bd, out_prev)


def kernel(edge_index, subject_idx, alpha_mean_w, s2p_w, s2p_b, s2b_w, s2b_b,
           wih_n, whh_n, bih_n, bhh_n, wih_c, whh_c, bih_c, bhh_c,
           bm_w, bm_b, bs_w, bs_b, pm_w, pm_b, ps_w, ps_b,
           pi_w, dec_w, eps_phi, eps_beta):
    alpha = lax.dynamic_index_in_dim(alpha_mean_w, subject_idx, axis=0,
                                     keepdims=True)
    sa, sb = _prep_call(edge_index)

    phi_ext = _tc1_call(s2p_w.reshape(N, D, D), s2p_b.reshape(N, D), alpha)
    agg2 = _sc1_call(phi_ext, sa, sb)
    phi_sample, bd = _tc2_call(
        phi_ext, agg2, alpha, s2b_w.reshape(C, D, D), s2b_b.reshape(C, D),
        wih_n.T, bih_n.reshape(1, 3 * D), bhh_n.reshape(1, 3 * D),
        wih_c.T, bih_c.reshape(1, 3 * D), bhh_c.reshape(1, 3 * D),
        pm_w.T, pm_b.reshape(1, D), ps_w.T, ps_b.reshape(1, D),
        bm_w.T, bm_b.reshape(1, D), bs_w.T, bs_b.reshape(1, D),
        eps_phi, eps_beta, dec_w.T)
    prod_a = _sc2_call(phi_sample, sa, sb)
    prod_b = _sc2_call(phi_sample, sb, sa)
    out_a = _tc3_call_a(prod_a, pi_w.T, bd)
    return _tc3_call_b(prod_b, pi_w.T, bd, out_a)

# --- scband reference (transcript-rebuilt; emitter-appended) ---
"""Pipeline reference for scband-model-34411277976388 (READ-ONLY COPY).

The authoritative reference and input builder live on the scoring server;
editing this copy changes nothing except your own understanding.
"""

import jax, jax.numpy as jnp
import numpy as np

N = 2048
D = 64
C = 16
S = 1024
E = 16384

def _xavier(key, out_dim, in_dim):
    a = float(np.sqrt(6.0 / (in_dim + out_dim)))
    return jax.random.uniform(key, (out_dim, in_dim), minval=-a, maxval=a, dtype=jnp.float32)

def _gru_param(key, shape):
    a = float(1.0 / np.sqrt(D))
    return jax.random.uniform(key, shape, minval=-a, maxval=a, dtype=jnp.float32)

def setup_inputs(seed: int = 0):
    key = jax.random.key(seed)
    ks = jax.random.split(key, 32)
    inp = {}
    inp['edge_index'] = jax.random.randint(ks[0], (2, E), 0, N, dtype=jnp.int32)
    inp['subject_idx'] = 5
    inp['alpha_mean_w'] = jax.random.normal(ks[1], (S, D), dtype=jnp.float32)
    inp['s2p_w'] = _xavier(ks[2], N * D, D)
    inp['s2p_b'] = jnp.zeros((N * D,), dtype=jnp.float32)
    inp['s2b_w'] = _xavier(ks[3], C * D, D)
    inp['s2b_b'] = jnp.zeros((C * D,), dtype=jnp.float32)
    inp['wih_n'] = _gru_param(ks[4], (3 * D, 2 * D))
    inp['whh_n'] = _gru_param(ks[5], (3 * D, D))
    inp['bih_n'] = _gru_param(ks[6], (3 * D,))
    inp['bhh_n'] = _gru_param(ks[7], (3 * D,))
    inp['wih_c'] = _gru_param(ks[8], (3 * D, 2 * D))
    inp['whh_c'] = _gru_param(ks[9], (3 * D, D))
    inp['bih_c'] = _gru_param(ks[10], (3 * D,))
    inp['bhh_c'] = _gru_param(ks[11], (3 * D,))
    inp['bm_w'] = _xavier(ks[12], D, D)
    inp['bm_b'] = jnp.zeros((D,), dtype=jnp.float32)
    inp['bs_w'] = _xavier(ks[13], D, D)
    inp['bs_b'] = jnp.zeros((D,), dtype=jnp.float32)
    inp['pm_w'] = _xavier(ks[14], D, D)
    inp['pm_b'] = jnp.zeros((D,), dtype=jnp.float32)
    inp['ps_w'] = _xavier(ks[15], D, D)
    inp['ps_b'] = jnp.zeros((D,), dtype=jnp.float32)
    inp['pi_w'] = _xavier(ks[16], C, D)
    inp['dec_w'] = _xavier(ks[17], N, D)
    inp['eps_phi'] = jax.random.normal(ks[18], (N, D), dtype=jnp.float32)
    inp['eps_beta'] = jax.random.normal(ks[19], (C, D), dtype=jnp.float32)
    return inp

def _gru_cell(x, h, wih, whh, bih, bhh):
    gi = x @ wih.T + bih
    gh = h @ whh.T + bhh
    i_r, i_z, i_n = jnp.split(gi, 3, axis=-1)
    h_r, h_z, h_n = jnp.split(gh, 3, axis=-1)
    r = jax.nn.sigmoid(i_r + h_r)
    z = jax.nn.sigmoid(i_z + h_z)
    n = jnp.tanh(i_n + r * h_n)
    return (1.0 - z) * n + z * h

def _forward(floats, edge_index, subject_idx):
    (alpha_mean_w, s2p_w, s2p_b, s2b_w, s2b_b,
     wih_n, whh_n, bih_n, bhh_n, wih_c, whh_c, bih_c, bhh_c,
     bm_w, bm_b, bs_w, bs_b, pm_w, pm_b, ps_w, ps_b,
     pi_w, dec_w, eps_phi, eps_beta) = floats
    # _initialize_subject
    alpha_n = alpha_mean_w[subject_idx]
    phi_prior_mean = (alpha_n @ s2p_w.T + s2p_b).reshape(N, D)
    beta_prior_mean = (alpha_n @ s2b_w.T + s2b_b).reshape(C, D)
    # symmetric edge lists (w = cat(src,dst), c = cat(dst,src))
    src = jnp.concatenate([edge_index[0], edge_index[1]])
    dst = jnp.concatenate([edge_index[1], edge_index[0]])
    # _aggregate_neighbors (Fix 1): scatter_add mean aggregation
    agg = jnp.zeros((N, D), dtype=jnp.float32).at[dst].add(phi_prior_mean[src])
    deg = jnp.zeros((N,), dtype=jnp.float32).at[dst].add(1.0)
    isolated = deg == 0
    agg = jnp.where(isolated[:, None], phi_prior_mean, agg)
    neighbor_context = agg / jnp.clip(deg, 1.0)[:, None]
    # _update_hidden_states (single GRU step from zero hidden state)
    nodes_in = jnp.concatenate([phi_prior_mean, neighbor_context], axis=-1)
    h_phi = _gru_cell(nodes_in, jnp.zeros((N, D), jnp.float32), wih_n, whh_n, bih_n, bhh_n)
    comms_in = jnp.concatenate([beta_prior_mean, beta_prior_mean], axis=-1)
    h_beta = _gru_cell(comms_in, jnp.zeros((C, D), jnp.float32), wih_c, whh_c, bih_c, bhh_c)
    # _sample_embeddings (reparameterized, fixed noise)
    beta_mean_t = h_beta @ bm_w.T + bm_b
    beta_std_t = jax.nn.softplus(h_beta @ bs_w.T + bs_b)
    phi_mean_t = h_phi @ pm_w.T + pm_b
    phi_std_t = jax.nn.softplus(h_phi @ ps_w.T + ps_b)
    beta_sample = beta_mean_t + beta_std_t * eps_beta
    phi_sample = phi_mean_t + phi_std_t * eps_phi
    # _edge_reconstruction (eval path: soft z)
    q = (phi_sample[src] * phi_sample[dst]) @ pi_w.T
    z = jax.nn.softmax(q, axis=-1)
    beta_mixture = z @ beta_sample
    p_c_given_z = beta_mixture @ dec_w.T
    return p_c_given_z

def reference(edge_index, subject_idx, alpha_mean_w, s2p_w, s2p_b, s2b_w, s2b_b,
              wih_n, whh_n, bih_n, bhh_n, wih_c, whh_c, bih_c, bhh_c,
              bm_w, bm_b, bs_w, bs_b, pm_w, pm_b, ps_w, ps_b,
              pi_w, dec_w, eps_phi, eps_beta):
    floats = (alpha_mean_w, s2p_w, s2p_b, s2b_w, s2b_b,
              wih_n, whh_n, bih_n, bhh_n, wih_c, whh_c, bih_c, bhh_c,
              bm_w, bm_b, bs_w, bs_b, pm_w, pm_b, ps_w, ps_b,
              pi_w, dec_w, eps_phi, eps_beta)
    return _forward(floats, edge_index, subject_idx)

if __name__ == "__main__":
    import jax
    _d = setup_inputs()
    print(jax.jit(kernel)(*tuple(_d.values())))

</pallas_src>

<mosaic_0001>
#map = affine_map<(d0, d1) -> (0, 0)>
module attributes {stable_mosaic.version = 14 : i64} {
  func.func @_sc2_body(%arg0: i32, %arg1: i32, %arg2: memref<2048x128xf32, #tpu.memory_space<hbm>>, %arg3: memref<128x128xf32, #tpu.memory_space<hbm>>, %arg4: memref<128x128xf32, #tpu.memory_space<hbm>>, %arg5: memref<16384x64xf32, #tpu.memory_space<hbm>>, %arg6: memref<4x128xf32, #tpu.memory_space<vmem>>, %arg7: memref<4x128xf32, #tpu.memory_space<vmem>>, %arg8: memref<4x128xi32, #tpu.memory_space<vmem>>, %arg9: memref<4x128xi32, #tpu.memory_space<vmem>>, %arg10: memref<128x128xf32, #tpu.memory_space<vmem>>, %arg11: memref<128x128xf32, #tpu.memory_space<vmem>>, %arg12: memref<128x64xf32, #tpu.memory_space<vmem>>, %arg13: memref<!tpu.dma_semaphore, #tpu.memory_space<semaphore_mem>>, %arg14: memref<!tpu.dma_semaphore, #tpu.memory_space<semaphore_mem>>) attributes {dimension_semantics = [#tpu.dimension_semantics<core_parallel>, #tpu.dimension_semantics<subcore_parallel>], iteration_bounds = array<i64: 2, 16>, scalar_prefetch = 0 : i64, scratch_operands = 9 : i64, tpu.core_type = #tpu.core_type<sc_vector_subcore>, window_params = [{transform_indices = #map}, {transform_indices = #map}, {transform_indices = #map}, {transform_indices = #map}]} {
    %mul3A = arith.constant 16 : i32
    %mul3A_0 = arith.muli %arg0, %mul3A : i32
    %add3A = arith.addi %mul3A_0, %arg1 : i32
    %mul3A_1 = arith.constant 4 : i32
    %mul3A_2 = arith.muli %add3A, %mul3A_1 : i32
    "tpu.region"() ({
      %run_scoped3A = tpu.sem_alloc : memref<!tpu.dma_semaphore, #tpu.memory_space<semaphore_mem>>
      %dma_start3A_721 = arith.constant 0 : i32
      %dma_start3A_722 = tpu.memref_slice %arg3[%mul3A_2, %dma_start3A_721] : memref<128x128xf32, #tpu.memory_space<hbm>> -> memref<4x128xf32, #tpu.memory_space<hbm>>
      %dma_start3A_723 = arith.constant 0 : i32
      %dma_start3A_724 = tpu.memref_slice %arg3[%mul3A_2, %dma_start3A_723] : memref<128x128xf32, #tpu.memory_space<hbm>> -> memref<4x128xf32, #tpu.memory_space<hbm>>
      tpu.enqueue_dma source(%dma_start3A_724 : memref<4x128xf32, #tpu.memory_space<hbm>>) target(%arg6 : memref<4x128xf32, #tpu.memory_space<vmem>>) target_semaphore(%run_scoped3A : memref<!tpu.dma_semaphore, #tpu.memory_space<semaphore_mem>>)
      %dma_wait3A_725 = arith.constant 0 : i32
      %dma_wait3A_726 = tpu.memref_slice %arg3[%mul3A_2, %dma_wait3A_725] : memref<128x128xf32, #tpu.memory_space<hbm>> -> memref<4x128xf32, #tpu.memory_space<hbm>>
      %dma_wait3A_727 = arith.constant 0 : i32
      %dma_wait3A_728 = tpu.memref_slice %arg3[%mul3A_2, %dma_wait3A_727] : memref<128x128xf32, #tpu.memory_space<hbm>> -> memref<4x128xf32, #tpu.memory_space<hbm>>
      tpu.wait_dma2 semaphore(%run_scoped3A : memref<!tpu.dma_semaphore, #tpu.memory_space<semaphore_mem>>) src(%dma_wait3A_728 : memref<4x128xf32, #tpu.memory_space<hbm>>) dst(%arg6 : memref<4x128xf32, #tpu.memory_space<vmem>>)
      tpu.yield
    }) : () -> ()
    %get3A = arith.constant 0 : i32
    %get3A_3 = arith.index_cast %get3A : i32 to index
    %get3A_4 = arith.constant 0 : index
    %get3A_5 = tpu.vector_load %arg6[%get3A_3, %get3A_4] {strides = array<i32>} : memref<4x128xf32, #tpu.memory_space<vmem>>, vector<16xf32>,
    %bitcast3A = vector.bitcast %get3A_5 : vector<16xf32> to vector<16xi32>
    %swap3A = arith.constant 0 : i32
    %swap3A_6 = arith.index_cast %swap3A : i32 to index
    %swap3A_7 = arith.constant 0 : index
    %swap3A_8 = tpu.vector_load %arg8[%swap3A_6, %swap3A_7] {strides = array<i32>} : memref<4x128xi32, #tpu.memory_space<vmem>>, vector<16xi32>,
    tpu.vector_store %arg8[%swap3A_6, %swap3A_7], %bitcast3A {strides = array<i32>} : memref<4x128xi32, #tpu.memory_space<vmem>>, vector<16xi32>,
    %get3A_9 = arith.constant 0 : i32
    %get3A_10 = arith.index_cast %get3A_9 : i32 to index
    %get3A_11 = arith.constant 16 : index
    %get3A_12 = tpu.vector_load %arg6[%get3A_10, %get3A_11] {strides = array<i32>} : memref<4x128xf32, #tpu.memory_space<vmem>>, vector<16xf32>,
    %bitcast3A_13 = vector.bitcast %get3A_12 : vector<16xf32> to vector<16xi32>
    %swap3A_14 = arith.constant 0 : i32
    %swap3A_15 = arith.index_cast %swap3A_14 : i32 to index
    %swap3A_16 = arith.constant 16 : index
    %swap3A_17 = tpu.vector_load %arg8[%swap3A_15, %swap3A_16] {strides = array<i32>} : memref<4x128xi32, #tpu.memory_space<vmem>>, vector<16xi32>,
    tpu.vector_store %arg8[%swap3A_15, %swap3A_16], %bitcast3A_13 {strides = array<i32>} : memref<4x128xi32, #tpu.memory_space<vmem>>, vector<16xi32>,
    %get3A_18 = arith.constant 0 : i32
    %get3A_19 = arith.index_cast %get3A_18 : i32 to index
    %get3A_20 = arith.constant 32 : index
    %get3A_21 = tpu.vector_load %arg6[%get3A_19, %get3A_20] {strides = array<i32>} : memref<4x128xf32, #tpu.memory_space<vmem>>, vector<16xf32>,
    %bitcast3A_22 = vector.bitcast %get3A_21 : vector<16xf32> to vector<16xi32>
    %swap3A_23 = arith.constant 0 : i32
    %swap3A_24 = arith.index_cast %swap3A_23 : i32 to index
    %swap3A_25 = arith.constant 32 : index
    %swap3A_26 = tpu.vector_load %arg8[%swap3A_24, %swap3A_25] {strides = array<i32>} : memref<4x128xi32, #tpu.memory_space<vmem>>, vector<16xi32>,
    tpu.vector_store %arg8[%swap3A_24, %swap3A_25], %bitcast3A_22 {strides = array<i32>} : memref<4x128xi32, #tpu.memory_space<vmem>>, vector<16xi32>,
    %get3A_27 = arith.constant 0 : i32
    %get3A_28 = arith.index_cast %get3A_27 : i32 to index
    %get3A_29 = arith.constant 48 : index
    %get3A_30 = tpu.vector_load %arg6[%get3A_28, %get3A_29] {strides = array<i32>} : memref<4x128xf32, #tpu.memory_space<vmem>>, vector<16xf32>,
    %bitcast3A_31 = vector.bitcast %get3A_30 : vector<16xf32> to vector<16xi32>
    %swap3A_32 = arith.constant 0 : i32
    %swap3A_33 = arith.index_cast %swap3A_32 : i32 to index
    %swap3A_34 = arith.constant 48 : index
    %swap3A_35 = tpu.vector_load %arg8[%swap3A_33, %swap3A_34] {strides = array<i32>} : memref<4x128xi32, #tpu.memory_space<vmem>>, vector<16xi32>,
    tpu.vector_store %arg8[%swap3A_33, %swap3A_34], %bitcast3A_31 {strides = array<i32>} : memref<4x128xi32, #tpu.memory_space<vmem>>, vector<16xi32>,
    %get3A_36 = arith.constant 0 : i32
    %get3A_37 = arith.index_cast %get3A_36 : i32 to index
    %get3A_38 = arith.constant 64 : index
    %get3A_39 = tpu.vector_load %arg6[%get3A_37, %get3A_38] {strides = array<i32>} : memref<4x128xf32, #tpu.memory_space<vmem>>, vector<16xf32>,
    %bitcast3A_40 = vector.bitcast %get3A_39 : vector<16xf32> to vector<16xi32>
    %swap3A_41 = arith.constant 0 : i32
    %swap3A_42 = arith.index_cast %swap3A_41 : i32 to index
    %swap3A_43 = arith.constant 64 : index
    %swap3A_44 = tpu.vector_load %arg8[%swap3A_42, %swap3A_43] {strides = array<i32>} : memref<4x128xi32, #tpu.memory_space<vmem>>, vector<16xi32>,
    tpu.vector_store %arg8[%swap3A_42, %swap3A_43], %bitcast3A_40 {strides = array<i32>} : memref<4x128xi32, #tpu.memory_space<vmem>>, vector<16xi32>,
    %get3A_45 = arith.constant 0 : i32
    %get3A_46 = arith.index_cast %get3A_45 : i32 to index
    %get3A_47 = arith.constant 80 : index
    %get3A_48 = tpu.vector_load %arg6[%get3A_46, %get3A_47] {strides = array<i32>} : memref<4x128xf32, #tpu.memory_space<vmem>>, vector<16xf32>,
    %bitcast3A_49 = vector.bitcast %get3A_48 : vector<16xf32> to vector<16xi32>
    %swap3A_50 = arith.constant 0 : i32
    %swap3A_51 = arith.index_cast %swap3A_50 : i32 to index
    %swap3A_52 = arith.constant 80 : index
    %swap3A_53 = tpu.vector_load %arg8[%swap3A_51, %swap3A_52] {strides = array<i32>} : memref<4x128xi32, #tpu.memory_space<vmem>>, vector<16xi32>,
    tpu.vector_store %arg8[%swap3A_51, %swap3A_52], %bitcast3A_49 {strides = array<i32>} : memref<4x128xi32, #tpu.memory_space<vmem>>, vector<16xi32>,
    %get3A_54 = arith.constant 0 : i32
    %get3A_55 = arith.index_cast %get3A_54 : i32 to index
    %get3A_56 = arith.constant 96 : index
    %get3A_57 = tpu.vector_load %arg6[%get3A_55, %get3A_56] {strides = array<i32>} : memref<4x128xf32, #tpu.memory_space<vmem>>, vector<16xf32>,
    %bitcast3A_58 = vector.bitcast %get3A_57 : vector<16xf32> to vector<16xi32>
    %swap3A_59 = arith.constant 0 : i32
    %swap3A_60 = arith.index_cast %swap3A_59 : i32 to index
    %swap3A_61 = arith.constant 96 : index
    %swap3A_62 = tpu.vector_load %arg8[%swap3A_60, %swap3A_61] {strides = array<i32>} : memref<4x128xi32, #tpu.memory_space<vmem>>, vector<16xi32>,
    tpu.vector_store %arg8[%swap3A_60, %swap3A_61], %bitcast3A_58 {strides = array<i32>} : memref<4x128xi32, #tpu.memory_space<vmem>>, vector<16xi32>,
    %get3A_63 = arith.constant 0 : i32
    %get3A_64 = arith.index_cast %get3A_63 : i32 to index
    %get3A_65 = arith.constant 112 : index
    %get3A_66 = tpu.vector_load %arg6[%get3A_64, %get3A_65] {strides = array<i32>} : memref<4x128xf32, #tpu.memory_space<vmem>>, vector<16xf32>,
    %bitcast3A_67 = vector.bitcast %get3A_66 : vector<16xf32> to vector<16xi32>
    %swap3A_68 = arith.constant 0 : i32
    %swap3A_69 = arith.index_cast %swap3A_68 : i32 to index
    %swap3A_70 = arith.constant 112 : index
    %swap3A_71 = tpu.vector_load %arg8[%swap3A_69, %swap3A_70] {strides = array<i32>} : memref<4x128xi32, #tpu.memory_space<vmem>>, vector<16xi32>,
    tpu.vector_store %arg8[%swap3A_69, %swap3A_70], %bitcast3A_67 {strides = array<i32>} : memref<4x128xi32, #tpu.memory_space<vmem>>, vector<16xi32>,
    %get3A_72 = arith.constant 1 : i32
    %get3A_73 = arith.index_cast %get3A_72 : i32 to index
    %get3A_74 = arith.constant 0 : index
    %get3A_75 = tpu.vector_load %arg6[%get3A_73, %get3A_74] {strides = array<i32>} : memref<4x128xf32, #tpu.memory_space<vmem>>, vector<16xf32>,
    %bitcast3A_76 = vector.bitcast %get3A_75 : vector<16xf32> to vector<16xi32>
    %swap3A_77 = arith.constant 1 : i32
    %swap3A_78 = arith.index_cast %swap3A_77 : i32 to index
    %swap3A_79 = arith.constant 0 : index
    %swap3A_80 = tpu.vector_load %arg8[%swap3A_78, %swap3A_79] {strides = array<i32>} : memref<4x128xi32, #tpu.memory_space<vmem>>, vector<16xi32>,
    tpu.vector_store %arg8[%swap3A_78, %swap3A_79], %bitcast3A_76 {strides = array<i32>} : memref<4x128xi32, #tpu.memory_space<vmem>>, vector<16xi32>,
    %get3A_81 = arith.constant 1 : i32
    %get3A_82 = arith.index_cast %get3A_81 : i32 to index
    %get3A_83 = arith.constant 16 : index
    %get3A_84 = tpu.vector_load %arg6[%get3A_82, %get3A_83] {strides = array<i32>} : memref<4x128xf32, #tpu.memory_space<vmem>>, vector<16xf32>,
    %bitcast3A_85 = vector.bitcast %get3A_84 : vector<16xf32> to vector<16xi32>
    %swap3A_86 = arith.constant 1 : i32
    %swap3A_87 = arith.index_cast %swap3A_86 : i32 to index
    %swap3A_88 = arith.constant 16 : index
    %swap3A_89 = tpu.vector_load %arg8[%swap3A_87, %swap3A_88] {strides = array<i32>} : memref<4x128xi32, #tpu.memory_space<vmem>>, vector<16xi32>,
    tpu.vector_store %arg8[%swap3A_87, %swap3A_88], %bitcast3A_85 {strides = array<i32>} : memref<4x128xi32, #tpu.memory_space<vmem>>, vector<16xi32>,
    %get3A_90 = arith.constant 1 : i32
    %get3A_91 = arith.index_cast %get3A_90 : i32 to index
    %get3A_92 = arith.constant 32 : index
    %get3A_93 = tpu.vector_load %arg6[%get3A_91, %get3A_92] {strides = array<i32>} : memref<4x128xf32, #tpu.memory_space<vmem>>, vector<16xf32>,
    %bitcast3A_94 = vector.bitcast %get3A_93 : vector<16xf32> to vector<16xi32>
    %swap3A_95 = arith.constant 1 : i32
    %swap3A_96 = arith.index_cast %swap3A_95 : i32 to index
    %swap3A_97 = arith.constant 32 : index
    %swap3A_98 = tpu.vector_load %arg8[%swap3A_96, %swap3A_97] {strides = array<i32>} : memref<4x128xi32, #tpu.memory_space<vmem>>, vector<16xi32>,
    tpu.vector_store %arg8[%swap3A_96, %swap3A_97], %bitcast3A_94 {strides = array<i32>} : memref<4x128xi32, #tpu.memory_space<vmem>>, vector<16xi32>,
    %get3A_99 = arith.constant 1 : i32
    %get3A_100 = arith.index_cast %get3A_99 : i32 to index
    %get3A_101 = arith.constant 48 : index
    %get3A_102 = tpu.vector_load %arg6[%get3A_100, %get3A_101] {strides = array<i32>} : memref<4x128xf32, #tpu.memory_space<vmem>>, vector<16xf32>,
    %bitcast3A_103 = vector.bitcast %get3A_102 : vector<16xf32> to vector<16xi32>
    %swap3A_104 = arith.constant 1 : i32
    %swap3A_105 = arith.index_cast %swap3A_104 : i32 to index
    %swap3A_106 = arith.constant 48 : index
    %swap3A_107 = tpu.vector_load %arg8[%swap3A_105, %swap3A_106] {strides = array<i32>} : memref<4x128xi32, #tpu.memory_space<vmem>>, vector<16xi32>,
    tpu.vector_store %arg8[%swap3A_105, %swap3A_106], %bitcast3A_103 {strides = array<i32>} : memref<4x128xi32, #tpu.memory_space<vmem>>, vector<16xi32>,
    %get3A_108 = arith.constant 1 : i32
    %get3A_109 = arith.index_cast %get3A_108 : i32 to index
    %get3A_110 = arith.constant 64 : index
    %get3A_111 = tpu.vector_load %arg6[%get3A_109, %get3A_110] {strides = array<i32>} : memref<4x128xf32, #tpu.memory_space<vmem>>, vector<16xf32>,
    %bitcast3A_112 = vector.bitcast %get3A_111 : vector<16xf32> to vector<16xi32>
    %swap3A_113 = arith.constant 1 : i32
    %swap3A_114 = arith.index_cast %swap3A_113 : i32 to index
    %swap3A_115 = arith.constant 64 : index
    %swap3A_116 = tpu.vector_load %arg8[%swap3A_114, %swap3A_115] {strides = array<i32>} : memref<4x128xi32, #tpu.memory_space<vmem>>, vector<16xi32>,
    tpu.vector_store %arg8[%swap3A_114, %swap3A_115], %bitcast3A_112 {strides = array<i32>} : memref<4x128xi32, #tpu.memory_space<vmem>>, vector<16xi32>,
    %get3A_117 = arith.constant 1 : i32
    %get3A_118 = arith.index_cast %get3A_117 : i32 to index
    %get3A_119 = arith.constant 80 : index
    %get3A_120 = tpu.vector_load %arg6[%get3A_118, %get3A_119] {strides = array<i32>} : memref<4x128xf32, #tpu.memory_space<vmem>>, vector<16xf32>,
    %bitcast3A_121 = vector.bitcast %get3A_120 : vector<16xf32> to vector<16xi32>
    %swap3A_122 = arith.constant 1 : i32
    %swap3A_123 = arith.index_cast %swap3A_122 : i32 to index
    %swap3A_124 = arith.constant 80 : index
    %swap3A_125 = tpu.vector_load %arg8[%swap3A_123, %swap3A_124] {strides = array<i32>} : memref<4x128xi32, #tpu.memory_space<vmem>>, vector<16xi32>,
    tpu.vector_store %arg8[%swap3A_123, %swap3A_124], %bitcast3A_121 {strides = array<i32>} : memref<4x128xi32, #tpu.memory_space<vmem>>, vector<16xi32>,
    %get3A_126 = arith.constant 1 : i32
    %get3A_127 = arith.index_cast %get3A_126 : i32 to index
    %get3A_128 = arith.constant 96 : index
    %get3A_129 = tpu.vector_load %arg6[%get3A_127, %get3A_128] {strides = array<i32>} : memref<4x128xf32, #tpu.memory_space<vmem>>, vector<16xf32>,
    %bitcast3A_130 = vector.bitcast %get3A_129 : vector<16xf32> to vector<16xi32>
    %swap3A_131 = arith.constant 1 : i32
    %swap3A_132 = arith.index_cast %swap3A_131 : i32 to index
    %swap3A_133 = arith.constant 96 : index
    %swap3A_134 = tpu.vector_load %arg8[%swap3A_132, %swap3A_133] {strides = array<i32>} : memref<4x128xi32, #tpu.memory_space<vmem>>, vector<16xi32>,
    tpu.vector_store %arg8[%swap3A_132, %swap3A_133], %bitcast3A_130 {strides = array<i32>} : memref<4x128xi32, #tpu.memory_space<vmem>>, vector<16xi32>,
    %get3A_135 = arith.constant 1 : i32
    %get3A_136 = arith.index_cast %get3A_135 : i32 to index
    %get3A_137 = arith.constant 112 : index
    %get3A_138 = tpu.vector_load %arg6[%get3A_136, %get3A_137] {strides = array<i32>} : memref<4x128xf32, #tpu.memory_space<vmem>>, vector<16xf32>,
    %bitcast3A_139 = vector.bitcast %get3A_138 : vector<16xf32> to vector<16xi32>
    %swap3A_140 = arith.constant 1 : i32
    %swap3A_141 = arith.index_cast %swap3A_140 : i32 to index
    %swap3A_142 = arith.constant 112 : index
    %swap3A_143 = tpu.vector_load %arg8[%swap3A_141, %swap3A_142] {strides = array<i32>} : memref<4x128xi32, #tpu.memory_space<vmem>>, vector<16xi32>,
    tpu.vector_store %arg8[%swap3A_141, %swap3A_142], %bitcast3A_139 {strides = array<i32>} : memref<4x128xi32, #tpu.memory_space<vmem>>, vector<16xi32>,
    %get3A_144 = arith.constant 2 : i32
    %get3A_145 = arith.index_cast %get3A_144 : i32 to index
    %get3A_146 = arith.constant 0 : index
    %get3A_147 = tpu.vector_load %arg6[%get3A_145, %get3A_146] {strides = array<i32>} : memref<4x128xf32, #tpu.memory_space<vmem>>, vector<16xf32>,
    %bitcast3A_148 = vector.bitcast %get3A_147 : vector<16xf32> to vector<16xi32>
    %swap3A_149 = arith.constant 2 : i32
    %swap3A_150 = arith.index_cast %swap3A_149 : i32 to index
    %swap3A_151 = arith.constant 0 : index
    %swap3A_152 = tpu.vector_load %arg8[%swap3A_150, %swap3A_151] {strides = array<i32>} : memref<4x128xi32, #tpu.memory_space<vmem>>, vector<16xi32>,
    tpu.vector_store %arg8[%swap3A_150, %swap3A_151], %bitcast3A_148 {strides = array<i32>} : memref<4x128xi32, #tpu.memory_space<vmem>>, vector<16xi32>,
    %get3A_153 = arith.constant 2 : i32
    %get3A_154 = arith.index_cast %get3A_153 : i32 to index
    %get3A_155 = arith.constant 16 : index
    %get3A_156 = tpu.vector_load %arg6[%get3A_154, %get3A_155] {strides = array<i32>} : memref<4x128xf32, #tpu.memory_space<vmem>>, vector<16xf32>,
    %bitcast3A_157 = vector.bitcast %get3A_156 : vector<16xf32> to vector<16xi32>
    %swap3A_158 = arith.constant 2 : i32
    %swap3A_159 = arith.index_cast %swap3A_158 : i32 to index
    %swap3A_160 = arith.constant 16 : index
    %swap3A_161 = tpu.vector_load %arg8[%swap3A_159, %swap3A_160] {strides = array<i32>} : memref<4x128xi32, #tpu.memory_space<vmem>>, vector<16xi32>,
    tpu.vector_store %arg8[%swap3A_159, %swap3A_160], %bitcast3A_157 {strides = array<i32>} : memref<4x128xi32, #tpu.memory_space<vmem>>, vector<16xi32>,
    %get3A_162 = arith.constant 2 : i32
    %get3A_163 = arith.index_cast %get3A_162 : i32 to index
    %get3A_164 = arith.constant 32 : index
    %get3A_165 = tpu.vector_load %arg6[%get3A_163, %get3A_164] {strides = array<i32>} : memref<4x128xf32, #tpu.memory_space<vmem>>, vector<16xf32>,
    %bitcast3A_166 = vector.bitcast %get3A_165 : vector<16xf32> to vector<16xi32>
    %swap3A_167 = arith.constant 2 : i32
    %swap3A_168 = arith.index_cast %swap3A_167 : i32 to index
    %swap3A_169 = arith.constant 32 : index
    %swap3A_170 = tpu.vector_load %arg8[%swap3A_168, %swap3A_169] {strides = array<i32>} : memref<4x128xi32, #tpu.memory_space<vmem>>, vector<16xi32>,
    tpu.vector_store %arg8[%swap3A_168, %swap3A_169], %bitcast3A_166 {strides = array<i32>} : memref<4x128xi32, #tpu.memory_space<vmem>>, vector<16xi32>,
    %get3A_171 = arith.constant 2 : i32
    %get3A_172 = arith.index_cast %get3A_171 : i32 to index
    %get3A_173 = arith.constant 48 : index
    %get3A_174 = tpu.vector_load %arg6[%get3A_172, %get3A_173] {strides = array<i32>} : memref<4x128xf32, #tpu.memory_space<vmem>>, vector<16xf32>,
    %bitcast3A_175 = vector.bitcast %get3A_174 : vector<16xf32> to vector<16xi32>
    %swap3A_176 = arith.constant 2 : i32
    %swap3A_177 = arith.index_cast %swap3A_176 : i32 to index
    %swap3A_178 = arith.constant 48 : index
    %swap3A_179 = tpu.vector_load %arg8[%swap3A_177, %swap3A_178] {strides = array<i32>} : memref<4x128xi32, #tpu.memory_space<vmem>>, vector<16xi32>,
    tpu.vector_store %arg8[%swap3A_177, %swap3A_178], %bitcast3A_175 {strides = array<i32>} : memref<4x128xi32, #tpu.memory_space<vmem>>, vector<16xi32>,
    %get3A_180 = arith.constant 2 : i32
    %get3A_181 = arith.index_cast %get3A_180 : i32 to index
    %get3A_182 = arith.constant 64 : index
    %get3A_183 = tpu.vector_load %arg6[%get3A_181, %get3A_182] {strides = array<i32>} : memref<4x128xf32, #tpu.memory_space<vmem>>, vector<16xf32>,
    %bitcast3A_184 = vector.bitcast %get3A_183 : vector<16xf32> to vector<16xi32>
    %swap3A_185 = arith.constant 2 : i32
    %swap3A_186 = arith.index_cast %swap3A_185 : i32 to index
    %swap3A_187 = arith.constant 64 : index
    %swap3A_188 = tpu.vector_load %arg8[%swap3A_186, %swap3A_187] {strides = array<i32>} : memref<4x128xi32, #tpu.memory_space<vmem>>, vector<16xi32>,
    tpu.vector_store %arg8[%swap3A_186, %swap3A_187], %bitcast3A_184 {strides = array<i32>} : memref<4x128xi32, #tpu.memory_space<vmem>>, vector<16xi32>,
    %get3A_189 = arith.constant 2 : i32
    %get3A_190 = arith.index_cast %get3A_189 : i32 to index
    %get3A_191 = arith.constant 80 : index
    %get3A_192 = tpu.vector_load %arg6[%get3A_190, %get3A_191] {strides = array<i32>} : memref<4x128xf32, #tpu.memory_space<vmem>>, vector<16xf32>,
    %bitcast3A_193 = vector.bitcast %get3A_192 : vector<16xf32> to vector<16xi32>
    %swap3A_194 = arith.constant 2 : i32
    %swap3A_195 = arith.index_cast %swap3A_194 : i32 to index
    %swap3A_196 = arith.constant 80 : index
    %swap3A_197 = tpu.vector_load %arg8[%swap3A_195, %swap3A_196] {strides = array<i32>} : memref<4x128xi32, #tpu.memory_space<vmem>>, vector<16xi32>,
    tpu.vector_store %arg8[%swap3A_195, %swap3A_196], %bitcast3A_193 {strides = array<i32>} : memref<4x128xi32, #tpu.memory_space<vmem>>, vector<16xi32>,
    %get3A_198 = arith.constant 2 : i32
    %get3A_199 = arith.index_cast %get3A_198 : i32 to index
    %get3A_200 = arith.constant 96 : index
    %get3A_201 = tpu.vector_load %arg6[%get3A_199, %get3A_200] {strides = array<i32>} : memref<4x128xf32, #tpu.memory_space<vmem>>, vector<16xf32>,
    %bitcast3A_202 = vector.bitcast %get3A_201 : vector<16xf32> to vector<16xi32>
    %swap3A_203 = arith.constant 2 : i32
    %swap3A_204 = arith.index_cast %swap3A_203 : i32 to index
    %swap3A_205 = arith.constant 96 : index
    %swap3A_206 = tpu.vector_load %arg8[%swap3A_204, %swap3A_205] {strides = array<i32>} : memref<4x128xi32, #tpu.memory_space<vmem>>, vector<16xi32>,
    tpu.vector_store %arg8[%swap3A_204, %swap3A_205], %bitcast3A_202 {strides = array<i32>} : memref<4x128xi32, #tpu.memory_space<vmem>>, vector<16xi32>,
    %get3A_207 = arith.constant 2 : i32
    %get3A_208 = arith.index_cast %get3A_207 : i32 to index
    %get3A_209 = arith.constant 112 : index
    %get3A_210 = tpu.vector_load %arg6[%get3A_208, %get3A_209] {strides = array<i32>} : memref<4x128xf32, #tpu.memory_space<vmem>>, vector<16xf32>,
    %bitcast3A_211 = vector.bitcast %get3A_210 : vector<16xf32> to vector<16xi32>
    %swap3A_212 = arith.constant 2 : i32
    %swap3A_213 = arith.index_cast %swap3A_212 : i32 to index
    %swap3A_214 = arith.constant 112 : index
    %swap3A_215 = tpu.vector_load %arg8[%swap3A_213, %swap3A_214] {strides = array<i32>} : memref<4x128xi32, #tpu.memory_space<vmem>>, vector<16xi32>,
    tpu.vector_store %arg8[%swap3A_213, %swap3A_214], %bitcast3A_211 {strides = array<i32>} : memref<4x128xi32, #tpu.memory_space<vmem>>, vector<16xi32>,
    %get3A_216 = arith.constant 3 : i32
    %get3A_217 = arith.index_cast %get3A_216 : i32 to index
    %get3A_218 = arith.constant 0 : index
    %get3A_219 = tpu.vector_load %arg6[%get3A_217, %get3A_218] {strides = array<i32>} : memref<4x128xf32, #tpu.memory_space<vmem>>, vector<16xf32>,
    %bitcast3A_220 = vector.bitcast %get3A_219 : vector<16xf32> to vector<16xi32>
    %swap3A_221 = arith.constant 3 : i32
    %swap3A_222 = arith.index_cast %swap3A_221 : i32 to index
    %swap3A_223 = arith.constant 0 : index
    %swap3A_224 = tpu.vector_load %arg8[%swap3A_222, %swap3A_223] {strides = array<i32>} : memref<4x128xi32, #tpu.memory_space<vmem>>, vector<16xi32>,
    tpu.vector_store %arg8[%swap3A_222, %swap3A_223], %bitcast3A_220 {strides = array<i32>} : memref<4x128xi32, #tpu.memory_space<vmem>>, vector<16xi32>,
    %get3A_225 = arith.constant 3 : i32
    %get3A_226 = arith.index_cast %get3A_225 : i32 to index
    %get3A_227 = arith.constant 16 : index
    %get3A_228 = tpu.vector_load %arg6[%get3A_226, %get3A_227] {strides = array<i32>} : memref<4x128xf32, #tpu.memory_space<vmem>>, vector<16xf32>,
    %bitcast3A_229 = vector.bitcast %get3A_228 : vector<16xf32> to vector<16xi32>
    %swap3A_230 = arith.constant 3 : i32
    %swap3A_231 = arith.index_cast %swap3A_230 : i32 to index
    %swap3A_232 = arith.constant 16 : index
    %swap3A_233 = tpu.vector_load %arg8[%swap3A_231, %swap3A_232] {strides = array<i32>} : memref<4x128xi32, #tpu.memory_space<vmem>>, vector<16xi32>,
    tpu.vector_store %arg8[%swap3A_231, %swap3A_232], %bitcast3A_229 {strides = array<i32>} : memref<4x128xi32, #tpu.memory_space<vmem>>, vector<16xi32>,
    %get3A_234 = arith.constant 3 : i32
    %get3A_235 = arith.index_cast %get3A_234 : i32 to index
    %get3A_236 = arith.constant 32 : index
    %get3A_237 = tpu.vector_load %arg6[%get3A_235, %get3A_236] {strides = array<i32>} : memref<4x128xf32, #tpu.memory_space<vmem>>, vector<16xf32>,
    %bitcast3A_238 = vector.bitcast %get3A_237 : vector<16xf32> to vector<16xi32>
    %swap3A_239 = arith.constant 3 : i32
    %swap3A_240 = arith.index_cast %swap3A_239 : i32 to index
    %swap3A_241 = arith.constant 32 : index
    %swap3A_242 = tpu.vector_load %arg8[%swap3A_240, %swap3A_241] {strides = array<i32>} : memref<4x128xi32, #tpu.memory_space<vmem>>, vector<16xi32>,
    tpu.vector_store %arg8[%swap3A_240, %swap3A_241], %bitcast3A_238 {strides = array<i32>} : memref<4x128xi32, #tpu.memory_space<vmem>>, vector<16xi32>,
    %get3A_243 = arith.constant 3 : i32
    %get3A_244 = arith.index_cast %get3A_243 : i32 to index
    %get3A_245 = arith.constant 48 : index
    %get3A_246 = tpu.vector_load %arg6[%get3A_244, %get3A_245] {strides = array<i32>} : memref<4x128xf32, #tpu.memory_space<vmem>>, vector<16xf32>,
    %bitcast3A_247 = vector.bitcast %get3A_246 : vector<16xf32> to vector<16xi32>
    %swap3A_248 = arith.constant 3 : i32
    %swap3A_249 = arith.index_cast %swap3A_248 : i32 to index
    %swap3A_250 = arith.constant 48 : index
    %swap3A_251 = tpu.vector_load %arg8[%swap3A_249, %swap3A_250] {strides = array<i32>} : memref<4x128xi32, #tpu.memory_space<vmem>>, vector<16xi32>,
    tpu.vector_store %arg8[%swap3A_249, %swap3A_250], %bitcast3A_247 {strides = array<i32>} : memref<4x128xi32, #tpu.memory_space<vmem>>, vector<16xi32>,
    %get3A_252 = arith.constant 3 : i32
    %get3A_253 = arith.index_cast %get3A_252 : i32 to index
    %get3A_254 = arith.constant 64 : index
    %get3A_255 = tpu.vector_load %arg6[%get3A_253, %get3A_254] {strides = array<i32>} : memref<4x128xf32, #tpu.memory_space<vmem>>, vector<16xf32>,
    %bitcast3A_256 = vector.bitcast %get3A_255 : vector<16xf32> to vector<16xi32>
    %swap3A_257 = arith.constant 3 : i32
    %swap3A_258 = arith.index_cast %swap3A_257 : i32 to index
    %swap3A_259 = arith.constant 64 : index
    %swap3A_260 = tpu.vector_load %arg8[%swap3A_258, %swap3A_259] {strides = array<i32>} : memref<4x128xi32, #tpu.memory_space<vmem>>, vector<16xi32>,
    tpu.vector_store %arg8[%swap3A_258, %swap3A_259], %bitcast3A_256 {strides = array<i32>} : memref<4x128xi32, #tpu.memory_space<vmem>>, vector<16xi32>,
    %get3A_261 = arith.constant 3 : i32
    %get3A_262 = arith.index_cast %get3A_261 : i32 to index
    %get3A_263 = arith.constant 80 : index
    %get3A_264 = tpu.vector_load %arg6[%get3A_262, %get3A_263] {strides = array<i32>} : memref<4x128xf32, #tpu.memory_space<vmem>>, vector<16xf32>,
    %bitcast3A_265 = vector.bitcast %get3A_264 : vector<16xf32> to vector<16xi32>
    %swap3A_266 = arith.constant 3 : i32
    %swap3A_267 = arith.index_cast %swap3A_266 : i32 to index
    %swap3A_268 = arith.constant 80 : index
    %swap3A_269 = tpu.vector_load %arg8[%swap3A_267, %swap3A_268] {strides = array<i32>} : memref<4x128xi32, #tpu.memory_space<vmem>>, vector<16xi32>,
    tpu.vector_store %arg8[%swap3A_267, %swap3A_268], %bitcast3A_265 {strides = array<i32>} : memref<4x128xi32, #tpu.memory_space<vmem>>, vector<16xi32>,
    %get3A_270 = arith.constant 3 : i32
    %get3A_271 = arith.index_cast %get3A_270 : i32 to index
    %get3A_272 = arith.constant 96 : index
    %get3A_273 = tpu.vector_load %arg6[%get3A_271, %get3A_272] {strides = array<i32>} : memref<4x128xf32, #tpu.memory_space<vmem>>, vector<16xf32>,
    %bitcast3A_274 = vector.bitcast %get3A_273 : vector<16xf32> to vector<16xi32>
    %swap3A_275 = arith.constant 3 : i32
    %swap3A_276 = arith.index_cast %swap3A_275 : i32 to index
    %swap3A_277 = arith.constant 96 : index
    %swap3A_278 = tpu.vector_load %arg8[%swap3A_276, %swap3A_277] {strides = array<i32>} : memref<4x128xi32, #tpu.memory_space<vmem>>, vector<16xi32>,
    tpu.vector_store %arg8[%swap3A_276, %swap3A_277], %bitcast3A_274 {strides = array<i32>} : memref<4x128xi32, #tpu.memory_space<vmem>>, vector<16xi32>,
    %get3A_279 = arith.constant 3 : i32
    %get3A_280 = arith.index_cast %get3A_279 : i32 to index
    %get3A_281 = arith.constant 112 : index
    %get3A_282 = tpu.vector_load %arg6[%get3A_280, %get3A_281] {strides = array<i32>} : memref<4x128xf32, #tpu.memory_space<vmem>>, vector<16xf32>,
    %bitcast3A_283 = vector.bitcast %get3A_282 : vector<16xf32> to vector<16xi32>
    %swap3A_284 = arith.constant 3 : i32
    %swap3A_285 = arith.index_cast %swap3A_284 : i32 to index
    %swap3A_286 = arith.constant 112 : index
    %swap3A_287 = tpu.vector_load %arg8[%swap3A_285, %swap3A_286] {strides = array<i32>} : memref<4x128xi32, #tpu.memory_space<vmem>>, vector<16xi32>,
    tpu.vector_store %arg8[%swap3A_285, %swap3A_286], %bitcast3A_283 {strides = array<i32>} : memref<4x128xi32, #tpu.memory_space<vmem>>, vector<16xi32>,
    %mul3A_288 = arith.constant 4 : i32
    %mul3A_289 = arith.muli %add3A, %mul3A_288 : i32
    "tpu.region"() ({
      %run_scoped3A = tpu.sem_alloc : memref<!tpu.dma_semaphore, #tpu.memory_space<semaphore_mem>>
      %dma_start3A_721 = arith.constant 0 : i32
      %dma_start3A_722 = tpu.memref_slice %arg4[%mul3A_289, %dma_start3A_721] : memref<128x128xf32, #tpu.memory_space<hbm>> -> memref<4x128xf32, #tpu.memory_space<hbm>>
      %dma_start3A_723 = arith.constant 0 : i32
      %dma_start3A_724 = tpu.memref_slice %arg4[%mul3A_289, %dma_start3A_723] : memref<128x128xf32, #tpu.memory_space<hbm>> -> memref<4x128xf32, #tpu.memory_space<hbm>>
      tpu.enqueue_dma source(%dma_start3A_724 : memref<4x128xf32, #tpu.memory_space<hbm>>) target(%arg7 : memref<4x128xf32, #tpu.memory_space<vmem>>) target_semaphore(%run_scoped3A : memref<!tpu.dma_semaphore, #tpu.memory_space<semaphore_mem>>)
      %dma_wait3A_725 = arith.constant 0 : i32
      %dma_wait3A_726 = tpu.memref_slice %arg4[%mul3A_289, %dma_wait3A_725] : memref<128x128xf32, #tpu.memory_space<hbm>> -> memref<4x128xf32, #tpu.memory_space<hbm>>
      %dma_wait3A_727 = arith.constant 0 : i32
      %dma_wait3A_728 = tpu.memref_slice %arg4[%mul3A_289, %dma_wait3A_727] : memref<128x128xf32, #tpu.memory_space<hbm>> -> memref<4x128xf32, #tpu.memory_space<hbm>>
      tpu.wait_dma2 semaphore(%run_scoped3A : memref<!tpu.dma_semaphore, #tpu.memory_space<semaphore_mem>>) src(%dma_wait3A_728 : memref<4x128xf32, #tpu.memory_space<hbm>>) dst(%arg7 : memref<4x128xf32, #tpu.memory_space<vmem>>)
      tpu.yield
    }) : () -> ()
    %get3A_290 = arith.constant 0 : i32
    %get3A_291 = arith.index_cast %get3A_290 : i32 to index
    %get3A_292 = arith.constant 0 : index
    %get3A_293 = tpu.vector_load %arg7[%get3A_291, %get3A_292] {strides = array<i32>} : memref<4x128xf32, #tpu.memory_space<vmem>>, vector<16xf32>,
    %bitcast3A_294 = vector.bitcast %get3A_293 : vector<16xf32> to vector<16xi32>
    %swap3A_295 = arith.constant 0 : i32
    %swap3A_296 = arith.index_cast %swap3A_295 : i32 to index
    %swap3A_297 = arith.constant 0 : index
    %swap3A_298 = tpu.vector_load %arg9[%swap3A_296, %swap3A_297] {strides = array<i32>} : memref<4x128xi32, #tpu.memory_space<vmem>>, vector<16xi32>,
    tpu.vector_store %arg9[%swap3A_296, %swap3A_297], %bitcast3A_294 {strides = array<i32>} : memref<4x128xi32, #tpu.memory_space<vmem>>, vector<16xi32>,
    %get3A_299 = arith.constant 0 : i32
    %get3A_300 = arith.index_cast %get3A_299 : i32 to index
    %get3A_301 = arith.constant 16 : index
    %get3A_302 = tpu.vector_load %arg7[%get3A_300, %get3A_301] {strides = array<i32>} : memref<4x128xf32, #tpu.memory_space<vmem>>, vector<16xf32>,
    %bitcast3A_303 = vector.bitcast %get3A_302 : vector<16xf32> to vector<16xi32>
    %swap3A_304 = arith.constant 0 : i32
    %swap3A_305 = arith.index_cast %swap3A_304 : i32 to index
    %swap3A_306 = arith.constant 16 : index
    %swap3A_307 = tpu.vector_load %arg9[%swap3A_305, %swap3A_306] {strides = array<i32>} : memref<4x128xi32, #tpu.memory_space<vmem>>, vector<16xi32>,
    tpu.vector_store %arg9[%swap3A_305, %swap3A_306], %bitcast3A_303 {strides = array<i32>} : memref<4x128xi32, #tpu.memory_space<vmem>>, vector<16xi32>,
    %get3A_308 = arith.constant 0 : i32
    %get3A_309 = arith.index_cast %get3A_308 : i32 to index
    %get3A_310 = arith.constant 32 : index
    %get3A_311 = tpu.vector_load %arg7[%get3A_309, %get3A_310] {strides = array<i32>} : memref<4x128xf32, #tpu.memory_space<vmem>>, vector<16xf32>,
    %bitcast3A_312 = vector.bitcast %get3A_311 : vector<16xf32> to vector<16xi32>
    %swap3A_313 = arith.constant 0 : i32
    %swap3A_314 = arith.index_cast %swap3A_313 : i32 to index
    %swap3A_315 = arith.constant 32 : index
    %swap3A_316 = tpu.vector_load %arg9[%swap3A_314, %swap3A_315] {strides = array<i32>} : memref<4x128xi32, #tpu.memory_space<vmem>>, vector<16xi32>,
    tpu.vector_store %arg9[%swap3A_314, %swap3A_315], %bitcast3A_312 {strides = array<i32>} : memref<4x128xi32, #tpu.memory_space<vmem>>, vector<16xi32>,
    %get3A_317 = arith.constant 0 : i32
    %get3A_318 = arith.index_cast %get3A_317 : i32 to index
    %get3A_319 = arith.constant 48 : index
    %get3A_320 = tpu.vector_load %arg7[%get3A_318, %get3A_319] {strides = array<i32>} : memref<4x128xf32, #tpu.memory_space<vmem>>, vector<16xf32>,
    %bitcast3A_321 = vector.bitcast %get3A_320 : vector<16xf32> to vector<16xi32>
    %swap3A_322 = arith.constant 0 : i32
    %swap3A_323 = arith.index_cast %swap3A_322 : i32 to index
    %swap3A_324 = arith.constant 48 : index
    %swap3A_325 = tpu.vector_load %arg9[%swap3A_323, %swap3A_324] {strides = array<i32>} : memref<4x128xi32, #tpu.memory_space<vmem>>, vector<16xi32>,
    tpu.vector_store %arg9[%swap3A_323, %swap3A_324], %bitcast3A_321 {strides = array<i32>} : memref<4x128xi32, #tpu.memory_space<vmem>>, vector<16xi32>,
    %get3A_326 = arith.constant 0 : i32
    %get3A_327 = arith.index_cast %get3A_326 : i32 to index
    %get3A_328 = arith.constant 64 : index
    %get3A_329 = tpu.vector_load %arg7[%get3A_327, %get3A_328] {strides = array<i32>} : memref<4x128xf32, #tpu.memory_space<vmem>>, vector<16xf32>,
    %bitcast3A_330 = vector.bitcast %get3A_329 : vector<16xf32> to vector<16xi32>
    %swap3A_331 = arith.constant 0 : i32
    %swap3A_332 = arith.index_cast %swap3A_331 : i32 to index
    %swap3A_333 = arith.constant 64 : index
    %swap3A_334 = tpu.vector_load %arg9[%swap3A_332, %swap3A_333] {strides = array<i32>} : memref<4x128xi32, #tpu.memory_space<vmem>>, vector<16xi32>,
    tpu.vector_store %arg9[%swap3A_332, %swap3A_333], %bitcast3A_330 {strides = array<i32>} : memref<4x128xi32, #tpu.memory_space<vmem>>, vector<16xi32>,
    %get3A_335 = arith.constant 0 : i32
    %get3A_336 = arith.index_cast %get3A_335 : i32 to index
    %get3A_337 = arith.constant 80 : index
    %get3A_338 = tpu.vector_load %arg7[%get3A_336, %get3A_337] {strides = array<i32>} : memref<4x128xf32, #tpu.memory_space<vmem>>, vector<16xf32>,
    %bitcast3A_339 = vector.bitcast %get3A_338 : vector<16xf32> to vector<16xi32>
    %swap3A_340 = arith.constant 0 : i32
    %swap3A_341 = arith.index_cast %swap3A_340 : i32 to index
    %swap3A_342 = arith.constant 80 : index
    %swap3A_343 = tpu.vector_load %arg9[%swap3A_341, %swap3A_342] {strides = array<i32>} : memref<4x128xi32, #tpu.memory_space<vmem>>, vector<16xi32>,
    tpu.vector_store %arg9[%swap3A_341, %swap3A_342], %bitcast3A_339 {strides = array<i32>} : memref<4x128xi32, #tpu.memory_space<vmem>>, vector<16xi32>,
    %get3A_344 = arith.constant 0 : i32
    %get3A_345 = arith.index_cast %get3A_344 : i32 to index
    %get3A_346 = arith.constant 96 : index
    %get3A_347 = tpu.vector_load %arg7[%get3A_345, %get3A_346] {strides = array<i32>} : memref<4x128xf32, #tpu.memory_space<vmem>>, vector<16xf32>,
    %bitcast3A_348 = vector.bitcast %get3A_347 : vector<16xf32> to vector<16xi32>
    %swap3A_349 = arith.constant 0 : i32
    %swap3A_350 = arith.index_cast %swap3A_349 : i32 to index
    %swap3A_351 = arith.constant 96 : index
    %swap3A_352 = tpu.vector_load %arg9[%swap3A_350, %swap3A_351] {strides = array<i32>} : memref<4x128xi32, #tpu.memory_space<vmem>>, vector<16xi32>,
    tpu.vector_store %arg9[%swap3A_350, %swap3A_351], %bitcast3A_348 {strides = array<i32>} : memref<4x128xi32, #tpu.memory_space<vmem>>, vector<16xi32>,
    %get3A_353 = arith.constant 0 : i32
    %get3A_354 = arith.index_cast %get3A_353 : i32 to index
    %get3A_355 = arith.constant 112 : index
    %get3A_356 = tpu.vector_load %arg7[%get3A_354, %get3A_355] {strides = array<i32>} : memref<4x128xf32, #tpu.memory_space<vmem>>, vector<16xf32>,
    %bitcast3A_357 = vector.bitcast %get3A_356 : vector<16xf32> to vector<16xi32>
    %swap3A_358 = arith.constant 0 : i32
    %swap3A_359 = arith.index_cast %swap3A_358 : i32 to index
    %swap3A_360 = arith.constant 112 : index
    %swap3A_361 = tpu.vector_load %arg9[%swap3A_359, %swap3A_360] {strides = array<i32>} : memref<4x128xi32, #tpu.memory_space<vmem>>, vector<16xi32>,
    tpu.vector_store %arg9[%swap3A_359, %swap3A_360], %bitcast3A_357 {strides = array<i32>} : memref<4x128xi32, #tpu.memory_space<vmem>>, vector<16xi32>,
    %get3A_362 = arith.constant 1 : i32
    %get3A_363 = arith.index_cast %get3A_362 : i32 to index
    %get3A_364 = arith.constant 0 : index
    %get3A_365 = tpu.vector_load %arg7[%get3A_363, %get3A_364] {strides = array<i32>} : memref<4x128xf32, #tpu.memory_space<vmem>>, vector<16xf32>,
    %bitcast3A_366 = vector.bitcast %get3A_365 : vector<16xf32> to vector<16xi32>
    %swap3A_367 = arith.constant 1 : i32
    %swap3A_368 = arith.index_cast %swap3A_367 : i32 to index
    %swap3A_369 = arith.constant 0 : index
    %swap3A_370 = tpu.vector_load %arg9[%swap3A_368, %swap3A_369] {strides = array<i32>} : memref<4x128xi32, #tpu.memory_space<vmem>>, vector<16xi32>,
    tpu.vector_store %arg9[%swap3A_368, %swap3A_369], %bitcast3A_366 {strides = array<i32>} : memref<4x128xi32, #tpu.memory_space<vmem>>, vector<16xi32>,
    %get3A_371 = arith.constant 1 : i32
    %get3A_372 = arith.index_cast %get3A_371 : i32 to index
    %get3A_373 = arith.constant 16 : index
    %get3A_374 = tpu.vector_load %arg7[%get3A_372, %get3A_373] {strides = array<i32>} : memref<4x128xf32, #tpu.memory_space<vmem>>, vector<16xf32>,
    %bitcast3A_375 = vector.bitcast %get3A_374 : vector<16xf32> to vector<16xi32>
    %swap3A_376 = arith.constant 1 : i32
    %swap3A_377 = arith.index_cast %swap3A_376 : i32 to index
    %swap3A_378 = arith.constant 16 : index
    %swap3A_379 = tpu.vector_load %arg9[%swap3A_377, %swap3A_378] {strides = array<i32>} : memref<4x128xi32, #tpu.memory_space<vmem>>, vector<16xi32>,
    tpu.vector_store %arg9[%swap3A_377, %swap3A_378], %bitcast3A_375 {strides = array<i32>} : memref<4x128xi32, #tpu.memory_space<vmem>>, vector<16xi32>,
    %get3A_380 = arith.constant 1 : i32
    %get3A_381 = arith.index_cast %get3A_380 : i32 to index
    %get3A_382 = arith.constant 32 : index
    %get3A_383 = tpu.vector_load %arg7[%get3A_381, %get3A_382] {strides = array<i32>} : memref<4x128xf32, #tpu.memory_space<vmem>>, vector<16xf32>,
    %bitcast3A_384 = vector.bitcast %get3A_383 : vector<16xf32> to vector<16xi32>
    %swap3A_385 = arith.constant 1 : i32
    %swap3A_386 = arith.index_cast %swap3A_385 : i32 to index
    %swap3A_387 = arith.constant 32 : index
    %swap3A_388 = tpu.vector_load %arg9[%swap3A_386, %swap3A_387] {strides = array<i32>} : memref<4x128xi32, #tpu.memory_space<vmem>>, vector<16xi32>,
    tpu.vector_store %arg9[%swap3A_386, %swap3A_387], %bitcast3A_384 {strides = array<i32>} : memref<4x128xi32, #tpu.memory_space<vmem>>, vector<16xi32>,
    %get3A_389 = arith.constant 1 : i32
    %get3A_390 = arith.index_cast %get3A_389 : i32 to index
    %get3A_391 = arith.constant 48 : index
    %get3A_392 = tpu.vector_load %arg7[%get3A_390, %get3A_391] {strides = array<i32>} : memref<4x128xf32, #tpu.memory_space<vmem>>, vector<16xf32>,
    %bitcast3A_393 = vector.bitcast %get3A_392 : vector<16xf32> to vector<16xi32>
    %swap3A_394 = arith.constant 1 : i32
    %swap3A_395 = arith.index_cast %swap3A_394 : i32 to index
    %swap3A_396 = arith.constant 48 : index
    %swap3A_397 = tpu.vector_load %arg9[%swap3A_395, %swap3A_396] {strides = array<i32>} : memref<4x128xi32, #tpu.memory_space<vmem>>, vector<16xi32>,
    tpu.vector_store %arg9[%swap3A_395, %swap3A_396], %bitcast3A_393 {strides = array<i32>} : memref<4x128xi32, #tpu.memory_space<vmem>>, vector<16xi32>,
    %get3A_398 = arith.constant 1 : i32
    %get3A_399 = arith.index_cast %get3A_398 : i32 to index
    %get3A_400 = arith.constant 64 : index
    %get3A_401 = tpu.vector_load %arg7[%get3A_399, %get3A_400] {strides = array<i32>} : memref<4x128xf32, #tpu.memory_space<vmem>>, vector<16xf32>,
    %bitcast3A_402 = vector.bitcast %get3A_401 : vector<16xf32> to vector<16xi32>
    %swap3A_403 = arith.constant 1 : i32
    %swap3A_404 = arith.index_cast %swap3A_403 : i32 to index
    %swap3A_405 = arith.constant 64 : index
    %swap3A_406 = tpu.vector_load %arg9[%swap3A_404, %swap3A_405] {strides = array<i32>} : memref<4x128xi32, #tpu.memory_space<vmem>>, vector<16xi32>,
    tpu.vector_store %arg9[%swap3A_404, %swap3A_405], %bitcast3A_402 {strides = array<i32>} : memref<4x128xi32, #tpu.memory_space<vmem>>, vector<16xi32>,
    %get3A_407 = arith.constant 1 : i32
    %get3A_408 = arith.index_cast %get3A_407 : i32 to index
    %get3A_409 = arith.constant 80 : index
    %get3A_410 = tpu.vector_load %arg7[%get3A_408, %get3A_409] {strides = array<i32>} : memref<4x128xf32, #tpu.memory_space<vmem>>, vector<16xf32>,
    %bitcast3A_411 = vector.bitcast %get3A_410 : vector<16xf32> to vector<16xi32>
    %swap3A_412 = arith.constant 1 : i32
    %swap3A_413 = arith.index_cast %swap3A_412 : i32 to index
    %swap3A_414 = arith.constant 80 : index
    %swap3A_415 = tpu.vector_load %arg9[%swap3A_413, %swap3A_414] {strides = array<i32>} : memref<4x128xi32, #tpu.memory_space<vmem>>, vector<16xi32>,
    tpu.vector_store %arg9[%swap3A_413, %swap3A_414], %bitcast3A_411 {strides = array<i32>} : memref<4x128xi32, #tpu.memory_space<vmem>>, vector<16xi32>,
    %get3A_416 = arith.constant 1 : i32
    %get3A_417 = arith.index_cast %get3A_416 : i32 to index
    %get3A_418 = arith.constant 96 : index
    %get3A_419 = tpu.vector_load %arg7[%get3A_417, %get3A_418] {strides = array<i32>} : memref<4x128xf32, #tpu.memory_space<vmem>>, vector<16xf32>,
    %bitcast3A_420 = vector.bitcast %get3A_419 : vector<16xf32> to vector<16xi32>
    %swap3A_421 = arith.constant 1 : i32
    %swap3A_422 = arith.index_cast %swap3A_421 : i32 to index
    %swap3A_423 = arith.constant 96 : index
    %swap3A_424 = tpu.vector_load %arg9[%swap3A_422, %swap3A_423] {strides = array<i32>} : memref<4x128xi32, #tpu.memory_space<vmem>>, vector<16xi32>,
    tpu.vector_store %arg9[%swap3A_422, %swap3A_423], %bitcast3A_420 {strides = array<i32>} : memref<4x128xi32, #tpu.memory_space<vmem>>, vector<16xi32>,
    %get3A_425 = arith.constant 1 : i32
    %get3A_426 = arith.index_cast %get3A_425 : i32 to index
    %get3A_427 = arith.constant 112 : index
    %get3A_428 = tpu.vector_load %arg7[%get3A_426, %get3A_427] {strides = array<i32>} : memref<4x128xf32, #tpu.memory_space<vmem>>, vector<16xf32>,
    %bitcast3A_429 = vector.bitcast %get3A_428 : vector<16xf32> to vector<16xi32>
    %swap3A_430 = arith.constant 1 : i32
    %swap3A_431 = arith.index_cast %swap3A_430 : i32 to index
    %swap3A_432 = arith.constant 112 : index
    %swap3A_433 = tpu.vector_load %arg9[%swap3A_431, %swap3A_432] {strides = array<i32>} : memref<4x128xi32, #tpu.memory_space<vmem>>, vector<16xi32>,
    tpu.vector_store %arg9[%swap3A_431, %swap3A_432], %bitcast3A_429 {strides = array<i32>} : memref<4x128xi32, #tpu.memory_space<vmem>>, vector<16xi32>,
    %get3A_434 = arith.constant 2 : i32
    %get3A_435 = arith.index_cast %get3A_434 : i32 to index
    %get3A_436 = arith.constant 0 : index
    %get3A_437 = tpu.vector_load %arg7[%get3A_435, %get3A_436] {strides = array<i32>} : memref<4x128xf32, #tpu.memory_space<vmem>>, vector<16xf32>,
    %bitcast3A_438 = vector.bitcast %get3A_437 : vector<16xf32> to vector<16xi32>
    %swap3A_439 = arith.constant 2 : i32
    %swap3A_440 = arith.index_cast %swap3A_439 : i32 to index
    %swap3A_441 = arith.constant 0 : index
    %swap3A_442 = tpu.vector_load %arg9[%swap3A_440, %swap3A_441] {strides = array<i32>} : memref<4x128xi32, #tpu.memory_space<vmem>>, vector<16xi32>,
    tpu.vector_store %arg9[%swap3A_440, %swap3A_441], %bitcast3A_438 {strides = array<i32>} : memref<4x128xi32, #tpu.memory_space<vmem>>, vector<16xi32>,
    %get3A_443 = arith.constant 2 : i32
    %get3A_444 = arith.index_cast %get3A_443 : i32 to index
    %get3A_445 = arith.constant 16 : index
    %get3A_446 = tpu.vector_load %arg7[%get3A_444, %get3A_445] {strides = array<i32>} : memref<4x128xf32, #tpu.memory_space<vmem>>, vector<16xf32>,
    %bitcast3A_447 = vector.bitcast %get3A_446 : vector<16xf32> to vector<16xi32>
    %swap3A_448 = arith.constant 2 : i32
    %swap3A_449 = arith.index_cast %swap3A_448 : i32 to index
    %swap3A_450 = arith.constant 16 : index
    %swap3A_451 = tpu.vector_load %arg9[%swap3A_449, %swap3A_450] {strides = array<i32>} : memref<4x128xi32, #tpu.memory_space<vmem>>, vector<16xi32>,
    tpu.vector_store %arg9[%swap3A_449, %swap3A_450], %bitcast3A_447 {strides = array<i32>} : memref<4x128xi32, #tpu.memory_space<vmem>>, vector<16xi32>,
    %get3A_452 = arith.constant 2 : i32
    %get3A_453 = arith.index_cast %get3A_452 : i32 to index
    %get3A_454 = arith.constant 32 : index
    %get3A_455 = tpu.vector_load %arg7[%get3A_453, %get3A_454] {strides = array<i32>} : memref<4x128xf32, #tpu.memory_space<vmem>>, vector<16xf32>,
    %bitcast3A_456 = vector.bitcast %get3A_455 : vector<16xf32> to vector<16xi32>
    %swap3A_457 = arith.constant 2 : i32
    %swap3A_458 = arith.index_cast %swap3A_457 : i32 to index
    %swap3A_459 = arith.constant 32 : index
    %swap3A_460 = tpu.vector_load %arg9[%swap3A_458, %swap3A_459] {strides = array<i32>} : memref<4x128xi32, #tpu.memory_space<vmem>>, vector<16xi32>,
    tpu.vector_store %arg9[%swap3A_458, %swap3A_459], %bitcast3A_456 {strides = array<i32>} : memref<4x128xi32, #tpu.memory_space<vmem>>, vector<16xi32>,
    %get3A_461 = arith.constant 2 : i32
    %get3A_462 = arith.index_cast %get3A_461 : i32 to index
    %get3A_463 = arith.constant 48 : index
    %get3A_464 = tpu.vector_load %arg7[%get3A_462, %get3A_463] {strides = array<i32>} : memref<4x128xf32, #tpu.memory_space<vmem>>, vector<16xf32>,
    %bitcast3A_465 = vector.bitcast %get3A_464 : vector<16xf32> to vector<16xi32>
    %swap3A_466 = arith.constant 2 : i32
    %swap3A_467 = arith.index_cast %swap3A_466 : i32 to index
    %swap3A_468 = arith.constant 48 : index
    %swap3A_469 = tpu.vector_load %arg9[%swap3A_467, %swap3A_468] {strides = array<i32>} : memref<4x128xi32, #tpu.memory_space<vmem>>, vector<16xi32>,
    tpu.vector_store %arg9[%swap3A_467, %swap3A_468], %bitcast3A_465 {strides = array<i32>} : memref<4x128xi32, #tpu.memory_space<vmem>>, vector<16xi32>,
    %get3A_470 = arith.constant 2 : i32
    %get3A_471 = arith.index_cast %get3A_470 : i32 to index
    %get3A_472 = arith.constant 64 : index
    %get3A_473 = tpu.vector_load %arg7[%get3A_471, %get3A_472] {strides = array<i32>} : memref<4x128xf32, #tpu.memory_space<vmem>>, vector<16xf32>,
    %bitcast3A_474 = vector.bitcast %get3A_473 : vector<16xf32> to vector<16xi32>
    %swap3A_475 = arith.constant 2 : i32
    %swap3A_476 = arith.index_cast %swap3A_475 : i32 to index
    %swap3A_477 = arith.constant 64 : index
    %swap3A_478 = tpu.vector_load %arg9[%swap3A_476, %swap3A_477] {strides = array<i32>} : memref<4x128xi32, #tpu.memory_space<vmem>>, vector<16xi32>,
    tpu.vector_store %arg9[%swap3A_476, %swap3A_477], %bitcast3A_474 {strides = array<i32>} : memref<4x128xi32, #tpu.memory_space<vmem>>, vector<16xi32>,
    %get3A_479 = arith.constant 2 : i32
    %get3A_480 = arith.index_cast %get3A_479 : i32 to index
    %get3A_481 = arith.constant 80 : index
    %get3A_482 = tpu.vector_load %arg7[%get3A_480, %get3A_481] {strides = array<i32>} : memref<4x128xf32, #tpu.memory_space<vmem>>, vector<16xf32>,
    %bitcast3A_483 = vector.bitcast %get3A_482 : vector<16xf32> to vector<16xi32>
    %swap3A_484 = arith.constant 2 : i32
    %swap3A_485 = arith.index_cast %swap3A_484 : i32 to index
    %swap3A_486 = arith.constant 80 : index
    %swap3A_487 = tpu.vector_load %arg9[%swap3A_485, %swap3A_486] {strides = array<i32>} : memref<4x128xi32, #tpu.memory_space<vmem>>, vector<16xi32>,
    tpu.vector_store %arg9[%swap3A_485, %swap3A_486], %bitcast3A_483 {strides = array<i32>} : memref<4x128xi32, #tpu.memory_space<vmem>>, vector<16xi32>,
    %get3A_488 = arith.constant 2 : i32
    %get3A_489 = arith.index_cast %get3A_488 : i32 to index
    %get3A_490 = arith.constant 96 : index
    %get3A_491 = tpu.vector_load %arg7[%get3A_489, %get3A_490] {strides = array<i32>} : memref<4x128xf32, #tpu.memory_space<vmem>>, vector<16xf32>,
    %bitcast3A_492 = vector.bitcast %get3A_491 : vector<16xf32> to vector<16xi32>
    %swap3A_493 = arith.constant 2 : i32
    %swap3A_494 = arith.index_cast %swap3A_493 : i32 to index
    %swap3A_495 = arith.constant 96 : index
    %swap3A_496 = tpu.vector_load %arg9[%swap3A_494, %swap3A_495] {strides = array<i32>} : memref<4x128xi32, #tpu.memory_space<vmem>>, vector<16xi32>,
    tpu.vector_store %arg9[%swap3A_494, %swap3A_495], %bitcast3A_492 {strides = array<i32>} : memref<4x128xi32, #tpu.memory_space<vmem>>, vector<16xi32>,
    %get3A_497 = arith.constant 2 : i32
    %get3A_498 = arith.index_cast %get3A_497 : i32 to index
    %get3A_499 = arith.constant 112 : index
    %get3A_500 = tpu.vector_load %arg7[%get3A_498, %get3A_499] {strides = array<i32>} : memref<4x128xf32, #tpu.memory_space<vmem>>, vector<16xf32>,
    %bitcast3A_501 = vector.bitcast %get3A_500 : vector<16xf32> to vector<16xi32>
    %swap3A_502 = arith.constant 2 : i32
    %swap3A_503 = arith.index_cast %swap3A_502 : i32 to index
    %swap3A_504 = arith.constant 112 : index
    %swap3A_505 = tpu.vector_load %arg9[%swap3A_503, %swap3A_504] {strides = array<i32>} : memref<4x128xi32, #tpu.memory_space<vmem>>, vector<16xi32>,
    tpu.vector_store %arg9[%swap3A_503, %swap3A_504], %bitcast3A_501 {strides = array<i32>} : memref<4x128xi32, #tpu.memory_space<vmem>>, vector<16xi32>,
    %get3A_506 = arith.constant 3 : i32
    %get3A_507 = arith.index_cast %get3A_506 : i32 to index
    %get3A_508 = arith.constant 0 : index
    %get3A_509 = tpu.vector_load %arg7[%get3A_507, %get3A_508] {strides = array<i32>} : memref<4x128xf32, #tpu.memory_space<vmem>>, vector<16xf32>,
    %bitcast3A_510 = vector.bitcast %get3A_509 : vector<16xf32> to vector<16xi32>
    %swap3A_511 = arith.constant 3 : i32
    %swap3A_512 = arith.index_cast %swap3A_511 : i32 to index
    %swap3A_513 = arith.constant 0 : index
    %swap3A_514 = tpu.vector_load %arg9[%swap3A_512, %swap3A_513] {strides = array<i32>} : memref<4x128xi32, #tpu.memory_space<vmem>>, vector<16xi32>,
    tpu.vector_store %arg9[%swap3A_512, %swap3A_513], %bitcast3A_510 {strides = array<i32>} : memref<4x128xi32, #tpu.memory_space<vmem>>, vector<16xi32>,
    %get3A_515 = arith.constant 3 : i32
    %get3A_516 = arith.index_cast %get3A_515 : i32 to index
    %get3A_517 = arith.constant 16 : index
    %get3A_518 = tpu.vector_load %arg7[%get3A_516, %get3A_517] {strides = array<i32>} : memref<4x128xf32, #tpu.memory_space<vmem>>, vector<16xf32>,
    %bitcast3A_519 = vector.bitcast %get3A_518 : vector<16xf32> to vector<16xi32>
    %swap3A_520 = arith.constant 3 : i32
    %swap3A_521 = arith.index_cast %swap3A_520 : i32 to index
    %swap3A_522 = arith.constant 16 : index
    %swap3A_523 = tpu.vector_load %arg9[%swap3A_521, %swap3A_522] {strides = array<i32>} : memref<4x128xi32, #tpu.memory_space<vmem>>, vector<16xi32>,
    tpu.vector_store %arg9[%swap3A_521, %swap3A_522], %bitcast3A_519 {strides = array<i32>} : memref<4x128xi32, #tpu.memory_space<vmem>>, vector<16xi32>,
    %get3A_524 = arith.constant 3 : i32
    %get3A_525 = arith.index_cast %get3A_524 : i32 to index
    %get3A_526 = arith.constant 32 : index
    %get3A_527 = tpu.vector_load %arg7[%get3A_525, %get3A_526] {strides = array<i32>} : memref<4x128xf32, #tpu.memory_space<vmem>>, vector<16xf32>,
    %bitcast3A_528 = vector.bitcast %get3A_527 : vector<16xf32> to vector<16xi32>
    %swap3A_529 = arith.constant 3 : i32
    %swap3A_530 = arith.index_cast %swap3A_529 : i32 to index
    %swap3A_531 = arith.constant 32 : index
    %swap3A_532 = tpu.vector_load %arg9[%swap3A_530, %swap3A_531] {strides = array<i32>} : memref<4x128xi32, #tpu.memory_space<vmem>>, vector<16xi32>,
    tpu.vector_store %arg9[%swap3A_530, %swap3A_531], %bitcast3A_528 {strides = array<i32>} : memref<4x128xi32, #tpu.memory_space<vmem>>, vector<16xi32>,
    %get3A_533 = arith.constant 3 : i32
    %get3A_534 = arith.index_cast %get3A_533 : i32 to index
    %get3A_535 = arith.constant 48 : index
    %get3A_536 = tpu.vector_load %arg7[%get3A_534, %get3A_535] {strides = array<i32>} : memref<4x128xf32, #tpu.memory_space<vmem>>, vector<16xf32>,
    %bitcast3A_537 = vector.bitcast %get3A_536 : vector<16xf32> to vector<16xi32>
    %swap3A_538 = arith.constant 3 : i32
    %swap3A_539 = arith.index_cast %swap3A_538 : i32 to index
    %swap3A_540 = arith.constant 48 : index
    %swap3A_541 = tpu.vector_load %arg9[%swap3A_539, %swap3A_540] {strides = array<i32>} : memref<4x128xi32, #tpu.memory_space<vmem>>, vector<16xi32>,
    tpu.vector_store %arg9[%swap3A_539, %swap3A_540], %bitcast3A_537 {strides = array<i32>} : memref<4x128xi32, #tpu.memory_space<vmem>>, vector<16xi32>,
    %get3A_542 = arith.constant 3 : i32
    %get3A_543 = arith.index_cast %get3A_542 : i32 to index
    %get3A_544 = arith.constant 64 : index
    %get3A_545 = tpu.vector_load %arg7[%get3A_543, %get3A_544] {strides = array<i32>} : memref<4x128xf32, #tpu.memory_space<vmem>>, vector<16xf32>,
    %bitcast3A_546 = vector.bitcast %get3A_545 : vector<16xf32> to vector<16xi32>
    %swap3A_547 = arith.constant 3 : i32
    %swap3A_548 = arith.index_cast %swap3A_547 : i32 to index
    %swap3A_549 = arith.constant 64 : index
    %swap3A_550 = tpu.vector_load %arg9[%swap3A_548, %swap3A_549] {strides = array<i32>} : memref<4x128xi32, #tpu.memory_space<vmem>>, vector<16xi32>,
    tpu.vector_store %arg9[%swap3A_548, %swap3A_549], %bitcast3A_546 {strides = array<i32>} : memref<4x128xi32, #tpu.memory_space<vmem>>, vector<16xi32>,
    %get3A_551 = arith.constant 3 : i32
    %get3A_552 = arith.index_cast %get3A_551 : i32 to index
    %get3A_553 = arith.constant 80 : index
    %get3A_554 = tpu.vector_load %arg7[%get3A_552, %get3A_553] {strides = array<i32>} : memref<4x128xf32, #tpu.memory_space<vmem>>, vector<16xf32>,
    %bitcast3A_555 = vector.bitcast %get3A_554 : vector<16xf32> to vector<16xi32>
    %swap3A_556 = arith.constant 3 : i32
    %swap3A_557 = arith.index_cast %swap3A_556 : i32 to index
    %swap3A_558 = arith.constant 80 : index
    %swap3A_559 = tpu.vector_load %arg9[%swap3A_557, %swap3A_558] {strides = array<i32>} : memref<4x128xi32, #tpu.memory_space<vmem>>, vector<16xi32>,
    tpu.vector_store %arg9[%swap3A_557, %swap3A_558], %bitcast3A_555 {strides = array<i32>} : memref<4x128xi32, #tpu.memory_space<vmem>>, vector<16xi32>,
    %get3A_560 = arith.constant 3 : i32
    %get3A_561 = arith.index_cast %get3A_560 : i32 to index
    %get3A_562 = arith.constant 96 : index
    %get3A_563 = tpu.vector_load %arg7[%get3A_561, %get3A_562] {strides = array<i32>} : memref<4x128xf32, #tpu.memory_space<vmem>>, vector<16xf32>,
    %bitcast3A_564 = vector.bitcast %get3A_563 : vector<16xf32> to vector<16xi32>
    %swap3A_565 = arith.constant 3 : i32
    %swap3A_566 = arith.index_cast %swap3A_565 : i32 to index
    %swap3A_567 = arith.constant 96 : index
    %swap3A_568 = tpu.vector_load %arg9[%swap3A_566, %swap3A_567] {strides = array<i32>} : memref<4x128xi32, #tpu.memory_space<vmem>>, vector<16xi32>,
    tpu.vector_store %arg9[%swap3A_566, %swap3A_567], %bitcast3A_564 {strides = array<i32>} : memref<4x128xi32, #tpu.memory_space<vmem>>, vector<16xi32>,
    %get3A_569 = arith.constant 3 : i32
    %get3A_570 = arith.index_cast %get3A_569 : i32 to index
    %get3A_571 = arith.constant 112 : index
    %get3A_572 = tpu.vector_load %arg7[%get3A_570, %get3A_571] {strides = array<i32>} : memref<4x128xf32, #tpu.memory_space<vmem>>, vector<16xf32>,
    %bitcast3A_573 = vector.bitcast %get3A_572 : vector<16xf32> to vector<16xi32>
    %swap3A_574 = arith.constant 3 : i32
    %swap3A_575 = arith.index_cast %swap3A_574 : i32 to index
    %swap3A_576 = arith.constant 112 : index
    %swap3A_577 = tpu.vector_load %arg9[%swap3A_575, %swap3A_576] {strides = array<i32>} : memref<4x128xi32, #tpu.memory_space<vmem>>, vector<16xi32>,
    tpu.vector_store %arg9[%swap3A_575, %swap3A_576], %bitcast3A_573 {strides = array<i32>} : memref<4x128xi32, #tpu.memory_space<vmem>>, vector<16xi32>,
    %mul3A_578 = arith.constant 512 : i32
    %mul3A_579 = arith.muli %add3A, %mul3A_578 : i32
    %dma_start3A = arith.constant 0 : i32
    %dma_start3A_580 = arith.constant 0 : i32
    %dma_start3A_581 = tpu.memref_slice %arg8[%dma_start3A, %dma_start3A_580] : memref<4x128xi32, #tpu.memory_space<vmem>> -> memref<1x128xi32, #tpu.memory_space<vmem>>
    %dma_start3A_582 = tpu.memref_squeeze %dma_start3A_581 : memref<1x128xi32, #tpu.memory_space<vmem>> -> memref<128xi32, #tpu.memory_space<vmem>>
    %dma_start3A_583 = arith.constant 0 : i32
    %dma_start3A_584 = arith.constant 0 : i32
    %dma_start3A_585 = tpu.memref_slice %arg2[%dma_start3A_583, %dma_start3A_584] : memref<2048x128xf32, #tpu.memory_space<hbm>> -> memref<2048x128xf32, #tpu.memory_space<hbm>>
    tpu.enqueue_indirect_dma source(%dma_start3A_585 : memref<2048x128xf32, #tpu.memory_space<hbm>>) target(%arg10 : memref<128x128xf32, #tpu.memory_space<vmem>>) offsets(%dma_start3A_582 : memref<128xi32, #tpu.memory_space<vmem>>) semaphore(%arg13 : memref<!tpu.dma_semaphore, #tpu.memory_space<semaphore_mem>>)
    %dma_start3A_586 = arith.constant 0 : i32
    %dma_start3A_587 = arith.constant 0 : i32
    %dma_start3A_588 = tpu.memref_slice %arg9[%dma_start3A_586, %dma_start3A_587] : memref<4x128xi32, #tpu.memory_space<vmem>> -> memref<1x128xi32, #tpu.memory_space<vmem>>
    %dma_start3A_589 = tpu.memref_squeeze %dma_start3A_588 : memref<1x128xi32, #tpu.memory_space<vmem>> -> memref<128xi32, #tpu.memory_space<vmem>>
    %dma_start3A_590 = arith.constant 0 : i32
    %dma_start3A_591 = arith.constant 0 : i32
    %dma_start3A_592 = tpu.memref_slice %arg2[%dma_start3A_590, %dma_start3A_591] : memref<2048x128xf32, #tpu.memory_space<hbm>> -> memref<2048x128xf32, #tpu.memory_space<hbm>>
    tpu.enqueue_indirect_dma source(%dma_start3A_592 : memref<2048x128xf32, #tpu.memory_space<hbm>>) target(%arg11 : memref<128x128xf32, #tpu.memory_space<vmem>>) offsets(%dma_start3A_589 : memref<128xi32, #tpu.memory_space<vmem>>) semaphore(%arg14 : memref<!tpu.dma_semaphore, #tpu.memory_space<semaphore_mem>>)
    %dma_wait3A = arith.constant 0 : i32
    %dma_wait3A_593 = arith.constant 0 : i32
    %dma_wait3A_594 = tpu.memref_slice %arg8[%dma_wait3A, %dma_wait3A_593] : memref<4x128xi32, #tpu.memory_space<vmem>> -> memref<1x128xi32, #tpu.memory_space<vmem>>
    %dma_wait3A_595 = tpu.memref_squeeze %dma_wait3A_594 : memref<1x128xi32, #tpu.memory_space<vmem>> -> memref<128xi32, #tpu.memory_space<vmem>>
    %dma_wait3A_596 = arith.constant 0 : i32
    %dma_wait3A_597 = arith.constant 0 : i32
    %dma_wait3A_598 = tpu.memref_slice %arg2[%dma_wait3A_596, %dma_wait3A_597] : memref<2048x128xf32, #tpu.memory_space<hbm>> -> memref<2048x128xf32, #tpu.memory_space<hbm>>
    tpu.wait_indirect_dma semaphore(%arg13 : memref<!tpu.dma_semaphore, #tpu.memory_space<semaphore_mem>>) src(%dma_wait3A_598 : memref<2048x128xf32, #tpu.memory_space<hbm>>) dst(%arg10 : memref<128x128xf32, #tpu.memory_space<vmem>>)
    %dma_wait3A_599 = arith.constant 0 : i32
    %dma_wait3A_600 = arith.constant 0 : i32
    %dma_wait3A_601 = tpu.memref_slice %arg9[%dma_wait3A_599, %dma_wait3A_600] : memref<4x128xi32, #tpu.memory_space<vmem>> -> memref<1x128xi32, #tpu.memory_space<vmem>>
    %dma_wait3A_602 = tpu.memref_squeeze %dma_wait3A_601 : memref<1x128xi32, #tpu.memory_space<vmem>> -> memref<128xi32, #tpu.memory_space<vmem>>
    %dma_wait3A_603 = arith.constant 0 : i32
    %dma_wait3A_604 = arith.constant 0 : i32
    %dma_wait3A_605 = tpu.memref_slice %arg2[%dma_wait3A_603, %dma_wait3A_604] : memref<2048x128xf32, #tpu.memory_space<hbm>> -> memref<2048x128xf32, #tpu.memory_space<hbm>>
    tpu.wait_indirect_dma semaphore(%arg14 : memref<!tpu.dma_semaphore, #tpu.memory_space<semaphore_mem>>) src(%dma_wait3A_605 : memref<2048x128xf32, #tpu.memory_space<hbm>>) dst(%arg11 : memref<128x128xf32, #tpu.memory_space<vmem>>)
    %scan3A = arith.constant 0 : i32
    %scan3A_606 = arith.constant 0 : i32
    %scan3A_607 = arith.constant 128 : i32
    %scan3A_608 = arith.addi %scan3A_606, %scan3A_607 : i32
    %scan3A_609 = arith.constant 1 : i32
    scf.for %scan3A_721 = %scan3A_606 to %scan3A_608 step %scan3A_609  : i32 {
      %get3A_722 = arith.index_cast %scan3A_721 : i32 to index
      %get3A_723 = arith.constant 0 : index
      %get3A_724 = tpu.vector_load %arg10[%get3A_722, %get3A_723] {strides = array<i32>} : memref<128x128xf32, #tpu.memory_space<vmem>>, vector<16xf32>,
      %get3A_725 = arith.index_cast %scan3A_721 : i32 to index
      %get3A_726 = arith.constant 0 : index
      %get3A_727 = tpu.vector_load %arg11[%get3A_725, %get3A_726] {strides = array<i32>} : memref<128x128xf32, #tpu.memory_space<vmem>>, vector<16xf32>,
      %mul3A_728 = arith.mulf %get3A_724, %get3A_727 : vector<16xf32>
      %swap3A_729 = arith.index_cast %scan3A_721 : i32 to index
      %swap3A_730 = arith.constant 0 : index
      %swap3A_731 = tpu.vector_load %arg12[%swap3A_729, %swap3A_730] {strides = array<i32>} : memref<128x64xf32, #tpu.memory_space<vmem>>, vector<16xf32>,
      tpu.vector_store %arg12[%swap3A_729, %swap3A_730], %mul3A_728 {strides = array<i32>} : memref<128x64xf32, #tpu.memory_space<vmem>>, vector<16xf32>,
      %get3A_732 = arith.index_cast %scan3A_721 : i32 to index
      %get3A_733 = arith.constant 16 : index
      %get3A_734 = tpu.vector_load %arg10[%get3A_732, %get3A_733] {strides = array<i32>} : memref<128x128xf32, #tpu.memory_space<vmem>>, vector<16xf32>,
      %get3A_735 = arith.index_cast %scan3A_721 : i32 to index
      %get3A_736 = arith.constant 16 : index
      %get3A_737 = tpu.vector_load %arg11[%get3A_735, %get3A_736] {strides = array<i32>} : memref<128x128xf32, #tpu.memory_space<vmem>>, vector<16xf32>,
      %mul3A_738 = arith.mulf %get3A_734, %get3A_737 : vector<16xf32>
      %swap3A_739 = arith.index_cast %scan3A_721 : i32 to index
      %swap3A_740 = arith.constant 16 : index
      %swap3A_741 = tpu.vector_load %arg12[%swap3A_739, %swap3A_740] {strides = array<i32>} : memref<128x64xf32, #tpu.memory_space<vmem>>, vector<16xf32>,
      tpu.vector_store %arg12[%swap3A_739, %swap3A_740], %mul3A_738 {strides = array<i32>} : memref<128x64xf32, #tpu.memory_space<vmem>>, vector<16xf32>,
      %get3A_742 = arith.index_cast %scan3A_721 : i32 to index
      %get3A_743 = arith.constant 32 : index
      %get3A_744 = tpu.vector_load %arg10[%get3A_742, %get3A_743] {strides = array<i32>} : memref<128x128xf32, #tpu.memory_space<vmem>>, vector<16xf32>,
      %get3A_745 = arith.index_cast %scan3A_721 : i32 to index
      %get3A_746 = arith.constant 32 : index
      %get3A_747 = tpu.vector_load %arg11[%get3A_745, %get3A_746] {strides = array<i32>} : memref<128x128xf32, #tpu.memory_space<vmem>>, vector<16xf32>,
      %mul3A_748 = arith.mulf %get3A_744, %get3A_747 : vector<16xf32>
      %swap3A_749 = arith.index_cast %scan3A_721 : i32 to index
      %swap3A_750 = arith.constant 32 : index
      %swap3A_751 = tpu.vector_load %arg12[%swap3A_749, %swap3A_750] {strides = array<i32>} : memref<128x64xf32, #tpu.memory_space<vmem>>, vector<16xf32>,
      tpu.vector_store %arg12[%swap3A_749, %swap3A_750], %mul3A_748 {strides = array<i32>} : memref<128x64xf32, #tpu.memory_space<vmem>>, vector<16xf32>,
      %get3A_752 = arith.index_cast %scan3A_721 : i32 to index
      %get3A_753 = arith.constant 48 : index
      %get3A_754 = tpu.vector_load %arg10[%get3A_752, %get3A_753] {strides = array<i32>} : memref<128x128xf32, #tpu.memory_space<vmem>>, vector<16xf32>,
      %get3A_755 = arith.index_cast %scan3A_721 : i32 to index
      %get3A_756 = arith.constant 48 : index
      %get3A_757 = tpu.vector_load %arg11[%get3A_755, %get3A_756] {strides = array<i32>} : memref<128x128xf32, #tpu.memory_space<vmem>>, vector<16xf32>,
      %mul3A_758 = arith.mulf %get3A_754, %get3A_757 : vector<16xf32>
      %swap3A_759 = arith.index_cast %scan3A_721 : i32 to index
      %swap3A_760 = arith.constant 48 : index
      %swap3A_761 = tpu.vector_load %arg12[%swap3A_759, %swap3A_760] {strides = array<i32>} : memref<128x64xf32, #tpu.memory_space<vmem>>, vector<16xf32>,
      tpu.vector_store %arg12[%swap3A_759, %swap3A_760], %mul3A_758 {strides = array<i32>} : memref<128x64xf32, #tpu.memory_space<vmem>>, vector<16xf32>,
    }
    %scan3A_610 = arith.constant 128 : i32
    %add3A_611 = arith.constant 0 : i32
    %add3A_612 = arith.addi %mul3A_579, %add3A_611 : i32
    "tpu.region"() ({
      %run_scoped3A = tpu.sem_alloc : memref<!tpu.dma_semaphore, #tpu.memory_space<semaphore_mem>>
      %dma_start3A_721 = arith.constant 0 : i32
      %dma_start3A_722 = tpu.memref_slice %arg5[%add3A_612, %dma_start3A_721] : memref<16384x64xf32, #tpu.memory_space<hbm>> -> memref<128x64xf32, #tpu.memory_space<hbm>>
      %dma_start3A_723 = arith.constant 0 : i32
      %dma_start3A_724 = tpu.memref_slice %arg5[%add3A_612, %dma_start3A_723] : memref<16384x64xf32, #tpu.memory_space<hbm>> -> memref<128x64xf32, #tpu.memory_space<hbm>>
      tpu.enqueue_dma source(%arg12 : memref<128x64xf32, #tpu.memory_space<vmem>>) target(%dma_start3A_724 : memref<128x64xf32, #tpu.memory_space<hbm>>) target_semaphore(%run_scoped3A : memref<!tpu.dma_semaphore, #tpu.memory_space<semaphore_mem>>)
      %dma_wait3A_725 = arith.constant 0 : i32
      %dma_wait3A_726 = tpu.memref_slice %arg5[%add3A_612, %dma_wait3A_725] : memref<16384x64xf32, #tpu.memory_space<hbm>> -> memref<128x64xf32, #tpu.memory_space<hbm>>
      %dma_wait3A_727 = arith.constant 0 : i32
      %dma_wait3A_728 = tpu.memref_slice %arg5[%add3A_612, %dma_wait3A_727] : memref<16384x64xf32, #tpu.memory_space<hbm>> -> memref<128x64xf32, #tpu.memory_space<hbm>>
      tpu.wait_dma2 semaphore(%run_scoped3A : memref<!tpu.dma_semaphore, #tpu.memory_space<semaphore_mem>>) src(%arg12 : memref<128x64xf32, #tpu.memory_space<vmem>>) dst(%dma_wait3A_728 : memref<128x64xf32, #tpu.memory_space<hbm>>)
      tpu.yield
    }) : () -> ()
    %dma_start3A_613 = arith.constant 1 : i32
    %dma_start3A_614 = arith.constant 0 : i32
    %dma_start3A_615 = tpu.memref_slice %arg8[%dma_start3A_613, %dma_start3A_614] : memref<4x128xi32, #tpu.memory_space<vmem>> -> memref<1x128xi32, #tpu.memory_space<vmem>>
    %dma_start3A_616 = tpu.memref_squeeze %dma_start3A_615 : memref<1x128xi32, #tpu.memory_space<vmem>> -> memref<128xi32, #tpu.memory_space<vmem>>
    %dma_start3A_617 = arith.constant 0 : i32
    %dma_start3A_618 = arith.constant 0 : i32
    %dma_start3A_619 = tpu.memref_slice %arg2[%dma_start3A_617, %dma_start3A_618] : memref<2048x128xf32, #tpu.memory_space<hbm>> -> memref<2048x128xf32, #tpu.memory_space<hbm>>
    tpu.enqueue_indirect_dma source(%dma_start3A_619 : memref<2048x128xf32, #tpu.memory_space<hbm>>) target(%arg10 : memref<128x128xf32, #tpu.memory_space<vmem>>) offsets(%dma_start3A_616 : memref<128xi32, #tpu.memory_space<vmem>>) semaphore(%arg13 : memref<!tpu.dma_semaphore, #tpu.memory_space<semaphore_mem>>)
    %dma_start3A_620 = arith.constant 1 : i32
    %dma_start3A_621 = arith.constant 0 : i32
    %dma_start3A_622 = tpu.memref_slice %arg9[%dma_start3A_620, %dma_start3A_621] : memref<4x128xi32, #tpu.memory_space<vmem>> -> memref<1x128xi32, #tpu.memory_space<vmem>>
    %dma_start3A_623 = tpu.memref_squeeze %dma_start3A_622 : memref<1x128xi32, #tpu.memory_space<vmem>> -> memref<128xi32, #tpu.memory_space<vmem>>
    %dma_start3A_624 = arith.constant 0 : i32
    %dma_start3A_625 = arith.constant 0 : i32
    %dma_start3A_626 = tpu.memref_slice %arg2[%dma_start3A_624, %dma_start3A_625] : memref<2048x128xf32, #tpu.memory_space<hbm>> -> memref<2048x128xf32, #tpu.memory_space<hbm>>
    tpu.enqueue_indirect_dma source(%dma_start3A_626 : memref<2048x128xf32, #tpu.memory_space<hbm>>) target(%arg11 : memref<128x128xf32, #tpu.memory_space<vmem>>) offsets(%dma_start3A_623 : memref<128xi32, #tpu.memory_space<vmem>>) semaphore(%arg14 : memref<!tpu.dma_semaphore, #tpu.memory_space<semaphore_mem>>)
    %dma_wait3A_627 = arith.constant 1 : i32
    %dma_wait3A_628 = arith.constant 0 : i32
    %dma_wait3A_629 = tpu.memref_slice %arg8[%dma_wait3A_627, %dma_wait3A_628] : memref<4x128xi32, #tpu.memory_space<vmem>> -> memref<1x128xi32, #tpu.memory_space<vmem>>
    %dma_wait3A_630 = tpu.memref_squeeze %dma_wait3A_629 : memref<1x128xi32, #tpu.memory_space<vmem>> -> memref<128xi32, #tpu.memory_space<vmem>>
    %dma_wait3A_631 = arith.constant 0 : i32
    %dma_wait3A_632 = arith.constant 0 : i32
    %dma_wait3A_633 = tpu.memref_slice %arg2[%dma_wait3A_631, %dma_wait3A_632] : memref<2048x128xf32, #tpu.memory_space<hbm>> -> memref<2048x128xf32, #tpu.memory_space<hbm>>
    tpu.wait_indirect_dma semaphore(%arg13 : memref<!tpu.dma_semaphore, #tpu.memory_space<semaphore_mem>>) src(%dma_wait3A_633 : memref<2048x128xf32, #tpu.memory_space<hbm>>) dst(%arg10 : memref<128x128xf32, #tpu.memory_space<vmem>>)
    %dma_wait3A_634 = arith.constant 1 : i32
    %dma_wait3A_635 = arith.constant 0 : i32
    %dma_wait3A_636 = tpu.memref_slice %arg9[%dma_wait3A_634, %dma_wait3A_635] : memref<4x128xi32, #tpu.memory_space<vmem>> -> memref<1x128xi32, #tpu.memory_space<vmem>>
    %dma_wait3A_637 = tpu.memref_squeeze %dma_wait3A_636 : memref<1x128xi32, #tpu.memory_space<vmem>> -> memref<128xi32, #tpu.memory_space<vmem>>
    %dma_wait3A_638 = arith.constant 0 : i32
    %dma_wait3A_639 = arith.constant 0 : i32
    %dma_wait3A_640 = tpu.memref_slice %arg2[%dma_wait3A_638, %dma_wait3A_639] : memref<2048x128xf32, #tpu.memory_space<hbm>> -> memref<2048x128xf32, #tpu.memory_space<hbm>>
    tpu.wait_indirect_dma semaphore(%arg14 : memref<!tpu.dma_semaphore, #tpu.memory_space<semaphore_mem>>) src(%dma_wait3A_640 : memref<2048x128xf32, #tpu.memory_space<hbm>>) dst(%arg11 : memref<128x128xf32, #tpu.memory_space<vmem>>)
    %scan3A_641 = arith.constant 0 : i32
    %scan3A_642 = arith.constant 0 : i32
    %scan3A_643 = arith.constant 128 : i32
    %scan3A_644 = arith.addi %scan3A_642, %scan3A_643 : i32
    %scan3A_645 = arith.constant 1 : i32
    scf.for %scan3A_721 = %scan3A_642 to %scan3A_644 step %scan3A_645  : i32 {
      %get3A_722 = arith.index_cast %scan3A_721 : i32 to index
      %get3A_723 = arith.constant 0 : index
      %get3A_724 = tpu.vector_load %arg10[%get3A_722, %get3A_723] {strides = array<i32>} : memref<128x128xf32, #tpu.memory_space<vmem>>, vector<16xf32>,
      %get3A_725 = arith.index_cast %scan3A_721 : i32 to index
      %get3A_726 = arith.constant 0 : index
      %get3A_727 = tpu.vector_load %arg11[%get3A_725, %get3A_726] {strides = array<i32>} : memref<128x128xf32, #tpu.memory_space<vmem>>, vector<16xf32>,
      %mul3A_728 = arith.mulf %get3A_724, %get3A_727 : vector<16xf32>
      %swap3A_729 = arith.index_cast %scan3A_721 : i32 to index
      %swap3A_730 = arith.constant 0 : index
      %swap3A_731 = tpu.vector_load %arg12[%swap3A_729, %swap3A_730] {strides = array<i32>} : memref<128x64xf32, #tpu.memory_space<vmem>>, vector<16xf32>,
      tpu.vector_store %arg12[%swap3A_729, %swap3A_730], %mul3A_728 {strides = array<i32>} : memref<128x64xf32, #tpu.memory_space<vmem>>, vector<16xf32>,
      %get3A_732 = arith.index_cast %scan3A_721 : i32 to index
      %get3A_733 = arith.constant 16 : index
      %get3A_734 = tpu.vector_load %arg10[%get3A_732, %get3A_733] {strides = array<i32>} : memref<128x128xf32, #tpu.memory_space<vmem>>, vector<16xf32>,
      %get3A_735 = arith.index_cast %scan3A_721 : i32 to index
      %get3A_736 = arith.constant 16 : index
      %get3A_737 = tpu.vector_load %arg11[%get3A_735, %get3A_736] {strides = array<i32>} : memref<128x128xf32, #tpu.memory_space<vmem>>, vector<16xf32>,
      %mul3A_738 = arith.mulf %get3A_734, %get3A_737 : vector<16xf32>
      %swap3A_739 = arith.index_cast %scan3A_721 : i32 to index
      %swap3A_740 = arith.constant 16 : index
      %swap3A_741 = tpu.vector_load %arg12[%swap3A_739, %swap3A_740] {strides = array<i32>} : memref<128x64xf32, #tpu.memory_space<vmem>>, vector<16xf32>,
      tpu.vector_store %arg12[%swap3A_739, %swap3A_740], %mul3A_738 {strides = array<i32>} : memref<128x64xf32, #tpu.memory_space<vmem>>, vector<16xf32>,
      %get3A_742 = arith.index_cast %scan3A_721 : i32 to index
      %get3A_743 = arith.constant 32 : index
      %get3A_744 = tpu.vector_load %arg10[%get3A_742, %get3A_743] {strides = array<i32>} : memref<128x128xf32, #tpu.memory_space<vmem>>, vector<16xf32>,
      %get3A_745 = arith.index_cast %scan3A_721 : i32 to index
      %get3A_746 = arith.constant 32 : index
      %get3A_747 = tpu.vector_load %arg11[%get3A_745, %get3A_746] {strides = array<i32>} : memref<128x128xf32, #tpu.memory_space<vmem>>, vector<16xf32>,
      %mul3A_748 = arith.mulf %get3A_744, %get3A_747 : vector<16xf32>
      %swap3A_749 = arith.index_cast %scan3A_721 : i32 to index
      %swap3A_750 = arith.constant 32 : index
      %swap3A_751 = tpu.vector_load %arg12[%swap3A_749, %swap3A_750] {strides = array<i32>} : memref<128x64xf32, #tpu.memory_space<vmem>>, vector<16xf32>,
      tpu.vector_store %arg12[%swap3A_749, %swap3A_750], %mul3A_748 {strides = array<i32>} : memref<128x64xf32, #tpu.memory_space<vmem>>, vector<16xf32>,
      %get3A_752 = arith.index_cast %scan3A_721 : i32 to index
      %get3A_753 = arith.constant 48 : index
      %get3A_754 = tpu.vector_load %arg10[%get3A_752, %get3A_753] {strides = array<i32>} : memref<128x128xf32, #tpu.memory_space<vmem>>, vector<16xf32>,
      %get3A_755 = arith.index_cast %scan3A_721 : i32 to index
      %get3A_756 = arith.constant 48 : index
      %get3A_757 = tpu.vector_load %arg11[%get3A_755, %get3A_756] {strides = array<i32>} : memref<128x128xf32, #tpu.memory_space<vmem>>, vector<16xf32>,
      %mul3A_758 = arith.mulf %get3A_754, %get3A_757 : vector<16xf32>
      %swap3A_759 = arith.index_cast %scan3A_721 : i32 to index
      %swap3A_760 = arith.constant 48 : index
      %swap3A_761 = tpu.vector_load %arg12[%swap3A_759, %swap3A_760] {strides = array<i32>} : memref<128x64xf32, #tpu.memory_space<vmem>>, vector<16xf32>,
      tpu.vector_store %arg12[%swap3A_759, %swap3A_760], %mul3A_758 {strides = array<i32>} : memref<128x64xf32, #tpu.memory_space<vmem>>, vector<16xf32>,
    }
    %scan3A_646 = arith.constant 128 : i32
    %add3A_647 = arith.constant 128 : i32
    %add3A_648 = arith.addi %mul3A_579, %add3A_647 : i32
    "tpu.region"() ({
      %run_scoped3A = tpu.sem_alloc : memref<!tpu.dma_semaphore, #tpu.memory_space<semaphore_mem>>
      %dma_start3A_721 = arith.constant 0 : i32
      %dma_start3A_722 = tpu.memref_slice %arg5[%add3A_648, %dma_start3A_721] : memref<16384x64xf32, #tpu.memory_space<hbm>> -> memref<128x64xf32, #tpu.memory_space<hbm>>
      %dma_start3A_723 = arith.constant 0 : i32
      %dma_start3A_724 = tpu.memref_slice %arg5[%add3A_648, %dma_start3A_723] : memref<16384x64xf32, #tpu.memory_space<hbm>> -> memref<128x64xf32, #tpu.memory_space<hbm>>
      tpu.enqueue_dma source(%arg12 : memref<128x64xf32, #tpu.memory_space<vmem>>) target(%dma_start3A_724 : memref<128x64xf32, #tpu.memory_space<hbm>>) target_semaphore(%run_scoped3A : memref<!tpu.dma_semaphore, #tpu.memory_space<semaphore_mem>>)
      %dma_wait3A_725 = arith.constant 0 : i32
      %dma_wait3A_726 = tpu.memref_slice %arg5[%add3A_648, %dma_wait3A_725] : memref<16384x64xf32, #tpu.memory_space<hbm>> -> memref<128x64xf32, #tpu.memory_space<hbm>>
      %dma_wait3A_727 = arith.constant 0 : i32
      %dma_wait3A_728 = tpu.memref_slice %arg5[%add3A_648, %dma_wait3A_727] : memref<16384x64xf32, #tpu.memory_space<hbm>> -> memref<128x64xf32, #tpu.memory_space<hbm>>
      tpu.wait_dma2 semaphore(%run_scoped3A : memref<!tpu.dma_semaphore, #tpu.memory_space<semaphore_mem>>) src(%arg12 : memref<128x64xf32, #tpu.memory_space<vmem>>) dst(%dma_wait3A_728 : memref<128x64xf32, #tpu.memory_space<hbm>>)
      tpu.yield
    }) : () -> ()
    %dma_start3A_649 = arith.constant 2 : i32
    %dma_start3A_650 = arith.constant 0 : i32
    %dma_start3A_651 = tpu.memref_slice %arg8[%dma_start3A_649, %dma_start3A_650] : memref<4x128xi32, #tpu.memory_space<vmem>> -> memref<1x128xi32, #tpu.memory_space<vmem>>
    %dma_start3A_652 = tpu.memref_squeeze %dma_start3A_651 : memref<1x128xi32, #tpu.memory_space<vmem>> -> memref<128xi32, #tpu.memory_space<vmem>>
    %dma_start3A_653 = arith.constant 0 : i32
    %dma_start3A_654 = arith.constant 0 : i32
    %dma_start3A_655 = tpu.memref_slice %arg2[%dma_start3A_653, %dma_start3A_654] : memref<2048x128xf32, #tpu.memory_space<hbm>> -> memref<2048x128xf32, #tpu.memory_space<hbm>>
    tpu.enqueue_indirect_dma source(%dma_start3A_655 : memref<2048x128xf32, #tpu.memory_space<hbm>>) target(%arg10 : memref<128x128xf32, #tpu.memory_space<vmem>>) offsets(%dma_start3A_652 : memref<128xi32, #tpu.memory_space<vmem>>) semaphore(%arg13 : memref<!tpu.dma_semaphore, #tpu.memory_space<semaphore_mem>>)
    %dma_start3A_656 = arith.constant 2 : i32
    %dma_start3A_657 = arith.constant 0 : i32
    %dma_start3A_658 = tpu.memref_slice %arg9[%dma_start3A_656, %dma_start3A_657] : memref<4x128xi32, #tpu.memory_space<vmem>> -> memref<1x128xi32, #tpu.memory_space<vmem>>
    %dma_start3A_659 = tpu.memref_squeeze %dma_start3A_658 : memref<1x128xi32, #tpu.memory_space<vmem>> -> memref<128xi32, #tpu.memory_space<vmem>>
    %dma_start3A_660 = arith.constant 0 : i32
    %dma_start3A_661 = arith.constant 0 : i32
    %dma_start3A_662 = tpu.memref_slice %arg2[%dma_start3A_660, %dma_start3A_661] : memref<2048x128xf32, #tpu.memory_space<hbm>> -> memref<2048x128xf32, #tpu.memory_space<hbm>>
    tpu.enqueue_indirect_dma source(%dma_start3A_662 : memref<2048x128xf32, #tpu.memory_space<hbm>>) target(%arg11 : memref<128x128xf32, #tpu.memory_space<vmem>>) offsets(%dma_start3A_659 : memref<128xi32, #tpu.memory_space<vmem>>) semaphore(%arg14 : memref<!tpu.dma_semaphore, #tpu.memory_space<semaphore_mem>>)
    %dma_wait3A_663 = arith.constant 2 : i32
    %dma_wait3A_664 = arith.constant 0 : i32
    %dma_wait3A_665 = tpu.memref_slice %arg8[%dma_wait3A_663, %dma_wait3A_664] : memref<4x128xi32, #tpu.memory_space<vmem>> -> memref<1x128xi32, #tpu.memory_space<vmem>>
    %dma_wait3A_666 = tpu.memref_squeeze %dma_wait3A_665 : memref<1x128xi32, #tpu.memory_space<vmem>> -> memref<128xi32, #tpu.memory_space<vmem>>
    %dma_wait3A_667 = arith.constant 0 : i32
    %dma_wait3A_668 = arith.constant 0 : i32
    %dma_wait3A_669 = tpu.memref_slice %arg2[%dma_wait3A_667, %dma_wait3A_668] : memref<2048x128xf32, #tpu.memory_space<hbm>> -> memref<2048x128xf32, #tpu.memory_space<hbm>>
    tpu.wait_indirect_dma semaphore(%arg13 : memref<!tpu.dma_semaphore, #tpu.memory_space<semaphore_mem>>) src(%dma_wait3A_669 : memref<2048x128xf32, #tpu.memory_space<hbm>>) dst(%arg10 : memref<128x128xf32, #tpu.memory_space<vmem>>)
    %dma_wait3A_670 = arith.constant 2 : i32
    %dma_wait3A_671 = arith.constant 0 : i32
    %dma_wait3A_672 = tpu.memref_slice %arg9[%dma_wait3A_670, %dma_wait3A_671] : memref<4x128xi32, #tpu.memory_space<vmem>> -> memref<1x128xi32, #tpu.memory_space<vmem>>
    %dma_wait3A_673 = tpu.memref_squeeze %dma_wait3A_672 : memref<1x128xi32, #tpu.memory_space<vmem>> -> memref<128xi32, #tpu.memory_space<vmem>>
    %dma_wait3A_674 = arith.constant 0 : i32
    %dma_wait3A_675 = arith.constant 0 : i32
    %dma_wait3A_676 = tpu.memref_slice %arg2[%dma_wait3A_674, %dma_wait3A_675] : memref<2048x128xf32, #tpu.memory_space<hbm>> -> memref<2048x128xf32, #tpu.memory_space<hbm>>
    tpu.wait_indirect_dma semaphore(%arg14 : memref<!tpu.dma_semaphore, #tpu.memory_space<semaphore_mem>>) src(%dma_wait3A_676 : memref<2048x128xf32, #tpu.memory_space<hbm>>) dst(%arg11 : memref<128x128xf32, #tpu.memory_space<vmem>>)
    %scan3A_677 = arith.constant 0 : i32
    %scan3A_678 = arith.constant 0 : i32
    %scan3A_679 = arith.constant 128 : i32
    %scan3A_680 = arith.addi %scan3A_678, %scan3A_679 : i32
    %scan3A_681 = arith.constant 1 : i32
    scf.for %scan3A_721 = %scan3A_678 to %scan3A_680 step %scan3A_681  : i32 {
      %get3A_722 = arith.index_cast %scan3A_721 : i32 to index
      %get3A_723 = arith.constant 0 : index
      %get3A_724 = tpu.vector_load %arg10[%get3A_722, %get3A_723] {strides = array<i32>} : memref<128x128xf32, #tpu.memory_space<vmem>>, vector<16xf32>,
      %get3A_725 = arith.index_cast %scan3A_721 : i32 to index
      %get3A_726 = arith.constant 0 : index
      %get3A_727 = tpu.vector_load %arg11[%get3A_725, %get3A_726] {strides = array<i32>} : memref<128x128xf32, #tpu.memory_space<vmem>>, vector<16xf32>,
      %mul3A_728 = arith.mulf %get3A_724, %get3A_727 : vector<16xf32>
      %swap3A_729 = arith.index_cast %scan3A_721 : i32 to index
      %swap3A_730 = arith.constant 0 : index
      %swap3A_731 = tpu.vector_load %arg12[%swap3A_729, %swap3A_730] {strides = array<i32>} : memref<128x64xf32, #tpu.memory_space<vmem>>, vector<16xf32>,
      tpu.vector_store %arg12[%swap3A_729, %swap3A_730], %mul3A_728 {strides = array<i32>} : memref<128x64xf32, #tpu.memory_space<vmem>>, vector<16xf32>,
      %get3A_732 = arith.index_cast %scan3A_721 : i32 to index
      %get3A_733 = arith.constant 16 : index
      %get3A_734 = tpu.vector_load %arg10[%get3A_732, %get3A_733] {strides = array<i32>} : memref<128x128xf32, #tpu.memory_space<vmem>>, vector<16xf32>,
      %get3A_735 = arith.index_cast %scan3A_721 : i32 to index
      %get3A_736 = arith.constant 16 : index
      %get3A_737 = tpu.vector_load %arg11[%get3A_735, %get3A_736] {strides = array<i32>} : memref<128x128xf32, #tpu.memory_space<vmem>>, vector<16xf32>,
      %mul3A_738 = arith.mulf %get3A_734, %get3A_737 : vector<16xf32>
      %swap3A_739 = arith.index_cast %scan3A_721 : i32 to index
      %swap3A_740 = arith.constant 16 : index
      %swap3A_741 = tpu.vector_load %arg12[%swap3A_739, %swap3A_740] {strides = array<i32>} : memref<128x64xf32, #tpu.memory_space<vmem>>, vector<16xf32>,
      tpu.vector_store %arg12[%swap3A_739, %swap3A_740], %mul3A_738 {strides = array<i32>} : memref<128x64xf32, #tpu.memory_space<vmem>>, vector<16xf32>,
      %get3A_742 = arith.index_cast %scan3A_721 : i32 to index
      %get3A_743 = arith.constant 32 : index
      %get3A_744 = tpu.vector_load %arg10[%get3A_742, %get3A_743] {strides = array<i32>} : memref<128x128xf32, #tpu.memory_space<vmem>>, vector<16xf32>,
      %get3A_745 = arith.index_cast %scan3A_721 : i32 to index
      %get3A_746 = arith.constant 32 : index
      %get3A_747 = tpu.vector_load %arg11[%get3A_745, %get3A_746] {strides = array<i32>} : memref<128x128xf32, #tpu.memory_space<vmem>>, vector<16xf32>,
      %mul3A_748 = arith.mulf %get3A_744, %get3A_747 : vector<16xf32>
      %swap3A_749 = arith.index_cast %scan3A_721 : i32 to index
      %swap3A_750 = arith.constant 32 : index
      %swap3A_751 = tpu.vector_load %arg12[%swap3A_749, %swap3A_750] {strides = array<i32>} : memref<128x64xf32, #tpu.memory_space<vmem>>, vector<16xf32>,
      tpu.vector_store %arg12[%swap3A_749, %swap3A_750], %mul3A_748 {strides = array<i32>} : memref<128x64xf32, #tpu.memory_space<vmem>>, vector<16xf32>,
      %get3A_752 = arith.index_cast %scan3A_721 : i32 to index
      %get3A_753 = arith.constant 48 : index
      %get3A_754 = tpu.vector_load %arg10[%get3A_752, %get3A_753] {strides = array<i32>} : memref<128x128xf32, #tpu.memory_space<vmem>>, vector<16xf32>,
      %get3A_755 = arith.index_cast %scan3A_721 : i32 to index
      %get3A_756 = arith.constant 48 : index
      %get3A_757 = tpu.vector_load %arg11[%get3A_755, %get3A_756] {strides = array<i32>} : memref<128x128xf32, #tpu.memory_space<vmem>>, vector<16xf32>,
      %mul3A_758 = arith.mulf %get3A_754, %get3A_757 : vector<16xf32>
      %swap3A_759 = arith.index_cast %scan3A_721 : i32 to index
      %swap3A_760 = arith.constant 48 : index
      %swap3A_761 = tpu.vector_load %arg12[%swap3A_759, %swap3A_760] {strides = array<i32>} : memref<128x64xf32, #tpu.memory_space<vmem>>, vector<16xf32>,
      tpu.vector_store %arg12[%swap3A_759, %swap3A_760], %mul3A_758 {strides = array<i32>} : memref<128x64xf32, #tpu.memory_space<vmem>>, vector<16xf32>,
    }
    %scan3A_682 = arith.constant 128 : i32
    %add3A_683 = arith.constant 256 : i32
    %add3A_684 = arith.addi %mul3A_579, %add3A_683 : i32
    "tpu.region"() ({
      %run_scoped3A = tpu.sem_alloc : memref<!tpu.dma_semaphore, #tpu.memory_space<semaphore_mem>>
      %dma_start3A_721 = arith.constant 0 : i32
      %dma_start3A_722 = tpu.memref_slice %arg5[%add3A_684, %dma_start3A_721] : memref<16384x64xf32, #tpu.memory_space<hbm>> -> memref<128x64xf32, #tpu.memory_space<hbm>>
      %dma_start3A_723 = arith.constant 0 : i32
      %dma_start3A_724 = tpu.memref_slice %arg5[%add3A_684, %dma_start3A_723] : memref<16384x64xf32, #tpu.memory_space<hbm>> -> memref<128x64xf32, #tpu.memory_space<hbm>>
      tpu.enqueue_dma source(%arg12 : memref<128x64xf32, #tpu.memory_space<vmem>>) target(%dma_start3A_724 : memref<128x64xf32, #tpu.memory_space<hbm>>) target_semaphore(%run_scoped3A : memref<!tpu.dma_semaphore, #tpu.memory_space<semaphore_mem>>)
      %dma_wait3A_725 = arith.constant 0 : i32
      %dma_wait3A_726 = tpu.memref_slice %arg5[%add3A_684, %dma_wait3A_725] : memref<16384x64xf32, #tpu.memory_space<hbm>> -> memref<128x64xf32, #tpu.memory_space<hbm>>
      %dma_wait3A_727 = arith.constant 0 : i32
      %dma_wait3A_728 = tpu.memref_slice %arg5[%add3A_684, %dma_wait3A_727] : memref<16384x64xf32, #tpu.memory_space<hbm>> -> memref<128x64xf32, #tpu.memory_space<hbm>>
      tpu.wait_dma2 semaphore(%run_scoped3A : memref<!tpu.dma_semaphore, #tpu.memory_space<semaphore_mem>>) src(%arg12 : memref<128x64xf32, #tpu.memory_space<vmem>>) dst(%dma_wait3A_728 : memref<128x64xf32, #tpu.memory_space<hbm>>)
      tpu.yield
    }) : () -> ()
    %dma_start3A_685 = arith.constant 3 : i32
    %dma_start3A_686 = arith.constant 0 : i32
    %dma_start3A_687 = tpu.memref_slice %arg8[%dma_start3A_685, %dma_start3A_686] : memref<4x128xi32, #tpu.memory_space<vmem>> -> memref<1x128xi32, #tpu.memory_space<vmem>>
    %dma_start3A_688 = tpu.memref_squeeze %dma_start3A_687 : memref<1x128xi32, #tpu.memory_space<vmem>> -> memref<128xi32, #tpu.memory_space<vmem>>
    %dma_start3A_689 = arith.constant 0 : i32
    %dma_start3A_690 = arith.constant 0 : i32
    %dma_start3A_691 = tpu.memref_slice %arg2[%dma_start3A_689, %dma_start3A_690] : memref<2048x128xf32, #tpu.memory_space<hbm>> -> memref<2048x128xf32, #tpu.memory_space<hbm>>
    tpu.enqueue_indirect_dma source(%dma_start3A_691 : memref<2048x128xf32, #tpu.memory_space<hbm>>) target(%arg10 : memref<128x128xf32, #tpu.memory_space<vmem>>) offsets(%dma_start3A_688 : memref<128xi32, #tpu.memory_space<vmem>>) semaphore(%arg13 : memref<!tpu.dma_semaphore, #tpu.memory_space<semaphore_mem>>)
    %dma_start3A_692 = arith.constant 3 : i32
    %dma_start3A_693 = arith.constant 0 : i32
    %dma_start3A_694 = tpu.memref_slice %arg9[%dma_start3A_692, %dma_start3A_693] : memref<4x128xi32, #tpu.memory_space<vmem>> -> memref<1x128xi32, #tpu.memory_space<vmem>>
    %dma_start3A_695 = tpu.memref_squeeze %dma_start3A_694 : memref<1x128xi32, #tpu.memory_space<vmem>> -> memref<128xi32, #tpu.memory_space<vmem>>
    %dma_start3A_696 = arith.constant 0 : i32
    %dma_start3A_697 = arith.constant 0 : i32
    %dma_start3A_698 = tpu.memref_slice %arg2[%dma_start3A_696, %dma_start3A_697] : memref<2048x128xf32, #tpu.memory_space<hbm>> -> memref<2048x128xf32, #tpu.memory_space<hbm>>
    tpu.enqueue_indirect_dma source(%dma_start3A_698 : memref<2048x128xf32, #tpu.memory_space<hbm>>) target(%arg11 : memref<128x128xf32, #tpu.memory_space<vmem>>) offsets(%dma_start3A_695 : memref<128xi32, #tpu.memory_space<vmem>>) semaphore(%arg14 : memref<!tpu.dma_semaphore, #tpu.memory_space<semaphore_mem>>)
    %dma_wait3A_699 = arith.constant 3 : i32
    %dma_wait3A_700 = arith.constant 0 : i32
    %dma_wait3A_701 = tpu.memref_slice %arg8[%dma_wait3A_699, %dma_wait3A_700] : memref<4x128xi32, #tpu.memory_space<vmem>> -> memref<1x128xi32, #tpu.memory_space<vmem>>
    %dma_wait3A_702 = tpu.memref_squeeze %dma_wait3A_701 : memref<1x128xi32, #tpu.memory_space<vmem>> -> memref<128xi32, #tpu.memory_space<vmem>>
    %dma_wait3A_703 = arith.constant 0 : i32
    %dma_wait3A_704 = arith.constant 0 : i32
    %dma_wait3A_705 = tpu.memref_slice %arg2[%dma_wait3A_703, %dma_wait3A_704] : memref<2048x128xf32, #tpu.memory_space<hbm>> -> memref<2048x128xf32, #tpu.memory_space<hbm>>
    tpu.wait_indirect_dma semaphore(%arg13 : memref<!tpu.dma_semaphore, #tpu.memory_space<semaphore_mem>>) src(%dma_wait3A_705 : memref<2048x128xf32, #tpu.memory_space<hbm>>) dst(%arg10 : memref<128x128xf32, #tpu.memory_space<vmem>>)
    %dma_wait3A_706 = arith.constant 3 : i32
    %dma_wait3A_707 = arith.constant 0 : i32
    %dma_wait3A_708 = tpu.memref_slice %arg9[%dma_wait3A_706, %dma_wait3A_707] : memref<4x128xi32, #tpu.memory_space<vmem>> -> memref<1x128xi32, #tpu.memory_space<vmem>>
    %dma_wait3A_709 = tpu.memref_squeeze %dma_wait3A_708 : memref<1x128xi32, #tpu.memory_space<vmem>> -> memref<128xi32, #tpu.memory_space<vmem>>
    %dma_wait3A_710 = arith.constant 0 : i32
    %dma_wait3A_711 = arith.constant 0 : i32
    %dma_wait3A_712 = tpu.memref_slice %arg2[%dma_wait3A_710, %dma_wait3A_711] : memref<2048x128xf32, #tpu.memory_space<hbm>> -> memref<2048x128xf32, #tpu.memory_space<hbm>>
    tpu.wait_indirect_dma semaphore(%arg14 : memref<!tpu.dma_semaphore, #tpu.memory_space<semaphore_mem>>) src(%dma_wait3A_712 : memref<2048x128xf32, #tpu.memory_space<hbm>>) dst(%arg11 : memref<128x128xf32, #tpu.memory_space<vmem>>)
    %scan3A_713 = arith.constant 0 : i32
    %scan3A_714 = arith.constant 0 : i32
    %scan3A_715 = arith.constant 128 : i32
    %scan3A_716 = arith.addi %scan3A_714, %scan3A_715 : i32
    %scan3A_717 = arith.constant 1 : i32
    scf.for %scan3A_721 = %scan3A_714 to %scan3A_716 step %scan3A_717  : i32 {
      %get3A_722 = arith.index_cast %scan3A_721 : i32 to index
      %get3A_723 = arith.constant 0 : index
      %get3A_724 = tpu.vector_load %arg10[%get3A_722, %get3A_723] {strides = array<i32>} : memref<128x128xf32, #tpu.memory_space<vmem>>, vector<16xf32>,
      %get3A_725 = arith.index_cast %scan3A_721 : i32 to index
      %get3A_726 = arith.constant 0 : index
      %get3A_727 = tpu.vector_load %arg11[%get3A_725, %get3A_726] {strides = array<i32>} : memref<128x128xf32, #tpu.memory_space<vmem>>, vector<16xf32>,
      %mul3A_728 = arith.mulf %get3A_724, %get3A_727 : vector<16xf32>
      %swap3A_729 = arith.index_cast %scan3A_721 : i32 to index
      %swap3A_730 = arith.constant 0 : index
      %swap3A_731 = tpu.vector_load %arg12[%swap3A_729, %swap3A_730] {strides = array<i32>} : memref<128x64xf32, #tpu.memory_space<vmem>>, vector<16xf32>,
      tpu.vector_store %arg12[%swap3A_729, %swap3A_730], %mul3A_728 {strides = array<i32>} : memref<128x64xf32, #tpu.memory_space<vmem>>, vector<16xf32>,
      %get3A_732 = arith.index_cast %scan3A_721 : i32 to index
      %get3A_733 = arith.constant 16 : index
      %get3A_734 = tpu.vector_load %arg10[%get3A_732, %get3A_733] {strides = array<i32>} : memref<128x128xf32, #tpu.memory_space<vmem>>, vector<16xf32>,
      %get3A_735 = arith.index_cast %scan3A_721 : i32 to index
      %get3A_736 = arith.constant 16 : index
      %get3A_737 = tpu.vector_load %arg11[%get3A_735, %get3A_736] {strides = array<i32>} : memref<128x128xf32, #tpu.memory_space<vmem>>, vector<16xf32>,
      %mul3A_738 = arith.mulf %get3A_734, %get3A_737 : vector<16xf32>
      %swap3A_739 = arith.index_cast %scan3A_721 : i32 to index
      %swap3A_740 = arith.constant 16 : index
      %swap3A_741 = tpu.vector_load %arg12[%swap3A_739, %swap3A_740] {strides = array<i32>} : memref<128x64xf32, #tpu.memory_space<vmem>>, vector<16xf32>,
      tpu.vector_store %arg12[%swap3A_739, %swap3A_740], %mul3A_738 {strides = array<i32>} : memref<128x64xf32, #tpu.memory_space<vmem>>, vector<16xf32>,
      %get3A_742 = arith.index_cast %scan3A_721 : i32 to index
      %get3A_743 = arith.constant 32 : index
      %get3A_744 = tpu.vector_load %arg10[%get3A_742, %get3A_743] {strides = array<i32>} : memref<128x128xf32, #tpu.memory_space<vmem>>, vector<16xf32>,
      %get3A_745 = arith.index_cast %scan3A_721 : i32 to index
      %get3A_746 = arith.constant 32 : index
      %get3A_747 = tpu.vector_load %arg11[%get3A_745, %get3A_746] {strides = array<i32>} : memref<128x128xf32, #tpu.memory_space<vmem>>, vector<16xf32>,
      %mul3A_748 = arith.mulf %get3A_744, %get3A_747 : vector<16xf32>
      %swap3A_749 = arith.index_cast %scan3A_721 : i32 to index
      %swap3A_750 = arith.constant 32 : index
      %swap3A_751 = tpu.vector_load %arg12[%swap3A_749, %swap3A_750] {strides = array<i32>} : memref<128x64xf32, #tpu.memory_space<vmem>>, vector<16xf32>,
      tpu.vector_store %arg12[%swap3A_749, %swap3A_750], %mul3A_748 {strides = array<i32>} : memref<128x64xf32, #tpu.memory_space<vmem>>, vector<16xf32>,
      %get3A_752 = arith.index_cast %scan3A_721 : i32 to index
      %get3A_753 = arith.constant 48 : index
      %get3A_754 = tpu.vector_load %arg10[%get3A_752, %get3A_753] {strides = array<i32>} : memref<128x128xf32, #tpu.memory_space<vmem>>, vector<16xf32>,
      %get3A_755 = arith.index_cast %scan3A_721 : i32 to index
      %get3A_756 = arith.constant 48 : index
      %get3A_757 = tpu.vector_load %arg11[%get3A_755, %get3A_756] {strides = array<i32>} : memref<128x128xf32, #tpu.memory_space<vmem>>, vector<16xf32>,
      %mul3A_758 = arith.mulf %get3A_754, %get3A_757 : vector<16xf32>
      %swap3A_759 = arith.index_cast %scan3A_721 : i32 to index
      %swap3A_760 = arith.constant 48 : index
      %swap3A_761 = tpu.vector_load %arg12[%swap3A_759, %swap3A_760] {strides = array<i32>} : memref<128x64xf32, #tpu.memory_space<vmem>>, vector<16xf32>,
      tpu.vector_store %arg12[%swap3A_759, %swap3A_760], %mul3A_758 {strides = array<i32>} : memref<128x64xf32, #tpu.memory_space<vmem>>, vector<16xf32>,
    }
    %scan3A_718 = arith.constant 128 : i32
    %add3A_719 = arith.constant 384 : i32
    %add3A_720 = arith.addi %mul3A_579, %add3A_719 : i32
    "tpu.region"() ({
      %run_scoped3A = tpu.sem_alloc : memref<!tpu.dma_semaphore, #tpu.memory_space<semaphore_mem>>
      %dma_start3A_721 = arith.constant 0 : i32
      %dma_start3A_722 = tpu.memref_slice %arg5[%add3A_720, %dma_start3A_721] : memref<16384x64xf32, #tpu.memory_space<hbm>> -> memref<128x64xf32, #tpu.memory_space<hbm>>
      %dma_start3A_723 = arith.constant 0 : i32
      %dma_start3A_724 = tpu.memref_slice %arg5[%add3A_720, %dma_start3A_723] : memref<16384x64xf32, #tpu.memory_space<hbm>> -> memref<128x64xf32, #tpu.memory_space<hbm>>
      tpu.enqueue_dma source(%arg12 : memref<128x64xf32, #tpu.memory_space<vmem>>) target(%dma_start3A_724 : memref<128x64xf32, #tpu.memory_space<hbm>>) target_semaphore(%run_scoped3A : memref<!tpu.dma_semaphore, #tpu.memory_space<semaphore_mem>>)
      %dma_wait3A_725 = arith.constant 0 : i32
      %dma_wait3A_726 = tpu.memref_slice %arg5[%add3A_720, %dma_wait3A_725] : memref<16384x64xf32, #tpu.memory_space<hbm>> -> memref<128x64xf32, #tpu.memory_space<hbm>>
      %dma_wait3A_727 = arith.constant 0 : i32
      %dma_wait3A_728 = tpu.memref_slice %arg5[%add3A_720, %dma_wait3A_727] : memref<16384x64xf32, #tpu.memory_space<hbm>> -> memref<128x64xf32, #tpu.memory_space<hbm>>
      tpu.wait_dma2 semaphore(%run_scoped3A : memref<!tpu.dma_semaphore, #tpu.memory_space<semaphore_mem>>) src(%arg12 : memref<128x64xf32, #tpu.memory_space<vmem>>) dst(%dma_wait3A_728 : memref<128x64xf32, #tpu.memory_space<hbm>>)
      tpu.yield
    }) : () -> ()
    return
  }
}

#map = affine_map<(d0, d1) -> (0, 0)>
#map1 = affine_map<(d0, d1) -> (0, 0, 0)>
module attributes {stable_mosaic.version = 14 : i64} {
  func.func @_sc1_body(%arg0: i32, %arg1: i32, %arg2: memref<2048x128xf32, #tpu.memory_space<hbm>>, %arg3: memref<128x128xf32, #tpu.memory_space<hbm>>, %arg4: memref<128x128xf32, #tpu.memory_space<hbm>>, %arg5: memref<2x2048x128xf32, #tpu.memory_space<hbm>>, %arg6: memref<4x128xf32, #tpu.memory_space<vmem>>, %arg7: memref<4x128xf32, #tpu.memory_space<vmem>>, %arg8: memref<4x128xi32, #tpu.memory_space<vmem>>, %arg9: memref<4x128xi32, #tpu.memory_space<vmem>>, %arg10: memref<128x128xf32, #tpu.memory_space<vmem>>, %arg11: memref<2048x128xf32, #tpu.memory_space<vmem_shared>>, %arg12: memref<!tpu.dma_semaphore, #tpu.memory_space<semaphore_mem>>) attributes {dimension_semantics = [#tpu.dimension_semantics<core_parallel>, #tpu.dimension_semantics<subcore_parallel>], iteration_bounds = array<i64: 2, 16>, scalar_prefetch = 0 : i64, scratch_operands = 7 : i64, tpu.core_type = #tpu.core_type<sc_vector_subcore>, window_params = [{transform_indices = #map}, {transform_indices = #map}, {transform_indices = #map}, {transform_indices = #map1}]} {
    %mul3A = arith.constant 16 : i32
    %mul3A_0 = arith.muli %arg0, %mul3A : i32
    %add3A = arith.addi %mul3A_0, %arg1 : i32
    %broadcast_in_dim3A = arith.constant 0.000000e+00 : f32
    %broadcast_in_dim3A_1 = vector.broadcast %broadcast_in_dim3A : f32 to vector<16xf32>
    %scan3A = arith.constant 0 : i32
    %scan3A_2 = arith.constant 0 : i32
    %scan3A_3 = arith.constant 128 : i32
    %scan3A_4 = arith.addi %scan3A_2, %scan3A_3 : i32
    %scan3A_5 = arith.constant 1 : i32
    scf.for %scan3A_708 = %scan3A_2 to %scan3A_4 step %scan3A_5  : i32 {
      %swap3A_709 = arith.index_cast %scan3A_708 : i32 to index
      %swap3A_710 = arith.constant 0 : index
      %swap3A_711 = tpu.vector_load %arg10[%swap3A_709, %swap3A_710] {strides = array<i32>} : memref<128x128xf32, #tpu.memory_space<vmem>>, vector<16xf32>,
      tpu.vector_store %arg10[%swap3A_709, %swap3A_710], %broadcast_in_dim3A_1 {strides = array<i32>} : memref<128x128xf32, #tpu.memory_space<vmem>>, vector<16xf32>,
      %swap3A_712 = arith.index_cast %scan3A_708 : i32 to index
      %swap3A_713 = arith.constant 16 : index
      %swap3A_714 = tpu.vector_load %arg10[%swap3A_712, %swap3A_713] {strides = array<i32>} : memref<128x128xf32, #tpu.memory_space<vmem>>, vector<16xf32>,
      tpu.vector_store %arg10[%swap3A_712, %swap3A_713], %broadcast_in_dim3A_1 {strides = array<i32>} : memref<128x128xf32, #tpu.memory_space<vmem>>, vector<16xf32>,
      %swap3A_715 = arith.index_cast %scan3A_708 : i32 to index
      %swap3A_716 = arith.constant 32 : index
      %swap3A_717 = tpu.vector_load %arg10[%swap3A_715, %swap3A_716] {strides = array<i32>} : memref<128x128xf32, #tpu.memory_space<vmem>>, vector<16xf32>,
      tpu.vector_store %arg10[%swap3A_715, %swap3A_716], %broadcast_in_dim3A_1 {strides = array<i32>} : memref<128x128xf32, #tpu.memory_space<vmem>>, vector<16xf32>,
      %swap3A_718 = arith.index_cast %scan3A_708 : i32 to index
      %swap3A_719 = arith.constant 48 : index
      %swap3A_720 = tpu.vector_load %arg10[%swap3A_718, %swap3A_719] {strides = array<i32>} : memref<128x128xf32, #tpu.memory_space<vmem>>, vector<16xf32>,
      tpu.vector_store %arg10[%swap3A_718, %swap3A_719], %broadcast_in_dim3A_1 {strides = array<i32>} : memref<128x128xf32, #tpu.memory_space<vmem>>, vector<16xf32>,
      %swap3A_721 = arith.index_cast %scan3A_708 : i32 to index
      %swap3A_722 = arith.constant 64 : index
      %swap3A_723 = tpu.vector_load %arg10[%swap3A_721, %swap3A_722] {strides = array<i32>} : memref<128x128xf32, #tpu.memory_space<vmem>>, vector<16xf32>,
      tpu.vector_store %arg10[%swap3A_721, %swap3A_722], %broadcast_in_dim3A_1 {strides = array<i32>} : memref<128x128xf32, #tpu.memory_space<vmem>>, vector<16xf32>,
      %swap3A_724 = arith.index_cast %scan3A_708 : i32 to index
      %swap3A_725 = arith.constant 80 : index
      %swap3A_726 = tpu.vector_load %arg10[%swap3A_724, %swap3A_725] {strides = array<i32>} : memref<128x128xf32, #tpu.memory_space<vmem>>, vector<16xf32>,
      tpu.vector_store %arg10[%swap3A_724, %swap3A_725], %broadcast_in_dim3A_1 {strides = array<i32>} : memref<128x128xf32, #tpu.memory_space<vmem>>, vector<16xf32>,
      %swap3A_727 = arith.index_cast %scan3A_708 : i32 to index
      %swap3A_728 = arith.constant 96 : index
      %swap3A_729 = tpu.vector_load %arg10[%swap3A_727, %swap3A_728] {strides = array<i32>} : memref<128x128xf32, #tpu.memory_space<vmem>>, vector<16xf32>,
      tpu.vector_store %arg10[%swap3A_727, %swap3A_728], %broadcast_in_dim3A_1 {strides = array<i32>} : memref<128x128xf32, #tpu.memory_space<vmem>>, vector<16xf32>,
      %swap3A_730 = arith.index_cast %scan3A_708 : i32 to index
      %swap3A_731 = arith.constant 112 : index
      %swap3A_732 = tpu.vector_load %arg10[%swap3A_730, %swap3A_731] {strides = array<i32>} : memref<128x128xf32, #tpu.memory_space<vmem>>, vector<16xf32>,
      tpu.vector_store %arg10[%swap3A_730, %swap3A_731], %broadcast_in_dim3A_1 {strides = array<i32>} : memref<128x128xf32, #tpu.memory_space<vmem>>, vector<16xf32>,
    }
    %scan3A_6 = arith.constant 128 : i32
    %mul3A_7 = arith.constant 128 : i32
    %mul3A_8 = arith.muli %arg1, %mul3A_7 : i32
    "tpu.region"() ({
      %run_scoped3A_708 = tpu.sem_alloc : memref<!tpu.dma_semaphore, #tpu.memory_space<semaphore_mem>>
      %dma_start3A_709 = arith.constant 0 : i32
      %dma_start3A_710 = tpu.memref_slice %arg11[%mul3A_8, %dma_start3A_709] : memref<2048x128xf32, #tpu.memory_space<vmem_shared>> -> memref<128x128xf32, #tpu.memory_space<vmem_shared>>
      %dma_start3A_711 = arith.constant 0 : i32
      %dma_start3A_712 = tpu.memref_slice %arg11[%mul3A_8, %dma_start3A_711] : memref<2048x128xf32, #tpu.memory_space<vmem_shared>> -> memref<128x128xf32, #tpu.memory_space<vmem_shared>>
      tpu.enqueue_dma source(%arg10 : memref<128x128xf32, #tpu.memory_space<vmem>>) target(%dma_start3A_712 : memref<128x128xf32, #tpu.memory_space<vmem_shared>>) target_semaphore(%run_scoped3A_708 : memref<!tpu.dma_semaphore, #tpu.memory_space<semaphore_mem>>)
      %dma_wait3A_713 = arith.constant 0 : i32
      %dma_wait3A_714 = tpu.memref_slice %arg11[%mul3A_8, %dma_wait3A_713] : memref<2048x128xf32, #tpu.memory_space<vmem_shared>> -> memref<128x128xf32, #tpu.memory_space<vmem_shared>>
      %dma_wait3A_715 = arith.constant 0 : i32
      %dma_wait3A_716 = tpu.memref_slice %arg11[%mul3A_8, %dma_wait3A_715] : memref<2048x128xf32, #tpu.memory_space<vmem_shared>> -> memref<128x128xf32, #tpu.memory_space<vmem_shared>>
      tpu.wait_dma2 semaphore(%run_scoped3A_708 : memref<!tpu.dma_semaphore, #tpu.memory_space<semaphore_mem>>) src(%arg10 : memref<128x128xf32, #tpu.memory_space<vmem>>) dst(%dma_wait3A_716 : memref<128x128xf32, #tpu.memory_space<vmem_shared>>)
      tpu.yield
    }) : () -> ()
    %mul3A_9 = arith.constant 4 : i32
    %mul3A_10 = arith.muli %add3A, %mul3A_9 : i32
    "tpu.region"() ({
      %run_scoped3A_708 = tpu.sem_alloc : memref<!tpu.dma_semaphore, #tpu.memory_space<semaphore_mem>>
      %dma_start3A_709 = arith.constant 0 : i32
      %dma_start3A_710 = tpu.memref_slice %arg3[%mul3A_10, %dma_start3A_709] : memref<128x128xf32, #tpu.memory_space<hbm>> -> memref<4x128xf32, #tpu.memory_space<hbm>>
      %dma_start3A_711 = arith.constant 0 : i32
      %dma_start3A_712 = tpu.memref_slice %arg3[%mul3A_10, %dma_start3A_711] : memref<128x128xf32, #tpu.memory_space<hbm>> -> memref<4x128xf32, #tpu.memory_space<hbm>>
      tpu.enqueue_dma source(%dma_start3A_712 : memref<4x128xf32, #tpu.memory_space<hbm>>) target(%arg6 : memref<4x128xf32, #tpu.memory_space<vmem>>) target_semaphore(%run_scoped3A_708 : memref<!tpu.dma_semaphore, #tpu.memory_space<semaphore_mem>>)
      %dma_wait3A_713 = arith.constant 0 : i32
      %dma_wait3A_714 = tpu.memref_slice %arg3[%mul3A_10, %dma_wait3A_713] : memref<128x128xf32, #tpu.memory_space<hbm>> -> memref<4x128xf32, #tpu.memory_space<hbm>>
      %dma_wait3A_715 = arith.constant 0 : i32
      %dma_wait3A_716 = tpu.memref_slice %arg3[%mul3A_10, %dma_wait3A_715] : memref<128x128xf32, #tpu.memory_space<hbm>> -> memref<4x128xf32, #tpu.memory_space<hbm>>
      tpu.wait_dma2 semaphore(%run_scoped3A_708 : memref<!tpu.dma_semaphore, #tpu.memory_space<semaphore_mem>>) src(%dma_wait3A_716 : memref<4x128xf32, #tpu.memory_space<hbm>>) dst(%arg6 : memref<4x128xf32, #tpu.memory_space<vmem>>)
      tpu.yield
    }) : () -> ()
    %get3A = arith.constant 0 : i32
    %get3A_11 = arith.index_cast %get3A : i32 to index
    %get3A_12 = arith.constant 0 : index
    %get3A_13 = tpu.vector_load %arg6[%get3A_11, %get3A_12] {strides = array<i32>} : memref<4x128xf32, #tpu.memory_space<vmem>>, vector<16xf32>,
    %bitcast3A = vector.bitcast %get3A_13 : vector<16xf32> to vector<16xi32>
    %swap3A = arith.constant 0 : i32
    %swap3A_14 = arith.index_cast %swap3A : i32 to index
    %swap3A_15 = arith.constant 0 : index
    %swap3A_16 = tpu.vector_load %arg8[%swap3A_14, %swap3A_15] {strides = array<i32>} : memref<4x128xi32, #tpu.memory_space<vmem>>, vector<16xi32>,
    tpu.vector_store %arg8[%swap3A_14, %swap3A_15], %bitcast3A {strides = array<i32>} : memref<4x128xi32, #tpu.memory_space<vmem>>, vector<16xi32>,
    %get3A_17 = arith.constant 0 : i32
    %get3A_18 = arith.index_cast %get3A_17 : i32 to index
    %get3A_19 = arith.constant 16 : index
    %get3A_20 = tpu.vector_load %arg6[%get3A_18, %get3A_19] {strides = array<i32>} : memref<4x128xf32, #tpu.memory_space<vmem>>, vector<16xf32>,
    %bitcast3A_21 = vector.bitcast %get3A_20 : vector<16xf32> to vector<16xi32>
    %swap3A_22 = arith.constant 0 : i32
    %swap3A_23 = arith.index_cast %swap3A_22 : i32 to index
    %swap3A_24 = arith.constant 16 : index
    %swap3A_25 = tpu.vector_load %arg8[%swap3A_23, %swap3A_24] {strides = array<i32>} : memref<4x128xi32, #tpu.memory_space<vmem>>, vector<16xi32>,
    tpu.vector_store %arg8[%swap3A_23, %swap3A_24], %bitcast3A_21 {strides = array<i32>} : memref<4x128xi32, #tpu.memory_space<vmem>>, vector<16xi32>,
    %get3A_26 = arith.constant 0 : i32
    %get3A_27 = arith.index_cast %get3A_26 : i32 to index
    %get3A_28 = arith.constant 32 : index
    %get3A_29 = tpu.vector_load %arg6[%get3A_27, %get3A_28] {strides = array<i32>} : memref<4x128xf32, #tpu.memory_space<vmem>>, vector<16xf32>,
    %bitcast3A_30 = vector.bitcast %get3A_29 : vector<16xf32> to vector<16xi32>
    %swap3A_31 = arith.constant 0 : i32
    %swap3A_32 = arith.index_cast %swap3A_31 : i32 to index
    %swap3A_33 = arith.constant 32 : index
    %swap3A_34 = tpu.vector_load %arg8[%swap3A_32, %swap3A_33] {strides = array<i32>} : memref<4x128xi32, #tpu.memory_space<vmem>>, vector<16xi32>,
    tpu.vector_store %arg8[%swap3A_32, %swap3A_33], %bitcast3A_30 {strides = array<i32>} : memref<4x128xi32, #tpu.memory_space<vmem>>, vector<16xi32>,
    %get3A_35 = arith.constant 0 : i32
    %get3A_36 = arith.index_cast %get3A_35 : i32 to index
    %get3A_37 = arith.constant 48 : index
    %get3A_38 = tpu.vector_load %arg6[%get3A_36, %get3A_37] {strides = array<i32>} : memref<4x128xf32, #tpu.memory_space<vmem>>, vector<16xf32>,
    %bitcast3A_39 = vector.bitcast %get3A_38 : vector<16xf32> to vector<16xi32>
    %swap3A_40 = arith.constant 0 : i32
    %swap3A_41 = arith.index_cast %swap3A_40 : i32 to index
    %swap3A_42 = arith.constant 48 : index
    %swap3A_43 = tpu.vector_load %arg8[%swap3A_41, %swap3A_42] {strides = array<i32>} : memref<4x128xi32, #tpu.memory_space<vmem>>, vector<16xi32>,
    tpu.vector_store %arg8[%swap3A_41, %swap3A_42], %bitcast3A_39 {strides = array<i32>} : memref<4x128xi32, #tpu.memory_space<vmem>>, vector<16xi32>,
    %get3A_44 = arith.constant 0 : i32
    %get3A_45 = arith.index_cast %get3A_44 : i32 to index
    %get3A_46 = arith.constant 64 : index
    %get3A_47 = tpu.vector_load %arg6[%get3A_45, %get3A_46] {strides = array<i32>} : memref<4x128xf32, #tpu.memory_space<vmem>>, vector<16xf32>,
    %bitcast3A_48 = vector.bitcast %get3A_47 : vector<16xf32> to vector<16xi32>
    %swap3A_49 = arith.constant 0 : i32
    %swap3A_50 = arith.index_cast %swap3A_49 : i32 to index
    %swap3A_51 = arith.constant 64 : index
    %swap3A_52 = tpu.vector_load %arg8[%swap3A_50, %swap3A_51] {strides = array<i32>} : memref<4x128xi32, #tpu.memory_space<vmem>>, vector<16xi32>,
    tpu.vector_store %arg8[%swap3A_50, %swap3A_51], %bitcast3A_48 {strides = array<i32>} : memref<4x128xi32, #tpu.memory_space<vmem>>, vector<16xi32>,
    %get3A_53 = arith.constant 0 : i32
    %get3A_54 = arith.index_cast %get3A_53 : i32 to index
    %get3A_55 = arith.constant 80 : index
    %get3A_56 = tpu.vector_load %arg6[%get3A_54, %get3A_55] {strides = array<i32>} : memref<4x128xf32, #tpu.memory_space<vmem>>, vector<16xf32>,
    %bitcast3A_57 = vector.bitcast %get3A_56 : vector<16xf32> to vector<16xi32>
    %swap3A_58 = arith.constant 0 : i32
    %swap3A_59 = arith.index_cast %swap3A_58 : i32 to index
    %swap3A_60 = arith.constant 80 : index
    %swap3A_61 = tpu.vector_load %arg8[%swap3A_59, %swap3A_60] {strides = array<i32>} : memref<4x128xi32, #tpu.memory_space<vmem>>, vector<16xi32>,
    tpu.vector_store %arg8[%swap3A_59, %swap3A_60], %bitcast3A_57 {strides = array<i32>} : memref<4x128xi32, #tpu.memory_space<vmem>>, vector<16xi32>,
    %get3A_62 = arith.constant 0 : i32
    %get3A_63 = arith.index_cast %get3A_62 : i32 to index
    %get3A_64 = arith.constant 96 : index
    %get3A_65 = tpu.vector_load %arg6[%get3A_63, %get3A_64] {strides = array<i32>} : memref<4x128xf32, #tpu.memory_space<vmem>>, vector<16xf32>,
    %bitcast3A_66 = vector.bitcast %get3A_65 : vector<16xf32> to vector<16xi32>
    %swap3A_67 = arith.constant 0 : i32
    %swap3A_68 = arith.index_cast %swap3A_67 : i32 to index
    %swap3A_69 = arith.constant 96 : index
    %swap3A_70 = tpu.vector_load %arg8[%swap3A_68, %swap3A_69] {strides = array<i32>} : memref<4x128xi32, #tpu.memory_space<vmem>>, vector<16xi32>,
    tpu.vector_store %arg8[%swap3A_68, %swap3A_69], %bitcast3A_66 {strides = array<i32>} : memref<4x128xi32, #tpu.memory_space<vmem>>, vector<16xi32>,
    %get3A_71 = arith.constant 0 : i32
    %get3A_72 = arith.index_cast %get3A_71 : i32 to index
    %get3A_73 = arith.constant 112 : index
    %get3A_74 = tpu.vector_load %arg6[%get3A_72, %get3A_73] {strides = array<i32>} : memref<4x128xf32, #tpu.memory_space<vmem>>, vector<16xf32>,
    %bitcast3A_75 = vector.bitcast %get3A_74 : vector<16xf32> to vector<16xi32>
    %swap3A_76 = arith.constant 0 : i32
    %swap3A_77 = arith.index_cast %swap3A_76 : i32 to index
    %swap3A_78 = arith.constant 112 : index
    %swap3A_79 = tpu.vector_load %arg8[%swap3A_77, %swap3A_78] {strides = array<i32>} : memref<4x128xi32, #tpu.memory_space<vmem>>, vector<16xi32>,
    tpu.vector_store %arg8[%swap3A_77, %swap3A_78], %bitcast3A_75 {strides = array<i32>} : memref<4x128xi32, #tpu.memory_space<vmem>>, vector<16xi32>,
    %get3A_80 = arith.constant 1 : i32
    %get3A_81 = arith.index_cast %get3A_80 : i32 to index
    %get3A_82 = arith.constant 0 : index
    %get3A_83 = tpu.vector_load %arg6[%get3A_81, %get3A_82] {strides = array<i32>} : memref<4x128xf32, #tpu.memory_space<vmem>>, vector<16xf32>,
    %bitcast3A_84 = vector.bitcast %get3A_83 : vector<16xf32> to vector<16xi32>
    %swap3A_85 = arith.constant 1 : i32
    %swap3A_86 = arith.index_cast %swap3A_85 : i32 to index
    %swap3A_87 = arith.constant 0 : index
    %swap3A_88 = tpu.vector_load %arg8[%swap3A_86, %swap3A_87] {strides = array<i32>} : memref<4x128xi32, #tpu.memory_space<vmem>>, vector<16xi32>,
    tpu.vector_store %arg8[%swap3A_86, %swap3A_87], %bitcast3A_84 {strides = array<i32>} : memref<4x128xi32, #tpu.memory_space<vmem>>, vector<16xi32>,
    %get3A_89 = arith.constant 1 : i32
    %get3A_90 = arith.index_cast %get3A_89 : i32 to index
    %get3A_91 = arith.constant 16 : index
    %get3A_92 = tpu.vector_load %arg6[%get3A_90, %get3A_91] {strides = array<i32>} : memref<4x128xf32, #tpu.memory_space<vmem>>, vector<16xf32>,
    %bitcast3A_93 = vector.bitcast %get3A_92 : vector<16xf32> to vector<16xi32>
    %swap3A_94 = arith.constant 1 : i32
    %swap3A_95 = arith.index_cast %swap3A_94 : i32 to index
    %swap3A_96 = arith.constant 16 : index
    %swap3A_97 = tpu.vector_load %arg8[%swap3A_95, %swap3A_96] {strides = array<i32>} : memref<4x128xi32, #tpu.memory_space<vmem>>, vector<16xi32>,
    tpu.vector_store %arg8[%swap3A_95, %swap3A_96], %bitcast3A_93 {strides = array<i32>} : memref<4x128xi32, #tpu.memory_space<vmem>>, vector<16xi32>,
    %get3A_98 = arith.constant 1 : i32
    %get3A_99 = arith.index_cast %get3A_98 : i32 to index
    %get3A_100 = arith.constant 32 : index
    %get3A_101 = tpu.vector_load %arg6[%get3A_99, %get3A_100] {strides = array<i32>} : memref<4x128xf32, #tpu.memory_space<vmem>>, vector<16xf32>,
    %bitcast3A_102 = vector.bitcast %get3A_101 : vector<16xf32> to vector<16xi32>
    %swap3A_103 = arith.constant 1 : i32
    %swap3A_104 = arith.index_cast %swap3A_103 : i32 to index
    %swap3A_105 = arith.constant 32 : index
    %swap3A_106 = tpu.vector_load %arg8[%swap3A_104, %swap3A_105] {strides = array<i32>} : memref<4x128xi32, #tpu.memory_space<vmem>>, vector<16xi32>,
    tpu.vector_store %arg8[%swap3A_104, %swap3A_105], %bitcast3A_102 {strides = array<i32>} : memref<4x128xi32, #tpu.memory_space<vmem>>, vector<16xi32>,
    %get3A_107 = arith.constant 1 : i32
    %get3A_108 = arith.index_cast %get3A_107 : i32 to index
    %get3A_109 = arith.constant 48 : index
    %get3A_110 = tpu.vector_load %arg6[%get3A_108, %get3A_109] {strides = array<i32>} : memref<4x128xf32, #tpu.memory_space<vmem>>, vector<16xf32>,
    %bitcast3A_111 = vector.bitcast %get3A_110 : vector<16xf32> to vector<16xi32>
    %swap3A_112 = arith.constant 1 : i32
    %swap3A_113 = arith.index_cast %swap3A_112 : i32 to index
    %swap3A_114 = arith.constant 48 : index
    %swap3A_115 = tpu.vector_load %arg8[%swap3A_113, %swap3A_114] {strides = array<i32>} : memref<4x128xi32, #tpu.memory_space<vmem>>, vector<16xi32>,
    tpu.vector_store %arg8[%swap3A_113, %swap3A_114], %bitcast3A_111 {strides = array<i32>} : memref<4x128xi32, #tpu.memory_space<vmem>>, vector<16xi32>,
    %get3A_116 = arith.constant 1 : i32
    %get3A_117 = arith.index_cast %get3A_116 : i32 to index
    %get3A_118 = arith.constant 64 : index
    %get3A_119 = tpu.vector_load %arg6[%get3A_117, %get3A_118] {strides = array<i32>} : memref<4x128xf32, #tpu.memory_space<vmem>>, vector<16xf32>,
    %bitcast3A_120 = vector.bitcast %get3A_119 : vector<16xf32> to vector<16xi32>
    %swap3A_121 = arith.constant 1 : i32
    %swap3A_122 = arith.index_cast %swap3A_121 : i32 to index
    %swap3A_123 = arith.constant 64 : index
    %swap3A_124 = tpu.vector_load %arg8[%swap3A_122, %swap3A_123] {strides = array<i32>} : memref<4x128xi32, #tpu.memory_space<vmem>>, vector<16xi32>,
    tpu.vector_store %arg8[%swap3A_122, %swap3A_123], %bitcast3A_120 {strides = array<i32>} : memref<4x128xi32, #tpu.memory_space<vmem>>, vector<16xi32>,
    %get3A_125 = arith.constant 1 : i32
    %get3A_126 = arith.index_cast %get3A_125 : i32 to index
    %get3A_127 = arith.constant 80 : index
    %get3A_128 = tpu.vector_load %arg6[%get3A_126, %get3A_127] {strides = array<i32>} : memref<4x128xf32, #tpu.memory_space<vmem>>, vector<16xf32>,
    %bitcast3A_129 = vector.bitcast %get3A_128 : vector<16xf32> to vector<16xi32>
    %swap3A_130 = arith.constant 1 : i32
    %swap3A_131 = arith.index_cast %swap3A_130 : i32 to index
    %swap3A_132 = arith.constant 80 : index
    %swap3A_133 = tpu.vector_load %arg8[%swap3A_131, %swap3A_132] {strides = array<i32>} : memref<4x128xi32, #tpu.memory_space<vmem>>, vector<16xi32>,
    tpu.vector_store %arg8[%swap3A_131, %swap3A_132], %bitcast3A_129 {strides = array<i32>} : memref<4x128xi32, #tpu.memory_space<vmem>>, vector<16xi32>,
    %get3A_134 = arith.constant 1 : i32
    %get3A_135 = arith.index_cast %get3A_134 : i32 to index
    %get3A_136 = arith.constant 96 : index
    %get3A_137 = tpu.vector_load %arg6[%get3A_135, %get3A_136] {strides = array<i32>} : memref<4x128xf32, #tpu.memory_space<vmem>>, vector<16xf32>,
    %bitcast3A_138 = vector.bitcast %get3A_137 : vector<16xf32> to vector<16xi32>
    %swap3A_139 = arith.constant 1 : i32
    %swap3A_140 = arith.index_cast %swap3A_139 : i32 to index
    %swap3A_141 = arith.constant 96 : index
    %swap3A_142 = tpu.vector_load %arg8[%swap3A_140, %swap3A_141] {strides = array<i32>} : memref<4x128xi32, #tpu.memory_space<vmem>>, vector<16xi32>,
    tpu.vector_store %arg8[%swap3A_140, %swap3A_141], %bitcast3A_138 {strides = array<i32>} : memref<4x128xi32, #tpu.memory_space<vmem>>, vector<16xi32>,
    %get3A_143 = arith.constant 1 : i32
    %get3A_144 = arith.index_cast %get3A_143 : i32 to index
    %get3A_145 = arith.constant 112 : index
    %get3A_146 = tpu.vector_load %arg6[%get3A_144, %get3A_145] {strides = array<i32>} : memref<4x128xf32, #tpu.memory_space<vmem>>, vector<16xf32>,
    %bitcast3A_147 = vector.bitcast %get3A_146 : vector<16xf32> to vector<16xi32>
    %swap3A_148 = arith.constant 1 : i32
    %swap3A_149 = arith.index_cast %swap3A_148 : i32 to index
    %swap3A_150 = arith.constant 112 : index
    %swap3A_151 = tpu.vector_load %arg8[%swap3A_149, %swap3A_150] {strides = array<i32>} : memref<4x128xi32, #tpu.memory_space<vmem>>, vector<16xi32>,
    tpu.vector_store %arg8[%swap3A_149, %swap3A_150], %bitcast3A_147 {strides = array<i32>} : memref<4x128xi32, #tpu.memory_space<vmem>>, vector<16xi32>,
    %get3A_152 = arith.constant 2 : i32
    %get3A_153 = arith.index_cast %get3A_152 : i32 to index
    %get3A_154 = arith.constant 0 : index
    %get3A_155 = tpu.vector_load %arg6[%get3A_153, %get3A_154] {strides = array<i32>} : memref<4x128xf32, #tpu.memory_space<vmem>>, vector<16xf32>,
    %bitcast3A_156 = vector.bitcast %get3A_155 : vector<16xf32> to vector<16xi32>
    %swap3A_157 = arith.constant 2 : i32
    %swap3A_158 = arith.index_cast %swap3A_157 : i32 to index
    %swap3A_159 = arith.constant 0 : index
    %swap3A_160 = tpu.vector_load %arg8[%swap3A_158, %swap3A_159] {strides = array<i32>} : memref<4x128xi32, #tpu.memory_space<vmem>>, vector<16xi32>,
    tpu.vector_store %arg8[%swap3A_158, %swap3A_159], %bitcast3A_156 {strides = array<i32>} : memref<4x128xi32, #tpu.memory_space<vmem>>, vector<16xi32>,
    %get3A_161 = arith.constant 2 : i32
    %get3A_162 = arith.index_cast %get3A_161 : i32 to index
    %get3A_163 = arith.constant 16 : index
    %get3A_164 = tpu.vector_load %arg6[%get3A_162, %get3A_163] {strides = array<i32>} : memref<4x128xf32, #tpu.memory_space<vmem>>, vector<16xf32>,
    %bitcast3A_165 = vector.bitcast %get3A_164 : vector<16xf32> to vector<16xi32>
    %swap3A_166 = arith.constant 2 : i32
    %swap3A_167 = arith.index_cast %swap3A_166 : i32 to index
    %swap3A_168 = arith.constant 16 : index
    %swap3A_169 = tpu.vector_load %arg8[%swap3A_167, %swap3A_168] {strides = array<i32>} : memref<4x128xi32, #tpu.memory_space<vmem>>, vector<16xi32>,
    tpu.vector_store %arg8[%swap3A_167, %swap3A_168], %bitcast3A_165 {strides = array<i32>} : memref<4x128xi32, #tpu.memory_space<vmem>>, vector<16xi32>,
    %get3A_170 = arith.constant 2 : i32
    %get3A_171 = arith.index_cast %get3A_170 : i32 to index
    %get3A_172 = arith.constant 32 : index
    %get3A_173 = tpu.vector_load %arg6[%get3A_171, %get3A_172] {strides = array<i32>} : memref<4x128xf32, #tpu.memory_space<vmem>>, vector<16xf32>,
    %bitcast3A_174 = vector.bitcast %get3A_173 : vector<16xf32> to vector<16xi32>
    %swap3A_175 = arith.constant 2 : i32
    %swap3A_176 = arith.index_cast %swap3A_175 : i32 to index
    %swap3A_177 = arith.constant 32 : index
    %swap3A_178 = tpu.vector_load %arg8[%swap3A_176, %swap3A_177] {strides = array<i32>} : memref<4x128xi32, #tpu.memory_space<vmem>>, vector<16xi32>,
    tpu.vector_store %arg8[%swap3A_176, %swap3A_177], %bitcast3A_174 {strides = array<i32>} : memref<4x128xi32, #tpu.memory_space<vmem>>, vector<16xi32>,
    %get3A_179 = arith.constant 2 : i32
    %get3A_180 = arith.index_cast %get3A_179 : i32 to index
    %get3A_181 = arith.constant 48 : index
    %get3A_182 = tpu.vector_load %arg6[%get3A_180, %get3A_181] {strides = array<i32>} : memref<4x128xf32, #tpu.memory_space<vmem>>, vector<16xf32>,
    %bitcast3A_183 = vector.bitcast %get3A_182 : vector<16xf32> to vector<16xi32>
    %swap3A_184 = arith.constant 2 : i32
    %swap3A_185 = arith.index_cast %swap3A_184 : i32 to index
    %swap3A_186 = arith.constant 48 : index
    %swap3A_187 = tpu.vector_load %arg8[%swap3A_185, %swap3A_186] {strides = array<i32>} : memref<4x128xi32, #tpu.memory_space<vmem>>, vector<16xi32>,
    tpu.vector_store %arg8[%swap3A_185, %swap3A_186], %bitcast3A_183 {strides = array<i32>} : memref<4x128xi32, #tpu.memory_space<vmem>>, vector<16xi32>,
    %get3A_188 = arith.constant 2 : i32
    %get3A_189 = arith.index_cast %get3A_188 : i32 to index
    %get3A_190 = arith.constant 64 : index
    %get3A_191 = tpu.vector_load %arg6[%get3A_189, %get3A_190] {strides = array<i32>} : memref<4x128xf32, #tpu.memory_space<vmem>>, vector<16xf32>,
    %bitcast3A_192 = vector.bitcast %get3A_191 : vector<16xf32> to vector<16xi32>
    %swap3A_193 = arith.constant 2 : i32
    %swap3A_194 = arith.index_cast %swap3A_193 : i32 to index
    %swap3A_195 = arith.constant 64 : index
    %swap3A_196 = tpu.vector_load %arg8[%swap3A_194, %swap3A_195] {strides = array<i32>} : memref<4x128xi32, #tpu.memory_space<vmem>>, vector<16xi32>,
    tpu.vector_store %arg8[%swap3A_194, %swap3A_195], %bitcast3A_192 {strides = array<i32>} : memref<4x128xi32, #tpu.memory_space<vmem>>, vector<16xi32>,
    %get3A_197 = arith.constant 2 : i32
    %get3A_198 = arith.index_cast %get3A_197 : i32 to index
    %get3A_199 = arith.constant 80 : index
    %get3A_200 = tpu.vector_load %arg6[%get3A_198, %get3A_199] {strides = array<i32>} : memref<4x128xf32, #tpu.memory_space<vmem>>, vector<16xf32>,
    %bitcast3A_201 = vector.bitcast %get3A_200 : vector<16xf32> to vector<16xi32>
    %swap3A_202 = arith.constant 2 : i32
    %swap3A_203 = arith.index_cast %swap3A_202 : i32 to index
    %swap3A_204 = arith.constant 80 : index
    %swap3A_205 = tpu.vector_load %arg8[%swap3A_203, %swap3A_204] {strides = array<i32>} : memref<4x128xi32, #tpu.memory_space<vmem>>, vector<16xi32>,
    tpu.vector_store %arg8[%swap3A_203, %swap3A_204], %bitcast3A_201 {strides = array<i32>} : memref<4x128xi32, #tpu.memory_space<vmem>>, vector<16xi32>,
    %get3A_206 = arith.constant 2 : i32
    %get3A_207 = arith.index_cast %get3A_206 : i32 to index
    %get3A_208 = arith.constant 96 : index
    %get3A_209 = tpu.vector_load %arg6[%get3A_207, %get3A_208] {strides = array<i32>} : memref<4x128xf32, #tpu.memory_space<vmem>>, vector<16xf32>,
    %bitcast3A_210 = vector.bitcast %get3A_209 : vector<16xf32> to vector<16xi32>
    %swap3A_211 = arith.constant 2 : i32
    %swap3A_212 = arith.index_cast %swap3A_211 : i32 to index
    %swap3A_213 = arith.constant 96 : index
    %swap3A_214 = tpu.vector_load %arg8[%swap3A_212, %swap3A_213] {strides = array<i32>} : memref<4x128xi32, #tpu.memory_space<vmem>>, vector<16xi32>,
    tpu.vector_store %arg8[%swap3A_212, %swap3A_213], %bitcast3A_210 {strides = array<i32>} : memref<4x128xi32, #tpu.memory_space<vmem>>, vector<16xi32>,
    %get3A_215 = arith.constant 2 : i32
    %get3A_216 = arith.index_cast %get3A_215 : i32 to index
    %get3A_217 = arith.constant 112 : index
    %get3A_218 = tpu.vector_load %arg6[%get3A_216, %get3A_217] {strides = array<i32>} : memref<4x128xf32, #tpu.memory_space<vmem>>, vector<16xf32>,
    %bitcast3A_219 = vector.bitcast %get3A_218 : vector<16xf32> to vector<16xi32>
    %swap3A_220 = arith.constant 2 : i32
    %swap3A_221 = arith.index_cast %swap3A_220 : i32 to index
    %swap3A_222 = arith.constant 112 : index
    %swap3A_223 = tpu.vector_load %arg8[%swap3A_221, %swap3A_222] {strides = array<i32>} : memref<4x128xi32, #tpu.memory_space<vmem>>, vector<16xi32>,
    tpu.vector_store %arg8[%swap3A_221, %swap3A_222], %bitcast3A_219 {strides = array<i32>} : memref<4x128xi32, #tpu.memory_space<vmem>>, vector<16xi32>,
    %get3A_224 = arith.constant 3 : i32
    %get3A_225 = arith.index_cast %get3A_224 : i32 to index
    %get3A_226 = arith.constant 0 : index
    %get3A_227 = tpu.vector_load %arg6[%get3A_225, %get3A_226] {strides = array<i32>} : memref<4x128xf32, #tpu.memory_space<vmem>>, vector<16xf32>,
    %bitcast3A_228 = vector.bitcast %get3A_227 : vector<16xf32> to vector<16xi32>
    %swap3A_229 = arith.constant 3 : i32
    %swap3A_230 = arith.index_cast %swap3A_229 : i32 to index
    %swap3A_231 = arith.constant 0 : index
    %swap3A_232 = tpu.vector_load %arg8[%swap3A_230, %swap3A_231] {strides = array<i32>} : memref<4x128xi32, #tpu.memory_space<vmem>>, vector<16xi32>,
    tpu.vector_store %arg8[%swap3A_230, %swap3A_231], %bitcast3A_228 {strides = array<i32>} : memref<4x128xi32, #tpu.memory_space<vmem>>, vector<16xi32>,
    %get3A_233 = arith.constant 3 : i32
    %get3A_234 = arith.index_cast %get3A_233 : i32 to index
    %get3A_235 = arith.constant 16 : index
    %get3A_236 = tpu.vector_load %arg6[%get3A_234, %get3A_235] {strides = array<i32>} : memref<4x128xf32, #tpu.memory_space<vmem>>, vector<16xf32>,
    %bitcast3A_237 = vector.bitcast %get3A_236 : vector<16xf32> to vector<16xi32>
    %swap3A_238 = arith.constant 3 : i32
    %swap3A_239 = arith.index_cast %swap3A_238 : i32 to index
    %swap3A_240 = arith.constant 16 : index
    %swap3A_241 = tpu.vector_load %arg8[%swap3A_239, %swap3A_240] {strides = array<i32>} : memref<4x128xi32, #tpu.memory_space<vmem>>, vector<16xi32>,
    tpu.vector_store %arg8[%swap3A_239, %swap3A_240], %bitcast3A_237 {strides = array<i32>} : memref<4x128xi32, #tpu.memory_space<vmem>>, vector<16xi32>,
    %get3A_242 = arith.constant 3 : i32
    %get3A_243 = arith.index_cast %get3A_242 : i32 to index
    %get3A_244 = arith.constant 32 : index
    %get3A_245 = tpu.vector_load %arg6[%get3A_243, %get3A_244] {strides = array<i32>} : memref<4x128xf32, #tpu.memory_space<vmem>>, vector<16xf32>,
    %bitcast3A_246 = vector.bitcast %get3A_245 : vector<16xf32> to vector<16xi32>
    %swap3A_247 = arith.constant 3 : i32
    %swap3A_248 = arith.index_cast %swap3A_247 : i32 to index
    %swap3A_249 = arith.constant 32 : index
    %swap3A_250 = tpu.vector_load %arg8[%swap3A_248, %swap3A_249] {strides = array<i32>} : memref<4x128xi32, #tpu.memory_space<vmem>>, vector<16xi32>,
    tpu.vector_store %arg8[%swap3A_248, %swap3A_249], %bitcast3A_246 {strides = array<i32>} : memref<4x128xi32, #tpu.memory_space<vmem>>, vector<16xi32>,
    %get3A_251 = arith.constant 3 : i32
    %get3A_252 = arith.index_cast %get3A_251 : i32 to index
    %get3A_253 = arith.constant 48 : index
    %get3A_254 = tpu.vector_load %arg6[%get3A_252, %get3A_253] {strides = array<i32>} : memref<4x128xf32, #tpu.memory_space<vmem>>, vector<16xf32>,
    %bitcast3A_255 = vector.bitcast %get3A_254 : vector<16xf32> to vector<16xi32>
    %swap3A_256 = arith.constant 3 : i32
    %swap3A_257 = arith.index_cast %swap3A_256 : i32 to index
    %swap3A_258 = arith.constant 48 : index
    %swap3A_259 = tpu.vector_load %arg8[%swap3A_257, %swap3A_258] {strides = array<i32>} : memref<4x128xi32, #tpu.memory_space<vmem>>, vector<16xi32>,
    tpu.vector_store %arg8[%swap3A_257, %swap3A_258], %bitcast3A_255 {strides = array<i32>} : memref<4x128xi32, #tpu.memory_space<vmem>>, vector<16xi32>,
    %get3A_260 = arith.constant 3 : i32
    %get3A_261 = arith.index_cast %get3A_260 : i32 to index
    %get3A_262 = arith.constant 64 : index
    %get3A_263 = tpu.vector_load %arg6[%get3A_261, %get3A_262] {strides = array<i32>} : memref<4x128xf32, #tpu.memory_space<vmem>>, vector<16xf32>,
    %bitcast3A_264 = vector.bitcast %get3A_263 : vector<16xf32> to vector<16xi32>
    %swap3A_265 = arith.constant 3 : i32
    %swap3A_266 = arith.index_cast %swap3A_265 : i32 to index
    %swap3A_267 = arith.constant 64 : index
    %swap3A_268 = tpu.vector_load %arg8[%swap3A_266, %swap3A_267] {strides = array<i32>} : memref<4x128xi32, #tpu.memory_space<vmem>>, vector<16xi32>,
    tpu.vector_store %arg8[%swap3A_266, %swap3A_267], %bitcast3A_264 {strides = array<i32>} : memref<4x128xi32, #tpu.memory_space<vmem>>, vector<16xi32>,
    %get3A_269 = arith.constant 3 : i32
    %get3A_270 = arith.index_cast %get3A_269 : i32 to index
    %get3A_271 = arith.constant 80 : index
    %get3A_272 = tpu.vector_load %arg6[%get3A_270, %get3A_271] {strides = array<i32>} : memref<4x128xf32, #tpu.memory_space<vmem>>, vector<16xf32>,
    %bitcast3A_273 = vector.bitcast %get3A_272 : vector<16xf32> to vector<16xi32>
    %swap3A_274 = arith.constant 3 : i32
    %swap3A_275 = arith.index_cast %swap3A_274 : i32 to index
    %swap3A_276 = arith.constant 80 : index
    %swap3A_277 = tpu.vector_load %arg8[%swap3A_275, %swap3A_276] {strides = array<i32>} : memref<4x128xi32, #tpu.memory_space<vmem>>, vector<16xi32>,
    tpu.vector_store %arg8[%swap3A_275, %swap3A_276], %bitcast3A_273 {strides = array<i32>} : memref<4x128xi32, #tpu.memory_space<vmem>>, vector<16xi32>,
    %get3A_278 = arith.constant 3 : i32
    %get3A_279 = arith.index_cast %get3A_278 : i32 to index
    %get3A_280 = arith.constant 96 : index
    %get3A_281 = tpu.vector_load %arg6[%get3A_279, %get3A_280] {strides = array<i32>} : memref<4x128xf32, #tpu.memory_space<vmem>>, vector<16xf32>,
    %bitcast3A_282 = vector.bitcast %get3A_281 : vector<16xf32> to vector<16xi32>
    %swap3A_283 = arith.constant 3 : i32
    %swap3A_284 = arith.index_cast %swap3A_283 : i32 to index
    %swap3A_285 = arith.constant 96 : index
    %swap3A_286 = tpu.vector_load %arg8[%swap3A_284, %swap3A_285] {strides = array<i32>} : memref<4x128xi32, #tpu.memory_space<vmem>>, vector<16xi32>,
    tpu.vector_store %arg8[%swap3A_284, %swap3A_285], %bitcast3A_282 {strides = array<i32>} : memref<4x128xi32, #tpu.memory_space<vmem>>, vector<16xi32>,
    %get3A_287 = arith.constant 3 : i32
    %get3A_288 = arith.index_cast %get3A_287 : i32 to index
    %get3A_289 = arith.constant 112 : index
    %get3A_290 = tpu.vector_load %arg6[%get3A_288, %get3A_289] {strides = array<i32>} : memref<4x128xf32, #tpu.memory_space<vmem>>, vector<16xf32>,
    %bitcast3A_291 = vector.bitcast %get3A_290 : vector<16xf32> to vector<16xi32>
    %swap3A_292 = arith.constant 3 : i32
    %swap3A_293 = arith.index_cast %swap3A_292 : i32 to index
    %swap3A_294 = arith.constant 112 : index
    %swap3A_295 = tpu.vector_load %arg8[%swap3A_293, %swap3A_294] {strides = array<i32>} : memref<4x128xi32, #tpu.memory_space<vmem>>, vector<16xi32>,
    tpu.vector_store %arg8[%swap3A_293, %swap3A_294], %bitcast3A_291 {strides = array<i32>} : memref<4x128xi32, #tpu.memory_space<vmem>>, vector<16xi32>,
    %mul3A_296 = arith.constant 4 : i32
    %mul3A_297 = arith.muli %add3A, %mul3A_296 : i32
    "tpu.region"() ({
      %run_scoped3A_708 = tpu.sem_alloc : memref<!tpu.dma_semaphore, #tpu.memory_space<semaphore_mem>>
      %dma_start3A_709 = arith.constant 0 : i32
      %dma_start3A_710 = tpu.memref_slice %arg4[%mul3A_297, %dma_start3A_709] : memref<128x128xf32, #tpu.memory_space<hbm>> -> memref<4x128xf32, #tpu.memory_space<hbm>>
      %dma_start3A_711 = arith.constant 0 : i32
      %dma_start3A_712 = tpu.memref_slice %arg4[%mul3A_297, %dma_start3A_711] : memref<128x128xf32, #tpu.memory_space<hbm>> -> memref<4x128xf32, #tpu.memory_space<hbm>>
      tpu.enqueue_dma source(%dma_start3A_712 : memref<4x128xf32, #tpu.memory_space<hbm>>) target(%arg7 : memref<4x128xf32, #tpu.memory_space<vmem>>) target_semaphore(%run_scoped3A_708 : memref<!tpu.dma_semaphore, #tpu.memory_space<semaphore_mem>>)
      %dma_wait3A_713 = arith.constant 0 : i32
      %dma_wait3A_714 = tpu.memref_slice %arg4[%mul3A_297, %dma_wait3A_713] : memref<128x128xf32, #tpu.memory_space<hbm>> -> memref<4x128xf32, #tpu.memory_space<hbm>>
      %dma_wait3A_715 = arith.constant 0 : i32
      %dma_wait3A_716 = tpu.memref_slice %arg4[%mul3A_297, %dma_wait3A_715] : memref<128x128xf32, #tpu.memory_space<hbm>> -> memref<4x128xf32, #tpu.memory_space<hbm>>
      tpu.wait_dma2 semaphore(%run_scoped3A_708 : memref<!tpu.dma_semaphore, #tpu.memory_space<semaphore_mem>>) src(%dma_wait3A_716 : memref<4x128xf32, #tpu.memory_space<hbm>>) dst(%arg7 : memref<4x128xf32, #tpu.memory_space<vmem>>)
      tpu.yield
    }) : () -> ()
    %get3A_298 = arith.constant 0 : i32
    %get3A_299 = arith.index_cast %get3A_298 : i32 to index
    %get3A_300 = arith.constant 0 : index
    %get3A_301 = tpu.vector_load %arg7[%get3A_299, %get3A_300] {strides = array<i32>} : memref<4x128xf32, #tpu.memory_space<vmem>>, vector<16xf32>,
    %bitcast3A_302 = vector.bitcast %get3A_301 : vector<16xf32> to vector<16xi32>
    %swap3A_303 = arith.constant 0 : i32
    %swap3A_304 = arith.index_cast %swap3A_303 : i32 to index
    %swap3A_305 = arith.constant 0 : index
    %swap3A_306 = tpu.vector_load %arg9[%swap3A_304, %swap3A_305] {strides = array<i32>} : memref<4x128xi32, #tpu.memory_space<vmem>>, vector<16xi32>,
    tpu.vector_store %arg9[%swap3A_304, %swap3A_305], %bitcast3A_302 {strides = array<i32>} : memref<4x128xi32, #tpu.memory_space<vmem>>, vector<16xi32>,
    %get3A_307 = arith.constant 0 : i32
    %get3A_308 = arith.index_cast %get3A_307 : i32 to index
    %get3A_309 = arith.constant 16 : index
    %get3A_310 = tpu.vector_load %arg7[%get3A_308, %get3A_309] {strides = array<i32>} : memref<4x128xf32, #tpu.memory_space<vmem>>, vector<16xf32>,
    %bitcast3A_311 = vector.bitcast %get3A_310 : vector<16xf32> to vector<16xi32>
    %swap3A_312 = arith.constant 0 : i32
    %swap3A_313 = arith.index_cast %swap3A_312 : i32 to index
    %swap3A_314 = arith.constant 16 : index
    %swap3A_315 = tpu.vector_load %arg9[%swap3A_313, %swap3A_314] {strides = array<i32>} : memref<4x128xi32, #tpu.memory_space<vmem>>, vector<16xi32>,
    tpu.vector_store %arg9[%swap3A_313, %swap3A_314], %bitcast3A_311 {strides = array<i32>} : memref<4x128xi32, #tpu.memory_space<vmem>>, vector<16xi32>,
    %get3A_316 = arith.constant 0 : i32
    %get3A_317 = arith.index_cast %get3A_316 : i32 to index
    %get3A_318 = arith.constant 32 : index
    %get3A_319 = tpu.vector_load %arg7[%get3A_317, %get3A_318] {strides = array<i32>} : memref<4x128xf32, #tpu.memory_space<vmem>>, vector<16xf32>,
    %bitcast3A_320 = vector.bitcast %get3A_319 : vector<16xf32> to vector<16xi32>
    %swap3A_321 = arith.constant 0 : i32
    %swap3A_322 = arith.index_cast %swap3A_321 : i32 to index
    %swap3A_323 = arith.constant 32 : index
    %swap3A_324 = tpu.vector_load %arg9[%swap3A_322, %swap3A_323] {strides = array<i32>} : memref<4x128xi32, #tpu.memory_space<vmem>>, vector<16xi32>,
    tpu.vector_store %arg9[%swap3A_322, %swap3A_323], %bitcast3A_320 {strides = array<i32>} : memref<4x128xi32, #tpu.memory_space<vmem>>, vector<16xi32>,
    %get3A_325 = arith.constant 0 : i32
    %get3A_326 = arith.index_cast %get3A_325 : i32 to index
    %get3A_327 = arith.constant 48 : index
    %get3A_328 = tpu.vector_load %arg7[%get3A_326, %get3A_327] {strides = array<i32>} : memref<4x128xf32, #tpu.memory_space<vmem>>, vector<16xf32>,
    %bitcast3A_329 = vector.bitcast %get3A_328 : vector<16xf32> to vector<16xi32>
    %swap3A_330 = arith.constant 0 : i32
    %swap3A_331 = arith.index_cast %swap3A_330 : i32 to index
    %swap3A_332 = arith.constant 48 : index
    %swap3A_333 = tpu.vector_load %arg9[%swap3A_331, %swap3A_332] {strides = array<i32>} : memref<4x128xi32, #tpu.memory_space<vmem>>, vector<16xi32>,
    tpu.vector_store %arg9[%swap3A_331, %swap3A_332], %bitcast3A_329 {strides = array<i32>} : memref<4x128xi32, #tpu.memory_space<vmem>>, vector<16xi32>,
    %get3A_334 = arith.constant 0 : i32
    %get3A_335 = arith.index_cast %get3A_334 : i32 to index
    %get3A_336 = arith.constant 64 : index
    %get3A_337 = tpu.vector_load %arg7[%get3A_335, %get3A_336] {strides = array<i32>} : memref<4x128xf32, #tpu.memory_space<vmem>>, vector<16xf32>,
    %bitcast3A_338 = vector.bitcast %get3A_337 : vector<16xf32> to vector<16xi32>
    %swap3A_339 = arith.constant 0 : i32
    %swap3A_340 = arith.index_cast %swap3A_339 : i32 to index
    %swap3A_341 = arith.constant 64 : index
    %swap3A_342 = tpu.vector_load %arg9[%swap3A_340, %swap3A_341] {strides = array<i32>} : memref<4x128xi32, #tpu.memory_space<vmem>>, vector<16xi32>,
    tpu.vector_store %arg9[%swap3A_340, %swap3A_341], %bitcast3A_338 {strides = array<i32>} : memref<4x128xi32, #tpu.memory_space<vmem>>, vector<16xi32>,
    %get3A_343 = arith.constant 0 : i32
    %get3A_344 = arith.index_cast %get3A_343 : i32 to index
    %get3A_345 = arith.constant 80 : index
    %get3A_346 = tpu.vector_load %arg7[%get3A_344, %get3A_345] {strides = array<i32>} : memref<4x128xf32, #tpu.memory_space<vmem>>, vector<16xf32>,
    %bitcast3A_347 = vector.bitcast %get3A_346 : vector<16xf32> to vector<16xi32>
    %swap3A_348 = arith.constant 0 : i32
    %swap3A_349 = arith.index_cast %swap3A_348 : i32 to index
    %swap3A_350 = arith.constant 80 : index
    %swap3A_351 = tpu.vector_load %arg9[%swap3A_349, %swap3A_350] {strides = array<i32>} : memref<4x128xi32, #tpu.memory_space<vmem>>, vector<16xi32>,
    tpu.vector_store %arg9[%swap3A_349, %swap3A_350], %bitcast3A_347 {strides = array<i32>} : memref<4x128xi32, #tpu.memory_space<vmem>>, vector<16xi32>,
    %get3A_352 = arith.constant 0 : i32
    %get3A_353 = arith.index_cast %get3A_352 : i32 to index
    %get3A_354 = arith.constant 96 : index
    %get3A_355 = tpu.vector_load %arg7[%get3A_353, %get3A_354] {strides = array<i32>} : memref<4x128xf32, #tpu.memory_space<vmem>>, vector<16xf32>,
    %bitcast3A_356 = vector.bitcast %get3A_355 : vector<16xf32> to vector<16xi32>
    %swap3A_357 = arith.constant 0 : i32
    %swap3A_358 = arith.index_cast %swap3A_357 : i32 to index
    %swap3A_359 = arith.constant 96 : index
    %swap3A_360 = tpu.vector_load %arg9[%swap3A_358, %swap3A_359] {strides = array<i32>} : memref<4x128xi32, #tpu.memory_space<vmem>>, vector<16xi32>,
    tpu.vector_store %arg9[%swap3A_358, %swap3A_359], %bitcast3A_356 {strides = array<i32>} : memref<4x128xi32, #tpu.memory_space<vmem>>, vector<16xi32>,
    %get3A_361 = arith.constant 0 : i32
    %get3A_362 = arith.index_cast %get3A_361 : i32 to index
    %get3A_363 = arith.constant 112 : index
    %get3A_364 = tpu.vector_load %arg7[%get3A_362, %get3A_363] {strides = array<i32>} : memref<4x128xf32, #tpu.memory_space<vmem>>, vector<16xf32>,
    %bitcast3A_365 = vector.bitcast %get3A_364 : vector<16xf32> to vector<16xi32>
    %swap3A_366 = arith.constant 0 : i32
    %swap3A_367 = arith.index_cast %swap3A_366 : i32 to index
    %swap3A_368 = arith.constant 112 : index
    %swap3A_369 = tpu.vector_load %arg9[%swap3A_367, %swap3A_368] {strides = array<i32>} : memref<4x128xi32, #tpu.memory_space<vmem>>, vector<16xi32>,
    tpu.vector_store %arg9[%swap3A_367, %swap3A_368], %bitcast3A_365 {strides = array<i32>} : memref<4x128xi32, #tpu.memory_space<vmem>>, vector<16xi32>,
    %get3A_370 = arith.constant 1 : i32
    %get3A_371 = arith.index_cast %get3A_370 : i32 to index
    %get3A_372 = arith.constant 0 : index
    %get3A_373 = tpu.vector_load %arg7[%get3A_371, %get3A_372] {strides = array<i32>} : memref<4x128xf32, #tpu.memory_space<vmem>>, vector<16xf32>,
    %bitcast3A_374 = vector.bitcast %get3A_373 : vector<16xf32> to vector<16xi32>
    %swap3A_375 = arith.constant 1 : i32
    %swap3A_376 = arith.index_cast %swap3A_375 : i32 to index
    %swap3A_377 = arith.constant 0 : index
    %swap3A_378 = tpu.vector_load %arg9[%swap3A_376, %swap3A_377] {strides = array<i32>} : memref<4x128xi32, #tpu.memory_space<vmem>>, vector<16xi32>,
    tpu.vector_store %arg9[%swap3A_376, %swap3A_377], %bitcast3A_374 {strides = array<i32>} : memref<4x128xi32, #tpu.memory_space<vmem>>, vector<16xi32>,
    %get3A_379 = arith.constant 1 : i32
    %get3A_380 = arith.index_cast %get3A_379 : i32 to index
    %get3A_381 = arith.constant 16 : index
    %get3A_382 = tpu.vector_load %arg7[%get3A_380, %get3A_381] {strides = array<i32>} : memref<4x128xf32, #tpu.memory_space<vmem>>, vector<16xf32>,
    %bitcast3A_383 = vector.bitcast %get3A_382 : vector<16xf32> to vector<16xi32>
    %swap3A_384 = arith.constant 1 : i32
    %swap3A_385 = arith.index_cast %swap3A_384 : i32 to index
    %swap3A_386 = arith.constant 16 : index
    %swap3A_387 = tpu.vector_load %arg9[%swap3A_385, %swap3A_386] {strides = array<i32>} : memref<4x128xi32, #tpu.memory_space<vmem>>, vector<16xi32>,
    tpu.vector_store %arg9[%swap3A_385, %swap3A_386], %bitcast3A_383 {strides = array<i32>} : memref<4x128xi32, #tpu.memory_space<vmem>>, vector<16xi32>,
    %get3A_388 = arith.constant 1 : i32
    %get3A_389 = arith.index_cast %get3A_388 : i32 to index
    %get3A_390 = arith.constant 32 : index
    %get3A_391 = tpu.vector_load %arg7[%get3A_389, %get3A_390] {strides = array<i32>} : memref<4x128xf32, #tpu.memory_space<vmem>>, vector<16xf32>,
    %bitcast3A_392 = vector.bitcast %get3A_391 : vector<16xf32> to vector<16xi32>
    %swap3A_393 = arith.constant 1 : i32
    %swap3A_394 = arith.index_cast %swap3A_393 : i32 to index
    %swap3A_395 = arith.constant 32 : index
    %swap3A_396 = tpu.vector_load %arg9[%swap3A_394, %swap3A_395] {strides = array<i32>} : memref<4x128xi32, #tpu.memory_space<vmem>>, vector<16xi32>,
    tpu.vector_store %arg9[%swap3A_394, %swap3A_395], %bitcast3A_392 {strides = array<i32>} : memref<4x128xi32, #tpu.memory_space<vmem>>, vector<16xi32>,
    %get3A_397 = arith.constant 1 : i32
    %get3A_398 = arith.index_cast %get3A_397 : i32 to index
    %get3A_399 = arith.constant 48 : index
    %get3A_400 = tpu.vector_load %arg7[%get3A_398, %get3A_399] {strides = array<i32>} : memref<4x128xf32, #tpu.memory_space<vmem>>, vector<16xf32>,
    %bitcast3A_401 = vector.bitcast %get3A_400 : vector<16xf32> to vector<16xi32>
    %swap3A_402 = arith.constant 1 : i32
    %swap3A_403 = arith.index_cast %swap3A_402 : i32 to index
    %swap3A_404 = arith.constant 48 : index
    %swap3A_405 = tpu.vector_load %arg9[%swap3A_403, %swap3A_404] {strides = array<i32>} : memref<4x128xi32, #tpu.memory_space<vmem>>, vector<16xi32>,
    tpu.vector_store %arg9[%swap3A_403, %swap3A_404], %bitcast3A_401 {strides = array<i32>} : memref<4x128xi32, #tpu.memory_space<vmem>>, vector<16xi32>,
    %get3A_406 = arith.constant 1 : i32
    %get3A_407 = arith.index_cast %get3A_406 : i32 to index
    %get3A_408 = arith.constant 64 : index
    %get3A_409 = tpu.vector_load %arg7[%get3A_407, %get3A_408] {strides = array<i32>} : memref<4x128xf32, #tpu.memory_space<vmem>>, vector<16xf32>,
    %bitcast3A_410 = vector.bitcast %get3A_409 : vector<16xf32> to vector<16xi32>
    %swap3A_411 = arith.constant 1 : i32
    %swap3A_412 = arith.index_cast %swap3A_411 : i32 to index
    %swap3A_413 = arith.constant 64 : index
    %swap3A_414 = tpu.vector_load %arg9[%swap3A_412, %swap3A_413] {strides = array<i32>} : memref<4x128xi32, #tpu.memory_space<vmem>>, vector<16xi32>,
    tpu.vector_store %arg9[%swap3A_412, %swap3A_413], %bitcast3A_410 {strides = array<i32>} : memref<4x128xi32, #tpu.memory_space<vmem>>, vector<16xi32>,
    %get3A_415 = arith.constant 1 : i32
    %get3A_416 = arith.index_cast %get3A_415 : i32 to index
    %get3A_417 = arith.constant 80 : index
    %get3A_418 = tpu.vector_load %arg7[%get3A_416, %get3A_417] {strides = array<i32>} : memref<4x128xf32, #tpu.memory_space<vmem>>, vector<16xf32>,
    %bitcast3A_419 = vector.bitcast %get3A_418 : vector<16xf32> to vector<16xi32>
    %swap3A_420 = arith.constant 1 : i32
    %swap3A_421 = arith.index_cast %swap3A_420 : i32 to index
    %swap3A_422 = arith.constant 80 : index
    %swap3A_423 = tpu.vector_load %arg9[%swap3A_421, %swap3A_422] {strides = array<i32>} : memref<4x128xi32, #tpu.memory_space<vmem>>, vector<16xi32>,
    tpu.vector_store %arg9[%swap3A_421, %swap3A_422], %bitcast3A_419 {strides = array<i32>} : memref<4x128xi32, #tpu.memory_space<vmem>>, vector<16xi32>,
    %get3A_424 = arith.constant 1 : i32
    %get3A_425 = arith.index_cast %get3A_424 : i32 to index
    %get3A_426 = arith.constant 96 : index
    %get3A_427 = tpu.vector_load %arg7[%get3A_425, %get3A_426] {strides = array<i32>} : memref<4x128xf32, #tpu.memory_space<vmem>>, vector<16xf32>,
    %bitcast3A_428 = vector.bitcast %get3A_427 : vector<16xf32> to vector<16xi32>
    %swap3A_429 = arith.constant 1 : i32
    %swap3A_430 = arith.index_cast %swap3A_429 : i32 to index
    %swap3A_431 = arith.constant 96 : index
    %swap3A_432 = tpu.vector_load %arg9[%swap3A_430, %swap3A_431] {strides = array<i32>} : memref<4x128xi32, #tpu.memory_space<vmem>>, vector<16xi32>,
    tpu.vector_store %arg9[%swap3A_430, %swap3A_431], %bitcast3A_428 {strides = array<i32>} : memref<4x128xi32, #tpu.memory_space<vmem>>, vector<16xi32>,
    %get3A_433 = arith.constant 1 : i32
    %get3A_434 = arith.index_cast %get3A_433 : i32 to index
    %get3A_435 = arith.constant 112 : index
    %get3A_436 = tpu.vector_load %arg7[%get3A_434, %get3A_435] {strides = array<i32>} : memref<4x128xf32, #tpu.memory_space<vmem>>, vector<16xf32>,
    %bitcast3A_437 = vector.bitcast %get3A_436 : vector<16xf32> to vector<16xi32>
    %swap3A_438 = arith.constant 1 : i32
    %swap3A_439 = arith.index_cast %swap3A_438 : i32 to index
    %swap3A_440 = arith.constant 112 : index
    %swap3A_441 = tpu.vector_load %arg9[%swap3A_439, %swap3A_440] {strides = array<i32>} : memref<4x128xi32, #tpu.memory_space<vmem>>, vector<16xi32>,
    tpu.vector_store %arg9[%swap3A_439, %swap3A_440], %bitcast3A_437 {strides = array<i32>} : memref<4x128xi32, #tpu.memory_space<vmem>>, vector<16xi32>,
    %get3A_442 = arith.constant 2 : i32
    %get3A_443 = arith.index_cast %get3A_442 : i32 to index
    %get3A_444 = arith.constant 0 : index
    %get3A_445 = tpu.vector_load %arg7[%get3A_443, %get3A_444] {strides = array<i32>} : memref<4x128xf32, #tpu.memory_space<vmem>>, vector<16xf32>,
    %bitcast3A_446 = vector.bitcast %get3A_445 : vector<16xf32> to vector<16xi32>
    %swap3A_447 = arith.constant 2 : i32
    %swap3A_448 = arith.index_cast %swap3A_447 : i32 to index
    %swap3A_449 = arith.constant 0 : index
    %swap3A_450 = tpu.vector_load %arg9[%swap3A_448, %swap3A_449] {strides = array<i32>} : memref<4x128xi32, #tpu.memory_space<vmem>>, vector<16xi32>,
    tpu.vector_store %arg9[%swap3A_448, %swap3A_449], %bitcast3A_446 {strides = array<i32>} : memref<4x128xi32, #tpu.memory_space<vmem>>, vector<16xi32>,
    %get3A_451 = arith.constant 2 : i32
    %get3A_452 = arith.index_cast %get3A_451 : i32 to index
    %get3A_453 = arith.constant 16 : index
    %get3A_454 = tpu.vector_load %arg7[%get3A_452, %get3A_453] {strides = array<i32>} : memref<4x128xf32, #tpu.memory_space<vmem>>, vector<16xf32>,
    %bitcast3A_455 = vector.bitcast %get3A_454 : vector<16xf32> to vector<16xi32>
    %swap3A_456 = arith.constant 2 : i32
    %swap3A_457 = arith.index_cast %swap3A_456 : i32 to index
    %swap3A_458 = arith.constant 16 : index
    %swap3A_459 = tpu.vector_load %arg9[%swap3A_457, %swap3A_458] {strides = array<i32>} : memref<4x128xi32, #tpu.memory_space<vmem>>, vector<16xi32>,
    tpu.vector_store %arg9[%swap3A_457, %swap3A_458], %bitcast3A_455 {strides = array<i32>} : memref<4x128xi32, #tpu.memory_space<vmem>>, vector<16xi32>,
    %get3A_460 = arith.constant 2 : i32
    %get3A_461 = arith.index_cast %get3A_460 : i32 to index
    %get3A_462 = arith.constant 32 : index
    %get3A_463 = tpu.vector_load %arg7[%get3A_461, %get3A_462] {strides = array<i32>} : memref<4x128xf32, #tpu.memory_space<vmem>>, vector<16xf32>,
    %bitcast3A_464 = vector.bitcast %get3A_463 : vector<16xf32> to vector<16xi32>
    %swap3A_465 = arith.constant 2 : i32
    %swap3A_466 = arith.index_cast %swap3A_465 : i32 to index
    %swap3A_467 = arith.constant 32 : index
    %swap3A_468 = tpu.vector_load %arg9[%swap3A_466, %swap3A_467] {strides = array<i32>} : memref<4x128xi32, #tpu.memory_space<vmem>>, vector<16xi32>,
    tpu.vector_store %arg9[%swap3A_466, %swap3A_467], %bitcast3A_464 {strides = array<i32>} : memref<4x128xi32, #tpu.memory_space<vmem>>, vector<16xi32>,
    %get3A_469 = arith.constant 2 : i32
    %get3A_470 = arith.index_cast %get3A_469 : i32 to index
    %get3A_471 = arith.constant 48 : index
    %get3A_472 = tpu.vector_load %arg7[%get3A_470, %get3A_471] {strides = array<i32>} : memref<4x128xf32, #tpu.memory_space<vmem>>, vector<16xf32>,
    %bitcast3A_473 = vector.bitcast %get3A_472 : vector<16xf32> to vector<16xi32>
    %swap3A_474 = arith.constant 2 : i32
    %swap3A_475 = arith.index_cast %swap3A_474 : i32 to index
    %swap3A_476 = arith.constant 48 : index
    %swap3A_477 = tpu.vector_load %arg9[%swap3A_475, %swap3A_476] {strides = array<i32>} : memref<4x128xi32, #tpu.memory_space<vmem>>, vector<16xi32>,
    tpu.vector_store %arg9[%swap3A_475, %swap3A_476], %bitcast3A_473 {strides = array<i32>} : memref<4x128xi32, #tpu.memory_space<vmem>>, vector<16xi32>,
    %get3A_478 = arith.constant 2 : i32
    %get3A_479 = arith.index_cast %get3A_478 : i32 to index
    %get3A_480 = arith.constant 64 : index
    %get3A_481 = tpu.vector_load %arg7[%get3A_479, %get3A_480] {strides = array<i32>} : memref<4x128xf32, #tpu.memory_space<vmem>>, vector<16xf32>,
    %bitcast3A_482 = vector.bitcast %get3A_481 : vector<16xf32> to vector<16xi32>
    %swap3A_483 = arith.constant 2 : i32
    %swap3A_484 = arith.index_cast %swap3A_483 : i32 to index
    %swap3A_485 = arith.constant 64 : index
    %swap3A_486 = tpu.vector_load %arg9[%swap3A_484, %swap3A_485] {strides = array<i32>} : memref<4x128xi32, #tpu.memory_space<vmem>>, vector<16xi32>,
    tpu.vector_store %arg9[%swap3A_484, %swap3A_485], %bitcast3A_482 {strides = array<i32>} : memref<4x128xi32, #tpu.memory_space<vmem>>, vector<16xi32>,
    %get3A_487 = arith.constant 2 : i32
    %get3A_488 = arith.index_cast %get3A_487 : i32 to index
    %get3A_489 = arith.constant 80 : index
    %get3A_490 = tpu.vector_load %arg7[%get3A_488, %get3A_489] {strides = array<i32>} : memref<4x128xf32, #tpu.memory_space<vmem>>, vector<16xf32>,
    %bitcast3A_491 = vector.bitcast %get3A_490 : vector<16xf32> to vector<16xi32>
    %swap3A_492 = arith.constant 2 : i32
    %swap3A_493 = arith.index_cast %swap3A_492 : i32 to index
    %swap3A_494 = arith.constant 80 : index
    %swap3A_495 = tpu.vector_load %arg9[%swap3A_493, %swap3A_494] {strides = array<i32>} : memref<4x128xi32, #tpu.memory_space<vmem>>, vector<16xi32>,
    tpu.vector_store %arg9[%swap3A_493, %swap3A_494], %bitcast3A_491 {strides = array<i32>} : memref<4x128xi32, #tpu.memory_space<vmem>>, vector<16xi32>,
    %get3A_496 = arith.constant 2 : i32
    %get3A_497 = arith.index_cast %get3A_496 : i32 to index
    %get3A_498 = arith.constant 96 : index
    %get3A_499 = tpu.vector_load %arg7[%get3A_497, %get3A_498] {strides = array<i32>} : memref<4x128xf32, #tpu.memory_space<vmem>>, vector<16xf32>,
    %bitcast3A_500 = vector.bitcast %get3A_499 : vector<16xf32> to vector<16xi32>
    %swap3A_501 = arith.constant 2 : i32
    %swap3A_502 = arith.index_cast %swap3A_501 : i32 to index
    %swap3A_503 = arith.constant 96 : index
    %swap3A_504 = tpu.vector_load %arg9[%swap3A_502, %swap3A_503] {strides = array<i32>} : memref<4x128xi32, #tpu.memory_space<vmem>>, vector<16xi32>,
    tpu.vector_store %arg9[%swap3A_502, %swap3A_503], %bitcast3A_500 {strides = array<i32>} : memref<4x128xi32, #tpu.memory_space<vmem>>, vector<16xi32>,
    %get3A_505 = arith.constant 2 : i32
    %get3A_506 = arith.index_cast %get3A_505 : i32 to index
    %get3A_507 = arith.constant 112 : index
    %get3A_508 = tpu.vector_load %arg7[%get3A_506, %get3A_507] {strides = array<i32>} : memref<4x128xf32, #tpu.memory_space<vmem>>, vector<16xf32>,
    %bitcast3A_509 = vector.bitcast %get3A_508 : vector<16xf32> to vector<16xi32>
    %swap3A_510 = arith.constant 2 : i32
    %swap3A_511 = arith.index_cast %swap3A_510 : i32 to index
    %swap3A_512 = arith.constant 112 : index
    %swap3A_513 = tpu.vector_load %arg9[%swap3A_511, %swap3A_512] {strides = array<i32>} : memref<4x128xi32, #tpu.memory_space<vmem>>, vector<16xi32>,
    tpu.vector_store %arg9[%swap3A_511, %swap3A_512], %bitcast3A_509 {strides = array<i32>} : memref<4x128xi32, #tpu.memory_space<vmem>>, vector<16xi32>,
    %get3A_514 = arith.constant 3 : i32
    %get3A_515 = arith.index_cast %get3A_514 : i32 to index
    %get3A_516 = arith.constant 0 : index
    %get3A_517 = tpu.vector_load %arg7[%get3A_515, %get3A_516] {strides = array<i32>} : memref<4x128xf32, #tpu.memory_space<vmem>>, vector<16xf32>,
    %bitcast3A_518 = vector.bitcast %get3A_517 : vector<16xf32> to vector<16xi32>
    %swap3A_519 = arith.constant 3 : i32
    %swap3A_520 = arith.index_cast %swap3A_519 : i32 to index
    %swap3A_521 = arith.constant 0 : index
    %swap3A_522 = tpu.vector_load %arg9[%swap3A_520, %swap3A_521] {strides = array<i32>} : memref<4x128xi32, #tpu.memory_space<vmem>>, vector<16xi32>,
    tpu.vector_store %arg9[%swap3A_520, %swap3A_521], %bitcast3A_518 {strides = array<i32>} : memref<4x128xi32, #tpu.memory_space<vmem>>, vector<16xi32>,
    %get3A_523 = arith.constant 3 : i32
    %get3A_524 = arith.index_cast %get3A_523 : i32 to index
    %get3A_525 = arith.constant 16 : index
    %get3A_526 = tpu.vector_load %arg7[%get3A_524, %get3A_525] {strides = array<i32>} : memref<4x128xf32, #tpu.memory_space<vmem>>, vector<16xf32>,
    %bitcast3A_527 = vector.bitcast %get3A_526 : vector<16xf32> to vector<16xi32>
    %swap3A_528 = arith.constant 3 : i32
    %swap3A_529 = arith.index_cast %swap3A_528 : i32 to index
    %swap3A_530 = arith.constant 16 : index
    %swap3A_531 = tpu.vector_load %arg9[%swap3A_529, %swap3A_530] {strides = array<i32>} : memref<4x128xi32, #tpu.memory_space<vmem>>, vector<16xi32>,
    tpu.vector_store %arg9[%swap3A_529, %swap3A_530], %bitcast3A_527 {strides = array<i32>} : memref<4x128xi32, #tpu.memory_space<vmem>>, vector<16xi32>,
    %get3A_532 = arith.constant 3 : i32
    %get3A_533 = arith.index_cast %get3A_532 : i32 to index
    %get3A_534 = arith.constant 32 : index
    %get3A_535 = tpu.vector_load %arg7[%get3A_533, %get3A_534] {strides = array<i32>} : memref<4x128xf32, #tpu.memory_space<vmem>>, vector<16xf32>,
    %bitcast3A_536 = vector.bitcast %get3A_535 : vector<16xf32> to vector<16xi32>
    %swap3A_537 = arith.constant 3 : i32
    %swap3A_538 = arith.index_cast %swap3A_537 : i32 to index
    %swap3A_539 = arith.constant 32 : index
    %swap3A_540 = tpu.vector_load %arg9[%swap3A_538, %swap3A_539] {strides = array<i32>} : memref<4x128xi32, #tpu.memory_space<vmem>>, vector<16xi32>,
    tpu.vector_store %arg9[%swap3A_538, %swap3A_539], %bitcast3A_536 {strides = array<i32>} : memref<4x128xi32, #tpu.memory_space<vmem>>, vector<16xi32>,
    %get3A_541 = arith.constant 3 : i32
    %get3A_542 = arith.index_cast %get3A_541 : i32 to index
    %get3A_543 = arith.constant 48 : index
    %get3A_544 = tpu.vector_load %arg7[%get3A_542, %get3A_543] {strides = array<i32>} : memref<4x128xf32, #tpu.memory_space<vmem>>, vector<16xf32>,
    %bitcast3A_545 = vector.bitcast %get3A_544 : vector<16xf32> to vector<16xi32>
    %swap3A_546 = arith.constant 3 : i32
    %swap3A_547 = arith.index_cast %swap3A_546 : i32 to index
    %swap3A_548 = arith.constant 48 : index
    %swap3A_549 = tpu.vector_load %arg9[%swap3A_547, %swap3A_548] {strides = array<i32>} : memref<4x128xi32, #tpu.memory_space<vmem>>, vector<16xi32>,
    tpu.vector_store %arg9[%swap3A_547, %swap3A_548], %bitcast3A_545 {strides = array<i32>} : memref<4x128xi32, #tpu.memory_space<vmem>>, vector<16xi32>,
    %get3A_550 = arith.constant 3 : i32
    %get3A_551 = arith.index_cast %get3A_550 : i32 to index
    %get3A_552 = arith.constant 64 : index
    %get3A_553 = tpu.vector_load %arg7[%get3A_551, %get3A_552] {strides = array<i32>} : memref<4x128xf32, #tpu.memory_space<vmem>>, vector<16xf32>,
    %bitcast3A_554 = vector.bitcast %get3A_553 : vector<16xf32> to vector<16xi32>
    %swap3A_555 = arith.constant 3 : i32
    %swap3A_556 = arith.index_cast %swap3A_555 : i32 to index
    %swap3A_557 = arith.constant 64 : index
    %swap3A_558 = tpu.vector_load %arg9[%swap3A_556, %swap3A_557] {strides = array<i32>} : memref<4x128xi32, #tpu.memory_space<vmem>>, vector<16xi32>,
    tpu.vector_store %arg9[%swap3A_556, %swap3A_557], %bitcast3A_554 {strides = array<i32>} : memref<4x128xi32, #tpu.memory_space<vmem>>, vector<16xi32>,
    %get3A_559 = arith.constant 3 : i32
    %get3A_560 = arith.index_cast %get3A_559 : i32 to index
    %get3A_561 = arith.constant 80 : index
    %get3A_562 = tpu.vector_load %arg7[%get3A_560, %get3A_561] {strides = array<i32>} : memref<4x128xf32, #tpu.memory_space<vmem>>, vector<16xf32>,
    %bitcast3A_563 = vector.bitcast %get3A_562 : vector<16xf32> to vector<16xi32>
    %swap3A_564 = arith.constant 3 : i32
    %swap3A_565 = arith.index_cast %swap3A_564 : i32 to index
    %swap3A_566 = arith.constant 80 : index
    %swap3A_567 = tpu.vector_load %arg9[%swap3A_565, %swap3A_566] {strides = array<i32>} : memref<4x128xi32, #tpu.memory_space<vmem>>, vector<16xi32>,
    tpu.vector_store %arg9[%swap3A_565, %swap3A_566], %bitcast3A_563 {strides = array<i32>} : memref<4x128xi32, #tpu.memory_space<vmem>>, vector<16xi32>,
    %get3A_568 = arith.constant 3 : i32
    %get3A_569 = arith.index_cast %get3A_568 : i32 to index
    %get3A_570 = arith.constant 96 : index
    %get3A_571 = tpu.vector_load %arg7[%get3A_569, %get3A_570] {strides = array<i32>} : memref<4x128xf32, #tpu.memory_space<vmem>>, vector<16xf32>,
    %bitcast3A_572 = vector.bitcast %get3A_571 : vector<16xf32> to vector<16xi32>
    %swap3A_573 = arith.constant 3 : i32
    %swap3A_574 = arith.index_cast %swap3A_573 : i32 to index
    %swap3A_575 = arith.constant 96 : index
    %swap3A_576 = tpu.vector_load %arg9[%swap3A_574, %swap3A_575] {strides = array<i32>} : memref<4x128xi32, #tpu.memory_space<vmem>>, vector<16xi32>,
    tpu.vector_store %arg9[%swap3A_574, %swap3A_575], %bitcast3A_572 {strides = array<i32>} : memref<4x128xi32, #tpu.memory_space<vmem>>, vector<16xi32>,
    %get3A_577 = arith.constant 3 : i32
    %get3A_578 = arith.index_cast %get3A_577 : i32 to index
    %get3A_579 = arith.constant 112 : index
    %get3A_580 = tpu.vector_load %arg7[%get3A_578, %get3A_579] {strides = array<i32>} : memref<4x128xf32, #tpu.memory_space<vmem>>, vector<16xf32>,
    %bitcast3A_581 = vector.bitcast %get3A_580 : vector<16xf32> to vector<16xi32>
    %swap3A_582 = arith.constant 3 : i32
    %swap3A_583 = arith.index_cast %swap3A_582 : i32 to index
    %swap3A_584 = arith.constant 112 : index
    %swap3A_585 = tpu.vector_load %arg9[%swap3A_583, %swap3A_584] {strides = array<i32>} : memref<4x128xi32, #tpu.memory_space<vmem>>, vector<16xi32>,
    tpu.vector_store %arg9[%swap3A_583, %swap3A_584], %bitcast3A_581 {strides = array<i32>} : memref<4x128xi32, #tpu.memory_space<vmem>>, vector<16xi32>,
    %barrier3A = arith.constant 0 : index
    tpu.barrier barrier_id(%barrier3A)
    %dma_start3A = arith.constant 0 : i32
    %dma_start3A_586 = arith.constant 0 : i32
    %dma_start3A_587 = tpu.memref_slice %arg8[%dma_start3A, %dma_start3A_586] : memref<4x128xi32, #tpu.memory_space<vmem>> -> memref<1x128xi32, #tpu.memory_space<vmem>>
    %dma_start3A_588 = tpu.memref_squeeze %dma_start3A_587 : memref<1x128xi32, #tpu.memory_space<vmem>> -> memref<128xi32, #tpu.memory_space<vmem>>
    %dma_start3A_589 = arith.constant 0 : i32
    %dma_start3A_590 = arith.constant 0 : i32
    %dma_start3A_591 = tpu.memref_slice %arg2[%dma_start3A_589, %dma_start3A_590] : memref<2048x128xf32, #tpu.memory_space<hbm>> -> memref<2048x128xf32, #tpu.memory_space<hbm>>
    tpu.enqueue_indirect_dma source(%dma_start3A_591 : memref<2048x128xf32, #tpu.memory_space<hbm>>) target(%arg10 : memref<128x128xf32, #tpu.memory_space<vmem>>) offsets(%dma_start3A_588 : memref<128xi32, #tpu.memory_space<vmem>>) semaphore(%arg12 : memref<!tpu.dma_semaphore, #tpu.memory_space<semaphore_mem>>)
    %dma_wait3A = arith.constant 0 : i32
    %dma_wait3A_592 = arith.constant 0 : i32
    %dma_wait3A_593 = tpu.memref_slice %arg8[%dma_wait3A, %dma_wait3A_592] : memref<4x128xi32, #tpu.memory_space<vmem>> -> memref<1x128xi32, #tpu.memory_space<vmem>>
    %dma_wait3A_594 = tpu.memref_squeeze %dma_wait3A_593 : memref<1x128xi32, #tpu.memory_space<vmem>> -> memref<128xi32, #tpu.memory_space<vmem>>
    %dma_wait3A_595 = arith.constant 0 : i32
    %dma_wait3A_596 = arith.constant 0 : i32
    %dma_wait3A_597 = tpu.memref_slice %arg2[%dma_wait3A_595, %dma_wait3A_596] : memref<2048x128xf32, #tpu.memory_space<hbm>> -> memref<2048x128xf32, #tpu.memory_space<hbm>>
    tpu.wait_indirect_dma semaphore(%arg12 : memref<!tpu.dma_semaphore, #tpu.memory_space<semaphore_mem>>) src(%dma_wait3A_597 : memref<2048x128xf32, #tpu.memory_space<hbm>>) dst(%arg10 : memref<128x128xf32, #tpu.memory_space<vmem>>)
    %run_scoped3A = arith.constant 0 : i32
    "tpu.region"() ({
      %run_scoped3A_708 = tpu.sem_alloc : memref<!tpu.dma_semaphore, #tpu.memory_space<semaphore_mem>>
      %dma_start3A_709 = arith.constant 0 : i32
      %dma_start3A_710 = tpu.memref_slice %arg9[%run_scoped3A, %dma_start3A_709] : memref<4x128xi32, #tpu.memory_space<vmem>> -> memref<1x128xi32, #tpu.memory_space<vmem>>
      %dma_start3A_711 = tpu.memref_squeeze %dma_start3A_710 : memref<1x128xi32, #tpu.memory_space<vmem>> -> memref<128xi32, #tpu.memory_space<vmem>>
      %dma_start3A_712 = arith.constant 0 : i32
      %dma_start3A_713 = arith.constant 0 : i32
      %dma_start3A_714 = tpu.memref_slice %arg11[%dma_start3A_712, %dma_start3A_713] : memref<2048x128xf32, #tpu.memory_space<vmem_shared>> -> memref<2048x128xf32, #tpu.memory_space<vmem_shared>>
      tpu.enqueue_indirect_dma source(%arg10 : memref<128x128xf32, #tpu.memory_space<vmem>>) target(%dma_start3A_714 : memref<2048x128xf32, #tpu.memory_space<vmem_shared>>) offsets(%dma_start3A_711 : memref<128xi32, #tpu.memory_space<vmem>>) semaphore(%run_scoped3A_708 : memref<!tpu.dma_semaphore, #tpu.memory_space<semaphore_mem>>) {add = true}
      %dma_wait3A_715 = arith.constant 0 : i32
      %dma_wait3A_716 = tpu.memref_slice %arg9[%run_scoped3A, %dma_wait3A_715] : memref<4x128xi32, #tpu.memory_space<vmem>> -> memref<1x128xi32, #tpu.memory_space<vmem>>
      %dma_wait3A_717 = tpu.memref_squeeze %dma_wait3A_716 : memref<1x128xi32, #tpu.memory_space<vmem>> -> memref<128xi32, #tpu.memory_space<vmem>>
      %dma_wait3A_718 = arith.constant 0 : i32
      %dma_wait3A_719 = arith.constant 0 : i32
      %dma_wait3A_720 = tpu.memref_slice %arg11[%dma_wait3A_718, %dma_wait3A_719] : memref<2048x128xf32, #tpu.memory_space<vmem_shared>> -> memref<2048x128xf32, #tpu.memory_space<vmem_shared>>
      tpu.wait_indirect_dma semaphore(%run_scoped3A_708 : memref<!tpu.dma_semaphore, #tpu.memory_space<semaphore_mem>>) src(%arg10 : memref<128x128xf32, #tpu.memory_space<vmem>>) dst(%dma_wait3A_720 : memref<2048x128xf32, #tpu.memory_space<vmem_shared>>)
      tpu.yield
    }) : () -> ()
    %dma_start3A_598 = arith.constant 1 : i32
    %dma_start3A_599 = arith.constant 0 : i32
    %dma_start3A_600 = tpu.memref_slice %arg8[%dma_start3A_598, %dma_start3A_599] : memref<4x128xi32, #tpu.memory_space<vmem>> -> memref<1x128xi32, #tpu.memory_space<vmem>>
    %dma_start3A_601 = tpu.memref_squeeze %dma_start3A_600 : memref<1x128xi32, #tpu.memory_space<vmem>> -> memref<128xi32, #tpu.memory_space<vmem>>
    %dma_start3A_602 = arith.constant 0 : i32
    %dma_start3A_603 = arith.constant 0 : i32
    %dma_start3A_604 = tpu.memref_slice %arg2[%dma_start3A_602, %dma_start3A_603] : memref<2048x128xf32, #tpu.memory_space<hbm>> -> memref<2048x128xf32, #tpu.memory_space<hbm>>
    tpu.enqueue_indirect_dma source(%dma_start3A_604 : memref<2048x128xf32, #tpu.memory_space<hbm>>) target(%arg10 : memref<128x128xf32, #tpu.memory_space<vmem>>) offsets(%dma_start3A_601 : memref<128xi32, #tpu.memory_space<vmem>>) semaphore(%arg12 : memref<!tpu.dma_semaphore, #tpu.memory_space<semaphore_mem>>)
    %dma_wait3A_605 = arith.constant 1 : i32
    %dma_wait3A_606 = arith.constant 0 : i32
    %dma_wait3A_607 = tpu.memref_slice %arg8[%dma_wait3A_605, %dma_wait3A_606] : memref<4x128xi32, #tpu.memory_space<vmem>> -> memref<1x128xi32, #tpu.memory_space<vmem>>
    %dma_wait3A_608 = tpu.memref_squeeze %dma_wait3A_607 : memref<1x128xi32, #tpu.memory_space<vmem>> -> memref<128xi32, #tpu.memory_space<vmem>>
    %dma_wait3A_609 = arith.constant 0 : i32
    %dma_wait3A_610 = arith.constant 0 : i32
    %dma_wait3A_611 = tpu.memref_slice %arg2[%dma_wait3A_609, %dma_wait3A_610] : memref<2048x128xf32, #tpu.memory_space<hbm>> -> memref<2048x128xf32, #tpu.memory_space<hbm>>
    tpu.wait_indirect_dma semaphore(%arg12 : memref<!tpu.dma_semaphore, #tpu.memory_space<semaphore_mem>>) src(%dma_wait3A_611 : memref<2048x128xf32, #tpu.memory_space<hbm>>) dst(%arg10 : memref<128x128xf32, #tpu.memory_space<vmem>>)
    %run_scoped3A_612 = arith.constant 1 : i32
    "tpu.region"() ({
      %run_scoped3A_708 = tpu.sem_alloc : memref<!tpu.dma_semaphore, #tpu.memory_space<semaphore_mem>>
      %dma_start3A_709 = arith.constant 0 : i32
      %dma_start3A_710 = tpu.memref_slice %arg9[%run_scoped3A_612, %dma_start3A_709] : memref<4x128xi32, #tpu.memory_space<vmem>> -> memref<1x128xi32, #tpu.memory_space<vmem>>
      %dma_start3A_711 = tpu.memref_squeeze %dma_start3A_710 : memref<1x128xi32, #tpu.memory_space<vmem>> -> memref<128xi32, #tpu.memory_space<vmem>>
      %dma_start3A_712 = arith.constant 0 : i32
      %dma_start3A_713 = arith.constant 0 : i32
      %dma_start3A_714 = tpu.memref_slice %arg11[%dma_start3A_712, %dma_start3A_713] : memref<2048x128xf32, #tpu.memory_space<vmem_shared>> -> memref<2048x128xf32, #tpu.memory_space<vmem_shared>>
      tpu.enqueue_indirect_dma source(%arg10 : memref<128x128xf32, #tpu.memory_space<vmem>>) target(%dma_start3A_714 : memref<2048x128xf32, #tpu.memory_space<vmem_shared>>) offsets(%dma_start3A_711 : memref<128xi32, #tpu.memory_space<vmem>>) semaphore(%run_scoped3A_708 : memref<!tpu.dma_semaphore, #tpu.memory_space<semaphore_mem>>) {add = true}
      %dma_wait3A_715 = arith.constant 0 : i32
      %dma_wait3A_716 = tpu.memref_slice %arg9[%run_scoped3A_612, %dma_wait3A_715] : memref<4x128xi32, #tpu.memory_space<vmem>> -> memref<1x128xi32, #tpu.memory_space<vmem>>
      %dma_wait3A_717 = tpu.memref_squeeze %dma_wait3A_716 : memref<1x128xi32, #tpu.memory_space<vmem>> -> memref<128xi32, #tpu.memory_space<vmem>>
      %dma_wait3A_718 = arith.constant 0 : i32
      %dma_wait3A_719 = arith.constant 0 : i32
      %dma_wait3A_720 = tpu.memref_slice %arg11[%dma_wait3A_718, %dma_wait3A_719] : memref<2048x128xf32, #tpu.memory_space<vmem_shared>> -> memref<2048x128xf32, #tpu.memory_space<vmem_shared>>
      tpu.wait_indirect_dma semaphore(%run_scoped3A_708 : memref<!tpu.dma_semaphore, #tpu.memory_space<semaphore_mem>>) src(%arg10 : memref<128x128xf32, #tpu.memory_space<vmem>>) dst(%dma_wait3A_720 : memref<2048x128xf32, #tpu.memory_space<vmem_shared>>)
      tpu.yield
    }) : () -> ()
    %dma_start3A_613 = arith.constant 2 : i32
    %dma_start3A_614 = arith.constant 0 : i32
    %dma_start3A_615 = tpu.memref_slice %arg8[%dma_start3A_613, %dma_start3A_614] : memref<4x128xi32, #tpu.memory_space<vmem>> -> memref<1x128xi32, #tpu.memory_space<vmem>>
    %dma_start3A_616 = tpu.memref_squeeze %dma_start3A_615 : memref<1x128xi32, #tpu.memory_space<vmem>> -> memref<128xi32, #tpu.memory_space<vmem>>
    %dma_start3A_617 = arith.constant 0 : i32
    %dma_start3A_618 = arith.constant 0 : i32
    %dma_start3A_619 = tpu.memref_slice %arg2[%dma_start3A_617, %dma_start3A_618] : memref<2048x128xf32, #tpu.memory_space<hbm>> -> memref<2048x128xf32, #tpu.memory_space<hbm>>
    tpu.enqueue_indirect_dma source(%dma_start3A_619 : memref<2048x128xf32, #tpu.memory_space<hbm>>) target(%arg10 : memref<128x128xf32, #tpu.memory_space<vmem>>) offsets(%dma_start3A_616 : memref<128xi32, #tpu.memory_space<vmem>>) semaphore(%arg12 : memref<!tpu.dma_semaphore, #tpu.memory_space<semaphore_mem>>)
    %dma_wait3A_620 = arith.constant 2 : i32
    %dma_wait3A_621 = arith.constant 0 : i32
    %dma_wait3A_622 = tpu.memref_slice %arg8[%dma_wait3A_620, %dma_wait3A_621] : memref<4x128xi32, #tpu.memory_space<vmem>> -> memref<1x128xi32, #tpu.memory_space<vmem>>
    %dma_wait3A_623 = tpu.memref_squeeze %dma_wait3A_622 : memref<1x128xi32, #tpu.memory_space<vmem>> -> memref<128xi32, #tpu.memory_space<vmem>>
    %dma_wait3A_624 = arith.constant 0 : i32
    %dma_wait3A_625 = arith.constant 0 : i32
    %dma_wait3A_626 = tpu.memref_slice %arg2[%dma_wait3A_624, %dma_wait3A_625] : memref<2048x128xf32, #tpu.memory_space<hbm>> -> memref<2048x128xf32, #tpu.memory_space<hbm>>
    tpu.wait_indirect_dma semaphore(%arg12 : memref<!tpu.dma_semaphore, #tpu.memory_space<semaphore_mem>>) src(%dma_wait3A_626 : memref<2048x128xf32, #tpu.memory_space<hbm>>) dst(%arg10 : memref<128x128xf32, #tpu.memory_space<vmem>>)
    %run_scoped3A_627 = arith.constant 2 : i32
    "tpu.region"() ({
      %run_scoped3A_708 = tpu.sem_alloc : memref<!tpu.dma_semaphore, #tpu.memory_space<semaphore_mem>>
      %dma_start3A_709 = arith.constant 0 : i32
      %dma_start3A_710 = tpu.memref_slice %arg9[%run_scoped3A_627, %dma_start3A_709] : memref<4x128xi32, #tpu.memory_space<vmem>> -> memref<1x128xi32, #tpu.memory_space<vmem>>
      %dma_start3A_711 = tpu.memref_squeeze %dma_start3A_710 : memref<1x128xi32, #tpu.memory_space<vmem>> -> memref<128xi32, #tpu.memory_space<vmem>>
      %dma_start3A_712 = arith.constant 0 : i32
      %dma_start3A_713 = arith.constant 0 : i32
      %dma_start3A_714 = tpu.memref_slice %arg11[%dma_start3A_712, %dma_start3A_713] : memref<2048x128xf32, #tpu.memory_space<vmem_shared>> -> memref<2048x128xf32, #tpu.memory_space<vmem_shared>>
      tpu.enqueue_indirect_dma source(%arg10 : memref<128x128xf32, #tpu.memory_space<vmem>>) target(%dma_start3A_714 : memref<2048x128xf32, #tpu.memory_space<vmem_shared>>) offsets(%dma_start3A_711 : memref<128xi32, #tpu.memory_space<vmem>>) semaphore(%run_scoped3A_708 : memref<!tpu.dma_semaphore, #tpu.memory_space<semaphore_mem>>) {add = true}
      %dma_wait3A_715 = arith.constant 0 : i32
      %dma_wait3A_716 = tpu.memref_slice %arg9[%run_scoped3A_627, %dma_wait3A_715] : memref<4x128xi32, #tpu.memory_space<vmem>> -> memref<1x128xi32, #tpu.memory_space<vmem>>
      %dma_wait3A_717 = tpu.memref_squeeze %dma_wait3A_716 : memref<1x128xi32, #tpu.memory_space<vmem>> -> memref<128xi32, #tpu.memory_space<vmem>>
      %dma_wait3A_718 = arith.constant 0 : i32
      %dma_wait3A_719 = arith.constant 0 : i32
      %dma_wait3A_720 = tpu.memref_slice %arg11[%dma_wait3A_718, %dma_wait3A_719] : memref<2048x128xf32, #tpu.memory_space<vmem_shared>> -> memref<2048x128xf32, #tpu.memory_space<vmem_shared>>
      tpu.wait_indirect_dma semaphore(%run_scoped3A_708 : memref<!tpu.dma_semaphore, #tpu.memory_space<semaphore_mem>>) src(%arg10 : memref<128x128xf32, #tpu.memory_space<vmem>>) dst(%dma_wait3A_720 : memref<2048x128xf32, #tpu.memory_space<vmem_shared>>)
      tpu.yield
    }) : () -> ()
    %dma_start3A_628 = arith.constant 3 : i32
    %dma_start3A_629 = arith.constant 0 : i32
    %dma_start3A_630 = tpu.memref_slice %arg8[%dma_start3A_628, %dma_start3A_629] : memref<4x128xi32, #tpu.memory_space<vmem>> -> memref<1x128xi32, #tpu.memory_space<vmem>>
    %dma_start3A_631 = tpu.memref_squeeze %dma_start3A_630 : memref<1x128xi32, #tpu.memory_space<vmem>> -> memref<128xi32, #tpu.memory_space<vmem>>
    %dma_start3A_632 = arith.constant 0 : i32
    %dma_start3A_633 = arith.constant 0 : i32
    %dma_start3A_634 = tpu.memref_slice %arg2[%dma_start3A_632, %dma_start3A_633] : memref<2048x128xf32, #tpu.memory_space<hbm>> -> memref<2048x128xf32, #tpu.memory_space<hbm>>
    tpu.enqueue_indirect_dma source(%dma_start3A_634 : memref<2048x128xf32, #tpu.memory_space<hbm>>) target(%arg10 : memref<128x128xf32, #tpu.memory_space<vmem>>) offsets(%dma_start3A_631 : memref<128xi32, #tpu.memory_space<vmem>>) semaphore(%arg12 : memref<!tpu.dma_semaphore, #tpu.memory_space<semaphore_mem>>)
    %dma_wait3A_635 = arith.constant 3 : i32
    %dma_wait3A_636 = arith.constant 0 : i32
    %dma_wait3A_637 = tpu.memref_slice %arg8[%dma_wait3A_635, %dma_wait3A_636] : memref<4x128xi32, #tpu.memory_space<vmem>> -> memref<1x128xi32, #tpu.memory_space<vmem>>
    %dma_wait3A_638 = tpu.memref_squeeze %dma_wait3A_637 : memref<1x128xi32, #tpu.memory_space<vmem>> -> memref<128xi32, #tpu.memory_space<vmem>>
    %dma_wait3A_639 = arith.constant 0 : i32
    %dma_wait3A_640 = arith.constant 0 : i32
    %dma_wait3A_641 = tpu.memref_slice %arg2[%dma_wait3A_639, %dma_wait3A_640] : memref<2048x128xf32, #tpu.memory_space<hbm>> -> memref<2048x128xf32, #tpu.memory_space<hbm>>
    tpu.wait_indirect_dma semaphore(%arg12 : memref<!tpu.dma_semaphore, #tpu.memory_space<semaphore_mem>>) src(%dma_wait3A_641 : memref<2048x128xf32, #tpu.memory_space<hbm>>) dst(%arg10 : memref<128x128xf32, #tpu.memory_space<vmem>>)
    %run_scoped3A_642 = arith.constant 3 : i32
    "tpu.region"() ({
      %run_scoped3A_708 = tpu.sem_alloc : memref<!tpu.dma_semaphore, #tpu.memory_space<semaphore_mem>>
      %dma_start3A_709 = arith.constant 0 : i32
      %dma_start3A_710 = tpu.memref_slice %arg9[%run_scoped3A_642, %dma_start3A_709] : memref<4x128xi32, #tpu.memory_space<vmem>> -> memref<1x128xi32, #tpu.memory_space<vmem>>
      %dma_start3A_711 = tpu.memref_squeeze %dma_start3A_710 : memref<1x128xi32, #tpu.memory_space<vmem>> -> memref<128xi32, #tpu.memory_space<vmem>>
      %dma_start3A_712 = arith.constant 0 : i32
      %dma_start3A_713 = arith.constant 0 : i32
      %dma_start3A_714 = tpu.memref_slice %arg11[%dma_start3A_712, %dma_start3A_713] : memref<2048x128xf32, #tpu.memory_space<vmem_shared>> -> memref<2048x128xf32, #tpu.memory_space<vmem_shared>>
      tpu.enqueue_indirect_dma source(%arg10 : memref<128x128xf32, #tpu.memory_space<vmem>>) target(%dma_start3A_714 : memref<2048x128xf32, #tpu.memory_space<vmem_shared>>) offsets(%dma_start3A_711 : memref<128xi32, #tpu.memory_space<vmem>>) semaphore(%run_scoped3A_708 : memref<!tpu.dma_semaphore, #tpu.memory_space<semaphore_mem>>) {add = true}
      %dma_wait3A_715 = arith.constant 0 : i32
      %dma_wait3A_716 = tpu.memref_slice %arg9[%run_scoped3A_642, %dma_wait3A_715] : memref<4x128xi32, #tpu.memory_space<vmem>> -> memref<1x128xi32, #tpu.memory_space<vmem>>
      %dma_wait3A_717 = tpu.memref_squeeze %dma_wait3A_716 : memref<1x128xi32, #tpu.memory_space<vmem>> -> memref<128xi32, #tpu.memory_space<vmem>>
      %dma_wait3A_718 = arith.constant 0 : i32
      %dma_wait3A_719 = arith.constant 0 : i32
      %dma_wait3A_720 = tpu.memref_slice %arg11[%dma_wait3A_718, %dma_wait3A_719] : memref<2048x128xf32, #tpu.memory_space<vmem_shared>> -> memref<2048x128xf32, #tpu.memory_space<vmem_shared>>
      tpu.wait_indirect_dma semaphore(%run_scoped3A_708 : memref<!tpu.dma_semaphore, #tpu.memory_space<semaphore_mem>>) src(%arg10 : memref<128x128xf32, #tpu.memory_space<vmem>>) dst(%dma_wait3A_720 : memref<2048x128xf32, #tpu.memory_space<vmem_shared>>)
      tpu.yield
    }) : () -> ()
    %dma_start3A_643 = arith.constant 0 : i32
    %dma_start3A_644 = arith.constant 0 : i32
    %dma_start3A_645 = tpu.memref_slice %arg9[%dma_start3A_643, %dma_start3A_644] : memref<4x128xi32, #tpu.memory_space<vmem>> -> memref<1x128xi32, #tpu.memory_space<vmem>>
    %dma_start3A_646 = tpu.memref_squeeze %dma_start3A_645 : memref<1x128xi32, #tpu.memory_space<vmem>> -> memref<128xi32, #tpu.memory_space<vmem>>
    %dma_start3A_647 = arith.constant 0 : i32
    %dma_start3A_648 = arith.constant 0 : i32
    %dma_start3A_649 = tpu.memref_slice %arg2[%dma_start3A_647, %dma_start3A_648] : memref<2048x128xf32, #tpu.memory_space<hbm>> -> memref<2048x128xf32, #tpu.memory_space<hbm>>
    tpu.enqueue_indirect_dma source(%dma_start3A_649 : memref<2048x128xf32, #tpu.memory_space<hbm>>) target(%arg10 : memref<128x128xf32, #tpu.memory_space<vmem>>) offsets(%dma_start3A_646 : memref<128xi32, #tpu.memory_space<vmem>>) semaphore(%arg12 : memref<!tpu.dma_semaphore, #tpu.memory_space<semaphore_mem>>)
    %dma_wait3A_650 = arith.constant 0 : i32
    %dma_wait3A_651 = arith.constant 0 : i32
    %dma_wait3A_652 = tpu.memref_slice %arg9[%dma_wait3A_650, %dma_wait3A_651] : memref<4x128xi32, #tpu.memory_space<vmem>> -> memref<1x128xi32, #tpu.memory_space<vmem>>
    %dma_wait3A_653 = tpu.memref_squeeze %dma_wait3A_652 : memref<1x128xi32, #tpu.memory_space<vmem>> -> memref<128xi32, #tpu.memory_space<vmem>>
    %dma_wait3A_654 = arith.constant 0 : i32
    %dma_wait3A_655 = arith.constant 0 : i32
    %dma_wait3A_656 = tpu.memref_slice %arg2[%dma_wait3A_654, %dma_wait3A_655] : memref<2048x128xf32, #tpu.memory_space<hbm>> -> memref<2048x128xf32, #tpu.memory_space<hbm>>
    tpu.wait_indirect_dma semaphore(%arg12 : memref<!tpu.dma_semaphore, #tpu.memory_space<semaphore_mem>>) src(%dma_wait3A_656 : memref<2048x128xf32, #tpu.memory_space<hbm>>) dst(%arg10 : memref<128x128xf32, #tpu.memory_space<vmem>>)
    %run_scoped3A_657 = arith.constant 0 : i32
    "tpu.region"() ({
      %run_scoped3A_708 = tpu.sem_alloc : memref<!tpu.dma_semaphore, #tpu.memory_space<semaphore_mem>>
      %dma_start3A_709 = arith.constant 0 : i32
      %dma_start3A_710 = tpu.memref_slice %arg8[%run_scoped3A_657, %dma_start3A_709] : memref<4x128xi32, #tpu.memory_space<vmem>> -> memref<1x128xi32, #tpu.memory_space<vmem>>
      %dma_start3A_711 = tpu.memref_squeeze %dma_start3A_710 : memref<1x128xi32, #tpu.memory_space<vmem>> -> memref<128xi32, #tpu.memory_space<vmem>>
      %dma_start3A_712 = arith.constant 0 : i32
      %dma_start3A_713 = arith.constant 0 : i32
      %dma_start3A_714 = tpu.memref_slice %arg11[%dma_start3A_712, %dma_start3A_713] : memref<2048x128xf32, #tpu.memory_space<vmem_shared>> -> memref<2048x128xf32, #tpu.memory_space<vmem_shared>>
      tpu.enqueue_indirect_dma source(%arg10 : memref<128x128xf32, #tpu.memory_space<vmem>>) target(%dma_start3A_714 : memref<2048x128xf32, #tpu.memory_space<vmem_shared>>) offsets(%dma_start3A_711 : memref<128xi32, #tpu.memory_space<vmem>>) semaphore(%run_scoped3A_708 : memref<!tpu.dma_semaphore, #tpu.memory_space<semaphore_mem>>) {add = true}
      %dma_wait3A_715 = arith.constant 0 : i32
      %dma_wait3A_716 = tpu.memref_slice %arg8[%run_scoped3A_657, %dma_wait3A_715] : memref<4x128xi32, #tpu.memory_space<vmem>> -> memref<1x128xi32, #tpu.memory_space<vmem>>
      %dma_wait3A_717 = tpu.memref_squeeze %dma_wait3A_716 : memref<1x128xi32, #tpu.memory_space<vmem>> -> memref<128xi32, #tpu.memory_space<vmem>>
      %dma_wait3A_718 = arith.constant 0 : i32
      %dma_wait3A_719 = arith.constant 0 : i32
      %dma_wait3A_720 = tpu.memref_slice %arg11[%dma_wait3A_718, %dma_wait3A_719] : memref<2048x128xf32, #tpu.memory_space<vmem_shared>> -> memref<2048x128xf32, #tpu.memory_space<vmem_shared>>
      tpu.wait_indirect_dma semaphore(%run_scoped3A_708 : memref<!tpu.dma_semaphore, #tpu.memory_space<semaphore_mem>>) src(%arg10 : memref<128x128xf32, #tpu.memory_space<vmem>>) dst(%dma_wait3A_720 : memref<2048x128xf32, #tpu.memory_space<vmem_shared>>)
      tpu.yield
    }) : () -> ()
    %dma_start3A_658 = arith.constant 1 : i32
    %dma_start3A_659 = arith.constant 0 : i32
    %dma_start3A_660 = tpu.memref_slice %arg9[%dma_start3A_658, %dma_start3A_659] : memref<4x128xi32, #tpu.memory_space<vmem>> -> memref<1x128xi32, #tpu.memory_space<vmem>>
    %dma_start3A_661 = tpu.memref_squeeze %dma_start3A_660 : memref<1x128xi32, #tpu.memory_space<vmem>> -> memref<128xi32, #tpu.memory_space<vmem>>
    %dma_start3A_662 = arith.constant 0 : i32
    %dma_start3A_663 = arith.constant 0 : i32
    %dma_start3A_664 = tpu.memref_slice %arg2[%dma_start3A_662, %dma_start3A_663] : memref<2048x128xf32, #tpu.memory_space<hbm>> -> memref<2048x128xf32, #tpu.memory_space<hbm>>
    tpu.enqueue_indirect_dma source(%dma_start3A_664 : memref<2048x128xf32, #tpu.memory_space<hbm>>) target(%arg10 : memref<128x128xf32, #tpu.memory_space<vmem>>) offsets(%dma_start3A_661 : memref<128xi32, #tpu.memory_space<vmem>>) semaphore(%arg12 : memref<!tpu.dma_semaphore, #tpu.memory_space<semaphore_mem>>)
    %dma_wait3A_665 = arith.constant 1 : i32
    %dma_wait3A_666 = arith.constant 0 : i32
    %dma_wait3A_667 = tpu.memref_slice %arg9[%dma_wait3A_665, %dma_wait3A_666] : memref<4x128xi32, #tpu.memory_space<vmem>> -> memref<1x128xi32, #tpu.memory_space<vmem>>
    %dma_wait3A_668 = tpu.memref_squeeze %dma_wait3A_667 : memref<1x128xi32, #tpu.memory_space<vmem>> -> memref<128xi32, #tpu.memory_space<vmem>>
    %dma_wait3A_669 = arith.constant 0 : i32
    %dma_wait3A_670 = arith.constant 0 : i32
    %dma_wait3A_671 = tpu.memref_slice %arg2[%dma_wait3A_669, %dma_wait3A_670] : memref<2048x128xf32, #tpu.memory_space<hbm>> -> memref<2048x128xf32, #tpu.memory_space<hbm>>
    tpu.wait_indirect_dma semaphore(%arg12 : memref<!tpu.dma_semaphore, #tpu.memory_space<semaphore_mem>>) src(%dma_wait3A_671 : memref<2048x128xf32, #tpu.memory_space<hbm>>) dst(%arg10 : memref<128x128xf32, #tpu.memory_space<vmem>>)
    %run_scoped3A_672 = arith.constant 1 : i32
    "tpu.region"() ({
      %run_scoped3A_708 = tpu.sem_alloc : memref<!tpu.dma_semaphore, #tpu.memory_space<semaphore_mem>>
      %dma_start3A_709 = arith.constant 0 : i32
      %dma_start3A_710 = tpu.memref_slice %arg8[%run_scoped3A_672, %dma_start3A_709] : memref<4x128xi32, #tpu.memory_space<vmem>> -> memref<1x128xi32, #tpu.memory_space<vmem>>
      %dma_start3A_711 = tpu.memref_squeeze %dma_start3A_710 : memref<1x128xi32, #tpu.memory_space<vmem>> -> memref<128xi32, #tpu.memory_space<vmem>>
      %dma_start3A_712 = arith.constant 0 : i32
      %dma_start3A_713 = arith.constant 0 : i32
      %dma_start3A_714 = tpu.memref_slice %arg11[%dma_start3A_712, %dma_start3A_713] : memref<2048x128xf32, #tpu.memory_space<vmem_shared>> -> memref<2048x128xf32, #tpu.memory_space<vmem_shared>>
      tpu.enqueue_indirect_dma source(%arg10 : memref<128x128xf32, #tpu.memory_space<vmem>>) target(%dma_start3A_714 : memref<2048x128xf32, #tpu.memory_space<vmem_shared>>) offsets(%dma_start3A_711 : memref<128xi32, #tpu.memory_space<vmem>>) semaphore(%run_scoped3A_708 : memref<!tpu.dma_semaphore, #tpu.memory_space<semaphore_mem>>) {add = true}
      %dma_wait3A_715 = arith.constant 0 : i32
      %dma_wait3A_716 = tpu.memref_slice %arg8[%run_scoped3A_672, %dma_wait3A_715] : memref<4x128xi32, #tpu.memory_space<vmem>> -> memref<1x128xi32, #tpu.memory_space<vmem>>
      %dma_wait3A_717 = tpu.memref_squeeze %dma_wait3A_716 : memref<1x128xi32, #tpu.memory_space<vmem>> -> memref<128xi32, #tpu.memory_space<vmem>>
      %dma_wait3A_718 = arith.constant 0 : i32
      %dma_wait3A_719 = arith.constant 0 : i32
      %dma_wait3A_720 = tpu.memref_slice %arg11[%dma_wait3A_718, %dma_wait3A_719] : memref<2048x128xf32, #tpu.memory_space<vmem_shared>> -> memref<2048x128xf32, #tpu.memory_space<vmem_shared>>
      tpu.wait_indirect_dma semaphore(%run_scoped3A_708 : memref<!tpu.dma_semaphore, #tpu.memory_space<semaphore_mem>>) src(%arg10 : memref<128x128xf32, #tpu.memory_space<vmem>>) dst(%dma_wait3A_720 : memref<2048x128xf32, #tpu.memory_space<vmem_shared>>)
      tpu.yield
    }) : () -> ()
    %dma_start3A_673 = arith.constant 2 : i32
    %dma_start3A_674 = arith.constant 0 : i32
    %dma_start3A_675 = tpu.memref_slice %arg9[%dma_start3A_673, %dma_start3A_674] : memref<4x128xi32, #tpu.memory_space<vmem>> -> memref<1x128xi32, #tpu.memory_space<vmem>>
    %dma_start3A_676 = tpu.memref_squeeze %dma_start3A_675 : memref<1x128xi32, #tpu.memory_space<vmem>> -> memref<128xi32, #tpu.memory_space<vmem>>
    %dma_start3A_677 = arith.constant 0 : i32
    %dma_start3A_678 = arith.constant 0 : i32
    %dma_start3A_679 = tpu.memref_slice %arg2[%dma_start3A_677, %dma_start3A_678] : memref<2048x128xf32, #tpu.memory_space<hbm>> -> memref<2048x128xf32, #tpu.memory_space<hbm>>
    tpu.enqueue_indirect_dma source(%dma_start3A_679 : memref<2048x128xf32, #tpu.memory_space<hbm>>) target(%arg10 : memref<128x128xf32, #tpu.memory_space<vmem>>) offsets(%dma_start3A_676 : memref<128xi32, #tpu.memory_space<vmem>>) semaphore(%arg12 : memref<!tpu.dma_semaphore, #tpu.memory_space<semaphore_mem>>)
    %dma_wait3A_680 = arith.constant 2 : i32
    %dma_wait3A_681 = arith.constant 0 : i32
    %dma_wait3A_682 = tpu.memref_slice %arg9[%dma_wait3A_680, %dma_wait3A_681] : memref<4x128xi32, #tpu.memory_space<vmem>> -> memref<1x128xi32, #tpu.memory_space<vmem>>
    %dma_wait3A_683 = tpu.memref_squeeze %dma_wait3A_682 : memref<1x128xi32, #tpu.memory_space<vmem>> -> memref<128xi32, #tpu.memory_space<vmem>>
    %dma_wait3A_684 = arith.constant 0 : i32
    %dma_wait3A_685 = arith.constant 0 : i32
    %dma_wait3A_686 = tpu.memref_slice %arg2[%dma_wait3A_684, %dma_wait3A_685] : memref<2048x128xf32, #tpu.memory_space<hbm>> -> memref<2048x128xf32, #tpu.memory_space<hbm>>
    tpu.wait_indirect_dma semaphore(%arg12 : memref<!tpu.dma_semaphore, #tpu.memory_space<semaphore_mem>>) src(%dma_wait3A_686 : memref<2048x128xf32, #tpu.memory_space<hbm>>) dst(%arg10 : memref<128x128xf32, #tpu.memory_space<vmem>>)
    %run_scoped3A_687 = arith.constant 2 : i32
    "tpu.region"() ({
      %run_scoped3A_708 = tpu.sem_alloc : memref<!tpu.dma_semaphore, #tpu.memory_space<semaphore_mem>>
      %dma_start3A_709 = arith.constant 0 : i32
      %dma_start3A_710 = tpu.memref_slice %arg8[%run_scoped3A_687, %dma_start3A_709] : memref<4x128xi32, #tpu.memory_space<vmem>> -> memref<1x128xi32, #tpu.memory_space<vmem>>
      %dma_start3A_711 = tpu.memref_squeeze %dma_start3A_710 : memref<1x128xi32, #tpu.memory_space<vmem>> -> memref<128xi32, #tpu.memory_space<vmem>>
      %dma_start3A_712 = arith.constant 0 : i32
      %dma_start3A_713 = arith.constant 0 : i32
      %dma_start3A_714 = tpu.memref_slice %arg11[%dma_start3A_712, %dma_start3A_713] : memref<2048x128xf32, #tpu.memory_space<vmem_shared>> -> memref<2048x128xf32, #tpu.memory_space<vmem_shared>>
      tpu.enqueue_indirect_dma source(%arg10 : memref<128x128xf32, #tpu.memory_space<vmem>>) target(%dma_start3A_714 : memref<2048x128xf32, #tpu.memory_space<vmem_shared>>) offsets(%dma_start3A_711 : memref<128xi32, #tpu.memory_space<vmem>>) semaphore(%run_scoped3A_708 : memref<!tpu.dma_semaphore, #tpu.memory_space<semaphore_mem>>) {add = true}
      %dma_wait3A_715 = arith.constant 0 : i32
      %dma_wait3A_716 = tpu.memref_slice %arg8[%run_scoped3A_687, %dma_wait3A_715] : memref<4x128xi32, #tpu.memory_space<vmem>> -> memref<1x128xi32, #tpu.memory_space<vmem>>
      %dma_wait3A_717 = tpu.memref_squeeze %dma_wait3A_716 : memref<1x128xi32, #tpu.memory_space<vmem>> -> memref<128xi32, #tpu.memory_space<vmem>>
      %dma_wait3A_718 = arith.constant 0 : i32
      %dma_wait3A_719 = arith.constant 0 : i32
      %dma_wait3A_720 = tpu.memref_slice %arg11[%dma_wait3A_718, %dma_wait3A_719] : memref<2048x128xf32, #tpu.memory_space<vmem_shared>> -> memref<2048x128xf32, #tpu.memory_space<vmem_shared>>
      tpu.wait_indirect_dma semaphore(%run_scoped3A_708 : memref<!tpu.dma_semaphore, #tpu.memory_space<semaphore_mem>>) src(%arg10 : memref<128x128xf32, #tpu.memory_space<vmem>>) dst(%dma_wait3A_720 : memref<2048x128xf32, #tpu.memory_space<vmem_shared>>)
      tpu.yield
    }) : () -> ()
    %dma_start3A_688 = arith.constant 3 : i32
    %dma_start3A_689 = arith.constant 0 : i32
    %dma_start3A_690 = tpu.memref_slice %arg9[%dma_start3A_688, %dma_start3A_689] : memref<4x128xi32, #tpu.memory_space<vmem>> -> memref<1x128xi32, #tpu.memory_space<vmem>>
    %dma_start3A_691 = tpu.memref_squeeze %dma_start3A_690 : memref<1x128xi32, #tpu.memory_space<vmem>> -> memref<128xi32, #tpu.memory_space<vmem>>
    %dma_start3A_692 = arith.constant 0 : i32
    %dma_start3A_693 = arith.constant 0 : i32
    %dma_start3A_694 = tpu.memref_slice %arg2[%dma_start3A_692, %dma_start3A_693] : memref<2048x128xf32, #tpu.memory_space<hbm>> -> memref<2048x128xf32, #tpu.memory_space<hbm>>
    tpu.enqueue_indirect_dma source(%dma_start3A_694 : memref<2048x128xf32, #tpu.memory_space<hbm>>) target(%arg10 : memref<128x128xf32, #tpu.memory_space<vmem>>) offsets(%dma_start3A_691 : memref<128xi32, #tpu.memory_space<vmem>>) semaphore(%arg12 : memref<!tpu.dma_semaphore, #tpu.memory_space<semaphore_mem>>)
    %dma_wait3A_695 = arith.constant 3 : i32
    %dma_wait3A_696 = arith.constant 0 : i32
    %dma_wait3A_697 = tpu.memref_slice %arg9[%dma_wait3A_695, %dma_wait3A_696] : memref<4x128xi32, #tpu.memory_space<vmem>> -> memref<1x128xi32, #tpu.memory_space<vmem>>
    %dma_wait3A_698 = tpu.memref_squeeze %dma_wait3A_697 : memref<1x128xi32, #tpu.memory_space<vmem>> -> memref<128xi32, #tpu.memory_space<vmem>>
    %dma_wait3A_699 = arith.constant 0 : i32
    %dma_wait3A_700 = arith.constant 0 : i32
    %dma_wait3A_701 = tpu.memref_slice %arg2[%dma_wait3A_699, %dma_wait3A_700] : memref<2048x128xf32, #tpu.memory_space<hbm>> -> memref<2048x128xf32, #tpu.memory_space<hbm>>
    tpu.wait_indirect_dma semaphore(%arg12 : memref<!tpu.dma_semaphore, #tpu.memory_space<semaphore_mem>>) src(%dma_wait3A_701 : memref<2048x128xf32, #tpu.memory_space<hbm>>) dst(%arg10 : memref<128x128xf32, #tpu.memory_space<vmem>>)
    %run_scoped3A_702 = arith.constant 3 : i32
    "tpu.region"() ({
      %run_scoped3A_708 = tpu.sem_alloc : memref<!tpu.dma_semaphore, #tpu.memory_space<semaphore_mem>>
      %dma_start3A_709 = arith.constant 0 : i32
      %dma_start3A_710 = tpu.memref_slice %arg8[%run_scoped3A_702, %dma_start3A_709] : memref<4x128xi32, #tpu.memory_space<vmem>> -> memref<1x128xi32, #tpu.memory_space<vmem>>
      %dma_start3A_711 = tpu.memref_squeeze %dma_start3A_710 : memref<1x128xi32, #tpu.memory_space<vmem>> -> memref<128xi32, #tpu.memory_space<vmem>>
      %dma_start3A_712 = arith.constant 0 : i32
      %dma_start3A_713 = arith.constant 0 : i32
      %dma_start3A_714 = tpu.memref_slice %arg11[%dma_start3A_712, %dma_start3A_713] : memref<2048x128xf32, #tpu.memory_space<vmem_shared>> -> memref<2048x128xf32, #tpu.memory_space<vmem_shared>>
      tpu.enqueue_indirect_dma source(%arg10 : memref<128x128xf32, #tpu.memory_space<vmem>>) target(%dma_start3A_714 : memref<2048x128xf32, #tpu.memory_space<vmem_shared>>) offsets(%dma_start3A_711 : memref<128xi32, #tpu.memory_space<vmem>>) semaphore(%run_scoped3A_708 : memref<!tpu.dma_semaphore, #tpu.memory_space<semaphore_mem>>) {add = true}
      %dma_wait3A_715 = arith.constant 0 : i32
      %dma_wait3A_716 = tpu.memref_slice %arg8[%run_scoped3A_702, %dma_wait3A_715] : memref<4x128xi32, #tpu.memory_space<vmem>> -> memref<1x128xi32, #tpu.memory_space<vmem>>
      %dma_wait3A_717 = tpu.memref_squeeze %dma_wait3A_716 : memref<1x128xi32, #tpu.memory_space<vmem>> -> memref<128xi32, #tpu.memory_space<vmem>>
      %dma_wait3A_718 = arith.constant 0 : i32
      %dma_wait3A_719 = arith.constant 0 : i32
      %dma_wait3A_720 = tpu.memref_slice %arg11[%dma_wait3A_718, %dma_wait3A_719] : memref<2048x128xf32, #tpu.memory_space<vmem_shared>> -> memref<2048x128xf32, #tpu.memory_space<vmem_shared>>
      tpu.wait_indirect_dma semaphore(%run_scoped3A_708 : memref<!tpu.dma_semaphore, #tpu.memory_space<semaphore_mem>>) src(%arg10 : memref<128x128xf32, #tpu.memory_space<vmem>>) dst(%dma_wait3A_720 : memref<2048x128xf32, #tpu.memory_space<vmem_shared>>)
      tpu.yield
    }) : () -> ()
    %barrier3A_703 = arith.constant 0 : index
    tpu.barrier barrier_id(%barrier3A_703)
    %mul3A_704 = arith.constant 128 : i32
    %mul3A_705 = arith.muli %arg1, %mul3A_704 : i32
    "tpu.region"() ({
      %run_scoped3A_708 = tpu.sem_alloc : memref<!tpu.dma_semaphore, #tpu.memory_space<semaphore_mem>>
      %dma_start3A_709 = arith.constant 0 : i32
      %dma_start3A_710 = tpu.memref_slice %arg11[%mul3A_705, %dma_start3A_709] : memref<2048x128xf32, #tpu.memory_space<vmem_shared>> -> memref<128x128xf32, #tpu.memory_space<vmem_shared>>
      %dma_start3A_711 = arith.constant 0 : i32
      %dma_start3A_712 = tpu.memref_slice %arg11[%mul3A_705, %dma_start3A_711] : memref<2048x128xf32, #tpu.memory_space<vmem_shared>> -> memref<128x128xf32, #tpu.memory_space<vmem_shared>>
      tpu.enqueue_dma source(%dma_start3A_712 : memref<128x128xf32, #tpu.memory_space<vmem_shared>>) target(%arg10 : memref<128x128xf32, #tpu.memory_space<vmem>>) target_semaphore(%run_scoped3A_708 : memref<!tpu.dma_semaphore, #tpu.memory_space<semaphore_mem>>)
      %dma_wait3A_713 = arith.constant 0 : i32
      %dma_wait3A_714 = tpu.memref_slice %arg11[%mul3A_705, %dma_wait3A_713] : memref<2048x128xf32, #tpu.memory_space<vmem_shared>> -> memref<128x128xf32, #tpu.memory_space<vmem_shared>>
      %dma_wait3A_715 = arith.constant 0 : i32
      %dma_wait3A_716 = tpu.memref_slice %arg11[%mul3A_705, %dma_wait3A_715] : memref<2048x128xf32, #tpu.memory_space<vmem_shared>> -> memref<128x128xf32, #tpu.memory_space<vmem_shared>>
      tpu.wait_dma2 semaphore(%run_scoped3A_708 : memref<!tpu.dma_semaphore, #tpu.memory_space<semaphore_mem>>) src(%dma_wait3A_716 : memref<128x128xf32, #tpu.memory_space<vmem_shared>>) dst(%arg10 : memref<128x128xf32, #tpu.memory_space<vmem>>)
      tpu.yield
    }) : () -> ()
    %mul3A_706 = arith.constant 128 : i32
    %mul3A_707 = arith.muli %arg1, %mul3A_706 : i32
    "tpu.region"() ({
      %run_scoped3A_708 = tpu.sem_alloc : memref<!tpu.dma_semaphore, #tpu.memory_space<semaphore_mem>>
      %dma_start3A_709 = arith.constant 0 : i32
      %dma_start3A_710 = tpu.memref_slice %arg5[%arg0, %mul3A_707, %dma_start3A_709] : memref<2x2048x128xf32, #tpu.memory_space<hbm>> -> memref<1x128x128xf32, #tpu.memory_space<hbm>>
      %dma_start3A_711 = tpu.memref_squeeze %dma_start3A_710 : memref<1x128x128xf32, #tpu.memory_space<hbm>> -> memref<128x128xf32, #tpu.memory_space<hbm>>
      %dma_start3A_712 = arith.constant 0 : i32
      %dma_start3A_713 = tpu.memref_slice %arg5[%arg0, %mul3A_707, %dma_start3A_712] : memref<2x2048x128xf32, #tpu.memory_space<hbm>> -> memref<1x128x128xf32, #tpu.memory_space<hbm>>
      %dma_start3A_714 = tpu.memref_squeeze %dma_start3A_713 : memref<1x128x128xf32, #tpu.memory_space<hbm>> -> memref<128x128xf32, #tpu.memory_space<hbm>>
      tpu.enqueue_dma source(%arg10 : memref<128x128xf32, #tpu.memory_space<vmem>>) target(%dma_start3A_714 : memref<128x128xf32, #tpu.memory_space<hbm>>) target_semaphore(%run_scoped3A_708 : memref<!tpu.dma_semaphore, #tpu.memory_space<semaphore_mem>>)
      %dma_wait3A_715 = arith.constant 0 : i32
      %dma_wait3A_716 = tpu.memref_slice %arg5[%arg0, %mul3A_707, %dma_wait3A_715] : memref<2x2048x128xf32, #tpu.memory_space<hbm>> -> memref<1x128x128xf32, #tpu.memory_space<hbm>>
      %dma_wait3A_717 = tpu.memref_squeeze %dma_wait3A_716 : memref<1x128x128xf32, #tpu.memory_space<hbm>> -> memref<128x128xf32, #tpu.memory_space<hbm>>
      %dma_wait3A_718 = arith.constant 0 : i32
      %dma_wait3A_719 = tpu.memref_slice %arg5[%arg0, %mul3A_707, %dma_wait3A_718] : memref<2x2048x128xf32, #tpu.memory_space<hbm>> -> memref<1x128x128xf32, #tpu.memory_space<hbm>>
      %dma_wait3A_720 = tpu.memref_squeeze %dma_wait3A_719 : memref<1x128x128xf32, #tpu.memory_space<hbm>> -> memref<128x128xf32, #tpu.memory_space<hbm>>
      tpu.wait_dma2 semaphore(%run_scoped3A_708 : memref<!tpu.dma_semaphore, #tpu.memory_space<semaphore_mem>>) src(%arg10 : memref<128x128xf32, #tpu.memory_space<vmem>>) dst(%dma_wait3A_720 : memref<128x128xf32, #tpu.memory_space<hbm>>)
      tpu.yield
    }) : () -> ()
    return
  }
}

#map = affine_map<(d0, d1) -> (0, 0)>
module attributes {stable_mosaic.version = 14 : i64} {
  func.func @_sc2_body(%arg0: i32, %arg1: i32, %arg2: memref<2048x128xf32, #tpu.memory_space<hbm>>, %arg3: memref<128x128xf32, #tpu.memory_space<hbm>>, %arg4: memref<128x128xf32, #tpu.memory_space<hbm>>, %arg5: memref<16384x64xf32, #tpu.memory_space<hbm>>, %arg6: memref<4x128xf32, #tpu.memory_space<vmem>>, %arg7: memref<4x128xf32, #tpu.memory_space<vmem>>, %arg8: memref<4x128xi32, #tpu.memory_space<vmem>>, %arg9: memref<4x128xi32, #tpu.memory_space<vmem>>, %arg10: memref<128x128xf32, #tpu.memory_space<vmem>>, %arg11: memref<128x128xf32, #tpu.memory_space<vmem>>, %arg12: memref<128x64xf32, #tpu.memory_space<vmem>>, %arg13: memref<!tpu.dma_semaphore, #tpu.memory_space<semaphore_mem>>, %arg14: memref<!tpu.dma_semaphore, #tpu.memory_space<semaphore_mem>>) attributes {dimension_semantics = [#tpu.dimension_semantics<core_parallel>, #tpu.dimension_semantics<subcore_parallel>], iteration_bounds = array<i64: 2, 16>, scalar_prefetch = 0 : i64, scratch_operands = 9 : i64, tpu.core_type = #tpu.core_type<sc_vector_subcore>, window_params = [{transform_indices = #map}, {transform_indices = #map}, {transform_indices = #map}, {transform_indices = #map}]} {
    %mul3A = arith.constant 16 : i32
    %mul3A_0 = arith.muli %arg0, %mul3A : i32
    %add3A = arith.addi %mul3A_0, %arg1 : i32
    %mul3A_1 = arith.constant 4 : i32
    %mul3A_2 = arith.muli %add3A, %mul3A_1 : i32
    "tpu.region"() ({
      %run_scoped3A = tpu.sem_alloc : memref<!tpu.dma_semaphore, #tpu.memory_space<semaphore_mem>>
      %dma_start3A_721 = arith.constant 0 : i32
      %dma_start3A_722 = tpu.memref_slice %arg3[%mul3A_2, %dma_start3A_721] : memref<128x128xf32, #tpu.memory_space<hbm>> -> memref<4x128xf32, #tpu.memory_space<hbm>>
      %dma_start3A_723 = arith.constant 0 : i32
      %dma_start3A_724 = tpu.memref_slice %arg3[%mul3A_2, %dma_start3A_723] : memref<128x128xf32, #tpu.memory_space<hbm>> -> memref<4x128xf32, #tpu.memory_space<hbm>>
      tpu.enqueue_dma source(%dma_start3A_724 : memref<4x128xf32, #tpu.memory_space<hbm>>) target(%arg6 : memref<4x128xf32, #tpu.memory_space<vmem>>) target_semaphore(%run_scoped3A : memref<!tpu.dma_semaphore, #tpu.memory_space<semaphore_mem>>)
      %dma_wait3A_725 = arith.constant 0 : i32
      %dma_wait3A_726 = tpu.memref_slice %arg3[%mul3A_2, %dma_wait3A_725] : memref<128x128xf32, #tpu.memory_space<hbm>> -> memref<4x128xf32, #tpu.memory_space<hbm>>
      %dma_wait3A_727 = arith.constant 0 : i32
      %dma_wait3A_728 = tpu.memref_slice %arg3[%mul3A_2, %dma_wait3A_727] : memref<128x128xf32, #tpu.memory_space<hbm>> -> memref<4x128xf32, #tpu.memory_space<hbm>>
      tpu.wait_dma2 semaphore(%run_scoped3A : memref<!tpu.dma_semaphore, #tpu.memory_space<semaphore_mem>>) src(%dma_wait3A_728 : memref<4x128xf32, #tpu.memory_space<hbm>>) dst(%arg6 : memref<4x128xf32, #tpu.memory_space<vmem>>)
      tpu.yield
    }) : () -> ()
    %get3A = arith.constant 0 : i32
    %get3A_3 = arith.index_cast %get3A : i32 to index
    %get3A_4 = arith.constant 0 : index
    %get3A_5 = tpu.vector_load %arg6[%get3A_3, %get3A_4] {strides = array<i32>} : memref<4x128xf32, #tpu.memory_space<vmem>>, vector<16xf32>,
    %bitcast3A = vector.bitcast %get3A_5 : vector<16xf32> to vector<16xi32>
    %swap3A = arith.constant 0 : i32
    %swap3A_6 = arith.index_cast %swap3A : i32 to index
    %swap3A_7 = arith.constant 0 : index
    %swap3A_8 = tpu.vector_load %arg8[%swap3A_6, %swap3A_7] {strides = array<i32>} : memref<4x128xi32, #tpu.memory_space<vmem>>, vector<16xi32>,
    tpu.vector_store %arg8[%swap3A_6, %swap3A_7], %bitcast3A {strides = array<i32>} : memref<4x128xi32, #tpu.memory_space<vmem>>, vector<16xi32>,
    %get3A_9 = arith.constant 0 : i32
    %get3A_10 = arith.index_cast %get3A_9 : i32 to index
    %get3A_11 = arith.constant 16 : index
    %get3A_12 = tpu.vector_load %arg6[%get3A_10, %get3A_11] {strides = array<i32>} : memref<4x128xf32, #tpu.memory_space<vmem>>, vector<16xf32>,
    %bitcast3A_13 = vector.bitcast %get3A_12 : vector<16xf32> to vector<16xi32>
    %swap3A_14 = arith.constant 0 : i32
    %swap3A_15 = arith.index_cast %swap3A_14 : i32 to index
    %swap3A_16 = arith.constant 16 : index
    %swap3A_17 = tpu.vector_load %arg8[%swap3A_15, %swap3A_16] {strides = array<i32>} : memref<4x128xi32, #tpu.memory_space<vmem>>, vector<16xi32>,
    tpu.vector_store %arg8[%swap3A_15, %swap3A_16], %bitcast3A_13 {strides = array<i32>} : memref<4x128xi32, #tpu.memory_space<vmem>>, vector<16xi32>,
    %get3A_18 = arith.constant 0 : i32
    %get3A_19 = arith.index_cast %get3A_18 : i32 to index
    %get3A_20 = arith.constant 32 : index
    %get3A_21 = tpu.vector_load %arg6[%get3A_19, %get3A_20] {strides = array<i32>} : memref<4x128xf32, #tpu.memory_space<vmem>>, vector<16xf32>,
    %bitcast3A_22 = vector.bitcast %get3A_21 : vector<16xf32> to vector<16xi32>
    %swap3A_23 = arith.constant 0 : i32
    %swap3A_24 = arith.index_cast %swap3A_23 : i32 to index
    %swap3A_25 = arith.constant 32 : index
    %swap3A_26 = tpu.vector_load %arg8[%swap3A_24, %swap3A_25] {strides = array<i32>} : memref<4x128xi32, #tpu.memory_space<vmem>>, vector<16xi32>,
    tpu.vector_store %arg8[%swap3A_24, %swap3A_25], %bitcast3A_22 {strides = array<i32>} : memref<4x128xi32, #tpu.memory_space<vmem>>, vector<16xi32>,
    %get3A_27 = arith.constant 0 : i32
    %get3A_28 = arith.index_cast %get3A_27 : i32 to index
    %get3A_29 = arith.constant 48 : index
    %get3A_30 = tpu.vector_load %arg6[%get3A_28, %get3A_29] {strides = array<i32>} : memref<4x128xf32, #tpu.memory_space<vmem>>, vector<16xf32>,
    %bitcast3A_31 = vector.bitcast %get3A_30 : vector<16xf32> to vector<16xi32>
    %swap3A_32 = arith.constant 0 : i32
    %swap3A_33 = arith.index_cast %swap3A_32 : i32 to index
    %swap3A_34 = arith.constant 48 : index
    %swap3A_35 = tpu.vector_load %arg8[%swap3A_33, %swap3A_34] {strides = array<i32>} : memref<4x128xi32, #tpu.memory_space<vmem>>, vector<16xi32>,
    tpu.vector_store %arg8[%swap3A_33, %swap3A_34], %bitcast3A_31 {strides = array<i32>} : memref<4x128xi32, #tpu.memory_space<vmem>>, vector<16xi32>,
    %get3A_36 = arith.constant 0 : i32
    %get3A_37 = arith.index_cast %get3A_36 : i32 to index
    %get3A_38 = arith.constant 64 : index
    %get3A_39 = tpu.vector_load %arg6[%get3A_37, %get3A_38] {strides = array<i32>} : memref<4x128xf32, #tpu.memory_space<vmem>>, vector<16xf32>,
    %bitcast3A_40 = vector.bitcast %get3A_39 : vector<16xf32> to vector<16xi32>
    %swap3A_41 = arith.constant 0 : i32
    %swap3A_42 = arith.index_cast %swap3A_41 : i32 to index
    %swap3A_43 = arith.constant 64 : index
    %swap3A_44 = tpu.vector_load %arg8[%swap3A_42, %swap3A_43] {strides = array<i32>} : memref<4x128xi32, #tpu.memory_space<vmem>>, vector<16xi32>,
    tpu.vector_store %arg8[%swap3A_42, %swap3A_43], %bitcast3A_40 {strides = array<i32>} : memref<4x128xi32, #tpu.memory_space<vmem>>, vector<16xi32>,
    %get3A_45 = arith.constant 0 : i32
    %get3A_46 = arith.index_cast %get3A_45 : i32 to index
    %get3A_47 = arith.constant 80 : index
    %get3A_48 = tpu.vector_load %arg6[%get3A_46, %get3A_47] {strides = array<i32>} : memref<4x128xf32, #tpu.memory_space<vmem>>, vector<16xf32>,
    %bitcast3A_49 = vector.bitcast %get3A_48 : vector<16xf32> to vector<16xi32>
    %swap3A_50 = arith.constant 0 : i32
    %swap3A_51 = arith.index_cast %swap3A_50 : i32 to index
    %swap3A_52 = arith.constant 80 : index
    %swap3A_53 = tpu.vector_load %arg8[%swap3A_51, %swap3A_52] {strides = array<i32>} : memref<4x128xi32, #tpu.memory_space<vmem>>, vector<16xi32>,
    tpu.vector_store %arg8[%swap3A_51, %swap3A_52], %bitcast3A_49 {strides = array<i32>} : memref<4x128xi32, #tpu.memory_space<vmem>>, vector<16xi32>,
    %get3A_54 = arith.constant 0 : i32
    %get3A_55 = arith.index_cast %get3A_54 : i32 to index
    %get3A_56 = arith.constant 96 : index
    %get3A_57 = tpu.vector_load %arg6[%get3A_55, %get3A_56] {strides = array<i32>} : memref<4x128xf32, #tpu.memory_space<vmem>>, vector<16xf32>,
    %bitcast3A_58 = vector.bitcast %get3A_57 : vector<16xf32> to vector<16xi32>
    %swap3A_59 = arith.constant 0 : i32
    %swap3A_60 = arith.index_cast %swap3A_59 : i32 to index
    %swap3A_61 = arith.constant 96 : index
    %swap3A_62 = tpu.vector_load %arg8[%swap3A_60, %swap3A_61] {strides = array<i32>} : memref<4x128xi32, #tpu.memory_space<vmem>>, vector<16xi32>,
    tpu.vector_store %arg8[%swap3A_60, %swap3A_61], %bitcast3A_58 {strides = array<i32>} : memref<4x128xi32, #tpu.memory_space<vmem>>, vector<16xi32>,
    %get3A_63 = arith.constant 0 : i32
    %get3A_64 = arith.index_cast %get3A_63 : i32 to index
    %get3A_65 = arith.constant 112 : index
    %get3A_66 = tpu.vector_load %arg6[%get3A_64, %get3A_65] {strides = array<i32>} : memref<4x128xf32, #tpu.memory_space<vmem>>, vector<16xf32>,
    %bitcast3A_67 = vector.bitcast %get3A_66 : vector<16xf32> to vector<16xi32>
    %swap3A_68 = arith.constant 0 : i32
    %swap3A_69 = arith.index_cast %swap3A_68 : i32 to index
    %swap3A_70 = arith.constant 112 : index
    %swap3A_71 = tpu.vector_load %arg8[%swap3A_69, %swap3A_70] {strides = array<i32>} : memref<4x128xi32, #tpu.memory_space<vmem>>, vector<16xi32>,
    tpu.vector_store %arg8[%swap3A_69, %swap3A_70], %bitcast3A_67 {strides = array<i32>} : memref<4x128xi32, #tpu.memory_space<vmem>>, vector<16xi32>,
    %get3A_72 = arith.constant 1 : i32
    %get3A_73 = arith.index_cast %get3A_72 : i32 to index
    %get3A_74 = arith.constant 0 : index
    %get3A_75 = tpu.vector_load %arg6[%get3A_73, %get3A_74] {strides = array<i32>} : memref<4x128xf32, #tpu.memory_space<vmem>>, vector<16xf32>,
    %bitcast3A_76 = vector.bitcast %get3A_75 : vector<16xf32> to vector<16xi32>
    %swap3A_77 = arith.constant 1 : i32
    %swap3A_78 = arith.index_cast %swap3A_77 : i32 to index
    %swap3A_79 = arith.constant 0 : index
    %swap3A_80 = tpu.vector_load %arg8[%swap3A_78, %swap3A_79] {strides = array<i32>} : memref<4x128xi32, #tpu.memory_space<vmem>>, vector<16xi32>,
    tpu.vector_store %arg8[%swap3A_78, %swap3A_79], %bitcast3A_76 {strides = array<i32>} : memref<4x128xi32, #tpu.memory_space<vmem>>, vector<16xi32>,
    %get3A_81 = arith.constant 1 : i32
    %get3A_82 = arith.index_cast %get3A_81 : i32 to index
    %get3A_83 = arith.constant 16 : index
    %get3A_84 = tpu.vector_load %arg6[%get3A_82, %get3A_83] {strides = array<i32>} : memref<4x128xf32, #tpu.memory_space<vmem>>, vector<16xf32>,
    %bitcast3A_85 = vector.bitcast %get3A_84 : vector<16xf32> to vector<16xi32>
    %swap3A_86 = arith.constant 1 : i32
    %swap3A_87 = arith.index_cast %swap3A_86 : i32 to index
    %swap3A_88 = arith.constant 16 : index
    %swap3A_89 = tpu.vector_load %arg8[%swap3A_87, %swap3A_88] {strides = array<i32>} : memref<4x128xi32, #tpu.memory_space<vmem>>, vector<16xi32>,
    tpu.vector_store %arg8[%swap3A_87, %swap3A_88], %bitcast3A_85 {strides = array<i32>} : memref<4x128xi32, #tpu.memory_space<vmem>>, vector<16xi32>,
    %get3A_90 = arith.constant 1 : i32
    %get3A_91 = arith.index_cast %get3A_90 : i32 to index
    %get3A_92 = arith.constant 32 : index
    %get3A_93 = tpu.vector_load %arg6[%get3A_91, %get3A_92] {strides = array<i32>} : memref<4x128xf32, #tpu.memory_space<vmem>>, vector<16xf32>,
    %bitcast3A_94 = vector.bitcast %get3A_93 : vector<16xf32> to vector<16xi32>
    %swap3A_95 = arith.constant 1 : i32
    %swap3A_96 = arith.index_cast %swap3A_95 : i32 to index
    %swap3A_97 = arith.constant 32 : index
    %swap3A_98 = tpu.vector_load %arg8[%swap3A_96, %swap3A_97] {strides = array<i32>} : memref<4x128xi32, #tpu.memory_space<vmem>>, vector<16xi32>,
    tpu.vector_store %arg8[%swap3A_96, %swap3A_97], %bitcast3A_94 {strides = array<i32>} : memref<4x128xi32, #tpu.memory_space<vmem>>, vector<16xi32>,
    %get3A_99 = arith.constant 1 : i32
    %get3A_100 = arith.index_cast %get3A_99 : i32 to index
    %get3A_101 = arith.constant 48 : index
    %get3A_102 = tpu.vector_load %arg6[%get3A_100, %get3A_101] {strides = array<i32>} : memref<4x128xf32, #tpu.memory_space<vmem>>, vector<16xf32>,
    %bitcast3A_103 = vector.bitcast %get3A_102 : vector<16xf32> to vector<16xi32>
    %swap3A_104 = arith.constant 1 : i32
    %swap3A_105 = arith.index_cast %swap3A_104 : i32 to index
    %swap3A_106 = arith.constant 48 : index
    %swap3A_107 = tpu.vector_load %arg8[%swap3A_105, %swap3A_106] {strides = array<i32>} : memref<4x128xi32, #tpu.memory_space<vmem>>, vector<16xi32>,
    tpu.vector_store %arg8[%swap3A_105, %swap3A_106], %bitcast3A_103 {strides = array<i32>} : memref<4x128xi32, #tpu.memory_space<vmem>>, vector<16xi32>,
    %get3A_108 = arith.constant 1 : i32
    %get3A_109 = arith.index_cast %get3A_108 : i32 to index
    %get3A_110 = arith.constant 64 : index
    %get3A_111 = tpu.vector_load %arg6[%get3A_109, %get3A_110] {strides = array<i32>} : memref<4x128xf32, #tpu.memory_space<vmem>>, vector<16xf32>,
    %bitcast3A_112 = vector.bitcast %get3A_111 : vector<16xf32> to vector<16xi32>
    %swap3A_113 = arith.constant 1 : i32
    %swap3A_114 = arith.index_cast %swap3A_113 : i32 to index
    %swap3A_115 = arith.constant 64 : index
    %swap3A_116 = tpu.vector_load %arg8[%swap3A_114, %swap3A_115] {strides = array<i32>} : memref<4x128xi32, #tpu.memory_space<vmem>>, vector<16xi32>,
    tpu.vector_store %arg8[%swap3A_114, %swap3A_115], %bitcast3A_112 {strides = array<i32>} : memref<4x128xi32, #tpu.memory_space<vmem>>, vector<16xi32>,
    %get3A_117 = arith.constant 1 : i32
    %get3A_118 = arith.index_cast %get3A_117 : i32 to index
    %get3A_119 = arith.constant 80 : index
    %get3A_120 = tpu.vector_load %arg6[%get3A_118, %get3A_119] {strides = array<i32>} : memref<4x128xf32, #tpu.memory_space<vmem>>, vector<16xf32>,
    %bitcast3A_121 = vector.bitcast %get3A_120 : vector<16xf32> to vector<16xi32>
    %swap3A_122 = arith.constant 1 : i32
    %swap3A_123 = arith.index_cast %swap3A_122 : i32 to index
    %swap3A_124 = arith.constant 80 : index
    %swap3A_125 = tpu.vector_load %arg8[%swap3A_123, %swap3A_124] {strides = array<i32>} : memref<4x128xi32, #tpu.memory_space<vmem>>, vector<16xi32>,
    tpu.vector_store %arg8[%swap3A_123, %swap3A_124], %bitcast3A_121 {strides = array<i32>} : memref<4x128xi32, #tpu.memory_space<vmem>>, vector<16xi32>,
    %get3A_126 = arith.constant 1 : i32
    %get3A_127 = arith.index_cast %get3A_126 : i32 to index
    %get3A_128 = arith.constant 96 : index
    %get3A_129 = tpu.vector_load %arg6[%get3A_127, %get3A_128] {strides = array<i32>} : memref<4x128xf32, #tpu.memory_space<vmem>>, vector<16xf32>,
    %bitcast3A_130 = vector.bitcast %get3A_129 : vector<16xf32> to vector<16xi32>
    %swap3A_131 = arith.constant 1 : i32
    %swap3A_132 = arith.index_cast %swap3A_131 : i32 to index
    %swap3A_133 = arith.constant 96 : index
    %swap3A_134 = tpu.vector_load %arg8[%swap3A_132, %swap3A_133] {strides = array<i32>} : memref<4x128xi32, #tpu.memory_space<vmem>>, vector<16xi32>,
    tpu.vector_store %arg8[%swap3A_132, %swap3A_133], %bitcast3A_130 {strides = array<i32>} : memref<4x128xi32, #tpu.memory_space<vmem>>, vector<16xi32>,
    %get3A_135 = arith.constant 1 : i32
    %get3A_136 = arith.index_cast %get3A_135 : i32 to index
    %get3A_137 = arith.constant 112 : index
    %get3A_138 = tpu.vector_load %arg6[%get3A_136, %get3A_137] {strides = array<i32>} : memref<4x128xf32, #tpu.memory_space<vmem>>, vector<16xf32>,
    %bitcast3A_139 = vector.bitcast %get3A_138 : vector<16xf32> to vector<16xi32>
    %swap3A_140 = arith.constant 1 : i32
    %swap3A_141 = arith.index_cast %swap3A_140 : i32 to index
    %swap3A_142 = arith.constant 112 : index
    %swap3A_143 = tpu.vector_load %arg8[%swap3A_141, %swap3A_142] {strides = array<i32>} : memref<4x128xi32, #tpu.memory_space<vmem>>, vector<16xi32>,
    tpu.vector_store %arg8[%swap3A_141, %swap3A_142], %bitcast3A_139 {strides = array<i32>} : memref<4x128xi32, #tpu.memory_space<vmem>>, vector<16xi32>,
    %get3A_144 = arith.constant 2 : i32
    %get3A_145 = arith.index_cast %get3A_144 : i32 to index
    %get3A_146 = arith.constant 0 : index
    %get3A_147 = tpu.vector_load %arg6[%get3A_145, %get3A_146] {strides = array<i32>} : memref<4x128xf32, #tpu.memory_space<vmem>>, vector<16xf32>,
    %bitcast3A_148 = vector.bitcast %get3A_147 : vector<16xf32> to vector<16xi32>
    %swap3A_149 = arith.constant 2 : i32
    %swap3A_150 = arith.index_cast %swap3A_149 : i32 to index
    %swap3A_151 = arith.constant 0 : index
    %swap3A_152 = tpu.vector_load %arg8[%swap3A_150, %swap3A_151] {strides = array<i32>} : memref<4x128xi32, #tpu.memory_space<vmem>>, vector<16xi32>,
    tpu.vector_store %arg8[%swap3A_150, %swap3A_151], %bitcast3A_148 {strides = array<i32>} : memref<4x128xi32, #tpu.memory_space<vmem>>, vector<16xi32>,
    %get3A_153 = arith.constant 2 : i32
    %get3A_154 = arith.index_cast %get3A_153 : i32 to index
    %get3A_155 = arith.constant 16 : index
    %get3A_156 = tpu.vector_load %arg6[%get3A_154, %get3A_155] {strides = array<i32>} : memref<4x128xf32, #tpu.memory_space<vmem>>, vector<16xf32>,
    %bitcast3A_157 = vector.bitcast %get3A_156 : vector<16xf32> to vector<16xi32>
    %swap3A_158 = arith.constant 2 : i32
    %swap3A_159 = arith.index_cast %swap3A_158 : i32 to index
    %swap3A_160 = arith.constant 16 : index
    %swap3A_161 = tpu.vector_load %arg8[%swap3A_159, %swap3A_160] {strides = array<i32>} : memref<4x128xi32, #tpu.memory_space<vmem>>, vector<16xi32>,
    tpu.vector_store %arg8[%swap3A_159, %swap3A_160], %bitcast3A_157 {strides = array<i32>} : memref<4x128xi32, #tpu.memory_space<vmem>>, vector<16xi32>,
    %get3A_162 = arith.constant 2 : i32
    %get3A_163 = arith.index_cast %get3A_162 : i32 to index
    %get3A_164 = arith.constant 32 : index
    %get3A_165 = tpu.vector_load %arg6[%get3A_163, %get3A_164] {strides = array<i32>} : memref<4x128xf32, #tpu.memory_space<vmem>>, vector<16xf32>,
    %bitcast3A_166 = vector.bitcast %get3A_165 : vector<16xf32> to vector<16xi32>
    %swap3A_167 = arith.constant 2 : i32
    %swap3A_168 = arith.index_cast %swap3A_167 : i32 to index
    %swap3A_169 = arith.constant 32 : index
    %swap3A_170 = tpu.vector_load %arg8[%swap3A_168, %swap3A_169] {strides = array<i32>} : memref<4x128xi32, #tpu.memory_space<vmem>>, vector<16xi32>,
    tpu.vector_store %arg8[%swap3A_168, %swap3A_169], %bitcast3A_166 {strides = array<i32>} : memref<4x128xi32, #tpu.memory_space<vmem>>, vector<16xi32>,
    %get3A_171 = arith.constant 2 : i32
    %get3A_172 = arith.index_cast %get3A_171 : i32 to index
    %get3A_173 = arith.constant 48 : index
    %get3A_174 = tpu.vector_load %arg6[%get3A_172, %get3A_173] {strides = array<i32>} : memref<4x128xf32, #tpu.memory_space<vmem>>, vector<16xf32>,
    %bitcast3A_175 = vector.bitcast %get3A_174 : vector<16xf32> to vector<16xi32>
    %swap3A_176 = arith.constant 2 : i32
    %swap3A_177 = arith.index_cast %swap3A_176 : i32 to index
    %swap3A_178 = arith.constant 48 : index
    %swap3A_179 = tpu.vector_load %arg8[%swap3A_177, %swap3A_178] {strides = array<i32>} : memref<4x128xi32, #tpu.memory_space<vmem>>, vector<16xi32>,
    tpu.vector_store %arg8[%swap3A_177, %swap3A_178], %bitcast3A_175 {strides = array<i32>} : memref<4x128xi32, #tpu.memory_space<vmem>>, vector<16xi32>,
    %get3A_180 = arith.constant 2 : i32
    %get3A_181 = arith.index_cast %get3A_180 : i32 to index
    %get3A_182 = arith.constant 64 : index
    %get3A_183 = tpu.vector_load %arg6[%get3A_181, %get3A_182] {strides = array<i32>} : memref<4x128xf32, #tpu.memory_space<vmem>>, vector<16xf32>,
    %bitcast3A_184 = vector.bitcast %get3A_183 : vector<16xf32> to vector<16xi32>
    %swap3A_185 = arith.constant 2 : i32
    %swap3A_186 = arith.index_cast %swap3A_185 : i32 to index
    %swap3A_187 = arith.constant 64 : index
    %swap3A_188 = tpu.vector_load %arg8[%swap3A_186, %swap3A_187] {strides = array<i32>} : memref<4x128xi32, #tpu.memory_space<vmem>>, vector<16xi32>,
    tpu.vector_store %arg8[%swap3A_186, %swap3A_187], %bitcast3A_184 {strides = array<i32>} : memref<4x128xi32, #tpu.memory_space<vmem>>, vector<16xi32>,
    %get3A_189 = arith.constant 2 : i32
    %get3A_190 = arith.index_cast %get3A_189 : i32 to index
    %get3A_191 = arith.constant 80 : index
    %get3A_192 = tpu.vector_load %arg6[%get3A_190, %get3A_191] {strides = array<i32>} : memref<4x128xf32, #tpu.memory_space<vmem>>, vector<16xf32>,
    %bitcast3A_193 = vector.bitcast %get3A_192 : vector<16xf32> to vector<16xi32>
    %swap3A_194 = arith.constant 2 : i32
    %swap3A_195 = arith.index_cast %swap3A_194 : i32 to index
    %swap3A_196 = arith.constant 80 : index
    %swap3A_197 = tpu.vector_load %arg8[%swap3A_195, %swap3A_196] {strides = array<i32>} : memref<4x128xi32, #tpu.memory_space<vmem>>, vector<16xi32>,
    tpu.vector_store %arg8[%swap3A_195, %swap3A_196], %bitcast3A_193 {strides = array<i32>} : memref<4x128xi32, #tpu.memory_space<vmem>>, vector<16xi32>,
    %get3A_198 = arith.constant 2 : i32
    %get3A_199 = arith.index_cast %get3A_198 : i32 to index
    %get3A_200 = arith.constant 96 : index
    %get3A_201 = tpu.vector_load %arg6[%get3A_199, %get3A_200] {strides = array<i32>} : memref<4x128xf32, #tpu.memory_space<vmem>>, vector<16xf32>,
    %bitcast3A_202 = vector.bitcast %get3A_201 : vector<16xf32> to vector<16xi32>
    %swap3A_203 = arith.constant 2 : i32
    %swap3A_204 = arith.index_cast %swap3A_203 : i32 to index
    %swap3A_205 = arith.constant 96 : index
    %swap3A_206 = tpu.vector_load %arg8[%swap3A_204, %swap3A_205] {strides = array<i32>} : memref<4x128xi32, #tpu.memory_space<vmem>>, vector<16xi32>,
    tpu.vector_store %arg8[%swap3A_204, %swap3A_205], %bitcast3A_202 {strides = array<i32>} : memref<4x128xi32, #tpu.memory_space<vmem>>, vector<16xi32>,
    %get3A_207 = arith.constant 2 : i32
    %get3A_208 = arith.index_cast %get3A_207 : i32 to index
    %get3A_209 = arith.constant 112 : index
    %get3A_210 = tpu.vector_load %arg6[%get3A_208, %get3A_209] {strides = array<i32>} : memref<4x128xf32, #tpu.memory_space<vmem>>, vector<16xf32>,
    %bitcast3A_211 = vector.bitcast %get3A_210 : vector<16xf32> to vector<16xi32>
    %swap3A_212 = arith.constant 2 : i32
    %swap3A_213 = arith.index_cast %swap3A_212 : i32 to index
    %swap3A_214 = arith.constant 112 : index
    %swap3A_215 = tpu.vector_load %arg8[%swap3A_213, %swap3A_214] {strides = array<i32>} : memref<4x128xi32, #tpu.memory_space<vmem>>, vector<16xi32>,
    tpu.vector_store %arg8[%swap3A_213, %swap3A_214], %bitcast3A_211 {strides = array<i32>} : memref<4x128xi32, #tpu.memory_space<vmem>>, vector<16xi32>,
    %get3A_216 = arith.constant 3 : i32
    %get3A_217 = arith.index_cast %get3A_216 : i32 to index
    %get3A_218 = arith.constant 0 : index
    %get3A_219 = tpu.vector_load %arg6[%get3A_217, %get3A_218] {strides = array<i32>} : memref<4x128xf32, #tpu.memory_space<vmem>>, vector<16xf32>,
    %bitcast3A_220 = vector.bitcast %get3A_219 : vector<16xf32> to vector<16xi32>
    %swap3A_221 = arith.constant 3 : i32
    %swap3A_222 = arith.index_cast %swap3A_221 : i32 to index
    %swap3A_223 = arith.constant 0 : index
    %swap3A_224 = tpu.vector_load %arg8[%swap3A_222, %swap3A_223] {strides = array<i32>} : memref<4x128xi32, #tpu.memory_space<vmem>>, vector<16xi32>,
    tpu.vector_store %arg8[%swap3A_222, %swap3A_223], %bitcast3A_220 {strides = array<i32>} : memref<4x128xi32, #tpu.memory_space<vmem>>, vector<16xi32>,
    %get3A_225 = arith.constant 3 : i32
    %get3A_226 = arith.index_cast %get3A_225 : i32 to index
    %get3A_227 = arith.constant 16 : index
    %get3A_228 = tpu.vector_load %arg6[%get3A_226, %get3A_227] {strides = array<i32>} : memref<4x128xf32, #tpu.memory_space<vmem>>, vector<16xf32>,
    %bitcast3A_229 = vector.bitcast %get3A_228 : vector<16xf32> to vector<16xi32>
    %swap3A_230 = arith.constant 3 : i32
    %swap3A_231 = arith.index_cast %swap3A_230 : i32 to index
    %swap3A_232 = arith.constant 16 : index
    %swap3A_233 = tpu.vector_load %arg8[%swap3A_231, %swap3A_232] {strides = array<i32>} : memref<4x128xi32, #tpu.memory_space<vmem>>, vector<16xi32>,
    tpu.vector_store %arg8[%swap3A_231, %swap3A_232], %bitcast3A_229 {strides = array<i32>} : memref<4x128xi32, #tpu.memory_space<vmem>>, vector<16xi32>,
    %get3A_234 = arith.constant 3 : i32
    %get3A_235 = arith.index_cast %get3A_234 : i32 to index
    %get3A_236 = arith.constant 32 : index
    %get3A_237 = tpu.vector_load %arg6[%get3A_235, %get3A_236] {strides = array<i32>} : memref<4x128xf32, #tpu.memory_space<vmem>>, vector<16xf32>,
    %bitcast3A_238 = vector.bitcast %get3A_237 : vector<16xf32> to vector<16xi32>
    %swap3A_239 = arith.constant 3 : i32
    %swap3A_240 = arith.index_cast %swap3A_239 : i32 to index
    %swap3A_241 = arith.constant 32 : index
    %swap3A_242 = tpu.vector_load %arg8[%swap3A_240, %swap3A_241] {strides = array<i32>} : memref<4x128xi32, #tpu.memory_space<vmem>>, vector<16xi32>,
    tpu.vector_store %arg8[%swap3A_240, %swap3A_241], %bitcast3A_238 {strides = array<i32>} : memref<4x128xi32, #tpu.memory_space<vmem>>, vector<16xi32>,
    %get3A_243 = arith.constant 3 : i32
    %get3A_244 = arith.index_cast %get3A_243 : i32 to index
    %get3A_245 = arith.constant 48 : index
    %get3A_246 = tpu.vector_load %arg6[%get3A_244, %get3A_245] {strides = array<i32>} : memref<4x128xf32, #tpu.memory_space<vmem>>, vector<16xf32>,
    %bitcast3A_247 = vector.bitcast %get3A_246 : vector<16xf32> to vector<16xi32>
    %swap3A_248 = arith.constant 3 : i32
    %swap3A_249 = arith.index_cast %swap3A_248 : i32 to index
    %swap3A_250 = arith.constant 48 : index
    %swap3A_251 = tpu.vector_load %arg8[%swap3A_249, %swap3A_250] {strides = array<i32>} : memref<4x128xi32, #tpu.memory_space<vmem>>, vector<16xi32>,
    tpu.vector_store %arg8[%swap3A_249, %swap3A_250], %bitcast3A_247 {strides = array<i32>} : memref<4x128xi32, #tpu.memory_space<vmem>>, vector<16xi32>,
    %get3A_252 = arith.constant 3 : i32
    %get3A_253 = arith.index_cast %get3A_252 : i32 to index
    %get3A_254 = arith.constant 64 : index
    %get3A_255 = tpu.vector_load %arg6[%get3A_253, %get3A_254] {strides = array<i32>} : memref<4x128xf32, #tpu.memory_space<vmem>>, vector<16xf32>,
    %bitcast3A_256 = vector.bitcast %get3A_255 : vector<16xf32> to vector<16xi32>
    %swap3A_257 = arith.constant 3 : i32
    %swap3A_258 = arith.index_cast %swap3A_257 : i32 to index
    %swap3A_259 = arith.constant 64 : index
    %swap3A_260 = tpu.vector_load %arg8[%swap3A_258, %swap3A_259] {strides = array<i32>} : memref<4x128xi32, #tpu.memory_space<vmem>>, vector<16xi32>,
    tpu.vector_store %arg8[%swap3A_258, %swap3A_259], %bitcast3A_256 {strides = array<i32>} : memref<4x128xi32, #tpu.memory_space<vmem>>, vector<16xi32>,
    %get3A_261 = arith.constant 3 : i32
    %get3A_262 = arith.index_cast %get3A_261 : i32 to index
    %get3A_263 = arith.constant 80 : index
    %get3A_264 = tpu.vector_load %arg6[%get3A_262, %get3A_263] {strides = array<i32>} : memref<4x128xf32, #tpu.memory_space<vmem>>, vector<16xf32>,
    %bitcast3A_265 = vector.bitcast %get3A_264 : vector<16xf32> to vector<16xi32>
    %swap3A_266 = arith.constant 3 : i32
    %swap3A_267 = arith.index_cast %swap3A_266 : i32 to index
    %swap3A_268 = arith.constant 80 : index
    %swap3A_269 = tpu.vector_load %arg8[%swap3A_267, %swap3A_268] {strides = array<i32>} : memref<4x128xi32, #tpu.memory_space<vmem>>, vector<16xi32>,
    tpu.vector_store %arg8[%swap3A_267, %swap3A_268], %bitcast3A_265 {strides = array<i32>} : memref<4x128xi32, #tpu.memory_space<vmem>>, vector<16xi32>,
    %get3A_270 = arith.constant 3 : i32
    %get3A_271 = arith.index_cast %get3A_270 : i32 to index
    %get3A_272 = arith.constant 96 : index
    %get3A_273 = tpu.vector_load %arg6[%get3A_271, %get3A_272] {strides = array<i32>} : memref<4x128xf32, #tpu.memory_space<vmem>>, vector<16xf32>,
    %bitcast3A_274 = vector.bitcast %get3A_273 : vector<16xf32> to vector<16xi32>
    %swap3A_275 = arith.constant 3 : i32
    %swap3A_276 = arith.index_cast %swap3A_275 : i32 to index
    %swap3A_277 = arith.constant 96 : index
    %swap3A_278 = tpu.vector_load %arg8[%swap3A_276, %swap3A_277] {strides = array<i32>} : memref<4x128xi32, #tpu.memory_space<vmem>>, vector<16xi32>,
    tpu.vector_store %arg8[%swap3A_276, %swap3A_277], %bitcast3A_274 {strides = array<i32>} : memref<4x128xi32, #tpu.memory_space<vmem>>, vector<16xi32>,
    %get3A_279 = arith.constant 3 : i32
    %get3A_280 = arith.index_cast %get3A_279 : i32 to index
    %get3A_281 = arith.constant 112 : index
    %get3A_282 = tpu.vector_load %arg6[%get3A_280, %get3A_281] {strides = array<i32>} : memref<4x128xf32, #tpu.memory_space<vmem>>, vector<16xf32>,
    %bitcast3A_283 = vector.bitcast %get3A_282 : vector<16xf32> to vector<16xi32>
    %swap3A_284 = arith.constant 3 : i32
    %swap3A_285 = arith.index_cast %swap3A_284 : i32 to index
    %swap3A_286 = arith.constant 112 : index
    %swap3A_287 = tpu.vector_load %arg8[%swap3A_285, %swap3A_286] {strides = array<i32>} : memref<4x128xi32, #tpu.memory_space<vmem>>, vector<16xi32>,
    tpu.vector_store %arg8[%swap3A_285, %swap3A_286], %bitcast3A_283 {strides = array<i32>} : memref<4x128xi32, #tpu.memory_space<vmem>>, vector<16xi32>,
    %mul3A_288 = arith.constant 4 : i32
    %mul3A_289 = arith.muli %add3A, %mul3A_288 : i32
    "tpu.region"() ({
      %run_scoped3A = tpu.sem_alloc : memref<!tpu.dma_semaphore, #tpu.memory_space<semaphore_mem>>
      %dma_start3A_721 = arith.constant 0 : i32
      %dma_start3A_722 = tpu.memref_slice %arg4[%mul3A_289, %dma_start3A_721] : memref<128x128xf32, #tpu.memory_space<hbm>> -> memref<4x128xf32, #tpu.memory_space<hbm>>
      %dma_start3A_723 = arith.constant 0 : i32
      %dma_start3A_724 = tpu.memref_slice %arg4[%mul3A_289, %dma_start3A_723] : memref<128x128xf32, #tpu.memory_space<hbm>> -> memref<4x128xf32, #tpu.memory_space<hbm>>
      tpu.enqueue_dma source(%dma_start3A_724 : memref<4x128xf32, #tpu.memory_space<hbm>>) target(%arg7 : memref<4x128xf32, #tpu.memory_space<vmem>>) target_semaphore(%run_scoped3A : memref<!tpu.dma_semaphore, #tpu.memory_space<semaphore_mem>>)
      %dma_wait3A_725 = arith.constant 0 : i32
      %dma_wait3A_726 = tpu.memref_slice %arg4[%mul3A_289, %dma_wait3A_725] : memref<128x128xf32, #tpu.memory_space<hbm>> -> memref<4x128xf32, #tpu.memory_space<hbm>>
      %dma_wait3A_727 = arith.constant 0 : i32
      %dma_wait3A_728 = tpu.memref_slice %arg4[%mul3A_289, %dma_wait3A_727] : memref<128x128xf32, #tpu.memory_space<hbm>> -> memref<4x128xf32, #tpu.memory_space<hbm>>
      tpu.wait_dma2 semaphore(%run_scoped3A : memref<!tpu.dma_semaphore, #tpu.memory_space<semaphore_mem>>) src(%dma_wait3A_728 : memref<4x128xf32, #tpu.memory_space<hbm>>) dst(%arg7 : memref<4x128xf32, #tpu.memory_space<vmem>>)
      tpu.yield
    }) : () -> ()
    %get3A_290 = arith.constant 0 : i32
    %get3A_291 = arith.index_cast %get3A_290 : i32 to index
    %get3A_292 = arith.constant 0 : index
    %get3A_293 = tpu.vector_load %arg7[%get3A_291, %get3A_292] {strides = array<i32>} : memref<4x128xf32, #tpu.memory_space<vmem>>, vector<16xf32>,
    %bitcast3A_294 = vector.bitcast %get3A_293 : vector<16xf32> to vector<16xi32>
    %swap3A_295 = arith.constant 0 : i32
    %swap3A_296 = arith.index_cast %swap3A_295 : i32 to index
    %swap3A_297 = arith.constant 0 : index
    %swap3A_298 = tpu.vector_load %arg9[%swap3A_296, %swap3A_297] {strides = array<i32>} : memref<4x128xi32, #tpu.memory_space<vmem>>, vector<16xi32>,
    tpu.vector_store %arg9[%swap3A_296, %swap3A_297], %bitcast3A_294 {strides = array<i32>} : memref<4x128xi32, #tpu.memory_space<vmem>>, vector<16xi32>,
    %get3A_299 = arith.constant 0 : i32
    %get3A_300 = arith.index_cast %get3A_299 : i32 to index
    %get3A_301 = arith.constant 16 : index
    %get3A_302 = tpu.vector_load %arg7[%get3A_300, %get3A_301] {strides = array<i32>} : memref<4x128xf32, #tpu.memory_space<vmem>>, vector<16xf32>,
    %bitcast3A_303 = vector.bitcast %get3A_302 : vector<16xf32> to vector<16xi32>
    %swap3A_304 = arith.constant 0 : i32
    %swap3A_305 = arith.index_cast %swap3A_304 : i32 to index
    %swap3A_306 = arith.constant 16 : index
    %swap3A_307 = tpu.vector_load %arg9[%swap3A_305, %swap3A_306] {strides = array<i32>} : memref<4x128xi32, #tpu.memory_space<vmem>>, vector<16xi32>,
    tpu.vector_store %arg9[%swap3A_305, %swap3A_306], %bitcast3A_303 {strides = array<i32>} : memref<4x128xi32, #tpu.memory_space<vmem>>, vector<16xi32>,
    %get3A_308 = arith.constant 0 : i32
    %get3A_309 = arith.index_cast %get3A_308 : i32 to index
    %get3A_310 = arith.constant 32 : index
    %get3A_311 = tpu.vector_load %arg7[%get3A_309, %get3A_310] {strides = array<i32>} : memref<4x128xf32, #tpu.memory_space<vmem>>, vector<16xf32>,
    %bitcast3A_312 = vector.bitcast %get3A_311 : vector<16xf32> to vector<16xi32>
    %swap3A_313 = arith.constant 0 : i32
    %swap3A_314 = arith.index_cast %swap3A_313 : i32 to index
    %swap3A_315 = arith.constant 32 : index
    %swap3A_316 = tpu.vector_load %arg9[%swap3A_314, %swap3A_315] {strides = array<i32>} : memref<4x128xi32, #tpu.memory_space<vmem>>, vector<16xi32>,
    tpu.vector_store %arg9[%swap3A_314, %swap3A_315], %bitcast3A_312 {strides = array<i32>} : memref<4x128xi32, #tpu.memory_space<vmem>>, vector<16xi32>,
    %get3A_317 = arith.constant 0 : i32
    %get3A_318 = arith.index_cast %get3A_317 : i32 to index
    %get3A_319 = arith.constant 48 : index
    %get3A_320 = tpu.vector_load %arg7[%get3A_318, %get3A_319] {strides = array<i32>} : memref<4x128xf32, #tpu.memory_space<vmem>>, vector<16xf32>,
    %bitcast3A_321 = vector.bitcast %get3A_320 : vector<16xf32> to vector<16xi32>
    %swap3A_322 = arith.constant 0 : i32
    %swap3A_323 = arith.index_cast %swap3A_322 : i32 to index
    %swap3A_324 = arith.constant 48 : index
    %swap3A_325 = tpu.vector_load %arg9[%swap3A_323, %swap3A_324] {strides = array<i32>} : memref<4x128xi32, #tpu.memory_space<vmem>>, vector<16xi32>,
    tpu.vector_store %arg9[%swap3A_323, %swap3A_324], %bitcast3A_321 {strides = array<i32>} : memref<4x128xi32, #tpu.memory_space<vmem>>, vector<16xi32>,
    %get3A_326 = arith.constant 0 : i32
    %get3A_327 = arith.index_cast %get3A_326 : i32 to index
    %get3A_328 = arith.constant 64 : index
    %get3A_329 = tpu.vector_load %arg7[%get3A_327, %get3A_328] {strides = array<i32>} : memref<4x128xf32, #tpu.memory_space<vmem>>, vector<16xf32>,
    %bitcast3A_330 = vector.bitcast %get3A_329 : vector<16xf32> to vector<16xi32>
    %swap3A_331 = arith.constant 0 : i32
    %swap3A_332 = arith.index_cast %swap3A_331 : i32 to index
    %swap3A_333 = arith.constant 64 : index
    %swap3A_334 = tpu.vector_load %arg9[%swap3A_332, %swap3A_333] {strides = array<i32>} : memref<4x128xi32, #tpu.memory_space<vmem>>, vector<16xi32>,
    tpu.vector_store %arg9[%swap3A_332, %swap3A_333], %bitcast3A_330 {strides = array<i32>} : memref<4x128xi32, #tpu.memory_space<vmem>>, vector<16xi32>,
    %get3A_335 = arith.constant 0 : i32
    %get3A_336 = arith.index_cast %get3A_335 : i32 to index
    %get3A_337 = arith.constant 80 : index
    %get3A_338 = tpu.vector_load %arg7[%get3A_336, %get3A_337] {strides = array<i32>} : memref<4x128xf32, #tpu.memory_space<vmem>>, vector<16xf32>,
    %bitcast3A_339 = vector.bitcast %get3A_338 : vector<16xf32> to vector<16xi32>
    %swap3A_340 = arith.constant 0 : i32
    %swap3A_341 = arith.index_cast %swap3A_340 : i32 to index
    %swap3A_342 = arith.constant 80 : index
    %swap3A_343 = tpu.vector_load %arg9[%swap3A_341, %swap3A_342] {strides = array<i32>} : memref<4x128xi32, #tpu.memory_space<vmem>>, vector<16xi32>,
    tpu.vector_store %arg9[%swap3A_341, %swap3A_342], %bitcast3A_339 {strides = array<i32>} : memref<4x128xi32, #tpu.memory_space<vmem>>, vector<16xi32>,
    %get3A_344 = arith.constant 0 : i32
    %get3A_345 = arith.index_cast %get3A_344 : i32 to index
    %get3A_346 = arith.constant 96 : index
    %get3A_347 = tpu.vector_load %arg7[%get3A_345, %get3A_346] {strides = array<i32>} : memref<4x128xf32, #tpu.memory_space<vmem>>, vector<16xf32>,
    %bitcast3A_348 = vector.bitcast %get3A_347 : vector<16xf32> to vector<16xi32>
    %swap3A_349 = arith.constant 0 : i32
    %swap3A_350 = arith.index_cast %swap3A_349 : i32 to index
    %swap3A_351 = arith.constant 96 : index
    %swap3A_352 = tpu.vector_load %arg9[%swap3A_350, %swap3A_351] {strides = array<i32>} : memref<4x128xi32, #tpu.memory_space<vmem>>, vector<16xi32>,
    tpu.vector_store %arg9[%swap3A_350, %swap3A_351], %bitcast3A_348 {strides = array<i32>} : memref<4x128xi32, #tpu.memory_space<vmem>>, vector<16xi32>,
    %get3A_353 = arith.constant 0 : i32
    %get3A_354 = arith.index_cast %get3A_353 : i32 to index
    %get3A_355 = arith.constant 112 : index
    %get3A_356 = tpu.vector_load %arg7[%get3A_354, %get3A_355] {strides = array<i32>} : memref<4x128xf32, #tpu.memory_space<vmem>>, vector<16xf32>,
    %bitcast3A_357 = vector.bitcast %get3A_356 : vector<16xf32> to vector<16xi32>
    %swap3A_358 = arith.constant 0 : i32
    %swap3A_359 = arith.index_cast %swap3A_358 : i32 to index
    %swap3A_360 = arith.constant 112 : index
    %swap3A_361 = tpu.vector_load %arg9[%swap3A_359, %swap3A_360] {strides = array<i32>} : memref<4x128xi32, #tpu.memory_space<vmem>>, vector<16xi32>,
    tpu.vector_store %arg9[%swap3A_359, %swap3A_360], %bitcast3A_357 {strides = array<i32>} : memref<4x128xi32, #tpu.memory_space<vmem>>, vector<16xi32>,
    %get3A_362 = arith.constant 1 : i32
    %get3A_363 = arith.index_cast %get3A_362 : i32 to index
    %get3A_364 = arith.constant 0 : index
    %get3A_365 = tpu.vector_load %arg7[%get3A_363, %get3A_364] {strides = array<i32>} : memref<4x128xf32, #tpu.memory_space<vmem>>, vector<16xf32>,
    %bitcast3A_366 = vector.bitcast %get3A_365 : vector<16xf32> to vector<16xi32>
    %swap3A_367 = arith.constant 1 : i32
    %swap3A_368 = arith.index_cast %swap3A_367 : i32 to index
    %swap3A_369 = arith.constant 0 : index
    %swap3A_370 = tpu.vector_load %arg9[%swap3A_368, %swap3A_369] {strides = array<i32>} : memref<4x128xi32, #tpu.memory_space<vmem>>, vector<16xi32>,
    tpu.vector_store %arg9[%swap3A_368, %swap3A_369], %bitcast3A_366 {strides = array<i32>} : memref<4x128xi32, #tpu.memory_space<vmem>>, vector<16xi32>,
    %get3A_371 = arith.constant 1 : i32
    %get3A_372 = arith.index_cast %get3A_371 : i32 to index
    %get3A_373 = arith.constant 16 : index
    %get3A_374 = tpu.vector_load %arg7[%get3A_372, %get3A_373] {strides = array<i32>} : memref<4x128xf32, #tpu.memory_space<vmem>>, vector<16xf32>,
    %bitcast3A_375 = vector.bitcast %get3A_374 : vector<16xf32> to vector<16xi32>
    %swap3A_376 = arith.constant 1 : i32
    %swap3A_377 = arith.index_cast %swap3A_376 : i32 to index
    %swap3A_378 = arith.constant 16 : index
    %swap3A_379 = tpu.vector_load %arg9[%swap3A_377, %swap3A_378] {strides = array<i32>} : memref<4x128xi32, #tpu.memory_space<vmem>>, vector<16xi32>,
    tpu.vector_store %arg9[%swap3A_377, %swap3A_378], %bitcast3A_375 {strides = array<i32>} : memref<4x128xi32, #tpu.memory_space<vmem>>, vector<16xi32>,
    %get3A_380 = arith.constant 1 : i32
    %get3A_381 = arith.index_cast %get3A_380 : i32 to index
    %get3A_382 = arith.constant 32 : index
    %get3A_383 = tpu.vector_load %arg7[%get3A_381, %get3A_382] {strides = array<i32>} : memref<4x128xf32, #tpu.memory_space<vmem>>, vector<16xf32>,
    %bitcast3A_384 = vector.bitcast %get3A_383 : vector<16xf32> to vector<16xi32>
    %swap3A_385 = arith.constant 1 : i32
    %swap3A_386 = arith.index_cast %swap3A_385 : i32 to index
    %swap3A_387 = arith.constant 32 : index
    %swap3A_388 = tpu.vector_load %arg9[%swap3A_386, %swap3A_387] {strides = array<i32>} : memref<4x128xi32, #tpu.memory_space<vmem>>, vector<16xi32>,
    tpu.vector_store %arg9[%swap3A_386, %swap3A_387], %bitcast3A_384 {strides = array<i32>} : memref<4x128xi32, #tpu.memory_space<vmem>>, vector<16xi32>,
    %get3A_389 = arith.constant 1 : i32
    %get3A_390 = arith.index_cast %get3A_389 : i32 to index
    %get3A_391 = arith.constant 48 : index
    %get3A_392 = tpu.vector_load %arg7[%get3A_390, %get3A_391] {strides = array<i32>} : memref<4x128xf32, #tpu.memory_space<vmem>>, vector<16xf32>,
    %bitcast3A_393 = vector.bitcast %get3A_392 : vector<16xf32> to vector<16xi32>
    %swap3A_394 = arith.constant 1 : i32
    %swap3A_395 = arith.index_cast %swap3A_394 : i32 to index
    %swap3A_396 = arith.constant 48 : index
    %swap3A_397 = tpu.vector_load %arg9[%swap3A_395, %swap3A_396] {strides = array<i32>} : memref<4x128xi32, #tpu.memory_space<vmem>>, vector<16xi32>,
    tpu.vector_store %arg9[%swap3A_395, %swap3A_396], %bitcast3A_393 {strides = array<i32>} : memref<4x128xi32, #tpu.memory_space<vmem>>, vector<16xi32>,
    %get3A_398 = arith.constant 1 : i32
    %get3A_399 = arith.index_cast %get3A_398 : i32 to index
    %get3A_400 = arith.constant 64 : index
    %get3A_401 = tpu.vector_load %arg7[%get3A_399, %get3A_400] {strides = array<i32>} : memref<4x128xf32, #tpu.memory_space<vmem>>, vector<16xf32>,
    %bitcast3A_402 = vector.bitcast %get3A_401 : vector<16xf32> to vector<16xi32>
    %swap3A_403 = arith.constant 1 : i32
    %swap3A_404 = arith.index_cast %swap3A_403 : i32 to index
    %swap3A_405 = arith.constant 64 : index
    %swap3A_406 = tpu.vector_load %arg9[%swap3A_404, %swap3A_405] {strides = array<i32>} : memref<4x128xi32, #tpu.memory_space<vmem>>, vector<16xi32>,
    tpu.vector_store %arg9[%swap3A_404, %swap3A_405], %bitcast3A_402 {strides = array<i32>} : memref<4x128xi32, #tpu.memory_space<vmem>>, vector<16xi32>,
    %get3A_407 = arith.constant 1 : i32
    %get3A_408 = arith.index_cast %get3A_407 : i32 to index
    %get3A_409 = arith.constant 80 : index
    %get3A_410 = tpu.vector_load %arg7[%get3A_408, %get3A_409] {strides = array<i32>} : memref<4x128xf32, #tpu.memory_space<vmem>>, vector<16xf32>,
    %bitcast3A_411 = vector.bitcast %get3A_410 : vector<16xf32> to vector<16xi32>
    %swap3A_412 = arith.constant 1 : i32
    %swap3A_413 = arith.index_cast %swap3A_412 : i32 to index
    %swap3A_414 = arith.constant 80 : index
    %swap3A_415 = tpu.vector_load %arg9[%swap3A_413, %swap3A_414] {strides = array<i32>} : memref<4x128xi32, #tpu.memory_space<vmem>>, vector<16xi32>,
    tpu.vector_store %arg9[%swap3A_413, %swap3A_414], %bitcast3A_411 {strides = array<i32>} : memref<4x128xi32, #tpu.memory_space<vmem>>, vector<16xi32>,
    %get3A_416 = arith.constant 1 : i32
    %get3A_417 = arith.index_cast %get3A_416 : i32 to index
    %get3A_418 = arith.constant 96 : index
    %get3A_419 = tpu.vector_load %arg7[%get3A_417, %get3A_418] {strides = array<i32>} : memref<4x128xf32, #tpu.memory_space<vmem>>, vector<16xf32>,
    %bitcast3A_420 = vector.bitcast %get3A_419 : vector<16xf32> to vector<16xi32>
    %swap3A_421 = arith.constant 1 : i32
    %swap3A_422 = arith.index_cast %swap3A_421 : i32 to index
    %swap3A_423 = arith.constant 96 : index
    %swap3A_424 = tpu.vector_load %arg9[%swap3A_422, %swap3A_423] {strides = array<i32>} : memref<4x128xi32, #tpu.memory_space<vmem>>, vector<16xi32>,
    tpu.vector_store %arg9[%swap3A_422, %swap3A_423], %bitcast3A_420 {strides = array<i32>} : memref<4x128xi32, #tpu.memory_space<vmem>>, vector<16xi32>,
    %get3A_425 = arith.constant 1 : i32
    %get3A_426 = arith.index_cast %get3A_425 : i32 to index
    %get3A_427 = arith.constant 112 : index
    %get3A_428 = tpu.vector_load %arg7[%get3A_426, %get3A_427] {strides = array<i32>} : memref<4x128xf32, #tpu.memory_space<vmem>>, vector<16xf32>,
    %bitcast3A_429 = vector.bitcast %get3A_428 : vector<16xf32> to vector<16xi32>
    %swap3A_430 = arith.constant 1 : i32
    %swap3A_431 = arith.index_cast %swap3A_430 : i32 to index
    %swap3A_432 = arith.constant 112 : index
    %swap3A_433 = tpu.vector_load %arg9[%swap3A_431, %swap3A_432] {strides = array<i32>} : memref<4x128xi32, #tpu.memory_space<vmem>>, vector<16xi32>,
    tpu.vector_store %arg9[%swap3A_431, %swap3A_432], %bitcast3A_429 {strides = array<i32>} : memref<4x128xi32, #tpu.memory_space<vmem>>, vector<16xi32>,
    %get3A_434 = arith.constant 2 : i32
    %get3A_435 = arith.index_cast %get3A_434 : i32 to index
    %get3A_436 = arith.constant 0 : index
    %get3A_437 = tpu.vector_load %arg7[%get3A_435, %get3A_436] {strides = array<i32>} : memref<4x128xf32, #tpu.memory_space<vmem>>, vector<16xf32>,
    %bitcast3A_438 = vector.bitcast %get3A_437 : vector<16xf32> to vector<16xi32>
    %swap3A_439 = arith.constant 2 : i32
    %swap3A_440 = arith.index_cast %swap3A_439 : i32 to index
    %swap3A_441 = arith.constant 0 : index
    %swap3A_442 = tpu.vector_load %arg9[%swap3A_440, %swap3A_441] {strides = array<i32>} : memref<4x128xi32, #tpu.memory_space<vmem>>, vector<16xi32>,
    tpu.vector_store %arg9[%swap3A_440, %swap3A_441], %bitcast3A_438 {strides = array<i32>} : memref<4x128xi32, #tpu.memory_space<vmem>>, vector<16xi32>,
    %get3A_443 = arith.constant 2 : i32
    %get3A_444 = arith.index_cast %get3A_443 : i32 to index
    %get3A_445 = arith.constant 16 : index
    %get3A_446 = tpu.vector_load %arg7[%get3A_444, %get3A_445] {strides = array<i32>} : memref<4x128xf32, #tpu.memory_space<vmem>>, vector<16xf32>,
    %bitcast3A_447 = vector.bitcast %get3A_446 : vector<16xf32> to vector<16xi32>
    %swap3A_448 = arith.constant 2 : i32
    %swap3A_449 = arith.index_cast %swap3A_448 : i32 to index
    %swap3A_450 = arith.constant 16 : index
    %swap3A_451 = tpu.vector_load %arg9[%swap3A_449, %swap3A_450] {strides = array<i32>} : memref<4x128xi32, #tpu.memory_space<vmem>>, vector<16xi32>,
    tpu.vector_store %arg9[%swap3A_449, %swap3A_450], %bitcast3A_447 {strides = array<i32>} : memref<4x128xi32, #tpu.memory_space<vmem>>, vector<16xi32>,
    %get3A_452 = arith.constant 2 : i32
    %get3A_453 = arith.index_cast %get3A_452 : i32 to index
    %get3A_454 = arith.constant 32 : index
    %get3A_455 = tpu.vector_load %arg7[%get3A_453, %get3A_454] {strides = array<i32>} : memref<4x128xf32, #tpu.memory_space<vmem>>, vector<16xf32>,
    %bitcast3A_456 = vector.bitcast %get3A_455 : vector<16xf32> to vector<16xi32>
    %swap3A_457 = arith.constant 2 : i32
    %swap3A_458 = arith.index_cast %swap3A_457 : i32 to index
    %swap3A_459 = arith.constant 32 : index
    %swap3A_460 = tpu.vector_load %arg9[%swap3A_458, %swap3A_459] {strides = array<i32>} : memref<4x128xi32, #tpu.memory_space<vmem>>, vector<16xi32>,
    tpu.vector_store %arg9[%swap3A_458, %swap3A_459], %bitcast3A_456 {strides = array<i32>} : memref<4x128xi32, #tpu.memory_space<vmem>>, vector<16xi32>,
    %get3A_461 = arith.constant 2 : i32
    %get3A_462 = arith.index_cast %get3A_461 : i32 to index
    %get3A_463 = arith.constant 48 : index
    %get3A_464 = tpu.vector_load %arg7[%get3A_462, %get3A_463] {strides = array<i32>} : memref<4x128xf32, #tpu.memory_space<vmem>>, vector<16xf32>,
    %bitcast3A_465 = vector.bitcast %get3A_464 : vector<16xf32> to vector<16xi32>
    %swap3A_466 = arith.constant 2 : i32
    %swap3A_467 = arith.index_cast %swap3A_466 : i32 to index
    %swap3A_468 = arith.constant 48 : index
    %swap3A_469 = tpu.vector_load %arg9[%swap3A_467, %swap3A_468] {strides = array<i32>} : memref<4x128xi32, #tpu.memory_space<vmem>>, vector<16xi32>,
    tpu.vector_store %arg9[%swap3A_467, %swap3A_468], %bitcast3A_465 {strides = array<i32>} : memref<4x128xi32, #tpu.memory_space<vmem>>, vector<16xi32>,
    %get3A_470 = arith.constant 2 : i32
    %get3A_471 = arith.index_cast %get3A_470 : i32 to index
    %get3A_472 = arith.constant 64 : index
    %get3A_473 = tpu.vector_load %arg7[%get3A_471, %get3A_472] {strides = array<i32>} : memref<4x128xf32, #tpu.memory_space<vmem>>, vector<16xf32>,
    %bitcast3A_474 = vector.bitcast %get3A_473 : vector<16xf32> to vector<16xi32>
    %swap3A_475 = arith.constant 2 : i32
    %swap3A_476 = arith.index_cast %swap3A_475 : i32 to index
    %swap3A_477 = arith.constant 64 : index
    %swap3A_478 = tpu.vector_load %arg9[%swap3A_476, %swap3A_477] {strides = array<i32>} : memref<4x128xi32, #tpu.memory_space<vmem>>, vector<16xi32>,
    tpu.vector_store %arg9[%swap3A_476, %swap3A_477], %bitcast3A_474 {strides = array<i32>} : memref<4x128xi32, #tpu.memory_space<vmem>>, vector<16xi32>,
    %get3A_479 = arith.constant 2 : i32
    %get3A_480 = arith.index_cast %get3A_479 : i32 to index
    %get3A_481 = arith.constant 80 : index
    %get3A_482 = tpu.vector_load %arg7[%get3A_480, %get3A_481] {strides = array<i32>} : memref<4x128xf32, #tpu.memory_space<vmem>>, vector<16xf32>,
    %bitcast3A_483 = vector.bitcast %get3A_482 : vector<16xf32> to vector<16xi32>
    %swap3A_484 = arith.constant 2 : i32
    %swap3A_485 = arith.index_cast %swap3A_484 : i32 to index
    %swap3A_486 = arith.constant 80 : index
    %swap3A_487 = tpu.vector_load %arg9[%swap3A_485, %swap3A_486] {strides = array<i32>} : memref<4x128xi32, #tpu.memory_space<vmem>>, vector<16xi32>,
    tpu.vector_store %arg9[%swap3A_485, %swap3A_486], %bitcast3A_483 {strides = array<i32>} : memref<4x128xi32, #tpu.memory_space<vmem>>, vector<16xi32>,
    %get3A_488 = arith.constant 2 : i32
    %get3A_489 = arith.index_cast %get3A_488 : i32 to index
    %get3A_490 = arith.constant 96 : index
    %get3A_491 = tpu.vector_load %arg7[%get3A_489, %get3A_490] {strides = array<i32>} : memref<4x128xf32, #tpu.memory_space<vmem>>, vector<16xf32>,
    %bitcast3A_492 = vector.bitcast %get3A_491 : vector<16xf32> to vector<16xi32>
    %swap3A_493 = arith.constant 2 : i32
    %swap3A_494 = arith.index_cast %swap3A_493 : i32 to index
    %swap3A_495 = arith.constant 96 : index
    %swap3A_496 = tpu.vector_load %arg9[%swap3A_494, %swap3A_495] {strides = array<i32>} : memref<4x128xi32, #tpu.memory_space<vmem>>, vector<16xi32>,
    tpu.vector_store %arg9[%swap3A_494, %swap3A_495], %bitcast3A_492 {strides = array<i32>} : memref<4x128xi32, #tpu.memory_space<vmem>>, vector<16xi32>,
    %get3A_497 = arith.constant 2 : i32
    %get3A_498 = arith.index_cast %get3A_497 : i32 to index
    %get3A_499 = arith.constant 112 : index
    %get3A_500 = tpu.vector_load %arg7[%get3A_498, %get3A_499] {strides = array<i32>} : memref<4x128xf32, #tpu.memory_space<vmem>>, vector<16xf32>,
    %bitcast3A_501 = vector.bitcast %get3A_500 : vector<16xf32> to vector<16xi32>
    %swap3A_502 = arith.constant 2 : i32
    %swap3A_503 = arith.index_cast %swap3A_502 : i32 to index
    %swap3A_504 = arith.constant 112 : index
    %swap3A_505 = tpu.vector_load %arg9[%swap3A_503, %swap3A_504] {strides = array<i32>} : memref<4x128xi32, #tpu.memory_space<vmem>>, vector<16xi32>,
    tpu.vector_store %arg9[%swap3A_503, %swap3A_504], %bitcast3A_501 {strides = array<i32>} : memref<4x128xi32, #tpu.memory_space<vmem>>, vector<16xi32>,
    %get3A_506 = arith.constant 3 : i32
    %get3A_507 = arith.index_cast %get3A_506 : i32 to index
    %get3A_508 = arith.constant 0 : index
    %get3A_509 = tpu.vector_load %arg7[%get3A_507, %get3A_508] {strides = array<i32>} : memref<4x128xf32, #tpu.memory_space<vmem>>, vector<16xf32>,
    %bitcast3A_510 = vector.bitcast %get3A_509 : vector<16xf32> to vector<16xi32>
    %swap3A_511 = arith.constant 3 : i32
    %swap3A_512 = arith.index_cast %swap3A_511 : i32 to index
    %swap3A_513 = arith.constant 0 : index
    %swap3A_514 = tpu.vector_load %arg9[%swap3A_512, %swap3A_513] {strides = array<i32>} : memref<4x128xi32, #tpu.memory_space<vmem>>, vector<16xi32>,
    tpu.vector_store %arg9[%swap3A_512, %swap3A_513], %bitcast3A_510 {strides = array<i32>} : memref<4x128xi32, #tpu.memory_space<vmem>>, vector<16xi32>,
    %get3A_515 = arith.constant 3 : i32
    %get3A_516 = arith.index_cast %get3A_515 : i32 to index
    %get3A_517 = arith.constant 16 : index
    %get3A_518 = tpu.vector_load %arg7[%get3A_516, %get3A_517] {strides = array<i32>} : memref<4x128xf32, #tpu.memory_space<vmem>>, vector<16xf32>,
    %bitcast3A_519 = vector.bitcast %get3A_518 : vector<16xf32> to vector<16xi32>
    %swap3A_520 = arith.constant 3 : i32
    %swap3A_521 = arith.index_cast %swap3A_520 : i32 to index
    %swap3A_522 = arith.constant 16 : index
    %swap3A_523 = tpu.vector_load %arg9[%swap3A_521, %swap3A_522] {strides = array<i32>} : memref<4x128xi32, #tpu.memory_space<vmem>>, vector<16xi32>,
    tpu.vector_store %arg9[%swap3A_521, %swap3A_522], %bitcast3A_519 {strides = array<i32>} : memref<4x128xi32, #tpu.memory_space<vmem>>, vector<16xi32>,
    %get3A_524 = arith.constant 3 : i32
    %get3A_525 = arith.index_cast %get3A_524 : i32 to index
    %get3A_526 = arith.constant 32 : index
    %get3A_527 = tpu.vector_load %arg7[%get3A_525, %get3A_526] {strides = array<i32>} : memref<4x128xf32, #tpu.memory_space<vmem>>, vector<16xf32>,
    %bitcast3A_528 = vector.bitcast %get3A_527 : vector<16xf32> to vector<16xi32>
    %swap3A_529 = arith.constant 3 : i32
    %swap3A_530 = arith.index_cast %swap3A_529 : i32 to index
    %swap3A_531 = arith.constant 32 : index
    %swap3A_532 = tpu.vector_load %arg9[%swap3A_530, %swap3A_531] {strides = array<i32>} : memref<4x128xi32, #tpu.memory_space<vmem>>, vector<16xi32>,
    tpu.vector_store %arg9[%swap3A_530, %swap3A_531], %bitcast3A_528 {strides = array<i32>} : memref<4x128xi32, #tpu.memory_space<vmem>>, vector<16xi32>,
    %get3A_533 = arith.constant 3 : i32
    %get3A_534 = arith.index_cast %get3A_533 : i32 to index
    %get3A_535 = arith.constant 48 : index
    %get3A_536 = tpu.vector_load %arg7[%get3A_534, %get3A_535] {strides = array<i32>} : memref<4x128xf32, #tpu.memory_space<vmem>>, vector<16xf32>,
    %bitcast3A_537 = vector.bitcast %get3A_536 : vector<16xf32> to vector<16xi32>
    %swap3A_538 = arith.constant 3 : i32
    %swap3A_539 = arith.index_cast %swap3A_538 : i32 to index
    %swap3A_540 = arith.constant 48 : index
    %swap3A_541 = tpu.vector_load %arg9[%swap3A_539, %swap3A_540] {strides = array<i32>} : memref<4x128xi32, #tpu.memory_space<vmem>>, vector<16xi32>,
    tpu.vector_store %arg9[%swap3A_539, %swap3A_540], %bitcast3A_537 {strides = array<i32>} : memref<4x128xi32, #tpu.memory_space<vmem>>, vector<16xi32>,
    %get3A_542 = arith.constant 3 : i32
    %get3A_543 = arith.index_cast %get3A_542 : i32 to index
    %get3A_544 = arith.constant 64 : index
    %get3A_545 = tpu.vector_load %arg7[%get3A_543, %get3A_544] {strides = array<i32>} : memref<4x128xf32, #tpu.memory_space<vmem>>, vector<16xf32>,
    %bitcast3A_546 = vector.bitcast %get3A_545 : vector<16xf32> to vector<16xi32>
    %swap3A_547 = arith.constant 3 : i32
    %swap3A_548 = arith.index_cast %swap3A_547 : i32 to index
    %swap3A_549 = arith.constant 64 : index
    %swap3A_550 = tpu.vector_load %arg9[%swap3A_548, %swap3A_549] {strides = array<i32>} : memref<4x128xi32, #tpu.memory_space<vmem>>, vector<16xi32>,
    tpu.vector_store %arg9[%swap3A_548, %swap3A_549], %bitcast3A_546 {strides = array<i32>} : memref<4x128xi32, #tpu.memory_space<vmem>>, vector<16xi32>,
    %get3A_551 = arith.constant 3 : i32
    %get3A_552 = arith.index_cast %get3A_551 : i32 to index
    %get3A_553 = arith.constant 80 : index
    %get3A_554 = tpu.vector_load %arg7[%get3A_552, %get3A_553] {strides = array<i32>} : memref<4x128xf32, #tpu.memory_space<vmem>>, vector<16xf32>,
    %bitcast3A_555 = vector.bitcast %get3A_554 : vector<16xf32> to vector<16xi32>
    %swap3A_556 = arith.constant 3 : i32
    %swap3A_557 = arith.index_cast %swap3A_556 : i32 to index
    %swap3A_558 = arith.constant 80 : index
    %swap3A_559 = tpu.vector_load %arg9[%swap3A_557, %swap3A_558] {strides = array<i32>} : memref<4x128xi32, #tpu.memory_space<vmem>>, vector<16xi32>,
    tpu.vector_store %arg9[%swap3A_557, %swap3A_558], %bitcast3A_555 {strides = array<i32>} : memref<4x128xi32, #tpu.memory_space<vmem>>, vector<16xi32>,
    %get3A_560 = arith.constant 3 : i32
    %get3A_561 = arith.index_cast %get3A_560 : i32 to index
    %get3A_562 = arith.constant 96 : index
    %get3A_563 = tpu.vector_load %arg7[%get3A_561, %get3A_562] {strides = array<i32>} : memref<4x128xf32, #tpu.memory_space<vmem>>, vector<16xf32>,
    %bitcast3A_564 = vector.bitcast %get3A_563 : vector<16xf32> to vector<16xi32>
    %swap3A_565 = arith.constant 3 : i32
    %swap3A_566 = arith.index_cast %swap3A_565 : i32 to index
    %swap3A_567 = arith.constant 96 : index
    %swap3A_568 = tpu.vector_load %arg9[%swap3A_566, %swap3A_567] {strides = array<i32>} : memref<4x128xi32, #tpu.memory_space<vmem>>, vector<16xi32>,
    tpu.vector_store %arg9[%swap3A_566, %swap3A_567], %bitcast3A_564 {strides = array<i32>} : memref<4x128xi32, #tpu.memory_space<vmem>>, vector<16xi32>,
    %get3A_569 = arith.constant 3 : i32
    %get3A_570 = arith.index_cast %get3A_569 : i32 to index
    %get3A_571 = arith.constant 112 : index
    %get3A_572 = tpu.vector_load %arg7[%get3A_570, %get3A_571] {strides = array<i32>} : memref<4x128xf32, #tpu.memory_space<vmem>>, vector<16xf32>,
    %bitcast3A_573 = vector.bitcast %get3A_572 : vector<16xf32> to vector<16xi32>
    %swap3A_574 = arith.constant 3 : i32
    %swap3A_575 = arith.index_cast %swap3A_574 : i32 to index
    %swap3A_576 = arith.constant 112 : index
    %swap3A_577 = tpu.vector_load %arg9[%swap3A_575, %swap3A_576] {strides = array<i32>} : memref<4x128xi32, #tpu.memory_space<vmem>>, vector<16xi32>,
    tpu.vector_store %arg9[%swap3A_575, %swap3A_576], %bitcast3A_573 {strides = array<i32>} : memref<4x128xi32, #tpu.memory_space<vmem>>, vector<16xi32>,
    %mul3A_578 = arith.constant 512 : i32
    %mul3A_579 = arith.muli %add3A, %mul3A_578 : i32
    %dma_start3A = arith.constant 0 : i32
    %dma_start3A_580 = arith.constant 0 : i32
    %dma_start3A_581 = tpu.memref_slice %arg8[%dma_start3A, %dma_start3A_580] : memref<4x128xi32, #tpu.memory_space<vmem>> -> memref<1x128xi32, #tpu.memory_space<vmem>>
    %dma_start3A_582 = tpu.memref_squeeze %dma_start3A_581 : memref<1x128xi32, #tpu.memory_space<vmem>> -> memref<128xi32, #tpu.memory_space<vmem>>
    %dma_start3A_583 = arith.constant 0 : i32
    %dma_start3A_584 = arith.constant 0 : i32
    %dma_start3A_585 = tpu.memref_slice %arg2[%dma_start3A_583, %dma_start3A_584] : memref<2048x128xf32, #tpu.memory_space<hbm>> -> memref<2048x128xf32, #tpu.memory_space<hbm>>
    tpu.enqueue_indirect_dma source(%dma_start3A_585 : memref<2048x128xf32, #tpu.memory_space<hbm>>) target(%arg10 : memref<128x128xf32, #tpu.memory_space<vmem>>) offsets(%dma_start3A_582 : memref<128xi32, #tpu.memory_space<vmem>>) semaphore(%arg13 : memref<!tpu.dma_semaphore, #tpu.memory_space<semaphore_mem>>)
    %dma_start3A_586 = arith.constant 0 : i32
    %dma_start3A_587 = arith.constant 0 : i32
    %dma_start3A_588 = tpu.memref_slice %arg9[%dma_start3A_586, %dma_start3A_587] : memref<4x128xi32, #tpu.memory_space<vmem>> -> memref<1x128xi32, #tpu.memory_space<vmem>>
    %dma_start3A_589 = tpu.memref_squeeze %dma_start3A_588 : memref<1x128xi32, #tpu.memory_space<vmem>> -> memref<128xi32, #tpu.memory_space<vmem>>
    %dma_start3A_590 = arith.constant 0 : i32
    %dma_start3A_591 = arith.constant 0 : i32
    %dma_start3A_592 = tpu.memref_slice %arg2[%dma_start3A_590, %dma_start3A_591] : memref<2048x128xf32, #tpu.memory_space<hbm>> -> memref<2048x128xf32, #tpu.memory_space<hbm>>
    tpu.enqueue_indirect_dma source(%dma_start3A_592 : memref<2048x128xf32, #tpu.memory_space<hbm>>) target(%arg11 : memref<128x128xf32, #tpu.memory_space<vmem>>) offsets(%dma_start3A_589 : memref<128xi32, #tpu.memory_space<vmem>>) semaphore(%arg14 : memref<!tpu.dma_semaphore, #tpu.memory_space<semaphore_mem>>)
    %dma_wait3A = arith.constant 0 : i32
    %dma_wait3A_593 = arith.constant 0 : i32
    %dma_wait3A_594 = tpu.memref_slice %arg8[%dma_wait3A, %dma_wait3A_593] : memref<4x128xi32, #tpu.memory_space<vmem>> -> memref<1x128xi32, #tpu.memory_space<vmem>>
    %dma_wait3A_595 = tpu.memref_squeeze %dma_wait3A_594 : memref<1x128xi32, #tpu.memory_space<vmem>> -> memref<128xi32, #tpu.memory_space<vmem>>
    %dma_wait3A_596 = arith.constant 0 : i32
    %dma_wait3A_597 = arith.constant 0 : i32
    %dma_wait3A_598 = tpu.memref_slice %arg2[%dma_wait3A_596, %dma_wait3A_597] : memref<2048x128xf32, #tpu.memory_space<hbm>> -> memref<2048x128xf32, #tpu.memory_space<hbm>>
    tpu.wait_indirect_dma semaphore(%arg13 : memref<!tpu.dma_semaphore, #tpu.memory_space<semaphore_mem>>) src(%dma_wait3A_598 : memref<2048x128xf32, #tpu.memory_space<hbm>>) dst(%arg10 : memref<128x128xf32, #tpu.memory_space<vmem>>)
    %dma_wait3A_599 = arith.constant 0 : i32
    %dma_wait3A_600 = arith.constant 0 : i32
    %dma_wait3A_601 = tpu.memref_slice %arg9[%dma_wait3A_599, %dma_wait3A_600] : memref<4x128xi32, #tpu.memory_space<vmem>> -> memref<1x128xi32, #tpu.memory_space<vmem>>
    %dma_wait3A_602 = tpu.memref_squeeze %dma_wait3A_601 : memref<1x128xi32, #tpu.memory_space<vmem>> -> memref<128xi32, #tpu.memory_space<vmem>>
    %dma_wait3A_603 = arith.constant 0 : i32
    %dma_wait3A_604 = arith.constant 0 : i32
    %dma_wait3A_605 = tpu.memref_slice %arg2[%dma_wait3A_603, %dma_wait3A_604] : memref<2048x128xf32, #tpu.memory_space<hbm>> -> memref<2048x128xf32, #tpu.memory_space<hbm>>
    tpu.wait_indirect_dma semaphore(%arg14 : memref<!tpu.dma_semaphore, #tpu.memory_space<semaphore_mem>>) src(%dma_wait3A_605 : memref<2048x128xf32, #tpu.memory_space<hbm>>) dst(%arg11 : memref<128x128xf32, #tpu.memory_space<vmem>>)
    %scan3A = arith.constant 0 : i32
    %scan3A_606 = arith.constant 0 : i32
    %scan3A_607 = arith.constant 128 : i32
    %scan3A_608 = arith.addi %scan3A_606, %scan3A_607 : i32
    %scan3A_609 = arith.constant 1 : i32
    scf.for %scan3A_721 = %scan3A_606 to %scan3A_608 step %scan3A_609  : i32 {
      %get3A_722 = arith.index_cast %scan3A_721 : i32 to index
      %get3A_723 = arith.constant 0 : index
      %get3A_724 = tpu.vector_load %arg10[%get3A_722, %get3A_723] {strides = array<i32>} : memref<128x128xf32, #tpu.memory_space<vmem>>, vector<16xf32>,
      %get3A_725 = arith.index_cast %scan3A_721 : i32 to index
      %get3A_726 = arith.constant 0 : index
      %get3A_727 = tpu.vector_load %arg11[%get3A_725, %get3A_726] {strides = array<i32>} : memref<128x128xf32, #tpu.memory_space<vmem>>, vector<16xf32>,
      %mul3A_728 = arith.mulf %get3A_724, %get3A_727 : vector<16xf32>
      %swap3A_729 = arith.index_cast %scan3A_721 : i32 to index
      %swap3A_730 = arith.constant 0 : index
      %swap3A_731 = tpu.vector_load %arg12[%swap3A_729, %swap3A_730] {strides = array<i32>} : memref<128x64xf32, #tpu.memory_space<vmem>>, vector<16xf32>,
      tpu.vector_store %arg12[%swap3A_729, %swap3A_730], %mul3A_728 {strides = array<i32>} : memref<128x64xf32, #tpu.memory_space<vmem>>, vector<16xf32>,
      %get3A_732 = arith.index_cast %scan3A_721 : i32 to index
      %get3A_733 = arith.constant 16 : index
      %get3A_734 = tpu.vector_load %arg10[%get3A_732, %get3A_733] {strides = array<i32>} : memref<128x128xf32, #tpu.memory_space<vmem>>, vector<16xf32>,
      %get3A_735 = arith.index_cast %scan3A_721 : i32 to index
      %get3A_736 = arith.constant 16 : index
      %get3A_737 = tpu.vector_load %arg11[%get3A_735, %get3A_736] {strides = array<i32>} : memref<128x128xf32, #tpu.memory_space<vmem>>, vector<16xf32>,
      %mul3A_738 = arith.mulf %get3A_734, %get3A_737 : vector<16xf32>
      %swap3A_739 = arith.index_cast %scan3A_721 : i32 to index
      %swap3A_740 = arith.constant 16 : index
      %swap3A_741 = tpu.vector_load %arg12[%swap3A_739, %swap3A_740] {strides = array<i32>} : memref<128x64xf32, #tpu.memory_space<vmem>>, vector<16xf32>,
      tpu.vector_store %arg12[%swap3A_739, %swap3A_740], %mul3A_738 {strides = array<i32>} : memref<128x64xf32, #tpu.memory_space<vmem>>, vector<16xf32>,
      %get3A_742 = arith.index_cast %scan3A_721 : i32 to index
      %get3A_743 = arith.constant 32 : index
      %get3A_744 = tpu.vector_load %arg10[%get3A_742, %get3A_743] {strides = array<i32>} : memref<128x128xf32, #tpu.memory_space<vmem>>, vector<16xf32>,
      %get3A_745 = arith.index_cast %scan3A_721 : i32 to index
      %get3A_746 = arith.constant 32 : index
      %get3A_747 = tpu.vector_load %arg11[%get3A_745, %get3A_746] {strides = array<i32>} : memref<128x128xf32, #tpu.memory_space<vmem>>, vector<16xf32>,
      %mul3A_748 = arith.mulf %get3A_744, %get3A_747 : vector<16xf32>
      %swap3A_749 = arith.index_cast %scan3A_721 : i32 to index
      %swap3A_750 = arith.constant 32 : index
      %swap3A_751 = tpu.vector_load %arg12[%swap3A_749, %swap3A_750] {strides = array<i32>} : memref<128x64xf32, #tpu.memory_space<vmem>>, vector<16xf32>,
      tpu.vector_store %arg12[%swap3A_749, %swap3A_750], %mul3A_748 {strides = array<i32>} : memref<128x64xf32, #tpu.memory_space<vmem>>, vector<16xf32>,
      %get3A_752 = arith.index_cast %scan3A_721 : i32 to index
      %get3A_753 = arith.constant 48 : index
      %get3A_754 = tpu.vector_load %arg10[%get3A_752, %get3A_753] {strides = array<i32>} : memref<128x128xf32, #tpu.memory_space<vmem>>, vector<16xf32>,
      %get3A_755 = arith.index_cast %scan3A_721 : i32 to index
      %get3A_756 = arith.constant 48 : index
      %get3A_757 = tpu.vector_load %arg11[%get3A_755, %get3A_756] {strides = array<i32>} : memref<128x128xf32, #tpu.memory_space<vmem>>, vector<16xf32>,
      %mul3A_758 = arith.mulf %get3A_754, %get3A_757 : vector<16xf32>
      %swap3A_759 = arith.index_cast %scan3A_721 : i32 to index
      %swap3A_760 = arith.constant 48 : index
      %swap3A_761 = tpu.vector_load %arg12[%swap3A_759, %swap3A_760] {strides = array<i32>} : memref<128x64xf32, #tpu.memory_space<vmem>>, vector<16xf32>,
      tpu.vector_store %arg12[%swap3A_759, %swap3A_760], %mul3A_758 {strides = array<i32>} : memref<128x64xf32, #tpu.memory_space<vmem>>, vector<16xf32>,
    }
    %scan3A_610 = arith.constant 128 : i32
    %add3A_611 = arith.constant 0 : i32
    %add3A_612 = arith.addi %mul3A_579, %add3A_611 : i32
    "tpu.region"() ({
      %run_scoped3A = tpu.sem_alloc : memref<!tpu.dma_semaphore, #tpu.memory_space<semaphore_mem>>
      %dma_start3A_721 = arith.constant 0 : i32
      %dma_start3A_722 = tpu.memref_slice %arg5[%add3A_612, %dma_start3A_721] : memref<16384x64xf32, #tpu.memory_space<hbm>> -> memref<128x64xf32, #tpu.memory_space<hbm>>
      %dma_start3A_723 = arith.constant 0 : i32
      %dma_start3A_724 = tpu.memref_slice %arg5[%add3A_612, %dma_start3A_723] : memref<16384x64xf32, #tpu.memory_space<hbm>> -> memref<128x64xf32, #tpu.memory_space<hbm>>
      tpu.enqueue_dma source(%arg12 : memref<128x64xf32, #tpu.memory_space<vmem>>) target(%dma_start3A_724 : memref<128x64xf32, #tpu.memory_space<hbm>>) target_semaphore(%run_scoped3A : memref<!tpu.dma_semaphore, #tpu.memory_space<semaphore_mem>>)
      %dma_wait3A_725 = arith.constant 0 : i32
      %dma_wait3A_726 = tpu.memref_slice %arg5[%add3A_612, %dma_wait3A_725] : memref<16384x64xf32, #tpu.memory_space<hbm>> -> memref<128x64xf32, #tpu.memory_space<hbm>>
      %dma_wait3A_727 = arith.constant 0 : i32
      %dma_wait3A_728 = tpu.memref_slice %arg5[%add3A_612, %dma_wait3A_727] : memref<16384x64xf32, #tpu.memory_space<hbm>> -> memref<128x64xf32, #tpu.memory_space<hbm>>
      tpu.wait_dma2 semaphore(%run_scoped3A : memref<!tpu.dma_semaphore, #tpu.memory_space<semaphore_mem>>) src(%arg12 : memref<128x64xf32, #tpu.memory_space<vmem>>) dst(%dma_wait3A_728 : memref<128x64xf32, #tpu.memory_space<hbm>>)
      tpu.yield
    }) : () -> ()
    %dma_start3A_613 = arith.constant 1 : i32
    %dma_start3A_614 = arith.constant 0 : i32
    %dma_start3A_615 = tpu.memref_slice %arg8[%dma_start3A_613, %dma_start3A_614] : memref<4x128xi32, #tpu.memory_space<vmem>> -> memref<1x128xi32, #tpu.memory_space<vmem>>
    %dma_start3A_616 = tpu.memref_squeeze %dma_start3A_615 : memref<1x128xi32, #tpu.memory_space<vmem>> -> memref<128xi32, #tpu.memory_space<vmem>>
    %dma_start3A_617 = arith.constant 0 : i32
    %dma_start3A_618 = arith.constant 0 : i32
    %dma_start3A_619 = tpu.memref_slice %arg2[%dma_start3A_617, %dma_start3A_618] : memref<2048x128xf32, #tpu.memory_space<hbm>> -> memref<2048x128xf32, #tpu.memory_space<hbm>>
    tpu.enqueue_indirect_dma source(%dma_start3A_619 : memref<2048x128xf32, #tpu.memory_space<hbm>>) target(%arg10 : memref<128x128xf32, #tpu.memory_space<vmem>>) offsets(%dma_start3A_616 : memref<128xi32, #tpu.memory_space<vmem>>) semaphore(%arg13 : memref<!tpu.dma_semaphore, #tpu.memory_space<semaphore_mem>>)
    %dma_start3A_620 = arith.constant 1 : i32
    %dma_start3A_621 = arith.constant 0 : i32
    %dma_start3A_622 = tpu.memref_slice %arg9[%dma_start3A_620, %dma_start3A_621] : memref<4x128xi32, #tpu.memory_space<vmem>> -> memref<1x128xi32, #tpu.memory_space<vmem>>
    %dma_start3A_623 = tpu.memref_squeeze %dma_start3A_622 : memref<1x128xi32, #tpu.memory_space<vmem>> -> memref<128xi32, #tpu.memory_space<vmem>>
    %dma_start3A_624 = arith.constant 0 : i32
    %dma_start3A_625 = arith.constant 0 : i32
    %dma_start3A_626 = tpu.memref_slice %arg2[%dma_start3A_624, %dma_start3A_625] : memref<2048x128xf32, #tpu.memory_space<hbm>> -> memref<2048x128xf32, #tpu.memory_space<hbm>>
    tpu.enqueue_indirect_dma source(%dma_start3A_626 : memref<2048x128xf32, #tpu.memory_space<hbm>>) target(%arg11 : memref<128x128xf32, #tpu.memory_space<vmem>>) offsets(%dma_start3A_623 : memref<128xi32, #tpu.memory_space<vmem>>) semaphore(%arg14 : memref<!tpu.dma_semaphore, #tpu.memory_space<semaphore_mem>>)
    %dma_wait3A_627 = arith.constant 1 : i32
    %dma_wait3A_628 = arith.constant 0 : i32
    %dma_wait3A_629 = tpu.memref_slice %arg8[%dma_wait3A_627, %dma_wait3A_628] : memref<4x128xi32, #tpu.memory_space<vmem>> -> memref<1x128xi32, #tpu.memory_space<vmem>>
    %dma_wait3A_630 = tpu.memref_squeeze %dma_wait3A_629 : memref<1x128xi32, #tpu.memory_space<vmem>> -> memref<128xi32, #tpu.memory_space<vmem>>
    %dma_wait3A_631 = arith.constant 0 : i32
    %dma_wait3A_632 = arith.constant 0 : i32
    %dma_wait3A_633 = tpu.memref_slice %arg2[%dma_wait3A_631, %dma_wait3A_632] : memref<2048x128xf32, #tpu.memory_space<hbm>> -> memref<2048x128xf32, #tpu.memory_space<hbm>>
    tpu.wait_indirect_dma semaphore(%arg13 : memref<!tpu.dma_semaphore, #tpu.memory_space<semaphore_mem>>) src(%dma_wait3A_633 : memref<2048x128xf32, #tpu.memory_space<hbm>>) dst(%arg10 : memref<128x128xf32, #tpu.memory_space<vmem>>)
    %dma_wait3A_634 = arith.constant 1 : i32
    %dma_wait3A_635 = arith.constant 0 : i32
    %dma_wait3A_636 = tpu.memref_slice %arg9[%dma_wait3A_634, %dma_wait3A_635] : memref<4x128xi32, #tpu.memory_space<vmem>> -> memref<1x128xi32, #tpu.memory_space<vmem>>
    %dma_wait3A_637 = tpu.memref_squeeze %dma_wait3A_636 : memref<1x128xi32, #tpu.memory_space<vmem>> -> memref<128xi32, #tpu.memory_space<vmem>>
    %dma_wait3A_638 = arith.constant 0 : i32
    %dma_wait3A_639 = arith.constant 0 : i32
    %dma_wait3A_640 = tpu.memref_slice %arg2[%dma_wait3A_638, %dma_wait3A_639] : memref<2048x128xf32, #tpu.memory_space<hbm>> -> memref<2048x128xf32, #tpu.memory_space<hbm>>
    tpu.wait_indirect_dma semaphore(%arg14 : memref<!tpu.dma_semaphore, #tpu.memory_space<semaphore_mem>>) src(%dma_wait3A_640 : memref<2048x128xf32, #tpu.memory_space<hbm>>) dst(%arg11 : memref<128x128xf32, #tpu.memory_space<vmem>>)
    %scan3A_641 = arith.constant 0 : i32
    %scan3A_642 = arith.constant 0 : i32
    %scan3A_643 = arith.constant 128 : i32
    %scan3A_644 = arith.addi %scan3A_642, %scan3A_643 : i32
    %scan3A_645 = arith.constant 1 : i32
    scf.for %scan3A_721 = %scan3A_642 to %scan3A_644 step %scan3A_645  : i32 {
      %get3A_722 = arith.index_cast %scan3A_721 : i32 to index
      %get3A_723 = arith.constant 0 : index
      %get3A_724 = tpu.vector_load %arg10[%get3A_722, %get3A_723] {strides = array<i32>} : memref<128x128xf32, #tpu.memory_space<vmem>>, vector<16xf32>,
      %get3A_725 = arith.index_cast %scan3A_721 : i32 to index
      %get3A_726 = arith.constant 0 : index
      %get3A_727 = tpu.vector_load %arg11[%get3A_725, %get3A_726] {strides = array<i32>} : memref<128x128xf32, #tpu.memory_space<vmem>>, vector<16xf32>,
      %mul3A_728 = arith.mulf %get3A_724, %get3A_727 : vector<16xf32>
      %swap3A_729 = arith.index_cast %scan3A_721 : i32 to index
      %swap3A_730 = arith.constant 0 : index
      %swap3A_731 = tpu.vector_load %arg12[%swap3A_729, %swap3A_730] {strides = array<i32>} : memref<128x64xf32, #tpu.memory_space<vmem>>, vector<16xf32>,
      tpu.vector_store %arg12[%swap3A_729, %swap3A_730], %mul3A_728 {strides = array<i32>} : memref<128x64xf32, #tpu.memory_space<vmem>>, vector<16xf32>,
      %get3A_732 = arith.index_cast %scan3A_721 : i32 to index
      %get3A_733 = arith.constant 16 : index
      %get3A_734 = tpu.vector_load %arg10[%get3A_732, %get3A_733] {strides = array<i32>} : memref<128x128xf32, #tpu.memory_space<vmem>>, vector<16xf32>,
      %get3A_735 = arith.index_cast %scan3A_721 : i32 to index
      %get3A_736 = arith.constant 16 : index
      %get3A_737 = tpu.vector_load %arg11[%get3A_735, %get3A_736] {strides = array<i32>} : memref<128x128xf32, #tpu.memory_space<vmem>>, vector<16xf32>,
      %mul3A_738 = arith.mulf %get3A_734, %get3A_737 : vector<16xf32>
      %swap3A_739 = arith.index_cast %scan3A_721 : i32 to index
      %swap3A_740 = arith.constant 16 : index
      %swap3A_741 = tpu.vector_load %arg12[%swap3A_739, %swap3A_740] {strides = array<i32>} : memref<128x64xf32, #tpu.memory_space<vmem>>, vector<16xf32>,
      tpu.vector_store %arg12[%swap3A_739, %swap3A_740], %mul3A_738 {strides = array<i32>} : memref<128x64xf32, #tpu.memory_space<vmem>>, vector<16xf32>,
      %get3A_742 = arith.index_cast %scan3A_721 : i32 to index
      %get3A_743 = arith.constant 32 : index
      %get3A_744 = tpu.vector_load %arg10[%get3A_742, %get3A_743] {strides = array<i32>} : memref<128x128xf32, #tpu.memory_space<vmem>>, vector<16xf32>,
      %get3A_745 = arith.index_cast %scan3A_721 : i32 to index
      %get3A_746 = arith.constant 32 : index
      %get3A_747 = tpu.vector_load %arg11[%get3A_745, %get3A_746] {strides = array<i32>} : memref<128x128xf32, #tpu.memory_space<vmem>>, vector<16xf32>,
      %mul3A_748 = arith.mulf %get3A_744, %get3A_747 : vector<16xf32>
      %swap3A_749 = arith.index_cast %scan3A_721 : i32 to index
      %swap3A_750 = arith.constant 32 : index
      %swap3A_751 = tpu.vector_load %arg12[%swap3A_749, %swap3A_750] {strides = array<i32>} : memref<128x64xf32, #tpu.memory_space<vmem>>, vector<16xf32>,
      tpu.vector_store %arg12[%swap3A_749, %swap3A_750], %mul3A_748 {strides = array<i32>} : memref<128x64xf32, #tpu.memory_space<vmem>>, vector<16xf32>,
      %get3A_752 = arith.index_cast %scan3A_721 : i32 to index
      %get3A_753 = arith.constant 48 : index
      %get3A_754 = tpu.vector_load %arg10[%get3A_752, %get3A_753] {strides = array<i32>} : memref<128x128xf32, #tpu.memory_space<vmem>>, vector<16xf32>,
      %get3A_755 = arith.index_cast %scan3A_721 : i32 to index
      %get3A_756 = arith.constant 48 : index
      %get3A_757 = tpu.vector_load %arg11[%get3A_755, %get3A_756] {strides = array<i32>} : memref<128x128xf32, #tpu.memory_space<vmem>>, vector<16xf32>,
      %mul3A_758 = arith.mulf %get3A_754, %get3A_757 : vector<16xf32>
      %swap3A_759 = arith.index_cast %scan3A_721 : i32 to index
      %swap3A_760 = arith.constant 48 : index
      %swap3A_761 = tpu.vector_load %arg12[%swap3A_759, %swap3A_760] {strides = array<i32>} : memref<128x64xf32, #tpu.memory_space<vmem>>, vector<16xf32>,
      tpu.vector_store %arg12[%swap3A_759, %swap3A_760], %mul3A_758 {strides = array<i32>} : memref<128x64xf32, #tpu.memory_space<vmem>>, vector<16xf32>,
    }
    %scan3A_646 = arith.constant 128 : i32
    %add3A_647 = arith.constant 128 : i32
    %add3A_648 = arith.addi %mul3A_579, %add3A_647 : i32
    "tpu.region"() ({
      %run_scoped3A = tpu.sem_alloc : memref<!tpu.dma_semaphore, #tpu.memory_space<semaphore_mem>>
      %dma_start3A_721 = arith.constant 0 : i32
      %dma_start3A_722 = tpu.memref_slice %arg5[%add3A_648, %dma_start3A_721] : memref<16384x64xf32, #tpu.memory_space<hbm>> -> memref<128x64xf32, #tpu.memory_space<hbm>>
      %dma_start3A_723 = arith.constant 0 : i32
      %dma_start3A_724 = tpu.memref_slice %arg5[%add3A_648, %dma_start3A_723] : memref<16384x64xf32, #tpu.memory_space<hbm>> -> memref<128x64xf32, #tpu.memory_space<hbm>>
      tpu.enqueue_dma source(%arg12 : memref<128x64xf32, #tpu.memory_space<vmem>>) target(%dma_start3A_724 : memref<128x64xf32, #tpu.memory_space<hbm>>) target_semaphore(%run_scoped3A : memref<!tpu.dma_semaphore, #tpu.memory_space<semaphore_mem>>)
      %dma_wait3A_725 = arith.constant 0 : i32
      %dma_wait3A_726 = tpu.memref_slice %arg5[%add3A_648, %dma_wait3A_725] : memref<16384x64xf32, #tpu.memory_space<hbm>> -> memref<128x64xf32, #tpu.memory_space<hbm>>
      %dma_wait3A_727 = arith.constant 0 : i32
      %dma_wait3A_728 = tpu.memref_slice %arg5[%add3A_648, %dma_wait3A_727] : memref<16384x64xf32, #tpu.memory_space<hbm>> -> memref<128x64xf32, #tpu.memory_space<hbm>>
      tpu.wait_dma2 semaphore(%run_scoped3A : memref<!tpu.dma_semaphore, #tpu.memory_space<semaphore_mem>>) src(%arg12 : memref<128x64xf32, #tpu.memory_space<vmem>>) dst(%dma_wait3A_728 : memref<128x64xf32, #tpu.memory_space<hbm>>)
      tpu.yield
    }) : () -> ()
    %dma_start3A_649 = arith.constant 2 : i32
    %dma_start3A_650 = arith.constant 0 : i32
    %dma_start3A_651 = tpu.memref_slice %arg8[%dma_start3A_649, %dma_start3A_650] : memref<4x128xi32, #tpu.memory_space<vmem>> -> memref<1x128xi32, #tpu.memory_space<vmem>>
    %dma_start3A_652 = tpu.memref_squeeze %dma_start3A_651 : memref<1x128xi32, #tpu.memory_space<vmem>> -> memref<128xi32, #tpu.memory_space<vmem>>
    %dma_start3A_653 = arith.constant 0 : i32
    %dma_start3A_654 = arith.constant 0 : i32
    %dma_start3A_655 = tpu.memref_slice %arg2[%dma_start3A_653, %dma_start3A_654] : memref<2048x128xf32, #tpu.memory_space<hbm>> -> memref<2048x128xf32, #tpu.memory_space<hbm>>
    tpu.enqueue_indirect_dma source(%dma_start3A_655 : memref<2048x128xf32, #tpu.memory_space<hbm>>) target(%arg10 : memref<128x128xf32, #tpu.memory_space<vmem>>) offsets(%dma_start3A_652 : memref<128xi32, #tpu.memory_space<vmem>>) semaphore(%arg13 : memref<!tpu.dma_semaphore, #tpu.memory_space<semaphore_mem>>)
    %dma_start3A_656 = arith.constant 2 : i32
    %dma_start3A_657 = arith.constant 0 : i32
    %dma_start3A_658 = tpu.memref_slice %arg9[%dma_start3A_656, %dma_start3A_657] : memref<4x128xi32, #tpu.memory_space<vmem>> -> memref<1x128xi32, #tpu.memory_space<vmem>>
    %dma_start3A_659 = tpu.memref_squeeze %dma_start3A_658 : memref<1x128xi32, #tpu.memory_space<vmem>> -> memref<128xi32, #tpu.memory_space<vmem>>
    %dma_start3A_660 = arith.constant 0 : i32
    %dma_start3A_661 = arith.constant 0 : i32
    %dma_start3A_662 = tpu.memref_slice %arg2[%dma_start3A_660, %dma_start3A_661] : memref<2048x128xf32, #tpu.memory_space<hbm>> -> memref<2048x128xf32, #tpu.memory_space<hbm>>
    tpu.enqueue_indirect_dma source(%dma_start3A_662 : memref<2048x128xf32, #tpu.memory_space<hbm>>) target(%arg11 : memref<128x128xf32, #tpu.memory_space<vmem>>) offsets(%dma_start3A_659 : memref<128xi32, #tpu.memory_space<vmem>>) semaphore(%arg14 : memref<!tpu.dma_semaphore, #tpu.memory_space<semaphore_mem>>)
    %dma_wait3A_663 = arith.constant 2 : i32
    %dma_wait3A_664 = arith.constant 0 : i32
    %dma_wait3A_665 = tpu.memref_slice %arg8[%dma_wait3A_663, %dma_wait3A_664] : memref<4x128xi32, #tpu.memory_space<vmem>> -> memref<1x128xi32, #tpu.memory_space<vmem>>
    %dma_wait3A_666 = tpu.memref_squeeze %dma_wait3A_665 : memref<1x128xi32, #tpu.memory_space<vmem>> -> memref<128xi32, #tpu.memory_space<vmem>>
    %dma_wait3A_667 = arith.constant 0 : i32
    %dma_wait3A_668 = arith.constant 0 : i32
    %dma_wait3A_669 = tpu.memref_slice %arg2[%dma_wait3A_667, %dma_wait3A_668] : memref<2048x128xf32, #tpu.memory_space<hbm>> -> memref<2048x128xf32, #tpu.memory_space<hbm>>
    tpu.wait_indirect_dma semaphore(%arg13 : memref<!tpu.dma_semaphore, #tpu.memory_space<semaphore_mem>>) src(%dma_wait3A_669 : memref<2048x128xf32, #tpu.memory_space<hbm>>) dst(%arg10 : memref<128x128xf32, #tpu.memory_space<vmem>>)
    %dma_wait3A_670 = arith.constant 2 : i32
    %dma_wait3A_671 = arith.constant 0 : i32
    %dma_wait3A_672 = tpu.memref_slice %arg9[%dma_wait3A_670, %dma_wait3A_671] : memref<4x128xi32, #tpu.memory_space<vmem>> -> memref<1x128xi32, #tpu.memory_space<vmem>>
    %dma_wait3A_673 = tpu.memref_squeeze %dma_wait3A_672 : memref<1x128xi32, #tpu.memory_space<vmem>> -> memref<128xi32, #tpu.memory_space<vmem>>
    %dma_wait3A_674 = arith.constant 0 : i32
    %dma_wait3A_675 = arith.constant 0 : i32
    %dma_wait3A_676 = tpu.memref_slice %arg2[%dma_wait3A_674, %dma_wait3A_675] : memref<2048x128xf32, #tpu.memory_space<hbm>> -> memref<2048x128xf32, #tpu.memory_space<hbm>>
    tpu.wait_indirect_dma semaphore(%arg14 : memref<!tpu.dma_semaphore, #tpu.memory_space<semaphore_mem>>) src(%dma_wait3A_676 : memref<2048x128xf32, #tpu.memory_space<hbm>>) dst(%arg11 : memref<128x128xf32, #tpu.memory_space<vmem>>)
    %scan3A_677 = arith.constant 0 : i32
    %scan3A_678 = arith.constant 0 : i32
    %scan3A_679 = arith.constant 128 : i32
    %scan3A_680 = arith.addi %scan3A_678, %scan3A_679 : i32
    %scan3A_681 = arith.constant 1 : i32
    scf.for %scan3A_721 = %scan3A_678 to %scan3A_680 step %scan3A_681  : i32 {
      %get3A_722 = arith.index_cast %scan3A_721 : i32 to index
      %get3A_723 = arith.constant 0 : index
      %get3A_724 = tpu.vector_load %arg10[%get3A_722, %get3A_723] {strides = array<i32>} : memref<128x128xf32, #tpu.memory_space<vmem>>, vector<16xf32>,
      %get3A_725 = arith.index_cast %scan3A_721 : i32 to index
      %get3A_726 = arith.constant 0 : index
      %get3A_727 = tpu.vector_load %arg11[%get3A_725, %get3A_726] {strides = array<i32>} : memref<128x128xf32, #tpu.memory_space<vmem>>, vector<16xf32>,
      %mul3A_728 = arith.mulf %get3A_724, %get3A_727 : vector<16xf32>
      %swap3A_729 = arith.index_cast %scan3A_721 : i32 to index
      %swap3A_730 = arith.constant 0 : index
      %swap3A_731 = tpu.vector_load %arg12[%swap3A_729, %swap3A_730] {strides = array<i32>} : memref<128x64xf32, #tpu.memory_space<vmem>>, vector<16xf32>,
      tpu.vector_store %arg12[%swap3A_729, %swap3A_730], %mul3A_728 {strides = array<i32>} : memref<128x64xf32, #tpu.memory_space<vmem>>, vector<16xf32>,
      %get3A_732 = arith.index_cast %scan3A_721 : i32 to index
      %get3A_733 = arith.constant 16 : index
      %get3A_734 = tpu.vector_load %arg10[%get3A_732, %get3A_733] {strides = array<i32>} : memref<128x128xf32, #tpu.memory_space<vmem>>, vector<16xf32>,
      %get3A_735 = arith.index_cast %scan3A_721 : i32 to index
      %get3A_736 = arith.constant 16 : index
      %get3A_737 = tpu.vector_load %arg11[%get3A_735, %get3A_736] {strides = array<i32>} : memref<128x128xf32, #tpu.memory_space<vmem>>, vector<16xf32>,
      %mul3A_738 = arith.mulf %get3A_734, %get3A_737 : vector<16xf32>
      %swap3A_739 = arith.index_cast %scan3A_721 : i32 to index
      %swap3A_740 = arith.constant 16 : index
      %swap3A_741 = tpu.vector_load %arg12[%swap3A_739, %swap3A_740] {strides = array<i32>} : memref<128x64xf32, #tpu.memory_space<vmem>>, vector<16xf32>,
      tpu.vector_store %arg12[%swap3A_739, %swap3A_740], %mul3A_738 {strides = array<i32>} : memref<128x64xf32, #tpu.memory_space<vmem>>, vector<16xf32>,
      %get3A_742 = arith.index_cast %scan3A_721 : i32 to index
      %get3A_743 = arith.constant 32 : index
      %get3A_744 = tpu.vector_load %arg10[%get3A_742, %get3A_743] {strides = array<i32>} : memref<128x128xf32, #tpu.memory_space<vmem>>, vector<16xf32>,
      %get3A_745 = arith.index_cast %scan3A_721 : i32 to index
      %get3A_746 = arith.constant 32 : index
      %get3A_747 = tpu.vector_load %arg11[%get3A_745, %get3A_746] {strides = array<i32>} : memref<128x128xf32, #tpu.memory_space<vmem>>, vector<16xf32>,
      %mul3A_748 = arith.mulf %get3A_744, %get3A_747 : vector<16xf32>
      %swap3A_749 = arith.index_cast %scan3A_721 : i32 to index
      %swap3A_750 = arith.constant 32 : index
      %swap3A_751 = tpu.vector_load %arg12[%swap3A_749, %swap3A_750] {strides = array<i32>} : memref<128x64xf32, #tpu.memory_space<vmem>>, vector<16xf32>,
      tpu.vector_store %arg12[%swap3A_749, %swap3A_750], %mul3A_748 {strides = array<i32>} : memref<128x64xf32, #tpu.memory_space<vmem>>, vector<16xf32>,
      %get3A_752 = arith.index_cast %scan3A_721 : i32 to index
      %get3A_753 = arith.constant 48 : index
      %get3A_754 = tpu.vector_load %arg10[%get3A_752, %get3A_753] {strides = array<i32>} : memref<128x128xf32, #tpu.memory_space<vmem>>, vector<16xf32>,
      %get3A_755 = arith.index_cast %scan3A_721 : i32 to index
      %get3A_756 = arith.constant 48 : index
      %get3A_757 = tpu.vector_load %arg11[%get3A_755, %get3A_756] {strides = array<i32>} : memref<128x128xf32, #tpu.memory_space<vmem>>, vector<16xf32>,
      %mul3A_758 = arith.mulf %get3A_754, %get3A_757 : vector<16xf32>
      %swap3A_759 = arith.index_cast %scan3A_721 : i32 to index
      %swap3A_760 = arith.constant 48 : index
      %swap3A_761 = tpu.vector_load %arg12[%swap3A_759, %swap3A_760] {strides = array<i32>} : memref<128x64xf32, #tpu.memory_space<vmem>>, vector<16xf32>,
      tpu.vector_store %arg12[%swap3A_759, %swap3A_760], %mul3A_758 {strides = array<i32>} : memref<128x64xf32, #tpu.memory_space<vmem>>, vector<16xf32>,
    }
    %scan3A_682 = arith.constant 128 : i32
    %add3A_683 = arith.constant 256 : i32
    %add3A_684 = arith.addi %mul3A_579, %add3A_683 : i32
    "tpu.region"() ({
      %run_scoped3A = tpu.sem_alloc : memref<!tpu.dma_semaphore, #tpu.memory_space<semaphore_mem>>
      %dma_start3A_721 = arith.constant 0 : i32
      %dma_start3A_722 = tpu.memref_slice %arg5[%add3A_684, %dma_start3A_721] : memref<16384x64xf32, #tpu.memory_space<hbm>> -> memref<128x64xf32, #tpu.memory_space<hbm>>
      %dma_start3A_723 = arith.constant 0 : i32
      %dma_start3A_724 = tpu.memref_slice %arg5[%add3A_684, %dma_start3A_723] : memref<16384x64xf32, #tpu.memory_space<hbm>> -> memref<128x64xf32, #tpu.memory_space<hbm>>
      tpu.enqueue_dma source(%arg12 : memref<128x64xf32, #tpu.memory_space<vmem>>) target(%dma_start3A_724 : memref<128x64xf32, #tpu.memory_space<hbm>>) target_semaphore(%run_scoped3A : memref<!tpu.dma_semaphore, #tpu.memory_space<semaphore_mem>>)
      %dma_wait3A_725 = arith.constant 0 : i32
      %dma_wait3A_726 = tpu.memref_slice %arg5[%add3A_684, %dma_wait3A_725] : memref<16384x64xf32, #tpu.memory_space<hbm>> -> memref<128x64xf32, #tpu.memory_space<hbm>>
      %dma_wait3A_727 = arith.constant 0 : i32
      %dma_wait3A_728 = tpu.memref_slice %arg5[%add3A_684, %dma_wait3A_727] : memref<16384x64xf32, #tpu.memory_space<hbm>> -> memref<128x64xf32, #tpu.memory_space<hbm>>
      tpu.wait_dma2 semaphore(%run_scoped3A : memref<!tpu.dma_semaphore, #tpu.memory_space<semaphore_mem>>) src(%arg12 : memref<128x64xf32, #tpu.memory_space<vmem>>) dst(%dma_wait3A_728 : memref<128x64xf32, #tpu.memory_space<hbm>>)
      tpu.yield
    }) : () -> ()
    %dma_start3A_685 = arith.constant 3 : i32
    %dma_start3A_686 = arith.constant 0 : i32
    %dma_start3A_687 = tpu.memref_slice %arg8[%dma_start3A_685, %dma_start3A_686] : memref<4x128xi32, #tpu.memory_space<vmem>> -> memref<1x128xi32, #tpu.memory_space<vmem>>
    %dma_start3A_688 = tpu.memref_squeeze %dma_start3A_687 : memref<1x128xi32, #tpu.memory_space<vmem>> -> memref<128xi32, #tpu.memory_space<vmem>>
    %dma_start3A_689 = arith.constant 0 : i32
    %dma_start3A_690 = arith.constant 0 : i32
    %dma_start3A_691 = tpu.memref_slice %arg2[%dma_start3A_689, %dma_start3A_690] : memref<2048x128xf32, #tpu.memory_space<hbm>> -> memref<2048x128xf32, #tpu.memory_space<hbm>>
    tpu.enqueue_indirect_dma source(%dma_start3A_691 : memref<2048x128xf32, #tpu.memory_space<hbm>>) target(%arg10 : memref<128x128xf32, #tpu.memory_space<vmem>>) offsets(%dma_start3A_688 : memref<128xi32, #tpu.memory_space<vmem>>) semaphore(%arg13 : memref<!tpu.dma_semaphore, #tpu.memory_space<semaphore_mem>>)
    %dma_start3A_692 = arith.constant 3 : i32
    %dma_start3A_693 = arith.constant 0 : i32
    %dma_start3A_694 = tpu.memref_slice %arg9[%dma_start3A_692, %dma_start3A_693] : memref<4x128xi32, #tpu.memory_space<vmem>> -> memref<1x128xi32, #tpu.memory_space<vmem>>
    %dma_start3A_695 = tpu.memref_squeeze %dma_start3A_694 : memref<1x128xi32, #tpu.memory_space<vmem>> -> memref<128xi32, #tpu.memory_space<vmem>>
    %dma_start3A_696 = arith.constant 0 : i32
    %dma_start3A_697 = arith.constant 0 : i32
    %dma_start3A_698 = tpu.memref_slice %arg2[%dma_start3A_696, %dma_start3A_697] : memref<2048x128xf32, #tpu.memory_space<hbm>> -> memref<2048x128xf32, #tpu.memory_space<hbm>>
    tpu.enqueue_indirect_dma source(%dma_start3A_698 : memref<2048x128xf32, #tpu.memory_space<hbm>>) target(%arg11 : memref<128x128xf32, #tpu.memory_space<vmem>>) offsets(%dma_start3A_695 : memref<128xi32, #tpu.memory_space<vmem>>) semaphore(%arg14 : memref<!tpu.dma_semaphore, #tpu.memory_space<semaphore_mem>>)
    %dma_wait3A_699 = arith.constant 3 : i32
    %dma_wait3A_700 = arith.constant 0 : i32
    %dma_wait3A_701 = tpu.memref_slice %arg8[%dma_wait3A_699, %dma_wait3A_700] : memref<4x128xi32, #tpu.memory_space<vmem>> -> memref<1x128xi32, #tpu.memory_space<vmem>>
    %dma_wait3A_702 = tpu.memref_squeeze %dma_wait3A_701 : memref<1x128xi32, #tpu.memory_space<vmem>> -> memref<128xi32, #tpu.memory_space<vmem>>
    %dma_wait3A_703 = arith.constant 0 : i32
    %dma_wait3A_704 = arith.constant 0 : i32
    %dma_wait3A_705 = tpu.memref_slice %arg2[%dma_wait3A_703, %dma_wait3A_704] : memref<2048x128xf32, #tpu.memory_space<hbm>> -> memref<2048x128xf32, #tpu.memory_space<hbm>>
    tpu.wait_indirect_dma semaphore(%arg13 : memref<!tpu.dma_semaphore, #tpu.memory_space<semaphore_mem>>) src(%dma_wait3A_705 : memref<2048x128xf32, #tpu.memory_space<hbm>>) dst(%arg10 : memref<128x128xf32, #tpu.memory_space<vmem>>)
    %dma_wait3A_706 = arith.constant 3 : i32
    %dma_wait3A_707 = arith.constant 0 : i32
    %dma_wait3A_708 = tpu.memref_slice %arg9[%dma_wait3A_706, %dma_wait3A_707] : memref<4x128xi32, #tpu.memory_space<vmem>> -> memref<1x128xi32, #tpu.memory_space<vmem>>
    %dma_wait3A_709 = tpu.memref_squeeze %dma_wait3A_708 : memref<1x128xi32, #tpu.memory_space<vmem>> -> memref<128xi32, #tpu.memory_space<vmem>>
    %dma_wait3A_710 = arith.constant 0 : i32
    %dma_wait3A_711 = arith.constant 0 : i32
    %dma_wait3A_712 = tpu.memref_slice %arg2[%dma_wait3A_710, %dma_wait3A_711] : memref<2048x128xf32, #tpu.memory_space<hbm>> -> memref<2048x128xf32, #tpu.memory_space<hbm>>
    tpu.wait_indirect_dma semaphore(%arg14 : memref<!tpu.dma_semaphore, #tpu.memory_space<semaphore_mem>>) src(%dma_wait3A_712 : memref<2048x128xf32, #tpu.memory_space<hbm>>) dst(%arg11 : memref<128x128xf32, #tpu.memory_space<vmem>>)
    %scan3A_713 = arith.constant 0 : i32
    %scan3A_714 = arith.constant 0 : i32
    %scan3A_715 = arith.constant 128 : i32
    %scan3A_716 = arith.addi %scan3A_714, %scan3A_715 : i32
    %scan3A_717 = arith.constant 1 : i32
    scf.for %scan3A_721 = %scan3A_714 to %scan3A_716 step %scan3A_717  : i32 {
      %get3A_722 = arith.index_cast %scan3A_721 : i32 to index
      %get3A_723 = arith.constant 0 : index
      %get3A_724 = tpu.vector_load %arg10[%get3A_722, %get3A_723] {strides = array<i32>} : memref<128x128xf32, #tpu.memory_space<vmem>>, vector<16xf32>,
      %get3A_725 = arith.index_cast %scan3A_721 : i32 to index
      %get3A_726 = arith.constant 0 : index
      %get3A_727 = tpu.vector_load %arg11[%get3A_725, %get3A_726] {strides = array<i32>} : memref<128x128xf32, #tpu.memory_space<vmem>>, vector<16xf32>,
      %mul3A_728 = arith.mulf %get3A_724, %get3A_727 : vector<16xf32>
      %swap3A_729 = arith.index_cast %scan3A_721 : i32 to index
      %swap3A_730 = arith.constant 0 : index
      %swap3A_731 = tpu.vector_load %arg12[%swap3A_729, %swap3A_730] {strides = array<i32>} : memref<128x64xf32, #tpu.memory_space<vmem>>, vector<16xf32>,
      tpu.vector_store %arg12[%swap3A_729, %swap3A_730], %mul3A_728 {strides = array<i32>} : memref<128x64xf32, #tpu.memory_space<vmem>>, vector<16xf32>,
      %get3A_732 = arith.index_cast %scan3A_721 : i32 to index
      %get3A_733 = arith.constant 16 : index
      %get3A_734 = tpu.vector_load %arg10[%get3A_732, %get3A_733] {strides = array<i32>} : memref<128x128xf32, #tpu.memory_space<vmem>>, vector<16xf32>,
      %get3A_735 = arith.index_cast %scan3A_721 : i32 to index
      %get3A_736 = arith.constant 16 : index
      %get3A_737 = tpu.vector_load %arg11[%get3A_735, %get3A_736] {strides = array<i32>} : memref<128x128xf32, #tpu.memory_space<vmem>>, vector<16xf32>,
      %mul3A_738 = arith.mulf %get3A_734, %get3A_737 : vector<16xf32>
      %swap3A_739 = arith.index_cast %scan3A_721 : i32 to index
      %swap3A_740 = arith.constant 16 : index
      %swap3A_741 = tpu.vector_load %arg12[%swap3A_739, %swap3A_740] {strides = array<i32>} : memref<128x64xf32, #tpu.memory_space<vmem>>, vector<16xf32>,
      tpu.vector_store %arg12[%swap3A_739, %swap3A_740], %mul3A_738 {strides = array<i32>} : memref<128x64xf32, #tpu.memory_space<vmem>>, vector<16xf32>,
      %get3A_742 = arith.index_cast %scan3A_721 : i32 to index
      %get3A_743 = arith.constant 32 : index
      %get3A_744 = tpu.vector_load %arg10[%get3A_742, %get3A_743] {strides = array<i32>} : memref<128x128xf32, #tpu.memory_space<vmem>>, vector<16xf32>,
      %get3A_745 = arith.index_cast %scan3A_721 : i32 to index
      %get3A_746 = arith.constant 32 : index
      %get3A_747 = tpu.vector_load %arg11[%get3A_745, %get3A_746] {strides = array<i32>} : memref<128x128xf32, #tpu.memory_space<vmem>>, vector<16xf32>,
      %mul3A_748 = arith.mulf %get3A_744, %get3A_747 : vector<16xf32>
      %swap3A_749 = arith.index_cast %scan3A_721 : i32 to index
      %swap3A_750 = arith.constant 32 : index
      %swap3A_751 = tpu.vector_load %arg12[%swap3A_749, %swap3A_750] {strides = array<i32>} : memref<128x64xf32, #tpu.memory_space<vmem>>, vector<16xf32>,
      tpu.vector_store %arg12[%swap3A_749, %swap3A_750], %mul3A_748 {strides = array<i32>} : memref<128x64xf32, #tpu.memory_space<vmem>>, vector<16xf32>,
      %get3A_752 = arith.index_cast %scan3A_721 : i32 to index
      %get3A_753 = arith.constant 48 : index
      %get3A_754 = tpu.vector_load %arg10[%get3A_752, %get3A_753] {strides = array<i32>} : memref<128x128xf32, #tpu.memory_space<vmem>>, vector<16xf32>,
      %get3A_755 = arith.index_cast %scan3A_721 : i32 to index
      %get3A_756 = arith.constant 48 : index
      %get3A_757 = tpu.vector_load %arg11[%get3A_755, %get3A_756] {strides = array<i32>} : memref<128x128xf32, #tpu.memory_space<vmem>>, vector<16xf32>,
      %mul3A_758 = arith.mulf %get3A_754, %get3A_757 : vector<16xf32>
      %swap3A_759 = arith.index_cast %scan3A_721 : i32 to index
      %swap3A_760 = arith.constant 48 : index
      %swap3A_761 = tpu.vector_load %arg12[%swap3A_759, %swap3A_760] {strides = array<i32>} : memref<128x64xf32, #tpu.memory_space<vmem>>, vector<16xf32>,
      tpu.vector_store %arg12[%swap3A_759, %swap3A_760], %mul3A_758 {strides = array<i32>} : memref<128x64xf32, #tpu.memory_space<vmem>>, vector<16xf32>,
    }
    %scan3A_718 = arith.constant 128 : i32
    %add3A_719 = arith.constant 384 : i32
    %add3A_720 = arith.addi %mul3A_579, %add3A_719 : i32
    "tpu.region"() ({
      %run_scoped3A = tpu.sem_alloc : memref<!tpu.dma_semaphore, #tpu.memory_space<semaphore_mem>>
      %dma_start3A_721 = arith.constant 0 : i32
      %dma_start3A_722 = tpu.memref_slice %arg5[%add3A_720, %dma_start3A_721] : memref<16384x64xf32, #tpu.memory_space<hbm>> -> memref<128x64xf32, #tpu.memory_space<hbm>>
      %dma_start3A_723 = arith.constant 0 : i32
      %dma_start3A_724 = tpu.memref_slice %arg5[%add3A_720, %dma_start3A_723] : memref<16384x64xf32, #tpu.memory_space<hbm>> -> memref<128x64xf32, #tpu.memory_space<hbm>>
      tpu.enqueue_dma source(%arg12 : memref<128x64xf32, #tpu.memory_space<vmem>>) target(%dma_start3A_724 : memref<128x64xf32, #tpu.memory_space<hbm>>) target_semaphore(%run_scoped3A : memref<!tpu.dma_semaphore, #tpu.memory_space<semaphore_mem>>)
      %dma_wait3A_725 = arith.constant 0 : i32
      %dma_wait3A_726 = tpu.memref_slice %arg5[%add3A_720, %dma_wait3A_725] : memref<16384x64xf32, #tpu.memory_space<hbm>> -> memref<128x64xf32, #tpu.memory_space<hbm>>
      %dma_wait3A_727 = arith.constant 0 : i32
      %dma_wait3A_728 = tpu.memref_slice %arg5[%add3A_720, %dma_wait3A_727] : memref<16384x64xf32, #tpu.memory_space<hbm>> -> memref<128x64xf32, #tpu.memory_space<hbm>>
      tpu.wait_dma2 semaphore(%run_scoped3A : memref<!tpu.dma_semaphore, #tpu.memory_space<semaphore_mem>>) src(%arg12 : memref<128x64xf32, #tpu.memory_space<vmem>>) dst(%dma_wait3A_728 : memref<128x64xf32, #tpu.memory_space<hbm>>)
      tpu.yield
    }) : () -> ()
    return
  }
}

module attributes {stable_mosaic.version = 14 : i64} {
  func.func @_prep_body(%arg0: memref<2x16384xi32, #tpu.memory_space<vmem>>, %arg1: memref<128x128xf32, #tpu.memory_space<vmem>>, %arg2: memref<128x128xf32, #tpu.memory_space<vmem>>) attributes {dimension_semantics = [], scalar_prefetch = 0 : i64, scratch_operands = 0 : i64, tpu.core_type = #tpu.core_type<tc>} {
    %get3A = arith.constant 0 : index
    %get3A_0 = arith.constant 0 : index
    %get3A_1 = vector.load %arg0[%get3A, %get3A_0] : memref<2x16384xi32, #tpu.memory_space<vmem>>, vector<1x16384xi32>
    %get3A_2 = vector.shape_cast %get3A_1 : vector<1x16384xi32> to vector<16384xi32>
    %reshape3A = vector.shape_cast %get3A_2 : vector<16384xi32> to vector<128x128xi32>
    %bitcast_convert_type3A = tpu.bitcast %reshape3A : vector<128x128xi32> -> vector<128x128xf32>
    %swap3A = arith.constant 0 : index
    %swap3A_3 = arith.constant 0 : index
    %swap3A_4 = vector.load %arg1[%swap3A, %swap3A_3] : memref<128x128xf32, #tpu.memory_space<vmem>>, vector<128x128xf32>
    tpu.vector_store %arg1[%swap3A, %swap3A_3], %bitcast_convert_type3A {strides = array<i32>} : memref<128x128xf32, #tpu.memory_space<vmem>>, vector<128x128xf32>,
    %get3A_5 = arith.constant 1 : index
    %get3A_6 = arith.constant 0 : index
    %get3A_7 = vector.load %arg0[%get3A_5, %get3A_6] : memref<2x16384xi32, #tpu.memory_space<vmem>>, vector<1x16384xi32>
    %get3A_8 = vector.shape_cast %get3A_7 : vector<1x16384xi32> to vector<16384xi32>
    %reshape3A_9 = vector.shape_cast %get3A_8 : vector<16384xi32> to vector<128x128xi32>
    %bitcast_convert_type3A_10 = tpu.bitcast %reshape3A_9 : vector<128x128xi32> -> vector<128x128xf32>
    %swap3A_11 = arith.constant 0 : index
    %swap3A_12 = arith.constant 0 : index
    %swap3A_13 = vector.load %arg2[%swap3A_11, %swap3A_12] : memref<128x128xf32, #tpu.memory_space<vmem>>, vector<128x128xf32>
    tpu.vector_store %arg2[%swap3A_11, %swap3A_12], %bitcast_convert_type3A_10 {strides = array<i32>} : memref<128x128xf32, #tpu.memory_space<vmem>>, vector<128x128xf32>,
    return
  }
}

module attributes {stable_mosaic.version = 14 : i64} {
  func.func @_tc1_body(%arg0: i32, %arg1: memref<128x64x64xf32, #tpu.memory_space<vmem>>, %arg2: memref<128x64xf32, #tpu.memory_space<vmem>>, %arg3: memref<1x64xf32, #tpu.memory_space<vmem>>, %arg4: memref<128x128xf32, #tpu.memory_space<vmem>>) attributes {dimension_semantics = [#tpu.dimension_semantics<arbitrary>], iteration_bounds = array<i64: 16>, scalar_prefetch = 0 : i64, scratch_operands = 0 : i64, tpu.core_type = #tpu.core_type<tc>, window_params = [{transform_indices = @transform_0, window_bounds = array<i64: 128, 64, 64>}, {transform_indices = @transform_1, window_bounds = array<i64: 128, 64>}, {pipeline_mode = #tpu.pipeline_mode<synchronous>, transform_indices = @transform_2, window_bounds = array<i64: 1, 64>}, {transform_indices = @transform_3, window_bounds = array<i64: 128, 128>}]} {
    %get3A = arith.constant 0 : index
    %get3A_0 = arith.constant 0 : index
    %get3A_1 = vector.load %arg3[%get3A, %get3A_0] : memref<1x64xf32, #tpu.memory_space<vmem>>, vector<1x64xf32>
    %get3A_2 = arith.constant 0 : index
    %get3A_3 = arith.constant 0 : index
    %get3A_4 = arith.constant 0 : index
    %get3A_5 = vector.load %arg1[%get3A_2, %get3A_3, %get3A_4] : memref<128x64x64xf32, #tpu.memory_space<vmem>>, vector<128x64x64xf32>
    %broadcast_in_dim3A = vector.shape_cast %get3A_1 : vector<1x64xf32> to vector<1x1x64xf32>
    %mul3A = vector.broadcast %broadcast_in_dim3A : vector<1x1x64xf32> to vector<128x64x64xf32>
    %mul3A_6 = arith.mulf %get3A_5, %mul3A : vector<128x64x64xf32>
    %reduce_sum3A = arith.constant dense<0.000000e+00> : vector<128x64xf32>
    %reduce_sum3A_7 = vector.multi_reduction <add>, %mul3A_6, %reduce_sum3A [2] : vector<128x64x64xf32> to vector<128x64xf32>
    %get3A_8 = arith.constant 0 : index
    %get3A_9 = arith.constant 0 : index
    %get3A_10 = vector.load %arg2[%get3A_8, %get3A_9] : memref<128x64xf32, #tpu.memory_space<vmem>>, vector<128x64xf32>
    %add3A = arith.addf %reduce_sum3A_7, %get3A_10 : vector<128x64xf32>
    %broadcast_in_dim3A_11 = arith.constant 1.000000e+00 : f32
    %broadcast_in_dim3A_12 = vector.broadcast %broadcast_in_dim3A_11 : f32 to vector<128x1xf32>
    %broadcast_in_dim3A_13 = arith.constant 0.000000e+00 : f32
    %broadcast_in_dim3A_14 = vector.broadcast %broadcast_in_dim3A_13 : f32 to vector<128x63xf32>
    %concatenate3A = tpu.concatenate %add3A, %broadcast_in_dim3A_12, %broadcast_in_dim3A_14 in 1 : vector<128x64xf32>, vector<128x1xf32>, vector<128x63xf32> -> vector<128x128xf32>
    %swap3A = arith.constant 0 : index
    %swap3A_15 = arith.constant 0 : index
    %swap3A_16 = vector.load %arg4[%swap3A, %swap3A_15] : memref<128x128xf32, #tpu.memory_space<vmem>>, vector<128x128xf32>
    tpu.vector_store %arg4[%swap3A, %swap3A_15], %concatenate3A {strides = array<i32>} : memref<128x128xf32, #tpu.memory_space<vmem>>, vector<128x128xf32>,
    return
  }
  func.func @transform_0(%arg0: i32) -> (i32, i32, i32) {
    %c0_i32 = arith.constant 0 : i32
    %c0_i32_0 = arith.constant 0 : i32
    %c0_i32_1 = arith.constant 0 : i32
    return %arg0, %c0_i32, %c0_i32_0 : i32, i32, i32
  }
  func.func @transform_1(%arg0: i32) -> (i32, i32) {
    %c0_i32 = arith.constant 0 : i32
    %c0_i32_0 = arith.constant 0 : i32
    return %arg0, %c0_i32 : i32, i32
  }
  func.func @transform_2(%arg0: i32) -> (i32, i32) {
    %c0_i32 = arith.constant 0 : i32
    %c0_i32_0 = arith.constant 0 : i32
    %c0_i32_1 = arith.constant 0 : i32
    return %c0_i32, %c0_i32_0 : i32, i32
  }
  func.func @transform_3(%arg0: i32) -> (i32, i32) {
    %c0_i32 = arith.constant 0 : i32
    %c0_i32_0 = arith.constant 0 : i32
    return %arg0, %c0_i32 : i32, i32
  }
}

module attributes {stable_mosaic.version = 14 : i64} {
  func.func @_tc3_body(%arg0: i32, %arg1: memref<1024x64xf32, #tpu.memory_space<vmem>>, %arg2: memref<64x16xf32, #tpu.memory_space<vmem>>, %arg3: memref<16x2048xbf16, #tpu.memory_space<vmem>>, %arg4: memref<1024x2048xf32, #tpu.memory_space<vmem>>) attributes {dimension_semantics = [#tpu.dimension_semantics<arbitrary>], iteration_bounds = array<i64: 16>, scalar_prefetch = 0 : i64, scratch_operands = 0 : i64, tpu.core_type = #tpu.core_type<tc>, window_params = [{transform_indices = @transform_0, window_bounds = array<i64: 1024, 64>}, {pipeline_mode = #tpu.pipeline_mode<synchronous>, transform_indices = @transform_1, window_bounds = array<i64: 64, 16>}, {pipeline_mode = #tpu.pipeline_mode<synchronous>, transform_indices = @transform_2, window_bounds = array<i64: 16, 2048>}, {transform_indices = @transform_3, window_bounds = array<i64: 1024, 2048>}]} {
    %get3A = arith.constant 0 : index
    %get3A_0 = arith.constant 0 : index
    %get3A_1 = vector.load %arg1[%get3A, %get3A_0] : memref<1024x64xf32, #tpu.memory_space<vmem>>, vector<1024x64xf32>
    %get3A_2 = arith.constant 0 : index
    %get3A_3 = arith.constant 0 : index
    %get3A_4 = vector.load %arg2[%get3A_2, %get3A_3] : memref<64x16xf32, #tpu.memory_space<vmem>>, vector<64x16xf32>
    %dot_general3A = arith.constant dense<0.000000e+00> : vector<1024x16xf32>
    %dot_general3A_5 = tpu.matmul %get3A_1, %get3A_4, %dot_general3A {dimension_numbers = #tpu.dot_dimension_numbers<[1], [0], [0], [1], [0, 0, 1, 1], [], []>, precision = #tpu.contract_precision<fp32>, transpose_lhs_hint = false} : vector<1024x64xf32>, vector<64x16xf32>, vector<1024x16xf32> -> vector<1024x16xf32>
    %reduce_max3A = arith.constant dense<0xFF800000> : vector<1024xf32>
    %reduce_max3A_6 = vector.multi_reduction <maximumf>, %dot_general3A_5, %reduce_max3A [1] : vector<1024x16xf32> to vector<1024xf32>
    %broadcast_in_dim3A = vector.shape_cast %reduce_max3A_6 : vector<1024xf32> to vector<1024x1xf32>
    %sub3A = vector.broadcast %broadcast_in_dim3A : vector<1024x1xf32> to vector<1024x16xf32>
    %sub3A_7 = arith.subf %dot_general3A_5, %sub3A : vector<1024x16xf32>
    %exp3A = math.exp %sub3A_7 : vector<1024x16xf32>
    %reduce_sum3A = arith.constant dense<0.000000e+00> : vector<1024xf32>
    %reduce_sum3A_8 = vector.multi_reduction <add>, %exp3A, %reduce_sum3A [1] : vector<1024x16xf32> to vector<1024xf32>
    %broadcast_in_dim3A_9 = vector.shape_cast %reduce_sum3A_8 : vector<1024xf32> to vector<1024x1xf32>
    %div3A = vector.broadcast %broadcast_in_dim3A_9 : vector<1024x1xf32> to vector<1024x16xf32>
    %div3A_10 = arith.divf %exp3A, %div3A : vector<1024x16xf32>
    %convert_element_type3A = arith.truncf %div3A_10 : vector<1024x16xf32> to vector<1024x16xbf16>
    %get3A_11 = arith.constant 0 : index
    %get3A_12 = arith.constant 0 : index
    %get3A_13 = vector.load %arg3[%get3A_11, %get3A_12] : memref<16x2048xbf16, #tpu.memory_space<vmem>>, vector<16x2048xbf16>
    %dot_general3A_14 = arith.constant dense<0.000000e+00> : vector<1024x2048xf32>
    %dot_general3A_15 = tpu.matmul %convert_element_type3A, %get3A_13, %dot_general3A_14 {dimension_numbers = #tpu.dot_dimension_numbers<[1], [0], [0], [1], [0, 0, 1, 1], [], []>, transpose_lhs_hint = false} : vector<1024x16xbf16>, vector<16x2048xbf16>, vector<1024x2048xf32> -> vector<1024x2048xf32>
    %swap3A = arith.constant 0 : index
    %swap3A_16 = arith.constant 0 : index
    %swap3A_17 = vector.load %arg4[%swap3A, %swap3A_16] : memref<1024x2048xf32, #tpu.memory_space<vmem>>, vector<1024x2048xf32>
    tpu.vector_store %arg4[%swap3A, %swap3A_16], %dot_general3A_15 {strides = array<i32>} : memref<1024x2048xf32, #tpu.memory_space<vmem>>, vector<1024x2048xf32>,
    return
  }
  func.func @transform_0(%arg0: i32) -> (i32, i32) {
    %c0_i32 = arith.constant 0 : i32
    %c0_i32_0 = arith.constant 0 : i32
    return %arg0, %c0_i32 : i32, i32
  }
  func.func @transform_1(%arg0: i32) -> (i32, i32) {
    %c0_i32 = arith.constant 0 : i32
    %c0_i32_0 = arith.constant 0 : i32
    %c0_i32_1 = arith.constant 0 : i32
    return %c0_i32, %c0_i32_0 : i32, i32
  }
  func.func @transform_2(%arg0: i32) -> (i32, i32) {
    %c0_i32 = arith.constant 0 : i32
    %c0_i32_0 = arith.constant 0 : i32
    %c0_i32_1 = arith.constant 0 : i32
    return %c0_i32, %c0_i32_0 : i32, i32
  }
  func.func @transform_3(%arg0: i32) -> (i32, i32) {
    %c0_i32 = arith.constant 0 : i32
    %c0_i32_0 = arith.constant 0 : i32
    return %arg0, %c0_i32 : i32, i32
  }
}

module attributes {stable_mosaic.version = 14 : i64} {
  func.func @_tc2_body(%arg0: memref<2048x128xf32, #tpu.memory_space<vmem>>, %arg1: memref<2x2048x128xf32, #tpu.memory_space<vmem>>, %arg2: memref<1x64xf32, #tpu.memory_space<vmem>>, %arg3: memref<16x64x64xf32, #tpu.memory_space<vmem>>, %arg4: memref<16x64xf32, #tpu.memory_space<vmem>>, %arg5: memref<128x192xf32, #tpu.memory_space<vmem>>, %arg6: memref<1x192xf32, #tpu.memory_space<vmem>>, %arg7: memref<1x192xf32, #tpu.memory_space<vmem>>, %arg8: memref<128x192xf32, #tpu.memory_space<vmem>>, %arg9: memref<1x192xf32, #tpu.memory_space<vmem>>, %arg10: memref<1x192xf32, #tpu.memory_space<vmem>>, %arg11: memref<64x64xf32, #tpu.memory_space<vmem>>, %arg12: memref<1x64xf32, #tpu.memory_space<vmem>>, %arg13: memref<64x64xf32, #tpu.memory_space<vmem>>, %arg14: memref<1x64xf32, #tpu.memory_space<vmem>>, %arg15: memref<64x64xf32, #tpu.memory_space<vmem>>, %arg16: memref<1x64xf32, #tpu.memory_space<vmem>>, %arg17: memref<64x64xf32, #tpu.memory_space<vmem>>, %arg18: memref<1x64xf32, #tpu.memory_space<vmem>>, %arg19: memref<2048x64xf32, #tpu.memory_space<vmem>>, %arg20: memref<16x64xf32, #tpu.memory_space<vmem>>, %arg21: memref<64x2048xf32, #tpu.memory_space<vmem>>, %arg22: memref<2048x128xf32, #tpu.memory_space<vmem>>, %arg23: memref<16x2048xbf16, #tpu.memory_space<vmem>>) attributes {dimension_semantics = [], scalar_prefetch = 0 : i64, scratch_operands = 0 : i64, tpu.core_type = #tpu.core_type<tc>} {
    %get3A = arith.constant 0 : index
    %get3A_0 = arith.constant 0 : index
    %get3A_1 = vector.load %arg0[%get3A, %get3A_0] : memref<2048x128xf32, #tpu.memory_space<vmem>>, vector<2048x64xf32>
    %get3A_2 = arith.constant 0 : index
    %get3A_3 = arith.constant 0 : index
    %get3A_4 = arith.constant 0 : index
    %get3A_5 = vector.load %arg1[%get3A_2, %get3A_3, %get3A_4] : memref<2x2048x128xf32, #tpu.memory_space<vmem>>, vector<1x2048x128xf32>
    %get3A_6 = vector.shape_cast %get3A_5 : vector<1x2048x128xf32> to vector<2048x128xf32>
    %get3A_7 = arith.constant 1 : index
    %get3A_8 = arith.constant 0 : index
    %get3A_9 = arith.constant 0 : index
    %get3A_10 = vector.load %arg1[%get3A_7, %get3A_8, %get3A_9] : memref<2x2048x128xf32, #tpu.memory_space<vmem>>, vector<1x2048x128xf32>
    %get3A_11 = vector.shape_cast %get3A_10 : vector<1x2048x128xf32> to vector<2048x128xf32>
    %add3A = arith.addf %get3A_6, %get3A_11 : vector<2048x128xf32>
    %slice3A = vector.extract_strided_slice %add3A {offsets = [0, 0], sizes = [2048, 64], strides = [1, 1]} : vector<2048x128xf32> to vector<2048x64xf32>
    %slice3A_12 = vector.extract_strided_slice %add3A {offsets = [0, 64], sizes = [2048, 1], strides = [1, 1]} : vector<2048x128xf32> to vector<2048x1xf32>
    %eq3A = arith.constant 0.000000e+00 : f32
    %eq3A_13 = vector.broadcast %eq3A : f32 to vector<2048x1xf32>
    %eq3A_14 = arith.cmpf oeq, %slice3A_12, %eq3A_13 : vector<2048x1xf32>
    %broadcast_in_dim3A = vector.shape_cast %eq3A_14 : vector<2048x1xi1> to vector<2048x1xi1>
    %broadcast_in_dim3A_15 = vector.broadcast %broadcast_in_dim3A : vector<2048x1xi1> to vector<2048x64xi1>
    %select_n3A = arith.select %broadcast_in_dim3A_15, %get3A_1, %slice3A : vector<2048x64xi1>, vector<2048x64xf32>
    %max3A = arith.constant 1.000000e+00 : f32
    %max3A_16 = vector.broadcast %max3A : f32 to vector<2048x1xf32>
    %max3A_17 = arith.maximumf %slice3A_12, %max3A_16 : vector<2048x1xf32>
    %div3A = vector.broadcast %max3A_17 : vector<2048x1xf32> to vector<2048x64xf32>
    %div3A_18 = arith.divf %select_n3A, %div3A : vector<2048x64xf32>
    %concatenate3A = tpu.concatenate %get3A_1, %div3A_18 in 1 : vector<2048x64xf32>, vector<2048x64xf32> -> vector<2048x128xf32>
    %get3A_19 = arith.constant 0 : index
    %get3A_20 = arith.constant 0 : index
    %get3A_21 = vector.load %arg5[%get3A_19, %get3A_20] : memref<128x192xf32, #tpu.memory_space<vmem>>, vector<128x192xf32>
    %dot_general3A = arith.constant dense<0.000000e+00> : vector<2048x192xf32>
    %dot_general3A_22 = tpu.matmul %concatenate3A, %get3A_21, %dot_general3A {dimension_numbers = #tpu.dot_dimension_numbers<[1], [0], [0], [1], [0, 0, 1, 1], [], []>, precision = #tpu.contract_precision<fp32>, transpose_lhs_hint = false} : vector<2048x128xf32>, vector<128x192xf32>, vector<2048x192xf32> -> vector<2048x192xf32>
    %get3A_23 = arith.constant 0 : index
    %get3A_24 = arith.constant 0 : index
    %get3A_25 = vector.load %arg6[%get3A_23, %get3A_24] : memref<1x192xf32, #tpu.memory_space<vmem>>, vector<1x192xf32>
    %add3A_26 = vector.broadcast %get3A_25 : vector<1x192xf32> to vector<2048x192xf32>
    %add3A_27 = arith.addf %dot_general3A_22, %add3A_26 : vector<2048x192xf32>
    %get3A_28 = arith.constant 0 : index
    %get3A_29 = arith.constant 0 : index
    %get3A_30 = vector.load %arg7[%get3A_28, %get3A_29] : memref<1x192xf32, #tpu.memory_space<vmem>>, vector<1x192xf32>
    %slice3A_31 = vector.extract_strided_slice %add3A_27 {offsets = [0, 0], sizes = [2048, 64], strides = [1, 1]} : vector<2048x192xf32> to vector<2048x64xf32>
    %slice3A_32 = vector.extract_strided_slice %get3A_30 {offsets = [0, 0], sizes = [1, 64], strides = [1, 1]} : vector<1x192xf32> to vector<1x64xf32>
    %add3A_33 = vector.broadcast %slice3A_32 : vector<1x64xf32> to vector<2048x64xf32>
    %add3A_34 = arith.addf %slice3A_31, %add3A_33 : vector<2048x64xf32>
    %neg3A = arith.constant 0.000000e+00 : f32
    %neg3A_35 = vector.broadcast %neg3A : f32 to vector<2048x64xf32>
    %neg3A_36 = arith.subf %neg3A_35, %add3A_34 : vector<2048x64xf32>
    %exp3A = math.exp %neg3A_36 : vector<2048x64xf32>
    %add3A_37 = arith.constant 1.000000e+00 : f32
    %add3A_38 = vector.broadcast %add3A_37 : f32 to vector<2048x64xf32>
    %add3A_39 = arith.addf %add3A_38, %exp3A : vector<2048x64xf32>
    %div3A_40 = arith.constant 1.000000e+00 : f32
    %div3A_41 = vector.broadcast %div3A_40 : f32 to vector<2048x64xf32>
    %div3A_42 = arith.divf %div3A_41, %add3A_39 : vector<2048x64xf32>
    %slice3A_43 = vector.extract_strided_slice %add3A_27 {offsets = [0, 64], sizes = [2048, 64], strides = [1, 1]} : vector<2048x192xf32> to vector<2048x64xf32>
    %slice3A_44 = vector.extract_strided_slice %get3A_30 {offsets = [0, 64], sizes = [1, 64], strides = [1, 1]} : vector<1x192xf32> to vector<1x64xf32>
    %add3A_45 = vector.broadcast %slice3A_44 : vector<1x64xf32> to vector<2048x64xf32>
    %add3A_46 = arith.addf %slice3A_43, %add3A_45 : vector<2048x64xf32>
    %neg3A_47 = arith.constant 0.000000e+00 : f32
    %neg3A_48 = vector.broadcast %neg3A_47 : f32 to vector<2048x64xf32>
    %neg3A_49 = arith.subf %neg3A_48, %add3A_46 : vector<2048x64xf32>
    %exp3A_50 = math.exp %neg3A_49 : vector<2048x64xf32>
    %add3A_51 = arith.constant 1.000000e+00 : f32
    %add3A_52 = vector.broadcast %add3A_51 : f32 to vector<2048x64xf32>
    %add3A_53 = arith.addf %add3A_52, %exp3A_50 : vector<2048x64xf32>
    %div3A_54 = arith.constant 1.000000e+00 : f32
    %div3A_55 = vector.broadcast %div3A_54 : f32 to vector<2048x64xf32>
    %div3A_56 = arith.divf %div3A_55, %add3A_53 : vector<2048x64xf32>
    %slice3A_57 = vector.extract_strided_slice %add3A_27 {offsets = [0, 128], sizes = [2048, 64], strides = [1, 1]} : vector<2048x192xf32> to vector<2048x64xf32>
    %slice3A_58 = vector.extract_strided_slice %get3A_30 {offsets = [0, 128], sizes = [1, 64], strides = [1, 1]} : vector<1x192xf32> to vector<1x64xf32>
    %mul3A = vector.broadcast %slice3A_58 : vector<1x64xf32> to vector<2048x64xf32>
    %mul3A_59 = arith.mulf %div3A_42, %mul3A : vector<2048x64xf32>
    %add3A_60 = arith.addf %slice3A_57, %mul3A_59 : vector<2048x64xf32>
    %tanh3A = math.tanh %add3A_60 : vector<2048x64xf32>
    %sub3A = arith.constant 1.000000e+00 : f32
    %sub3A_61 = vector.broadcast %sub3A : f32 to vector<2048x64xf32>
    %sub3A_62 = arith.subf %sub3A_61, %div3A_56 : vector<2048x64xf32>
    %mul3A_63 = arith.mulf %sub3A_62, %tanh3A : vector<2048x64xf32>
    %get3A_64 = arith.constant 0 : index
    %get3A_65 = arith.constant 0 : index
    %get3A_66 = vector.load %arg11[%get3A_64, %get3A_65] : memref<64x64xf32, #tpu.memory_space<vmem>>, vector<64x64xf32>
    %dot_general3A_67 = arith.constant dense<0.000000e+00> : vector<2048x64xf32>
    %dot_general3A_68 = tpu.matmul %mul3A_63, %get3A_66, %dot_general3A_67 {dimension_numbers = #tpu.dot_dimension_numbers<[1], [0], [0], [1], [0, 0, 1, 1], [], []>, precision = #tpu.contract_precision<fp32>, transpose_lhs_hint = false} : vector<2048x64xf32>, vector<64x64xf32>, vector<2048x64xf32> -> vector<2048x64xf32>
    %get3A_69 = arith.constant 0 : index
    %get3A_70 = arith.constant 0 : index
    %get3A_71 = vector.load %arg12[%get3A_69, %get3A_70] : memref<1x64xf32, #tpu.memory_space<vmem>>, vector<1x64xf32>
    %add3A_72 = vector.broadcast %get3A_71 : vector<1x64xf32> to vector<2048x64xf32>
    %add3A_73 = arith.addf %dot_general3A_68, %add3A_72 : vector<2048x64xf32>
    %get3A_74 = arith.constant 0 : index
    %get3A_75 = arith.constant 0 : index
    %get3A_76 = vector.load %arg13[%get3A_74, %get3A_75] : memref<64x64xf32, #tpu.memory_space<vmem>>, vector<64x64xf32>
    %dot_general3A_77 = arith.constant dense<0.000000e+00> : vector<2048x64xf32>
    %dot_general3A_78 = tpu.matmul %mul3A_63, %get3A_76, %dot_general3A_77 {dimension_numbers = #tpu.dot_dimension_numbers<[1], [0], [0], [1], [0, 0, 1, 1], [], []>, precision = #tpu.contract_precision<fp32>, transpose_lhs_hint = false} : vector<2048x64xf32>, vector<64x64xf32>, vector<2048x64xf32> -> vector<2048x64xf32>
    %get3A_79 = arith.constant 0 : index
    %get3A_80 = arith.constant 0 : index
    %get3A_81 = vector.load %arg14[%get3A_79, %get3A_80] : memref<1x64xf32, #tpu.memory_space<vmem>>, vector<1x64xf32>
    %add3A_82 = vector.broadcast %get3A_81 : vector<1x64xf32> to vector<2048x64xf32>
    %add3A_83 = arith.addf %dot_general3A_78, %add3A_82 : vector<2048x64xf32>
    %max3A_84 = arith.constant 0.000000e+00 : f32
    %max3A_85 = vector.broadcast %max3A_84 : f32 to vector<2048x64xf32>
    %max3A_86 = arith.maximumf %add3A_83, %max3A_85 : vector<2048x64xf32>
    %abs3A = math.absf %add3A_83 : vector<2048x64xf32>
    %neg3A_87 = arith.constant 0.000000e+00 : f32
    %neg3A_88 = vector.broadcast %neg3A_87 : f32 to vector<2048x64xf32>
    %neg3A_89 = arith.subf %neg3A_88, %abs3A : vector<2048x64xf32>
    %exp3A_90 = math.exp %neg3A_89 : vector<2048x64xf32>
    %add3A_91 = arith.constant 1.000000e+00 : f32
    %add3A_92 = vector.broadcast %add3A_91 : f32 to vector<2048x64xf32>
    %add3A_93 = arith.addf %add3A_92, %exp3A_90 : vector<2048x64xf32>
    %log3A = math.log %add3A_93 : vector<2048x64xf32>
    %add3A_94 = arith.addf %max3A_86, %log3A : vector<2048x64xf32>
    %get3A_95 = arith.constant 0 : index
    %get3A_96 = arith.constant 0 : index
    %get3A_97 = vector.load %arg19[%get3A_95, %get3A_96] : memref<2048x64xf32, #tpu.memory_space<vmem>>, vector<2048x64xf32>
    %mul3A_98 = arith.mulf %add3A_94, %get3A_97 : vector<2048x64xf32>
    %add3A_99 = arith.addf %add3A_73, %mul3A_98 : vector<2048x64xf32>
    %broadcast_in_dim3A_100 = arith.constant 0.000000e+00 : f32
    %broadcast_in_dim3A_101 = vector.broadcast %broadcast_in_dim3A_100 : f32 to vector<2048x64xf32>
    %concatenate3A_102 = tpu.concatenate %add3A_99, %broadcast_in_dim3A_101 in 1 : vector<2048x64xf32>, vector<2048x64xf32> -> vector<2048x128xf32>
    %swap3A = arith.constant 0 : index
    %swap3A_103 = arith.constant 0 : index
    %swap3A_104 = vector.load %arg22[%swap3A, %swap3A_103] : memref<2048x128xf32, #tpu.memory_space<vmem>>, vector<2048x128xf32>
    tpu.vector_store %arg22[%swap3A, %swap3A_103], %concatenate3A_102 {strides = array<i32>} : memref<2048x128xf32, #tpu.memory_space<vmem>>, vector<2048x128xf32>,
    %get3A_105 = arith.constant 0 : index
    %get3A_106 = arith.constant 0 : index
    %get3A_107 = arith.constant 0 : index
    %get3A_108 = vector.load %arg3[%get3A_105, %get3A_106, %get3A_107] : memref<16x64x64xf32, #tpu.memory_space<vmem>>, vector<16x64x64xf32>
    %get3A_109 = arith.constant 0 : index
    %get3A_110 = arith.constant 0 : index
    %get3A_111 = vector.load %arg2[%get3A_109, %get3A_110] : memref<1x64xf32, #tpu.memory_space<vmem>>, vector<1x64xf32>
    %broadcast_in_dim3A_112 = vector.shape_cast %get3A_111 : vector<1x64xf32> to vector<1x1x64xf32>
    %mul3A_113 = vector.broadcast %broadcast_in_dim3A_112 : vector<1x1x64xf32> to vector<16x64x64xf32>
    %mul3A_114 = arith.mulf %get3A_108, %mul3A_113 : vector<16x64x64xf32>
    %reduce_sum3A = arith.constant dense<0.000000e+00> : vector<16x64xf32>
    %reduce_sum3A_115 = vector.multi_reduction <add>, %mul3A_114, %reduce_sum3A [2] : vector<16x64x64xf32> to vector<16x64xf32>
    %get3A_116 = arith.constant 0 : index
    %get3A_117 = arith.constant 0 : index
    %get3A_118 = vector.load %arg4[%get3A_116, %get3A_117] : memref<16x64xf32, #tpu.memory_space<vmem>>, vector<16x64xf32>
    %add3A_119 = arith.addf %reduce_sum3A_115, %get3A_118 : vector<16x64xf32>
    %concatenate3A_120 = tpu.concatenate %add3A_119, %add3A_119 in 1 : vector<16x64xf32>, vector<16x64xf32> -> vector<16x128xf32>
    %get3A_121 = arith.constant 0 : index
    %get3A_122 = arith.constant 0 : index
    %get3A_123 = vector.load %arg8[%get3A_121, %get3A_122] : memref<128x192xf32, #tpu.memory_space<vmem>>, vector<128x192xf32>
    %dot_general3A_124 = arith.constant dense<0.000000e+00> : vector<16x192xf32>
    %dot_general3A_125 = tpu.matmul %concatenate3A_120, %get3A_123, %dot_general3A_124 {dimension_numbers = #tpu.dot_dimension_numbers<[1], [0], [0], [1], [0, 0, 1, 1], [], []>, precision = #tpu.contract_precision<fp32>, transpose_lhs_hint = false} : vector<16x128xf32>, vector<128x192xf32>, vector<16x192xf32> -> vector<16x192xf32>
    %get3A_126 = arith.constant 0 : index
    %get3A_127 = arith.constant 0 : index
    %get3A_128 = vector.load %arg9[%get3A_126, %get3A_127] : memref<1x192xf32, #tpu.memory_space<vmem>>, vector<1x192xf32>
    %add3A_129 = vector.broadcast %get3A_128 : vector<1x192xf32> to vector<16x192xf32>
    %add3A_130 = arith.addf %dot_general3A_125, %add3A_129 : vector<16x192xf32>
    %get3A_131 = arith.constant 0 : index
    %get3A_132 = arith.constant 0 : index
    %get3A_133 = vector.load %arg10[%get3A_131, %get3A_132] : memref<1x192xf32, #tpu.memory_space<vmem>>, vector<1x192xf32>
    %slice3A_134 = vector.extract_strided_slice %add3A_130 {offsets = [0, 0], sizes = [16, 64], strides = [1, 1]} : vector<16x192xf32> to vector<16x64xf32>
    %slice3A_135 = vector.extract_strided_slice %get3A_133 {offsets = [0, 0], sizes = [1, 64], strides = [1, 1]} : vector<1x192xf32> to vector<1x64xf32>
    %add3A_136 = vector.broadcast %slice3A_135 : vector<1x64xf32> to vector<16x64xf32>
    %add3A_137 = arith.addf %slice3A_134, %add3A_136 : vector<16x64xf32>
    %neg3A_138 = arith.constant 0.000000e+00 : f32
    %neg3A_139 = vector.broadcast %neg3A_138 : f32 to vector<16x64xf32>
    %neg3A_140 = arith.subf %neg3A_139, %add3A_137 : vector<16x64xf32>
    %exp3A_141 = math.exp %neg3A_140 : vector<16x64xf32>
    %add3A_142 = arith.constant 1.000000e+00 : f32
    %add3A_143 = vector.broadcast %add3A_142 : f32 to vector<16x64xf32>
    %add3A_144 = arith.addf %add3A_143, %exp3A_141 : vector<16x64xf32>
    %div3A_145 = arith.constant 1.000000e+00 : f32
    %div3A_146 = vector.broadcast %div3A_145 : f32 to vector<16x64xf32>
    %div3A_147 = arith.divf %div3A_146, %add3A_144 : vector<16x64xf32>
    %slice3A_148 = vector.extract_strided_slice %add3A_130 {offsets = [0, 64], sizes = [16, 64], strides = [1, 1]} : vector<16x192xf32> to vector<16x64xf32>
    %slice3A_149 = vector.extract_strided_slice %get3A_133 {offsets = [0, 64], sizes = [1, 64], strides = [1, 1]} : vector<1x192xf32> to vector<1x64xf32>
    %add3A_150 = vector.broadcast %slice3A_149 : vector<1x64xf32> to vector<16x64xf32>
    %add3A_151 = arith.addf %slice3A_148, %add3A_150 : vector<16x64xf32>
    %neg3A_152 = arith.constant 0.000000e+00 : f32
    %neg3A_153 = vector.broadcast %neg3A_152 : f32 to vector<16x64xf32>
    %neg3A_154 = arith.subf %neg3A_153, %add3A_151 : vector<16x64xf32>
    %exp3A_155 = math.exp %neg3A_154 : vector<16x64xf32>
    %add3A_156 = arith.constant 1.000000e+00 : f32
    %add3A_157 = vector.broadcast %add3A_156 : f32 to vector<16x64xf32>
    %add3A_158 = arith.addf %add3A_157, %exp3A_155 : vector<16x64xf32>
    %div3A_159 = arith.constant 1.000000e+00 : f32
    %div3A_160 = vector.broadcast %div3A_159 : f32 to vector<16x64xf32>
    %div3A_161 = arith.divf %div3A_160, %add3A_158 : vector<16x64xf32>
    %slice3A_162 = vector.extract_strided_slice %add3A_130 {offsets = [0, 128], sizes = [16, 64], strides = [1, 1]} : vector<16x192xf32> to vector<16x64xf32>
    %slice3A_163 = vector.extract_strided_slice %get3A_133 {offsets = [0, 128], sizes = [1, 64], strides = [1, 1]} : vector<1x192xf32> to vector<1x64xf32>
    %mul3A_164 = vector.broadcast %slice3A_163 : vector<1x64xf32> to vector<16x64xf32>
    %mul3A_165 = arith.mulf %div3A_147, %mul3A_164 : vector<16x64xf32>
    %add3A_166 = arith.addf %slice3A_162, %mul3A_165 : vector<16x64xf32>
    %tanh3A_167 = math.tanh %add3A_166 : vector<16x64xf32>
    %sub3A_168 = arith.constant 1.000000e+00 : f32
    %sub3A_169 = vector.broadcast %sub3A_168 : f32 to vector<16x64xf32>
    %sub3A_170 = arith.subf %sub3A_169, %div3A_161 : vector<16x64xf32>
    %mul3A_171 = arith.mulf %sub3A_170, %tanh3A_167 : vector<16x64xf32>
    %get3A_172 = arith.constant 0 : index
    %get3A_173 = arith.constant 0 : index
    %get3A_174 = vector.load %arg15[%get3A_172, %get3A_173] : memref<64x64xf32, #tpu.memory_space<vmem>>, vector<64x64xf32>
    %dot_general3A_175 = arith.constant dense<0.000000e+00> : vector<16x64xf32>
    %dot_general3A_176 = tpu.matmul %mul3A_171, %get3A_174, %dot_general3A_175 {dimension_numbers = #tpu.dot_dimension_numbers<[1], [0], [0], [1], [0, 0, 1, 1], [], []>, precision = #tpu.contract_precision<fp32>, transpose_lhs_hint = false} : vector<16x64xf32>, vector<64x64xf32>, vector<16x64xf32> -> vector<16x64xf32>
    %get3A_177 = arith.constant 0 : index
    %get3A_178 = arith.constant 0 : index
    %get3A_179 = vector.load %arg16[%get3A_177, %get3A_178] : memref<1x64xf32, #tpu.memory_space<vmem>>, vector<1x64xf32>
    %add3A_180 = vector.broadcast %get3A_179 : vector<1x64xf32> to vector<16x64xf32>
    %add3A_181 = arith.addf %dot_general3A_176, %add3A_180 : vector<16x64xf32>
    %get3A_182 = arith.constant 0 : index
    %get3A_183 = arith.constant 0 : index
    %get3A_184 = vector.load %arg17[%get3A_182, %get3A_183] : memref<64x64xf32, #tpu.memory_space<vmem>>, vector<64x64xf32>
    %dot_general3A_185 = arith.constant dense<0.000000e+00> : vector<16x64xf32>
    %dot_general3A_186 = tpu.matmul %mul3A_171, %get3A_184, %dot_general3A_185 {dimension_numbers = #tpu.dot_dimension_numbers<[1], [0], [0], [1], [0, 0, 1, 1], [], []>, precision = #tpu.contract_precision<fp32>, transpose_lhs_hint = false} : vector<16x64xf32>, vector<64x64xf32>, vector<16x64xf32> -> vector<16x64xf32>
    %get3A_187 = arith.constant 0 : index
    %get3A_188 = arith.constant 0 : index
    %get3A_189 = vector.load %arg18[%get3A_187, %get3A_188] : memref<1x64xf32, #tpu.memory_space<vmem>>, vector<1x64xf32>
    %add3A_190 = vector.broadcast %get3A_189 : vector<1x64xf32> to vector<16x64xf32>
    %add3A_191 = arith.addf %dot_general3A_186, %add3A_190 : vector<16x64xf32>
    %max3A_192 = arith.constant 0.000000e+00 : f32
    %max3A_193 = vector.broadcast %max3A_192 : f32 to vector<16x64xf32>
    %max3A_194 = arith.maximumf %add3A_191, %max3A_193 : vector<16x64xf32>
    %abs3A_195 = math.absf %add3A_191 : vector<16x64xf32>
    %neg3A_196 = arith.constant 0.000000e+00 : f32
    %neg3A_197 = vector.broadcast %neg3A_196 : f32 to vector<16x64xf32>
    %neg3A_198 = arith.subf %neg3A_197, %abs3A_195 : vector<16x64xf32>
    %exp3A_199 = math.exp %neg3A_198 : vector<16x64xf32>
    %add3A_200 = arith.constant 1.000000e+00 : f32
    %add3A_201 = vector.broadcast %add3A_200 : f32 to vector<16x64xf32>
    %add3A_202 = arith.addf %add3A_201, %exp3A_199 : vector<16x64xf32>
    %log3A_203 = math.log %add3A_202 : vector<16x64xf32>
    %add3A_204 = arith.addf %max3A_194, %log3A_203 : vector<16x64xf32>
    %get3A_205 = arith.constant 0 : index
    %get3A_206 = arith.constant 0 : index
    %get3A_207 = vector.load %arg20[%get3A_205, %get3A_206] : memref<16x64xf32, #tpu.memory_space<vmem>>, vector<16x64xf32>
    %mul3A_208 = arith.mulf %add3A_204, %get3A_207 : vector<16x64xf32>
    %add3A_209 = arith.addf %add3A_181, %mul3A_208 : vector<16x64xf32>
    %get3A_210 = arith.constant 0 : index
    %get3A_211 = arith.constant 0 : index
    %get3A_212 = vector.load %arg21[%get3A_210, %get3A_211] : memref<64x2048xf32, #tpu.memory_space<vmem>>, vector<64x2048xf32>
    %dot_general3A_213 = arith.constant dense<0.000000e+00> : vector<16x2048xf32>
    %dot_general3A_214 = tpu.matmul %add3A_209, %get3A_212, %dot_general3A_213 {dimension_numbers = #tpu.dot_dimension_numbers<[1], [0], [0], [1], [0, 0, 1, 1], [], []>, precision = #tpu.contract_precision<fp32>, transpose_lhs_hint = false} : vector<16x64xf32>, vector<64x2048xf32>, vector<16x2048xf32> -> vector<16x2048xf32>
    %convert_element_type3A = arith.truncf %dot_general3A_214 : vector<16x2048xf32> to vector<16x2048xbf16>
    %swap3A_215 = arith.constant 0 : index
    %swap3A_216 = arith.constant 0 : index
    %swap3A_217 = vector.load %arg23[%swap3A_215, %swap3A_216] : memref<16x2048xbf16, #tpu.memory_space<vmem>>, vector<16x2048xbf16>
    tpu.vector_store %arg23[%swap3A_215, %swap3A_216], %convert_element_type3A {strides = array<i32>} : memref<16x2048xbf16, #tpu.memory_space<vmem>>, vector<16x2048xbf16>,
    return
  }
}

module attributes {stable_mosaic.version = 14 : i64} {
  func.func @_tc3_body_b(%arg0: i32, %arg1: memref<1024x64xf32, #tpu.memory_space<vmem>>, %arg2: memref<64x16xf32, #tpu.memory_space<vmem>>, %arg3: memref<16x2048xbf16, #tpu.memory_space<vmem>>, %arg4: memref<32768x2048xf32, #tpu.memory_space<any>>, %arg5: memref<1024x2048xf32, #tpu.memory_space<vmem>>) attributes {dimension_semantics = [#tpu.dimension_semantics<arbitrary>], iteration_bounds = array<i64: 16>, scalar_prefetch = 0 : i64, scratch_operands = 0 : i64, tpu.core_type = #tpu.core_type<tc>, window_params = [{transform_indices = @transform_0, window_bounds = array<i64: 1024, 64>}, {pipeline_mode = #tpu.pipeline_mode<synchronous>, transform_indices = @transform_1, window_bounds = array<i64: 64, 16>}, {pipeline_mode = #tpu.pipeline_mode<synchronous>, transform_indices = @transform_2, window_bounds = array<i64: 16, 2048>}, {}, {transform_indices = @transform_4, window_bounds = array<i64: 1024, 2048>}]} {
    %get3A = arith.constant 0 : index
    %get3A_0 = arith.constant 0 : index
    %get3A_1 = vector.load %arg1[%get3A, %get3A_0] : memref<1024x64xf32, #tpu.memory_space<vmem>>, vector<1024x64xf32>
    %get3A_2 = arith.constant 0 : index
    %get3A_3 = arith.constant 0 : index
    %get3A_4 = vector.load %arg2[%get3A_2, %get3A_3] : memref<64x16xf32, #tpu.memory_space<vmem>>, vector<64x16xf32>
    %dot_general3A = arith.constant dense<0.000000e+00> : vector<1024x16xf32>
    %dot_general3A_5 = tpu.matmul %get3A_1, %get3A_4, %dot_general3A {dimension_numbers = #tpu.dot_dimension_numbers<[1], [0], [0], [1], [0, 0, 1, 1], [], []>, precision = #tpu.contract_precision<fp32>, transpose_lhs_hint = false} : vector<1024x64xf32>, vector<64x16xf32>, vector<1024x16xf32> -> vector<1024x16xf32>
    %reduce_max3A = arith.constant dense<0xFF800000> : vector<1024xf32>
    %reduce_max3A_6 = vector.multi_reduction <maximumf>, %dot_general3A_5, %reduce_max3A [1] : vector<1024x16xf32> to vector<1024xf32>
    %broadcast_in_dim3A = vector.shape_cast %reduce_max3A_6 : vector<1024xf32> to vector<1024x1xf32>
    %sub3A = vector.broadcast %broadcast_in_dim3A : vector<1024x1xf32> to vector<1024x16xf32>
    %sub3A_7 = arith.subf %dot_general3A_5, %sub3A : vector<1024x16xf32>
    %exp3A = math.exp %sub3A_7 : vector<1024x16xf32>
    %reduce_sum3A = arith.constant dense<0.000000e+00> : vector<1024xf32>
    %reduce_sum3A_8 = vector.multi_reduction <add>, %exp3A, %reduce_sum3A [1] : vector<1024x16xf32> to vector<1024xf32>
    %broadcast_in_dim3A_9 = vector.shape_cast %reduce_sum3A_8 : vector<1024xf32> to vector<1024x1xf32>
    %div3A = vector.broadcast %broadcast_in_dim3A_9 : vector<1024x1xf32> to vector<1024x16xf32>
    %div3A_10 = arith.divf %exp3A, %div3A : vector<1024x16xf32>
    %convert_element_type3A = arith.truncf %div3A_10 : vector<1024x16xf32> to vector<1024x16xbf16>
    %get3A_11 = arith.constant 0 : index
    %get3A_12 = arith.constant 0 : index
    %get3A_13 = vector.load %arg3[%get3A_11, %get3A_12] : memref<16x2048xbf16, #tpu.memory_space<vmem>>, vector<16x2048xbf16>
    %dot_general3A_14 = arith.constant dense<0.000000e+00> : vector<1024x2048xf32>
    %dot_general3A_15 = tpu.matmul %convert_element_type3A, %get3A_13, %dot_general3A_14 {dimension_numbers = #tpu.dot_dimension_numbers<[1], [0], [0], [1], [0, 0, 1, 1], [], []>, transpose_lhs_hint = false} : vector<1024x16xbf16>, vector<16x2048xbf16>, vector<1024x2048xf32> -> vector<1024x2048xf32>
    %swap3A = arith.constant 0 : index
    %swap3A_16 = arith.constant 0 : index
    %swap3A_17 = vector.load %arg5[%swap3A, %swap3A_16] : memref<1024x2048xf32, #tpu.memory_space<vmem>>, vector<1024x2048xf32>
    tpu.vector_store %arg5[%swap3A, %swap3A_16], %dot_general3A_15 {strides = array<i32>} : memref<1024x2048xf32, #tpu.memory_space<vmem>>, vector<1024x2048xf32>,
    return
  }
  func.func @transform_0(%arg0: i32) -> (i32, i32) {
    %c0_i32 = arith.constant 0 : i32
    %c0_i32_0 = arith.constant 0 : i32
    return %arg0, %c0_i32 : i32, i32
  }
  func.func @transform_1(%arg0: i32) -> (i32, i32) {
    %c0_i32 = arith.constant 0 : i32
    %c0_i32_0 = arith.constant 0 : i32
    %c0_i32_1 = arith.constant 0 : i32
    return %c0_i32, %c0_i32_0 : i32, i32
  }
  func.func @transform_2(%arg0: i32) -> (i32, i32) {
    %c0_i32 = arith.constant 0 : i32
    %c0_i32_0 = arith.constant 0 : i32
    %c0_i32_1 = arith.constant 0 : i32
    return %c0_i32, %c0_i32_0 : i32, i32
  }
  func.func @transform_4(%arg0: i32) -> (i32, i32) {
    %add3A = arith.constant 16 : i32
    %add3A_0 = arith.addi %arg0, %add3A : i32
    %c0_i32 = arith.constant 0 : i32
    %c0_i32_1 = arith.constant 0 : i32
    return %add3A_0, %c0_i32 : i32, i32
  }
}

</mosaic_0001>

<sc_bundles>
// kernel: kernel.10.cloned.1.call-start
scs
__scs_entry_jumppad:
0x0: {  	(pc) =	sbr.rel $0x88, $3  }
0x1: {  	(tag) =	ssettag $0x0;
	lr =	simm.s32 $0x1  }
0x2: {  	[smem:$0x3F88] =	sst lr;
	_ =	strace $0xD0000000  }
0x3: {  	_ = 	snop  }
0x4: {  	_ = 	snop  }
0x5: {  	_ = 	snop  }
0x6: {  	_ = 	snop  }
0x7: {  	_ = 	snop  }
__scs_overlays_trampoline_lowered:
0x8: {  	[smem:$0x3F97] =	sst s0  }
0x9: {  	[smem:$0x3F98] =	sst s1  }
0xa: {  	[smem:$0x3F99] =	sst s2  }
0xb: {  	[smem:$0x3F9A] =	sst s3  }
0xc: {  	[smem:$0x3F9B] =	sst s4  }
0xd: {  	[smem:$0x3F9C] =	sst s5  }
0xe: {  	[smem:$0x3F9D] =	sst s6  }
0xf: {  	[smem:$0x3F9E] =	sst s7  }
0x10: {  	[smem:$0x3F9F] =	sst s8  }
0x11: {  	[smem:$0x3FA0] =	sst s9;
	s0 =	simm.s32 @!p0 $0x0  }
0x12: {  	s1 =	sld [smem:$0x3F86];
	s0 =	simm.s32 @p0 $0x1  }
0x13: {  	[smem:$0x3FA1] =	sst s0;
	s0 =	simm.s32 @!p1 $0x0  }
0x14: {  	s2 =	sld [smem:$0x3F85];
	s0 =	simm.s32 @p1 $0x1  }
0x15: {  	[smem:$0x3FA2] =	sst s0;
	s0 =	simm.s32 @!p2 $0x0  }
0x16: {  	s3 =	sld [smem:$0x3FDB];
	s0 =	simm.s32 @p2 $0x1  }
0x17: {  	s4 =	simm.s32 $0x1BF5;
	[smem:$0x3FA4] =	sst s0  }
0x18: {  	s0 =	sld [smem:$0x3F87];
	_ =	swait.ge [sflag:s4], $0x0  }
0x19: {  	s7 =	sld [smem:$0x3F88]  }
0x1a: {  	s8 =	sadd.s32 $0xFFFFE003, lr  }
0x1b: {  	s9 =	sadd.s32 $0xFFFFFEF7, lr;
	s5 =	simm.s32 $0xFFFFFFFF;
	p2 =	slt.u32 s8, $0xFFFFF086  }
0x1c: {  	p1 =	slt.u32 s9, $0xF7A;
	s5 =	simm.s32 @!p2 $0x0  }
0x1d: {  	s5 =	simm.s32 @p1 $0x1;
	p0 =	seq.s32 s7, s2  }
0x1e: {  	s7 =	smul.u32 @!p0 $0xF7A, s2;
	p2 =	seq.s32 @!p0 s5, $0x0  }
0x1f: {  	s9 =	smul.u32 $0xF7A, s1;
	s8 =	simm.s32 @!p0 $0x1BF5;
	p2 =	por !p2, p0  }
0x20: {  	[sflag:s8] =	ssyncset.s32 @!p0 $0xFFFFF086;
	s6 =	sadd.s32 @!p0 s3, s7;
	s7 =	simm.s32 @!p0 $0x108  }
0x21: {  	s3 =	sadd.s32 s3, s9;
	s6 =	sadd.s32 @!p0 $0x88, s6;
	s7 =	simm.s32 @p2 $0x1082  }
0x22: {  	[simem:s7], [sflag:s8] =	dma.local @!p0 [hbm:s6], $0xF7A  }
0x23: {  	s9 =	sor.u32 $0xD0000000, s2;
	s6 =	simm.s32 $0x108;
	_ =	swait.ge @!p0 [sflag:s8], $0x0  }
0x24: {  	s3 =	sadd.s32 $0x88, s3;
	s6 =	simm.s32 @!p1 $0x1082;
	[sflag:s4] =	ssyncset.s32 $0xFFFFF086  }
0x25: {  	[simem:s6], [sflag:s4] =	dma.local [hbm:s3], $0xF7A  }
0x26: {  	[smem:$0x3F88] =	sst s1;
	(tag) =	ssettag s2;
	_ =	strace s9  }
0x27: {  	s1 =	sld [smem:$0x3F98]  }
0x28: {  	s2 =	sld [smem:$0x3F99]  }
0x29: {  	s4 =	sld [smem:$0x3F9B]  }
0x2a: {  	p0 =	seq.s32 s5, $0x0;
	s5 =	sld [smem:$0x3F9C]  }
0x2b: {  	s6 =	sld [smem:$0x3F9D]  }
0x2c: {  	s7 =	sld [smem:$0x3F9E]  }
0x2d: {  	s3 =	simm.s32 $0x108;
	s8 =	sld [smem:$0x3F9F]  }
0x2e: {  	s3 =	simm.s32 @!p0 $0x1082;
	s9 =	sld [smem:$0x3FA0]  }
0x2f: {  	lr =	sadd.s32 s0, s3;
	s0 =	sld [smem:$0x3F97]  }
0x30: {  	s3 =	sld [smem:$0x3F9A]  }
0x31: {  	[smem:$0x3FA3] =	sst s10  }
0x32: {  	s10 =	sld [smem:$0x3FA1];
	_ =	sdelay $0x3  }
0x33: {  	p0 =	seq.s32 s10, $0x1;
	s10 =	sld [smem:$0x3FA3];
	_ =	sdelay $0x3  }
0x34: {  	[smem:$0x3FA3] =	sst s10  }
0x35: {  	s10 =	sld [smem:$0x3FA2];
	_ =	sdelay $0x3  }
0x36: {  	p1 =	seq.s32 s10, $0x1;
	s10 =	sld [smem:$0x3FA3];
	_ =	sdelay $0x3  }
0x37: {  	[smem:$0x3FA3] =	sst s10  }
0x38: {  	s10 =	sld [smem:$0x3FA4]  }
0x39: {  	_ = 	snop;
	(pc) =	sbr.ind lr, $3  }
0x3a: {  	_ = 	snop  }
0x3b: {  	_ = 	snop  }
0x3c: {  	p2 =	seq.s32 s10, $0x1;
	s10 =	sld [smem:$0x3FA3]  }
0x3d: {  	_ =	shalt  }
0x3e: {  	_ =	shalt  }
0x3f: {  	_ =	shalt  }
0x40: {  	_ =	shalt  }
0x41: {  	_ =	shalt  }
0x42: {  	_ =	shalt  }
0x43: {  	_ =	shalt  }
0x44: {  	_ =	shalt  }
0x45: {  	_ =	shalt  }
0x46: {  	_ =	shalt  }
0x47: {  	_ =	shalt  }
0x48: {  	_ =	shalt  }
0x49: {  	_ =	shalt  }
0x4a: {  	_ =	shalt  }
0x4b: {  	_ =	shalt  }
0x4c: {  	_ =	shalt  }
0x4d: {  	_ =	shalt  }
0x4e: {  	_ =	shalt  }
0x4f: {  	_ =	shalt  }
0x50: {  	_ =	shalt  }
0x51: {  	_ =	shalt  }
0x52: {  	_ =	shalt  }
0x53: {  	_ =	shalt  }
0x54: {  	_ =	shalt  }
0x55: {  	_ =	shalt  }
0x56: {  	_ =	shalt  }
0x57: {  	_ =	shalt  }
0x58: {  	_ =	shalt  }
0x59: {  	_ =	shalt  }
0x5a: {  	_ =	shalt  }
0x5b: {  	_ =	shalt  }
0x5c: {  	_ =	shalt  }
0x5d: {  	_ =	shalt  }
0x5e: {  	_ =	shalt  }
0x5f: {  	_ =	shalt  }
0x60: {  	_ =	shalt  }
0x61: {  	_ =	shalt  }
0x62: {  	_ =	shalt  }
0x63: {  	_ =	shalt  }
0x64: {  	_ =	shalt  }
0x65: {  	_ =	shalt  }
0x66: {  	_ =	shalt  }
0x67: {  	_ =	shalt  }
0x68: {  	_ =	shalt  }
0x69: {  	_ =	shalt  }
0x6a: {  	_ =	shalt  }
0x6b: {  	_ =	shalt  }
0x6c: {  	_ =	shalt  }
0x6d: {  	_ =	shalt  }
0x6e: {  	_ =	shalt  }
0x6f: {  	_ =	shalt  }
0x70: {  	_ =	shalt  }
0x71: {  	_ =	shalt  }
0x72: {  	_ =	shalt  }
0x73: {  	_ =	shalt  }
0x74: {  	_ =	shalt  }
0x75: {  	_ =	shalt  }
0x76: {  	_ =	shalt  }
0x77: {  	_ =	shalt  }
0x78: {  	_ =	shalt  }
0x79: {  	_ =	shalt  }
0x7a: {  	_ =	shalt  }
0x7b: {  	_ =	shalt  }
0x7c: {  	_ =	shalt  }
0x7d: {  	_ =	shalt  }
0x7e: {  	_ =	shalt  }
0x7f: {  	_ =	shalt  }
0x80: {  	_ =	shalt  }
0x81: {  	_ =	shalt  }
0x82: {  	_ =	shalt  }
0x83: {  	_ =	shalt  }
0x84: {  	_ =	shalt  }
0x85: {  	_ =	shalt  }
0x86: {  	_ =	shalt  }
0x87: {  	_ =	shalt  }
.Lfunc_end0:
.L_simem_size_0:
called_computation_lowered:
.L_overlay_start_0:
0x88: {  	s2 =	sld [smem:$0x3FD9]  }
0x89: {  	s3 =	sld [smem:$0x3FFE];
	_ =	sdelay $0x1  }
0x8a: {  	s1 =	srdreg.scid  }
0x8b: {  	s0 =	sand.u32 $0x1, s1  }
0x8c: {  	s17 =	sshll.u32 s0, $0xA;
	s2 =	sadd.s32 s3, s2  }
0x8d: {  	s2 =	sadd.s32 s2, s17  }
0x8e: {  	[smem:$0x3FAF] =	sst s2  }
0x8f: {  	_ = 	snop  }
0x90: {  	s2 =	sld [smem:$0x3FD0];
	(tm) =	ssettm $0x1  }
0x91: {  	s18 =	sld [smem:$0x3FFB];
	_ =	sdelay $0x3  }
0x92: {  	_ =	strace s18  }
0x93: {  	s3 =	sld [smem:$0x3FFC];
	_ =	sdelay $0x3  }
0x94: {  	_ =	strace s3  }
0x95: {  	s3 =	sld [smem:$0x3FFD];
	_ =	sdelay $0x3  }
0x96: {  	_ =	strace s3  }
0x97: {  	_ =	strace $0x8FFFFFFF  }
0x98: {  	s19 =	sld [smem:$0x3FDB];
	_ =	sdelay $0x1  }
0x99: {  	s4 =	simm.s32 $_scs_section_size  }
0x9a: {  	s5 =	simm.s32 $_size__tile_overlayer_lowered;
	s6 =	simm.s32 $_tile_overlayer_lowered  }
0x9b: {  	s22 =	simm.s32 $0x1BFF;
	s21 =	sshll.u32 s6, $0x1;
	s3 =	sadd.s32 s4, s19  }
0x9c: {  	s7 =	simm.s32 $0x0;
	s20 =	sshll.u32 s5, $0x1;
	s5 =	sadd.s32 s21, s3  }
0x9d: {  	[timem:s7], [sflag:s22] =	dma.local [hbm:s5], s20  }
0x9e: {  	_ =	swait.ge [sflag:s22], s20  }
0x9f: {  	s4 =	ssub.s32 $0x0, s20;
	[sflag:s22] =	ssyncset.done $0x0  }
0xa0: {  	[sflag:s22] =	ssyncadd.s32 s4;
	_ =	sdelay $0x1  }
0xa1: {  	s23 =	simm.s32 $0x1B8B  }
0xa2: {  	_ =	swait.ge [sflag:s23], $0x1  }
0xa3: {  	[sflag:s23] =	ssyncset.done $0x0  }
0xa4: {  	s25 =	simm.s32 $0x1B8E;
	s24 =	sld [smem:$0x3FFE];
	[sflag:s23] =	ssyncadd.s32 $0xFFFFFFFF  }
0xa5: {  	s26 =	simm.s32 $execute0_lowered;
	[smem:$0x3FD2] =	sst s25  }
0xa6: {  	s5 =	sshll.u32 s26, $0x1;
	_ =	strace $0x80000046;
	[dreg:$0x1] =	wrdreg $0xFFFFFFFF  }
0xa7: {  	s28 =	simm.s32 $_size_execute0_lowered;
	s3 =	sadd.s32 s3, s5;
	[dreg:$0x0] =	wrdreg $0x0  }
0xa8: {  	s5 =	sshll.u32 s28, $0x1;
	[dreg:$0x2] =	wrdreg s3  }
0xa9: {  	[dreg:$0x3] =	wrdreg s5  }
0xaa: {  	[dreg:$0x4] =	wrdreg $0xC0  }
0xab: {  	_ =	task [dreg:s7], $0x5FFFF  }
0xac: {  	[dreg:$0x1] =	wrdreg $0xFFFFFFFF  }
0xad: {  	[dreg:$0x0] =	wrdreg $0x60  }
0xae: {  	[dreg:$0x2] =	wrdreg s24  }
0xaf: {  	[dreg:$0x3] =	wrdreg s2  }
0xb0: {  	[dreg:$0x4] =	wrdreg $0x48000  }
0xb1: {  	[dreg:$0x5] =	wrdreg $0x9  }
0xb2: {  	_ =	task.clear_ibuf [dreg:s7], $0x6FFFF;
	_ =	strace $0x90000046  }
0xb3: {  	s29 =	simm.s32 $0x9;
	_ =	strace $0x80000048  }
0xb4: {  	_ =	swait.ge [sflag:s29], $0x1  }
0xb5: {  	[sflag:s29] =	ssyncadd.s32 $0xFFFFFFFF  }
0xb6: {  	_ =	strace $0x90000048  }
0xb7: {  	_ =	sfence  }
0xb8: {  	s30 =	sld [smem:$0x0];
	_ =	sdelay $0x2  }
0xb9: {  	s31 =	sshll.u32 s1, $0xD;
	s1 =	sshrl.u32 s1, $0x2  }
0xba: {  	s3 =	sand.u32 $0x4000, s31;
	s1 =	sadd.s32 s1, s30  }
0xbb: {  	s0 =	sor.u32 s3, s0;
	s1 =	sshll.u32 s1, $0x11  }
0xbc: {  	s0 =	sor.u32 s1, s0  }
0xbd: {  	s0 =	sadd.s32 $0x8F2B, s0  }
0xbe: {  	[sflag:s0] =	ssyncadd.remote.s32 $0x1  }
0xbf: {  	_ =	sfence.sel $0xFFFF  }
0xc0: {  	[dreg:$0x0] =	wrdreg $0xFFFFFFFF;
	(pc) =	sbr.abs _section_cstart, $3  }
0xc1: {  	[dreg:$0x1] =	wrdreg $0xFFFFFFFF  }
0xc2: {  	_ =	task.clear_ibuf [dreg:s7], $0x2FFFF;
	_ =	strace $0x9FFFFFFF  }
0xc3: {  	(tm) =	ssettm $0x7FFFFFFF  }
tec
execute0_lowered:
.L_overlay_start_1:
0x0: {  	(tag) =	ssettag $0x1  }
0x1: {  	s5 =	rddreg [dreg:$0x0]  }
0x2: {  	s6 =	rddreg [dreg:$0x1]  }
0x3: {  	s2 =	rddreg [dreg:$0x2]  }
0x4: {  	s0 =	rddreg [dreg:$0x3];
	s4 =	srdreg.scid  }
0x5: {  	s3 =	simm.s32 $0x0;
	s1 =	stileid.u32;
	s12 =	simm.s32 $0x200  }
0x6: {  	s13 =	simm.s32 $0x80;
	s14 =	simm.s32 $0x400;
	s15 =	simm.s32 $0x1  }
0x7: {  	s16 =	simm.s32 $0x600;
	s17 =	simm.s32 $0x480;
	s18 =	simm.s32 $0x680  }
0x8: {  	s19 =	simm.s32 $0x500;
	s20 =	simm.s32 $0x700;
	s21 =	simm.s32 $0x580  }
0x9: {  	s22 =	simm.s32 $0x780;
	s23 =	simm.s32 $0x0;
	s7 =	sand.u32 $0x1, s4  }
0xa: {  	[smem:$0x7FF] =	sst s3;
	s8 =	sshll.u32 s1, $0x6;
	s31 =	sshll.u32 s1, $0xE  }
0xb: {  	s10 =	sshll.u32 s1, $0xB;
	s4 =	sshll.u32 s7, $0xA;
	_ =	strace $0x80000047  }
0xc: {  	s9 =	ssub.s32 $0x2, s7;
	s11 =	sshll.u32 s7, $0xF;
	s10 =	sadd.s32 s6, s10  }
0xd: {  	s8 =	sor.u32 s8, s4;
	s4 =	sadd.s32 $0x5C00, s5;
	s30 =	sshrl.u32 s9, $0x1  }
0xe: {  	s8 =	sadd.s32 s8, s5;
	s9 =	ssub.s32 s9, s30;
	s5 =	sadd.s32 s31, s2  }
0xf: {  	s6 =	sadd.s32 $0x4C00, s8;
	s7 =	sadd.s32 $0x5400, s8;
	s8 =	sadd.s32 s11, s10  }
0x10: {  	v0 =	vimm.f32 $0.0e+00;
	s9 =	smax.u32 s9, $0x1;
	s10 =	simm.s32 $0x800;
	s11 =	simm.s32 $0x2  }
.LBB2_1:
0x11: {  	s24 =	simm.s32 $0x0;
	s25 =	simm.s32 $0x200  }
.LBB2_2:
0x12: {  	p0 =	sne.s32 s25, $0xFE00;
	[tilespmem:s24+$0x870] =	vst v0  }
0x13: {  	[tilespmem:s24+$0x800] =	vst v0  }
0x14: {  	[tilespmem:s24+$0x810] =	vst v0  }
.Ltmp0:
0x15: {  	[tilespmem:s24+$0x820] =	vst v0;
	(pc) =	sbr.rel @p0 .LBB2_2-.Ltmp0, $4  }
0x16: {  	[tilespmem:s24+$0x830] =	vst v0  }
0x17: {  	[tilespmem:s24+$0x840] =	vst v0  }
0x18: {  	[tilespmem:s24+$0x850] =	vst v0  }
0x19: {  	[tilespmem:s24+$0x860] =	vst v0;
	s24 =	sshra.s32 s25, $0x2;
	s25 =	sadd.s32 $0x200, s25  }
0x1a: {  	[tilespmem:s24+$0x870] =	vst v0  }
0x1b: {  	[tilespmem:s24+$0x800] =	vst v0  }
0x1c: {  	[tilespmem:s24+$0x810] =	vst v0  }
0x1d: {  	[tilespmem:s24+$0x820] =	vst v0  }
0x1e: {  	[tilespmem:s24+$0x830] =	vst v0  }
0x1f: {  	[tilespmem:s24+$0x840] =	vst v0  }
0x20: {  	[tilespmem:s24+$0x850] =	vst v0  }
0x21: {  	[tilespmem:s24+$0x860] =	vst v0  }
0x22: {  	[spmem:s5] =	stream.linear.scatter [tilespmem:s10], [sflag:$0x2], $0x4000, $0x38;
	[tilespmem:$0x8800] =	vst v63  }
0x23: {  	_ =	swait.ge [sflag:s11], $0x4000  }
0x24: {  	[sflag:s11] =	ssyncset.done $0x0  }
0x25: {  	[sflag:s11] =	ssyncadd.s32 $0xFFFFC000  }
0x26: {  	[tilespmem:s3], [sflag:$0x2] =	stream.linear.gather [hbm4b:s6+s3], $0x200, $0x38;
	[tilespmem:$0x8800] =	vst v63  }
0x27: {  	_ =	swait.ge [sflag:s11], $0x200  }
0x28: {  	[sflag:s11] =	ssyncset.done $0x0  }
0x29: {  	[sflag:s11] =	ssyncadd.s32 $0xFFFFFE00  }
0x2a: {  	v1 =	vld [tilespmem:$0x0]  }
0x2b: {  	v2 =	vld [tilespmem:$0x10]  }
0x2c: {  	v3 =	vld [tilespmem:$0x20]  }
0x2d: {  	v4 =	vld [tilespmem:$0x30]  }
0x2e: {  	v5 =	vld [tilespmem:$0x40]  }
0x2f: {  	[tilespmem:$0x400] =	vst v1;
	v1 =	vld [tilespmem:$0x50]  }
0x30: {  	[tilespmem:$0x410] =	vst v2;
	v2 =	vld [tilespmem:$0x60]  }
0x31: {  	v42 =	vld [tilespmem:$0x80];
	[tilespmem:$0x420] =	vst v3  }
0x32: {  	v43 =	vld [tilespmem:$0x90];
	[tilespmem:$0x430] =	vst v4  }
0x33: {  	v3 =	vld [tilespmem:$0x70];
	[tilespmem:$0x440] =	vst v5  }
0x34: {  	[tilespmem:$0x450] =	vst v1;
	v1 =	vld [tilespmem:$0xA0]  }
0x35: {  	[tilespmem:$0x460] =	vst v2;
	v2 =	vld [tilespmem:$0xB0]  }
0x36: {  	v44 =	vld [tilespmem:$0xD0];
	[tilespmem:$0x480] =	vst v42  }
0x37: {  	v45 =	vld [tilespmem:$0xE0];
	[tilespmem:$0x490] =	vst v43  }
0x38: {  	[tilespmem:$0x470] =	vst v3;
	v3 =	vld [tilespmem:$0xC0]  }
0x39: {  	[tilespmem:$0x4A0] =	vst v1;
	v1 =	vld [tilespmem:$0xF0]  }
0x3a: {  	[tilespmem:$0x4B0] =	vst v2;
	v2 =	vld [tilespmem:$0x100]  }
0x3b: {  	v46 =	vld [tilespmem:$0x120];
	[tilespmem:$0x4D0] =	vst v44  }
0x3c: {  	v47 =	vld [tilespmem:$0x130];
	[tilespmem:$0x4E0] =	vst v45  }
0x3d: {  	[tilespmem:$0x4C0] =	vst v3;
	v3 =	vld [tilespmem:$0x110]  }
0x3e: {  	[tilespmem:$0x4F0] =	vst v1;
	v1 =	vld [tilespmem:$0x140]  }
0x3f: {  	[tilespmem:$0x500] =	vst v2;
	v2 =	vld [tilespmem:$0x150]  }
0x40: {  	v48 =	vld [tilespmem:$0x170];
	[tilespmem:$0x520] =	vst v46  }
0x41: {  	v49 =	vld [tilespmem:$0x180];
	[tilespmem:$0x530] =	vst v47  }
0x42: {  	[tilespmem:$0x510] =	vst v3;
	v3 =	vld [tilespmem:$0x160]  }
0x43: {  	[tilespmem:$0x540] =	vst v1;
	v1 =	vld [tilespmem:$0x190]  }
0x44: {  	[tilespmem:$0x550] =	vst v2;
	v2 =	vld [tilespmem:$0x1A0]  }
0x45: {  	v50 =	vld [tilespmem:$0x1C0];
	[tilespmem:$0x570] =	vst v48  }
0x46: {  	v51 =	vld [tilespmem:$0x1D0];
	[tilespmem:$0x580] =	vst v49  }
0x47: {  	[tilespmem:$0x560] =	vst v3;
	v3 =	vld [tilespmem:$0x1B0]  }
0x48: {  	[tilespmem:$0x590] =	vst v1;
	v1 =	vld [tilespmem:$0x1E0]  }
0x49: {  	[tilespmem:$0x5A0] =	vst v2;
	v2 =	vld [tilespmem:$0x1F0]  }
0x4a: {  	[tilespmem:$0x5C0] =	vst v50  }
0x4b: {  	[tilespmem:$0x5D0] =	vst v51  }
0x4c: {  	[tilespmem:$0x5B0] =	vst v3  }
0x4d: {  	[tilespmem:$0x5E0] =	vst v1  }
0x4e: {  	[tilespmem:$0x5F0] =	vst v2  }
0x4f: {  	[tilespmem:s12], [sflag:$0x2] =	stream.linear.gather [hbm4b:s7+s3], $0x200, $0x38;
	[tilespmem:$0x8800] =	vst v63  }
0x50: {  	_ =	swait.ge [sflag:s11], $0x200  }
0x51: {  	[sflag:s11] =	ssyncset.done $0x0  }
0x52: {  	[sflag:s11] =	ssyncadd.s32 $0xFFFFFE00  }
0x53: {  	v1 =	vld [tilespmem:$0x200]  }
0x54: {  	v2 =	vld [tilespmem:$0x210]  }
0x55: {  	v3 =	vld [tilespmem:$0x220]  }
0x56: {  	v52 =	vld [tilespmem:$0x230]  }
0x57: {  	v53 =	vld [tilespmem:$0x240]  }
0x58: {  	[tilespmem:$0x600] =	vst v1;
	v1 =	vld [tilespmem:$0x250]  }
0x59: {  	[tilespmem:$0x610] =	vst v2;
	v2 =	vld [tilespmem:$0x260]  }
0x5a: {  	v54 =	vld [tilespmem:$0x280];
	[tilespmem:$0x620] =	vst v3  }
0x5b: {  	v55 =	vld [tilespmem:$0x290];
	[tilespmem:$0x630] =	vst v52  }
0x5c: {  	v3 =	vld [tilespmem:$0x270];
	[tilespmem:$0x640] =	vst v53  }
0x5d: {  	[tilespmem:$0x650] =	vst v1;
	v1 =	vld [tilespmem:$0x2A0]  }
0x5e: {  	[tilespmem:$0x660] =	vst v2;
	v2 =	vld [tilespmem:$0x2B0]  }
0x5f: {  	v56 =	vld [tilespmem:$0x2D0];
	[tilespmem:$0x680] =	vst v54  }
0x60: {  	v57 =	vld [tilespmem:$0x2E0];
	[tilespmem:$0x690] =	vst v55  }
0x61: {  	[tilespmem:$0x670] =	vst v3;
	v3 =	vld [tilespmem:$0x2C0]  }
0x62: {  	[tilespmem:$0x6A0] =	vst v1;
	v1 =	vld [tilespmem:$0x2F0]  }
0x63: {  	[tilespmem:$0x6B0] =	vst v2;
	v2 =	vld [tilespmem:$0x300]  }
0x64: {  	v58 =	vld [tilespmem:$0x320];
	[tilespmem:$0x6D0] =	vst v56  }
0x65: {  	v59 =	vld [tilespmem:$0x330];
	[tilespmem:$0x6E0] =	vst v57  }
0x66: {  	[tilespmem:$0x6C0] =	vst v3;
	v3 =	vld [tilespmem:$0x310]  }
0x67: {  	[tilespmem:$0x6F0] =	vst v1;
	v1 =	vld [tilespmem:$0x340]  }
0x68: {  	[tilespmem:$0x700] =	vst v2;
	v2 =	vld [tilespmem:$0x350]  }
0x69: {  	v60 =	vld [tilespmem:$0x370];
	[tilespmem:$0x720] =	vst v58  }
0x6a: {  	v61 =	vld [tilespmem:$0x380];
	[tilespmem:$0x730] =	vst v59  }
0x6b: {  	[tilespmem:$0x710] =	vst v3;
	v3 =	vld [tilespmem:$0x360]  }
0x6c: {  	[tilespmem:$0x740] =	vst v1;
	v1 =	vld [tilespmem:$0x390]  }
0x6d: {  	[tilespmem:$0x750] =	vst v2;
	v2 =	vld [tilespmem:$0x3A0]  }
0x6e: {  	v62 =	vld [tilespmem:$0x3C0];
	[tilespmem:$0x770] =	vst v60  }
0x6f: {  	v63 =	vld [tilespmem:$0x3D0];
	[tilespmem:$0x780] =	vst v61  }
0x70: {  	[tilespmem:$0x760] =	vst v3;
	v3 =	vld [tilespmem:$0x3B0]  }
0x71: {  	[tilespmem:$0x790] =	vst v1;
	v1 =	vld [tilespmem:$0x3E0]  }
0x72: {  	[tilespmem:$0x7A0] =	vst v2;
	v2 =	vld [tilespmem:$0x3F0]  }
0x73: {  	[tilespmem:$0x7C0] =	vst v62  }
0x74: {  	[tilespmem:$0x7D0] =	vst v63  }
0x75: {  	[tilespmem:$0x7B0] =	vst v3  }
0x76: {  	[tilespmem:$0x7E0] =	vst v1  }
0x77: {  	[tilespmem:$0x7F0] =	vst v2  }
0x78: {  	[bflag:$0x0] =	sbarrier.arrive $0xFFFF  }
0x79: {  	[tilespmem:s10], [sflag:$0x1] =	stream.indirect.gather [hbm4b:s4+s13], $0x80, s14, s13, $0xb8;
	[tilespmem:$0x8800] =	vst v63  }
0x7a: {  	_ =	swait.ge [sflag:s15], $0x4000  }
0x7b: {  	[sflag:s15] =	ssyncset.done $0x0  }
0x7c: {  	[sflag:s15] =	ssyncadd.s32 $0xFFFFC000  }
0x7d: {  	[spmem:s2] =	stream.indirect.scatter.add.f32 [tilespmem:s10], [sflag:$0x2], $0x80, s16, s13, $0xb8;
	[tilespmem:$0x8800] =	vst v63  }
0x7e: {  	_ =	swait.ge [sflag:s11], $0x4000  }
0x7f: {  	[sflag:s11] =	ssyncset.done $0x0  }
0x80: {  	[sflag:s11] =	ssyncadd.s32 $0xFFFFC000  }
0x81: {  	[tilespmem:s10], [sflag:$0x1] =	stream.indirect.gather [hbm4b:s4+s13], $0x80, s17, s13, $0xb8;
	[tilespmem:$0x8800] =	vst v63  }
0x82: {  	_ =	swait.ge [sflag:s15], $0x4000  }
0x83: {  	[sflag:s15] =	ssyncset.done $0x0  }
0x84: {  	[sflag:s15] =	ssyncadd.s32 $0xFFFFC000  }
0x85: {  	[spmem:s2] =	stream.indirect.scatter.add.f32 [tilespmem:s10], [sflag:$0x2], $0x80, s18, s13, $0xb8;
	[tilespmem:$0x8800] =	vst v63  }
0x86: {  	_ =	swait.ge [sflag:s11], $0x4000  }
0x87: {  	[sflag:s11] =	ssyncset.done $0x0  }
0x88: {  	[sflag:s11] =	ssyncadd.s32 $0xFFFFC000  }
0x89: {  	[tilespmem:s10], [sflag:$0x1] =	stream.indirect.gather [hbm4b:s4+s13], $0x80, s19, s13, $0xb8;
	[tilespmem:$0x8800] =	vst v63  }
0x8a: {  	_ =	swait.ge [sflag:s15], $0x4000  }
0x8b: {  	[sflag:s15] =	ssyncset.done $0x0  }
0x8c: {  	[sflag:s15] =	ssyncadd.s32 $0xFFFFC000  }
0x8d: {  	[spmem:s2] =	stream.indirect.scatter.add.f32 [tilespmem:s10], [sflag:$0x2], $0x80, s20, s13, $0xb8;
	[tilespmem:$0x8800] =	vst v63  }
0x8e: {  	_ =	swait.ge [sflag:s11], $0x4000  }
0x8f: {  	[sflag:s11] =	ssyncset.done $0x0  }
0x90: {  	[sflag:s11] =	ssyncadd.s32 $0xFFFFC000  }
0x91: {  	[tilespmem:s10], [sflag:$0x1] =	stream.indirect.gather [hbm4b:s4+s13], $0x80, s21, s13, $0xb8;
	[tilespmem:$0x8800] =	vst v63  }
0x92: {  	_ =	swait.ge [sflag:s15], $0x4000  }
0x93: {  	[sflag:s15] =	ssyncset.done $0x0  }
0x94: {  	[sflag:s15] =	ssyncadd.s32 $0xFFFFC000  }
0x95: {  	[spmem:s2] =	stream.indirect.scatter.add.f32 [tilespmem:s10], [sflag:$0x2], $0x80, s22, s13, $0xb8;
	[tilespmem:$0x8800] =	vst v63  }
0x96: {  	_ =	swait.ge [sflag:s11], $0x4000  }
0x97: {  	[sflag:s11] =	ssyncset.done $0x0  }
0x98: {  	[sflag:s11] =	ssyncadd.s32 $0xFFFFC000  }
0x99: {  	[tilespmem:s10], [sflag:$0x1] =	stream.indirect.gather [hbm4b:s4+s13], $0x80, s16, s13, $0xb8;
	[tilespmem:$0x8800] =	vst v63  }
0x9a: {  	_ =	swait.ge [sflag:s15], $0x4000  }
0x9b: {  	[sflag:s15] =	ssyncset.done $0x0  }
0x9c: {  	[sflag:s15] =	ssyncadd.s32 $0xFFFFC000  }
0x9d: {  	[spmem:s2] =	stream.indirect.scatter.add.f32 [tilespmem:s10], [sflag:$0x2], $0x80, s14, s13, $0xb8;
	[tilespmem:$0x8800] =	vst v63  }
0x9e: {  	_ =	swait.ge [sflag:s11], $0x4000  }
0x9f: {  	[sflag:s11] =	ssyncset.done $0x0  }
0xa0: {  	[sflag:s11] =	ssyncadd.s32 $0xFFFFC000  }
0xa1: {  	[tilespmem:s10], [sflag:$0x1] =	stream.indirect.gather [hbm4b:s4+s13], $0x80, s18, s13, $0xb8;
	[tilespmem:$0x8800] =	vst v63  }
0xa2: {  	_ =	swait.ge [sflag:s15], $0x4000  }
0xa3: {  	[sflag:s15] =	ssyncset.done $0x0  }
0xa4: {  	[sflag:s15] =	ssyncadd.s32 $0xFFFFC000  }
0xa5: {  	[spmem:s2] =	stream.indirect.scatter.add.f32 [tilespmem:s10], [sflag:$0x2], $0x80, s17, s13, $0xb8;
	[tilespmem:$0x8800] =	vst v63  }
0xa6: {  	_ =	swait.ge [sflag:s11], $0x4000  }
0xa7: {  	[sflag:s11] =	ssyncset.done $0x0  }
0xa8: {  	[sflag:s11] =	ssyncadd.s32 $0xFFFFC000  }
0xa9: {  	[tilespmem:s10], [sflag:$0x1] =	stream.indirect.gather [hbm4b:s4+s13], $0x80, s20, s13, $0xb8;
	[tilespmem:$0x8800] =	vst v63  }
0xaa: {  	_ =	swait.ge [sflag:s15], $0x4000  }
0xab: {  	[sflag:s15] =	ssyncset.done $0x0  }
0xac: {  	[sflag:s15] =	ssyncadd.s32 $0xFFFFC000  }
0xad: {  	[spmem:s2] =	stream.indirect.scatter.add.f32 [tilespmem:s10], [sflag:$0x2], $0x80, s19, s13, $0xb8;
	[tilespmem:$0x8800] =	vst v63  }
0xae: {  	_ =	swait.ge [sflag:s11], $0x4000  }
0xaf: {  	[sflag:s11] =	ssyncset.done $0x0  }
0xb0: {  	[sflag:s11] =	ssyncadd.s32 $0xFFFFC000  }
0xb1: {  	[tilespmem:s10], [sflag:$0x1] =	stream.indirect.gather [hbm4b:s4+s13], $0x80, s22, s13, $0xb8;
	[tilespmem:$0x8800] =	vst v63  }
0xb2: {  	_ =	swait.ge [sflag:s15], $0x4000  }
0xb3: {  	[sflag:s15] =	ssyncset.done $0x0  }
0xb4: {  	[sflag:s15] =	ssyncadd.s32 $0xFFFFC000  }
0xb5: {  	[spmem:s2] =	stream.indirect.scatter.add.f32 [tilespmem:s10], [sflag:$0x2], $0x80, s21, s13, $0xb8;
	[tilespmem:$0x8800] =	vst v63  }
0xb6: {  	_ =	swait.ge [sflag:s11], $0x4000  }
0xb7: {  	[sflag:s11] =	ssyncset.done $0x0  }
0xb8: {  	[sflag:s11] =	ssyncadd.s32 $0xFFFFC000  }
0xb9: {  	[bflag:$0x0] =	sbarrier.arrive $0xFFFF  }
0xba: {  	[tilespmem:s10], [sflag:$0x2] =	stream.linear.gather [spmem:s5], $0x4000, $0x38;
	[tilespmem:$0x8800] =	vst v63  }
0xbb: {  	s23 =	sadd.s32 $0x1, s23;
	_ =	swait.ge [sflag:s11], $0x4000  }
0xbc: {  	p0 =	sne.s32 s23, s9;
	[sflag:s11] =	ssyncset.done $0x0  }
.Ltmp1:
0xbd: {  	[sflag:s11] =	ssyncadd.s32 $0xFFFFC000;
	(pc) =	sbr.rel @p0 .LBB2_1-.Ltmp1, $4  }
0xbe: {  	[hbm4b:s8+s3] =	stream.linear.scatter [tilespmem:s10], [sflag:$0x2], $0x4000, $0x38;
	[tilespmem:$0x8800] =	vst v63  }
0xbf: {  	_ =	swait.ge [sflag:s11], $0x4000  }
0xc0: {  	[sflag:s11] =	ssyncset.done $0x0  }
0xc1: {  	[sflag:s11] =	ssyncadd.s32 $0xFFFFC000  }
0xc2: {  	_ =	sfence.sel $0x180000  }
0xc3: {  	[bflag:$0x0] =	sbarrier.arrive $0xFFFF  }
0xc4: {  	p0 =	sne.s32 s1, $0x0;
	_ =	strace $0x90000047  }
0xc5: {  	s0 =	sadd.s32 @!p0 $0x100000, s0;
	[bflag:$0x2] =	sbarrier.arrive $0xFFFF  }
0xc6: {  	[sflag:s0] =	ssyncadd.tile.s32 @!p0 $0x1;
	_ =	shalt  }
.Lfunc_end2:
_tile_overlayer_lowered:
.L_overlay_start_2:
0xc7: {  	(tag) =	ssettag $0x2  }
0xc8: {  	s0 =	rddreg [dreg:$0x0];
	s2 =	stileid.u32  }
0xc9: {  	s1 =	rddreg [dreg:$0x1];
	p0 =	sne.s32 s2, $0x0  }
0xca: {  	s3 =	rddreg [dreg:$0x2];
	[bflag:$0x3] =	sbarrier.arrive $0xFFFF;
	s2 =	simm.s32 @!p0 $0x1C02  }
0xcb: {  	[timem:s3], [sflag:s2] =	dma.local @!p0 [hbm:s0], s1  }
0xcc: {  	s0 =	simm.s32 @!p0 $0x2  }
0xcd: {  	_ =	swait.ge @!p0 [sflag:s0], s1  }
0xce: {  	s1 =	ssub.s32 @!p0 $0x0, s1;
	[sflag:s0] =	ssyncset.done @!p0 $0x0  }
0xcf: {  	[sflag:s0] =	ssyncadd.s32 @!p0 s1  }
0xd0: {  	[bflag:$0x3] =	sbarrier.arrive $0xFFFF  }
0xd1: {  	_ =	shalt  }

// kernel: kernel.13.cloned.1.call-start
scs
__scs_entry_jumppad:
0x0: {  	(pc) =	sbr.rel $0x88, $3  }
0x1: {  	(tag) =	ssettag $0x0;
	lr =	simm.s32 $0x1  }
0x2: {  	[smem:$0x3F88] =	sst lr;
	_ =	strace $0xD0000000  }
0x3: {  	_ = 	snop  }
0x4: {  	_ = 	snop  }
0x5: {  	_ = 	snop  }
0x6: {  	_ = 	snop  }
0x7: {  	_ = 	snop  }
__scs_overlays_trampoline_lowered:
0x8: {  	[smem:$0x3F97] =	sst s0  }
0x9: {  	[smem:$0x3F98] =	sst s1  }
0xa: {  	[smem:$0x3F99] =	sst s2  }
0xb: {  	[smem:$0x3F9A] =	sst s3  }
0xc: {  	[smem:$0x3F9B] =	sst s4  }
0xd: {  	[smem:$0x3F9C] =	sst s5  }
0xe: {  	[smem:$0x3F9D] =	sst s6  }
0xf: {  	[smem:$0x3F9E] =	sst s7  }
0x10: {  	[smem:$0x3F9F] =	sst s8  }
0x11: {  	[smem:$0x3FA0] =	sst s9;
	s0 =	simm.s32 @!p0 $0x0  }
0x12: {  	s1 =	sld [smem:$0x3F86];
	s0 =	simm.s32 @p0 $0x1  }
0x13: {  	[smem:$0x3FA1] =	sst s0;
	s0 =	simm.s32 @!p1 $0x0  }
0x14: {  	s2 =	sld [smem:$0x3F85];
	s0 =	simm.s32 @p1 $0x1  }
0x15: {  	[smem:$0x3FA2] =	sst s0;
	s0 =	simm.s32 @!p2 $0x0  }
0x16: {  	s3 =	sld [smem:$0x3FDB];
	s0 =	simm.s32 @p2 $0x1  }
0x17: {  	s4 =	simm.s32 $0x1BF5;
	[smem:$0x3FA4] =	sst s0  }
0x18: {  	s0 =	sld [smem:$0x3F87];
	_ =	swait.ge [sflag:s4], $0x0  }
0x19: {  	s7 =	sld [smem:$0x3F88]  }
0x1a: {  	s8 =	sadd.s32 $0xFFFFE003, lr  }
0x1b: {  	s9 =	sadd.s32 $0xFFFFFEF7, lr;
	s5 =	simm.s32 $0xFFFFFFFF;
	p2 =	slt.u32 s8, $0xFFFFF086  }
0x1c: {  	p1 =	slt.u32 s9, $0xF7A;
	s5 =	simm.s32 @!p2 $0x0  }
0x1d: {  	s5 =	simm.s32 @p1 $0x1;
	p0 =	seq.s32 s7, s2  }
0x1e: {  	s7 =	smul.u32 @!p0 $0xF7A, s2;
	p2 =	seq.s32 @!p0 s5, $0x0  }
0x1f: {  	s9 =	smul.u32 $0xF7A, s1;
	s8 =	simm.s32 @!p0 $0x1BF5;
	p2 =	por !p2, p0  }
0x20: {  	[sflag:s8] =	ssyncset.s32 @!p0 $0xFFFFF086;
	s6 =	sadd.s32 @!p0 s3, s7;
	s7 =	simm.s32 @!p0 $0x108  }
0x21: {  	s3 =	sadd.s32 s3, s9;
	s6 =	sadd.s32 @!p0 $0x88, s6;
	s7 =	simm.s32 @p2 $0x1082  }
0x22: {  	[simem:s7], [sflag:s8] =	dma.local @!p0 [hbm:s6], $0xF7A  }
0x23: {  	s9 =	sor.u32 $0xD0000000, s2;
	s6 =	simm.s32 $0x108;
	_ =	swait.ge @!p0 [sflag:s8], $0x0  }
0x24: {  	s3 =	sadd.s32 $0x88, s3;
	s6 =	simm.s32 @!p1 $0x1082;
	[sflag:s4] =	ssyncset.s32 $0xFFFFF086  }
0x25: {  	[simem:s6], [sflag:s4] =	dma.local [hbm:s3], $0xF7A  }
0x26: {  	[smem:$0x3F88] =	sst s1;
	(tag) =	ssettag s2;
	_ =	strace s9  }
0x27: {  	s1 =	sld [smem:$0x3F98]  }
0x28: {  	s2 =	sld [smem:$0x3F99]  }
0x29: {  	s4 =	sld [smem:$0x3F9B]  }
0x2a: {  	p0 =	seq.s32 s5, $0x0;
	s5 =	sld [smem:$0x3F9C]  }
0x2b: {  	s6 =	sld [smem:$0x3F9D]  }
0x2c: {  	s7 =	sld [smem:$0x3F9E]  }
0x2d: {  	s3 =	simm.s32 $0x108;
	s8 =	sld [smem:$0x3F9F]  }
0x2e: {  	s3 =	simm.s32 @!p0 $0x1082;
	s9 =	sld [smem:$0x3FA0]  }
0x2f: {  	lr =	sadd.s32 s0, s3;
	s0 =	sld [smem:$0x3F97]  }
0x30: {  	s3 =	sld [smem:$0x3F9A]  }
0x31: {  	[smem:$0x3FA3] =	sst s10  }
0x32: {  	s10 =	sld [smem:$0x3FA1];
	_ =	sdelay $0x3  }
0x33: {  	p0 =	seq.s32 s10, $0x1;
	s10 =	sld [smem:$0x3FA3];
	_ =	sdelay $0x3  }
0x34: {  	[smem:$0x3FA3] =	sst s10  }
0x35: {  	s10 =	sld [smem:$0x3FA2];
	_ =	sdelay $0x3  }
0x36: {  	p1 =	seq.s32 s10, $0x1;
	s10 =	sld [smem:$0x3FA3];
	_ =	sdelay $0x3  }
0x37: {  	[smem:$0x3FA3] =	sst s10  }
0x38: {  	s10 =	sld [smem:$0x3FA4]  }
0x39: {  	_ = 	snop;
	(pc) =	sbr.ind lr, $3  }
0x3a: {  	_ = 	snop  }
0x3b: {  	_ = 	snop  }
0x3c: {  	p2 =	seq.s32 s10, $0x1;
	s10 =	sld [smem:$0x3FA3]  }
0x3d: {  	_ =	shalt  }
0x3e: {  	_ =	shalt  }
0x3f: {  	_ =	shalt  }
0x40: {  	_ =	shalt  }
0x41: {  	_ =	shalt  }
0x42: {  	_ =	shalt  }
0x43: {  	_ =	shalt  }
0x44: {  	_ =	shalt  }
0x45: {  	_ =	shalt  }
0x46: {  	_ =	shalt  }
0x47: {  	_ =	shalt  }
0x48: {  	_ =	shalt  }
0x49: {  	_ =	shalt  }
0x4a: {  	_ =	shalt  }
0x4b: {  	_ =	shalt  }
0x4c: {  	_ =	shalt  }
0x4d: {  	_ =	shalt  }
0x4e: {  	_ =	shalt  }
0x4f: {  	_ =	shalt  }
0x50: {  	_ =	shalt  }
0x51: {  	_ =	shalt  }
0x52: {  	_ =	shalt  }
0x53: {  	_ =	shalt  }
0x54: {  	_ =	shalt  }
0x55: {  	_ =	shalt  }
0x56: {  	_ =	shalt  }
0x57: {  	_ =	shalt  }
0x58: {  	_ =	shalt  }
0x59: {  	_ =	shalt  }
0x5a: {  	_ =	shalt  }
0x5b: {  	_ =	shalt  }
0x5c: {  	_ =	shalt  }
0x5d: {  	_ =	shalt  }
0x5e: {  	_ =	shalt  }
0x5f: {  	_ =	shalt  }
0x60: {  	_ =	shalt  }
0x61: {  	_ =	shalt  }
0x62: {  	_ =	shalt  }
0x63: {  	_ =	shalt  }
0x64: {  	_ =	shalt  }
0x65: {  	_ =	shalt  }
0x66: {  	_ =	shalt  }
0x67: {  	_ =	shalt  }
0x68: {  	_ =	shalt  }
0x69: {  	_ =	shalt  }
0x6a: {  	_ =	shalt  }
0x6b: {  	_ =	shalt  }
0x6c: {  	_ =	shalt  }
0x6d: {  	_ =	shalt  }
0x6e: {  	_ =	shalt  }
0x6f: {  	_ =	shalt  }
0x70: {  	_ =	shalt  }
0x71: {  	_ =	shalt  }
0x72: {  	_ =	shalt  }
0x73: {  	_ =	shalt  }
0x74: {  	_ =	shalt  }
0x75: {  	_ =	shalt  }
0x76: {  	_ =	shalt  }
0x77: {  	_ =	shalt  }
0x78: {  	_ =	shalt  }
0x79: {  	_ =	shalt  }
0x7a: {  	_ =	shalt  }
0x7b: {  	_ =	shalt  }
0x7c: {  	_ =	shalt  }
0x7d: {  	_ =	shalt  }
0x7e: {  	_ =	shalt  }
0x7f: {  	_ =	shalt  }
0x80: {  	_ =	shalt  }
0x81: {  	_ =	shalt  }
0x82: {  	_ =	shalt  }
0x83: {  	_ =	shalt  }
0x84: {  	_ =	shalt  }
0x85: {  	_ =	shalt  }
0x86: {  	_ =	shalt  }
0x87: {  	_ =	shalt  }
.Lfunc_end0:
.L_simem_size_0:
called_computation.1_lowered:
.L_overlay_start_0:
0x88: {  	s2 =	sld [smem:$0x3FD9]  }
0x89: {  	s3 =	sld [smem:$0x3FFE];
	_ =	sdelay $0x1  }
0x8a: {  	s1 =	srdreg.scid  }
0x8b: {  	s0 =	sand.u32 $0x1, s1  }
0x8c: {  	s17 =	sshll.u32 s0, $0xA;
	s2 =	sadd.s32 s3, s2  }
0x8d: {  	s2 =	sadd.s32 s2, s17  }
0x8e: {  	[smem:$0x3FAF] =	sst s2  }
0x8f: {  	_ = 	snop  }
0x90: {  	s2 =	sld [smem:$0x3FD0];
	(tm) =	ssettm $0x1  }
0x91: {  	s18 =	sld [smem:$0x3FFB];
	_ =	sdelay $0x3  }
0x92: {  	_ =	strace s18  }
0x93: {  	s3 =	sld [smem:$0x3FFC];
	_ =	sdelay $0x3  }
0x94: {  	_ =	strace s3  }
0x95: {  	s3 =	sld [smem:$0x3FFD];
	_ =	sdelay $0x3  }
0x96: {  	_ =	strace s3  }
0x97: {  	_ =	strace $0x8FFFFFFF  }
0x98: {  	s19 =	sld [smem:$0x3FDB];
	_ =	sdelay $0x1  }
0x99: {  	s4 =	simm.s32 $_scs_section_size  }
0x9a: {  	s5 =	simm.s32 $_size__tile_overlayer_lowered;
	s6 =	simm.s32 $_tile_overlayer_lowered  }
0x9b: {  	s22 =	simm.s32 $0x1BFF;
	s21 =	sshll.u32 s6, $0x1;
	s3 =	sadd.s32 s4, s19  }
0x9c: {  	s7 =	simm.s32 $0x0;
	s20 =	sshll.u32 s5, $0x1;
	s5 =	sadd.s32 s21, s3  }
0x9d: {  	[timem:s7], [sflag:s22] =	dma.local [hbm:s5], s20  }
0x9e: {  	_ =	swait.ge [sflag:s22], s20  }
0x9f: {  	s4 =	ssub.s32 $0x0, s20;
	[sflag:s22] =	ssyncset.done $0x0  }
0xa0: {  	[sflag:s22] =	ssyncadd.s32 s4;
	_ =	sdelay $0x1  }
0xa1: {  	s23 =	simm.s32 $0x1B8B  }
0xa2: {  	_ =	swait.ge [sflag:s23], $0x1  }
0xa3: {  	[sflag:s23] =	ssyncset.done $0x0  }
0xa4: {  	s25 =	simm.s32 $0x1B8E;
	s24 =	sld [smem:$0x3FFE];
	[sflag:s23] =	ssyncadd.s32 $0xFFFFFFFF  }
0xa5: {  	s26 =	simm.s32 $execute0_lowered;
	[smem:$0x3FD2] =	sst s25  }
0xa6: {  	s5 =	sshll.u32 s26, $0x1;
	_ =	strace $0x80000049;
	[dreg:$0x1] =	wrdreg $0xFFFFFFFF  }
0xa7: {  	s28 =	simm.s32 $_size_execute0_lowered;
	s3 =	sadd.s32 s3, s5;
	[dreg:$0x0] =	wrdreg $0x0  }
0xa8: {  	s5 =	sshll.u32 s28, $0x1;
	[dreg:$0x2] =	wrdreg s3  }
0xa9: {  	[dreg:$0x3] =	wrdreg s5  }
0xaa: {  	[dreg:$0x4] =	wrdreg $0xC0  }
0xab: {  	_ =	task [dreg:s7], $0x5FFFF  }
0xac: {  	[dreg:$0x1] =	wrdreg $0xFFFFFFFF  }
0xad: {  	[dreg:$0x0] =	wrdreg $0x60  }
0xae: {  	[dreg:$0x2] =	wrdreg s24  }
0xaf: {  	[dreg:$0x3] =	wrdreg s2  }
0xb0: {  	[dreg:$0x4] =	wrdreg $0x9  }
0xb1: {  	_ =	task.clear_ibuf [dreg:s7], $0x5FFFF;
	_ =	strace $0x90000049  }
0xb2: {  	s29 =	simm.s32 $0x9;
	_ =	strace $0x8000004B  }
0xb3: {  	_ =	swait.ge [sflag:s29], $0x1  }
0xb4: {  	[sflag:s29] =	ssyncadd.s32 $0xFFFFFFFF  }
0xb5: {  	_ =	strace $0x9000004B  }
0xb6: {  	_ =	sfence  }
0xb7: {  	s30 =	sld [smem:$0x0];
	_ =	sdelay $0x2  }
0xb8: {  	s31 =	sshll.u32 s1, $0xD;
	s1 =	sshrl.u32 s1, $0x2  }
0xb9: {  	s3 =	sand.u32 $0x4000, s31;
	s1 =	sadd.s32 s1, s30  }
0xba: {  	s0 =	sor.u32 s3, s0;
	s1 =	sshll.u32 s1, $0x11  }
0xbb: {  	s0 =	sor.u32 s1, s0  }
0xbc: {  	s0 =	sadd.s32 $0x8F2B, s0  }
0xbd: {  	[sflag:s0] =	ssyncadd.remote.s32 $0x1  }
0xbe: {  	_ =	sfence.sel $0xFFFF  }
0xbf: {  	[dreg:$0x0] =	wrdreg $0xFFFFFFFF;
	(pc) =	sbr.abs _section_cstart, $3  }
0xc0: {  	[dreg:$0x1] =	wrdreg $0xFFFFFFFF  }
0xc1: {  	_ =	task.clear_ibuf [dreg:s7], $0x2FFFF;
	_ =	strace $0x9FFFFFFF  }
0xc2: {  	(tm) =	ssettm $0x7FFFFFFF  }
0xc3: {  	_ =	shalt  }
tec
execute0_lowered:
.L_overlay_start_1:
0x0: {  	(tag) =	ssettag $0x1  }
0x1: {  	s4 =	rddreg [dreg:$0x0]  }
0x2: {  	s6 =	rddreg [dreg:$0x1]  }
0x3: {  	s1 =	srdreg.scid;
	s0 =	rddreg [dreg:$0x2]  }
0x4: {  	s2 =	simm.s32 $0x0;
	s11 =	simm.s32 $0x3;
	s12 =	simm.s32 $0x200  }
0x5: {  	s13 =	simm.s32 $0x80;
	s14 =	simm.s32 $0x400;
	s15 =	simm.s32 $0x800  }
0x6: {  	s16 =	simm.s32 $0x600;
	s17 =	simm.s32 $0x4800;
	s18 =	simm.s32 $0x1  }
0x7: {  	s19 =	simm.s32 $0x2;
	s20 =	simm.s32 $0x8800;
	s21 =	simm.s32 $0x480  }
0x8: {  	s22 =	simm.s32 $0x680;
	s23 =	simm.s32 $0x500;
	s24 =	simm.s32 $0x700  }
0x9: {  	s25 =	simm.s32 $0x580;
	s26 =	simm.s32 $0x780;
	s28 =	simm.s32 $0x0  }
0xa: {  	s3 =	sand.u32 $0x1, s1;
	s1 =	stileid.u32;
	[smem:$0x7FF] =	sst s2  }
0xb: {  	s5 =	sshll.u32 s3, $0x4;
	_ =	strace $0x8000004A;
	s8 =	sshll.u32 s1, $0x6  }
0xc: {  	s9 =	ssub.s32 $0x2, s3;
	s3 =	sadd.s32 $0x5C00, s4;
	s5 =	sor.u32 s1, s5  }
0xd: {  	s8 =	sand.u32 $0x40, s8;
	s30 =	sshrl.u32 s9, $0x1;
	s7 =	sshll.u32 s5, $0x6  }
0xe: {  	s10 =	ssub.s32 s9, s30;
	s31 =	sshll.u32 s5, $0xD;
	s7 =	sand.u32 $0x780, s7  }
0xf: {  	s6 =	sadd.s32 s6, s31;
	s10 =	smax.u32 s10, $0x1;
	s7 =	sor.u32 s8, s7  }
0x10: {  	s8 =	sadd.s32 $0x1000, s6;
	s9 =	sadd.s32 $0x1800, s6;
	s7 =	sadd.s32 s7, s4  }
0x11: {  	s4 =	sadd.s32 $0x4C00, s7;
	s5 =	sadd.s32 $0x5400, s7;
	s7 =	sadd.s32 $0x800, s6  }
.LBB2_1:
0x12: {  	[tilespmem:s2], [sflag:$0x3] =	stream.linear.gather [hbm4b:s4+s2], $0x200, $0x38;
	[tilespmem:$0xC800] =	vst v63  }
0x13: {  	_ =	swait.ge [sflag:s11], $0x200  }
0x14: {  	[sflag:s11] =	ssyncset.done $0x0  }
0x15: {  	[sflag:s11] =	ssyncadd.s32 $0xFFFFFE00  }
0x16: {  	v0 =	vld [tilespmem:$0x0]  }
0x17: {  	v1 =	vld [tilespmem:$0x10]  }
0x18: {  	v2 =	vld [tilespmem:$0x20]  }
0x19: {  	v3 =	vld [tilespmem:$0x30]  }
0x1a: {  	v4 =	vld [tilespmem:$0x40]  }
0x1b: {  	[tilespmem:$0x400] =	vst v0;
	v0 =	vld [tilespmem:$0x50]  }
0x1c: {  	[tilespmem:$0x410] =	vst v1;
	v1 =	vld [tilespmem:$0x60]  }
0x1d: {  	[tilespmem:$0x420] =	vst v2;
	v2 =	vld [tilespmem:$0x70]  }
0x1e: {  	[tilespmem:$0x430] =	vst v3;
	v3 =	vld [tilespmem:$0x80]  }
0x1f: {  	[tilespmem:$0x440] =	vst v4;
	v4 =	vld [tilespmem:$0x90]  }
0x20: {  	[tilespmem:$0x450] =	vst v0;
	v0 =	vld [tilespmem:$0xA0]  }
0x21: {  	[tilespmem:$0x460] =	vst v1;
	v1 =	vld [tilespmem:$0xB0]  }
0x22: {  	[tilespmem:$0x470] =	vst v2;
	v2 =	vld [tilespmem:$0xC0]  }
0x23: {  	[tilespmem:$0x480] =	vst v3;
	v3 =	vld [tilespmem:$0xD0]  }
0x24: {  	[tilespmem:$0x490] =	vst v4;
	v4 =	vld [tilespmem:$0xE0]  }
0x25: {  	[tilespmem:$0x4A0] =	vst v0;
	v0 =	vld [tilespmem:$0xF0]  }
0x26: {  	[tilespmem:$0x4B0] =	vst v1;
	v1 =	vld [tilespmem:$0x100]  }
0x27: {  	[tilespmem:$0x4C0] =	vst v2;
	v2 =	vld [tilespmem:$0x110]  }
0x28: {  	[tilespmem:$0x4D0] =	vst v3;
	v3 =	vld [tilespmem:$0x120]  }
0x29: {  	[tilespmem:$0x4E0] =	vst v4;
	v4 =	vld [tilespmem:$0x130]  }
0x2a: {  	[tilespmem:$0x4F0] =	vst v0;
	v0 =	vld [tilespmem:$0x140]  }
0x2b: {  	[tilespmem:$0x500] =	vst v1;
	v1 =	vld [tilespmem:$0x150]  }
0x2c: {  	[tilespmem:$0x510] =	vst v2;
	v2 =	vld [tilespmem:$0x160]  }
0x2d: {  	[tilespmem:$0x520] =	vst v3;
	v3 =	vld [tilespmem:$0x170]  }
0x2e: {  	[tilespmem:$0x530] =	vst v4;
	v4 =	vld [tilespmem:$0x180]  }
0x2f: {  	[tilespmem:$0x540] =	vst v0;
	v0 =	vld [tilespmem:$0x190]  }
0x30: {  	[tilespmem:$0x550] =	vst v1;
	v1 =	vld [tilespmem:$0x1A0]  }
0x31: {  	[tilespmem:$0x560] =	vst v2;
	v2 =	vld [tilespmem:$0x1B0]  }
0x32: {  	[tilespmem:$0x570] =	vst v3;
	v3 =	vld [tilespmem:$0x1C0]  }
0x33: {  	[tilespmem:$0x580] =	vst v4;
	v4 =	vld [tilespmem:$0x1D0]  }
0x34: {  	[tilespmem:$0x590] =	vst v0;
	v0 =	vld [tilespmem:$0x1E0]  }
0x35: {  	[tilespmem:$0x5A0] =	vst v1;
	v1 =	vld [tilespmem:$0x1F0]  }
0x36: {  	[tilespmem:$0x5B0] =	vst v2  }
0x37: {  	[tilespmem:$0x5C0] =	vst v3  }
0x38: {  	[tilespmem:$0x5D0] =	vst v4  }
0x39: {  	[tilespmem:$0x5E0] =	vst v0  }
0x3a: {  	[tilespmem:$0x5F0] =	vst v1  }
0x3b: {  	[tilespmem:s12], [sflag:$0x3] =	stream.linear.gather [hbm4b:s5+s2], $0x200, $0x38;
	[tilespmem:$0xC800] =	vst v63  }
0x3c: {  	_ =	swait.ge [sflag:s11], $0x200  }
0x3d: {  	[sflag:s11] =	ssyncset.done $0x0  }
0x3e: {  	[sflag:s11] =	ssyncadd.s32 $0xFFFFFE00  }
0x3f: {  	v0 =	vld [tilespmem:$0x200]  }
0x40: {  	v1 =	vld [tilespmem:$0x210]  }
0x41: {  	v2 =	vld [tilespmem:$0x220]  }
0x42: {  	v3 =	vld [tilespmem:$0x230]  }
0x43: {  	v4 =	vld [tilespmem:$0x240]  }
0x44: {  	[tilespmem:$0x600] =	vst v0;
	v0 =	vld [tilespmem:$0x250]  }
0x45: {  	[tilespmem:$0x610] =	vst v1;
	v1 =	vld [tilespmem:$0x260]  }
0x46: {  	[tilespmem:$0x620] =	vst v2;
	v2 =	vld [tilespmem:$0x270]  }
0x47: {  	[tilespmem:$0x630] =	vst v3;
	v3 =	vld [tilespmem:$0x280]  }
0x48: {  	[tilespmem:$0x640] =	vst v4;
	v4 =	vld [tilespmem:$0x290]  }
0x49: {  	[tilespmem:$0x650] =	vst v0;
	v0 =	vld [tilespmem:$0x2A0]  }
0x4a: {  	[tilespmem:$0x660] =	vst v1;
	v1 =	vld [tilespmem:$0x2B0]  }
0x4b: {  	[tilespmem:$0x670] =	vst v2;
	v2 =	vld [tilespmem:$0x2C0]  }
0x4c: {  	[tilespmem:$0x680] =	vst v3;
	v3 =	vld [tilespmem:$0x2D0]  }
0x4d: {  	[tilespmem:$0x690] =	vst v4;
	v4 =	vld [tilespmem:$0x2E0]  }
0x4e: {  	[tilespmem:$0x6A0] =	vst v0;
	v0 =	vld [tilespmem:$0x2F0]  }
0x4f: {  	[tilespmem:$0x6B0] =	vst v1;
	v1 =	vld [tilespmem:$0x300]  }
0x50: {  	[tilespmem:$0x6C0] =	vst v2;
	v2 =	vld [tilespmem:$0x310]  }
0x51: {  	[tilespmem:$0x6D0] =	vst v3;
	v3 =	vld [tilespmem:$0x320]  }
0x52: {  	[tilespmem:$0x6E0] =	vst v4;
	v4 =	vld [tilespmem:$0x330]  }
0x53: {  	[tilespmem:$0x6F0] =	vst v0;
	v0 =	vld [tilespmem:$0x340]  }
0x54: {  	[tilespmem:$0x700] =	vst v1;
	v1 =	vld [tilespmem:$0x350]  }
0x55: {  	[tilespmem:$0x710] =	vst v2;
	v2 =	vld [tilespmem:$0x360]  }
0x56: {  	[tilespmem:$0x720] =	vst v3;
	v3 =	vld [tilespmem:$0x370]  }
0x57: {  	[tilespmem:$0x730] =	vst v4;
	v4 =	vld [tilespmem:$0x380]  }
0x58: {  	[tilespmem:$0x740] =	vst v0;
	v0 =	vld [tilespmem:$0x390]  }
0x59: {  	[tilespmem:$0x750] =	vst v1;
	v1 =	vld [tilespmem:$0x3A0]  }
0x5a: {  	[tilespmem:$0x760] =	vst v2;
	v2 =	vld [tilespmem:$0x3B0]  }
0x5b: {  	[tilespmem:$0x770] =	vst v3;
	v3 =	vld [tilespmem:$0x3C0]  }
0x5c: {  	[tilespmem:$0x780] =	vst v4;
	v4 =	vld [tilespmem:$0x3D0]  }
0x5d: {  	[tilespmem:$0x790] =	vst v0;
	v0 =	vld [tilespmem:$0x3E0]  }
0x5e: {  	[tilespmem:$0x7A0] =	vst v1;
	v1 =	vld [tilespmem:$0x3F0]  }
0x5f: {  	[tilespmem:$0x7B0] =	vst v2  }
0x60: {  	[tilespmem:$0x7C0] =	vst v3  }
0x61: {  	[tilespmem:$0x7D0] =	vst v4  }
0x62: {  	[tilespmem:$0x7E0] =	vst v0  }
0x63: {  	[tilespmem:$0x7F0] =	vst v1  }
0x64: {  	[tilespmem:s15], [sflag:$0x1] =	stream.indirect.gather [hbm4b:s3+s13], $0x80, s14, s13, $0xb8;
	[tilespmem:$0xC800] =	vst v63  }
0x65: {  	_ = 	snop  }
0x66: {  	[tilespmem:s17], [sflag:$0x2] =	stream.indirect.gather [hbm4b:s3+s13], $0x80, s16, s13, $0xb8;
	[tilespmem:$0xC800] =	vst v63  }
0x67: {  	_ =	swait.ge [sflag:s18], $0x4000  }
0x68: {  	[sflag:s18] =	ssyncset.done $0x0  }
0x69: {  	[sflag:s18] =	ssyncadd.s32 $0xFFFFC000  }
0x6a: {  	_ =	swait.ge [sflag:s19], $0x4000  }
0x6b: {  	[sflag:s19] =	ssyncset.done $0x0  }
0x6c: {  	s29 =	simm.s32 $0x0;
	[sflag:s19] =	ssyncadd.s32 $0xFFFFC000  }
0x6d: {  	v2 =	vld [tilespmem:s29+$0x830]  }
0x6e: {  	v4 =	vld [tilespmem:s29+$0x4830]  }
0x6f: {  	v5 =	vld [tilespmem:s29+$0x800]  }
0x70: {  	v6 =	vld [tilespmem:s29+$0x4800]  }
0x71: {  	v1 =	vld [tilespmem:s29+$0x810]  }
0x72: {  	v3 =	vld [tilespmem:s29+$0x4810]  }
0x73: {  	v0 =	vld [tilespmem:s29+$0x820];
	v7 =	vmul.f32 v4, v2  }
0x74: {  	s30 =	simm.s32 $0x80;
	v4 =	vld [tilespmem:s29+$0x4820]  }
0x75: {  	s31 =	simm.s32 $0x400;
	v2 =	vld [tilespmem:s30+$0x830];
	v5 =	vmul.f32 v6, v5;
	[tilespmem:s29+$0x8830] =	vst v7  }
.LBB2_2:
0x76: {  	p0 =	sne.s32 s31, $0xFE00;
	v6 =	vld [tilespmem:s30+$0x4830]  }
0x77: {  	v7 =	vld [tilespmem:s30+$0x800];
	[tilespmem:s29+$0x8800] =	vst v5;
	v3 =	vmul.f32 v3, v1  }
0x78: {  	v5 =	vld [tilespmem:s30+$0x4800]  }
.Ltmp0:
0x79: {  	v1 =	vld [tilespmem:s30+$0x810];
	[tilespmem:s29+$0x8810] =	vst v3;
	v4 =	vmul.f32 v4, v0;
	(pc) =	sbr.rel @p0 .LBB2_2-.Ltmp0, $4  }
0x7a: {  	v3 =	vld [tilespmem:s30+$0x4810]  }
0x7b: {  	v0 =	vld [tilespmem:s30+$0x820];
	v6 =	vmul.f32 v6, v2;
	[tilespmem:s29+$0x8820] =	vst v4;
	s29 =	smov.u32 s30  }
0x7c: {  	s30 =	sshra.s32 s31, $0x2;
	v4 =	vld [tilespmem:s29+$0x4820]  }
0x7d: {  	s31 =	sadd.s32 $0x200, s31;
	v2 =	vld [tilespmem:s30+$0x830];
	v5 =	vmul.f32 v5, v7;
	[tilespmem:s29+$0x8830] =	vst v6  }
0x7e: {  	v6 =	vld [tilespmem:s30+$0x4830]  }
0x7f: {  	v7 =	vld [tilespmem:s30+$0x800];
	[tilespmem:s29+$0x8800] =	vst v5;
	v1 =	vmul.f32 v3, v1  }
0x80: {  	v3 =	vld [tilespmem:s30+$0x4800]  }
0x81: {  	v5 =	vld [tilespmem:s30+$0x810];
	[tilespmem:s29+$0x8810] =	vst v1;
	v0 =	vmul.f32 v4, v0  }
0x82: {  	v1 =	vld [tilespmem:s30+$0x4810]  }
0x83: {  	v4 =	vld [tilespmem:s30+$0x820];
	[tilespmem:s29+$0x8820] =	vst v0  }
0x84: {  	v0 =	vld [tilespmem:s30+$0x4820];
	_ =	sdelay $0x1  }
0x85: {  	v2 =	vmul.f32 v6, v2  }
0x86: {  	v3 =	vmul.f32 v3, v7  }
0x87: {  	[tilespmem:s30+$0x8830] =	vst v2;
	v1 =	vmul.f32 v1, v5  }
0x88: {  	[tilespmem:s30+$0x8800] =	vst v3;
	v0 =	vmul.f32 v0, v4  }
0x89: {  	[tilespmem:s30+$0x8810] =	vst v1  }
0x8a: {  	s29 =	simm.s32 $0x0;
	[tilespmem:s30+$0x8820] =	vst v0  }
0x8b: {  	[hbm4b:s6+s29] =	stream.linear.scatter [tilespmem:s20], [sflag:$0x3], $0x4000, $0x38;
	[tilespmem:$0xC800] =	vst v63  }
0x8c: {  	_ =	swait.ge [sflag:s11], $0x4000  }
0x8d: {  	[sflag:s11] =	ssyncset.done $0x0  }
0x8e: {  	[sflag:s11] =	ssyncadd.s32 $0xFFFFC000  }
0x8f: {  	[tilespmem:s15], [sflag:$0x1] =	stream.indirect.gather [hbm4b:s3+s13], $0x80, s21, s13, $0xb8;
	[tilespmem:$0xC800] =	vst v63  }
0x90: {  	_ = 	snop  }
0x91: {  	[tilespmem:s17], [sflag:$0x2] =	stream.indirect.gather [hbm4b:s3+s13], $0x80, s22, s13, $0xb8;
	[tilespmem:$0xC800] =	vst v63  }
0x92: {  	_ =	swait.ge [sflag:s18], $0x4000  }
0x93: {  	[sflag:s18] =	ssyncset.done $0x0  }
0x94: {  	[sflag:s18] =	ssyncadd.s32 $0xFFFFC000  }
0x95: {  	_ =	swait.ge [sflag:s19], $0x4000  }
0x96: {  	[sflag:s19] =	ssyncset.done $0x0  }
0x97: {  	s29 =	simm.s32 $0x0;
	[sflag:s19] =	ssyncadd.s32 $0xFFFFC000  }
0x98: {  	v2 =	vld [tilespmem:s29+$0x830]  }
0x99: {  	v4 =	vld [tilespmem:s29+$0x4830]  }
0x9a: {  	v5 =	vld [tilespmem:s29+$0x800]  }
0x9b: {  	v6 =	vld [tilespmem:s29+$0x4800]  }
0x9c: {  	v1 =	vld [tilespmem:s29+$0x810]  }
0x9d: {  	v3 =	vld [tilespmem:s29+$0x4810]  }
0x9e: {  	v0 =	vld [tilespmem:s29+$0x820];
	v7 =	vmul.f32 v4, v2  }
0x9f: {  	s30 =	simm.s32 $0x80;
	v4 =	vld [tilespmem:s29+$0x4820]  }
0xa0: {  	s31 =	simm.s32 $0x400;
	v2 =	vld [tilespmem:s30+$0x830];
	v5 =	vmul.f32 v6, v5;
	[tilespmem:s29+$0x8830] =	vst v7  }
.LBB2_4:
0xa1: {  	p0 =	sne.s32 s31, $0xFE00;
	v6 =	vld [tilespmem:s30+$0x4830]  }
0xa2: {  	v7 =	vld [tilespmem:s30+$0x800];
	[tilespmem:s29+$0x8800] =	vst v5;
	v3 =	vmul.f32 v3, v1  }
0xa3: {  	v5 =	vld [tilespmem:s30+$0x4800]  }
.Ltmp1:
0xa4: {  	v1 =	vld [tilespmem:s30+$0x810];
	[tilespmem:s29+$0x8810] =	vst v3;
	v4 =	vmul.f32 v4, v0;
	(pc) =	sbr.rel @p0 .LBB2_4-.Ltmp1, $4  }
0xa5: {  	v3 =	vld [tilespmem:s30+$0x4810]  }
0xa6: {  	v0 =	vld [tilespmem:s30+$0x820];
	v6 =	vmul.f32 v6, v2;
	[tilespmem:s29+$0x8820] =	vst v4;
	s29 =	smov.u32 s30  }
0xa7: {  	s30 =	sshra.s32 s31, $0x2;
	v4 =	vld [tilespmem:s29+$0x4820]  }
0xa8: {  	s31 =	sadd.s32 $0x200, s31;
	v2 =	vld [tilespmem:s30+$0x830];
	v5 =	vmul.f32 v5, v7;
	[tilespmem:s29+$0x8830] =	vst v6  }
0xa9: {  	v6 =	vld [tilespmem:s30+$0x4830]  }
0xaa: {  	v7 =	vld [tilespmem:s30+$0x800];
	[tilespmem:s29+$0x8800] =	vst v5;
	v1 =	vmul.f32 v3, v1  }
0xab: {  	v3 =	vld [tilespmem:s30+$0x4800]  }
0xac: {  	v5 =	vld [tilespmem:s30+$0x810];
	[tilespmem:s29+$0x8810] =	vst v1;
	v0 =	vmul.f32 v4, v0  }
0xad: {  	v1 =	vld [tilespmem:s30+$0x4810]  }
0xae: {  	v4 =	vld [tilespmem:s30+$0x820];
	[tilespmem:s29+$0x8820] =	vst v0  }
0xaf: {  	v0 =	vld [tilespmem:s30+$0x4820];
	_ =	sdelay $0x1  }
0xb0: {  	v2 =	vmul.f32 v6, v2  }
0xb1: {  	v3 =	vmul.f32 v3, v7  }
0xb2: {  	[tilespmem:s30+$0x8830] =	vst v2;
	v1 =	vmul.f32 v1, v5  }
0xb3: {  	[tilespmem:s30+$0x8800] =	vst v3;
	v0 =	vmul.f32 v0, v4  }
0xb4: {  	[tilespmem:s30+$0x8810] =	vst v1  }
0xb5: {  	s29 =	simm.s32 $0x0;
	[tilespmem:s30+$0x8820] =	vst v0  }
0xb6: {  	[hbm4b:s7+s29] =	stream.linear.scatter [tilespmem:s20], [sflag:$0x3], $0x4000, $0x38;
	[tilespmem:$0xC800] =	vst v63  }
0xb7: {  	_ =	swait.ge [sflag:s11], $0x4000  }
0xb8: {  	[sflag:s11] =	ssyncset.done $0x0  }
0xb9: {  	[sflag:s11] =	ssyncadd.s32 $0xFFFFC000  }
0xba: {  	[tilespmem:s15], [sflag:$0x1] =	stream.indirect.gather [hbm4b:s3+s13], $0x80, s23, s13, $0xb8;
	[tilespmem:$0xC800] =	vst v63  }
0xbb: {  	_ = 	snop  }
0xbc: {  	[tilespmem:s17], [sflag:$0x2] =	stream.indirect.gather [hbm4b:s3+s13], $0x80, s24, s13, $0xb8;
	[tilespmem:$0xC800] =	vst v63  }
0xbd: {  	_ =	swait.ge [sflag:s18], $0x4000  }
0xbe: {  	[sflag:s18] =	ssyncset.done $0x0  }
0xbf: {  	[sflag:s18] =	ssyncadd.s32 $0xFFFFC000  }
0xc0: {  	_ =	swait.ge [sflag:s19], $0x4000  }
0xc1: {  	[sflag:s19] =	ssyncset.done $0x0  }
0xc2: {  	s29 =	simm.s32 $0x0;
	[sflag:s19] =	ssyncadd.s32 $0xFFFFC000  }
0xc3: {  	v2 =	vld [tilespmem:s29+$0x830]  }
0xc4: {  	v4 =	vld [tilespmem:s29+$0x4830]  }
0xc5: {  	v5 =	vld [tilespmem:s29+$0x800]  }
0xc6: {  	v6 =	vld [tilespmem:s29+$0x4800]  }
0xc7: {  	v1 =	vld [tilespmem:s29+$0x810]  }
0xc8: {  	v3 =	vld [tilespmem:s29+$0x4810]  }
0xc9: {  	v0 =	vld [tilespmem:s29+$0x820];
	v7 =	vmul.f32 v4, v2  }
0xca: {  	s30 =	simm.s32 $0x80;
	v4 =	vld [tilespmem:s29+$0x4820]  }
0xcb: {  	s31 =	simm.s32 $0x400;
	v2 =	vld [tilespmem:s30+$0x830];
	v5 =	vmul.f32 v6, v5;
	[tilespmem:s29+$0x8830] =	vst v7  }
.LBB2_6:
0xcc: {  	p0 =	sne.s32 s31, $0xFE00;
	v6 =	vld [tilespmem:s30+$0x4830]  }
0xcd: {  	v7 =	vld [tilespmem:s30+$0x800];
	[tilespmem:s29+$0x8800] =	vst v5;
	v3 =	vmul.f32 v3, v1  }
0xce: {  	v5 =	vld [tilespmem:s30+$0x4800]  }
.Ltmp2:
0xcf: {  	v1 =	vld [tilespmem:s30+$0x810];
	[tilespmem:s29+$0x8810] =	vst v3;
	v4 =	vmul.f32 v4, v0;
	(pc) =	sbr.rel @p0 .LBB2_6-.Ltmp2, $4  }
0xd0: {  	v3 =	vld [tilespmem:s30+$0x4810]  }
0xd1: {  	v0 =	vld [tilespmem:s30+$0x820];
	v6 =	vmul.f32 v6, v2;
	[tilespmem:s29+$0x8820] =	vst v4;
	s29 =	smov.u32 s30  }
0xd2: {  	s30 =	sshra.s32 s31, $0x2;
	v4 =	vld [tilespmem:s29+$0x4820]  }
0xd3: {  	s31 =	sadd.s32 $0x200, s31;
	v2 =	vld [tilespmem:s30+$0x830];
	v5 =	vmul.f32 v5, v7;
	[tilespmem:s29+$0x8830] =	vst v6  }
0xd4: {  	v6 =	vld [tilespmem:s30+$0x4830]  }
0xd5: {  	v7 =	vld [tilespmem:s30+$0x800];
	[tilespmem:s29+$0x8800] =	vst v5;
	v1 =	vmul.f32 v3, v1  }
0xd6: {  	v3 =	vld [tilespmem:s30+$0x4800]  }
0xd7: {  	v5 =	vld [tilespmem:s30+$0x810];
	[tilespmem:s29+$0x8810] =	vst v1;
	v0 =	vmul.f32 v4, v0  }
0xd8: {  	v1 =	vld [tilespmem:s30+$0x4810]  }
0xd9: {  	v4 =	vld [tilespmem:s30+$0x820];
	[tilespmem:s29+$0x8820] =	vst v0  }
0xda: {  	v0 =	vld [tilespmem:s30+$0x4820];
	_ =	sdelay $0x1  }
0xdb: {  	v2 =	vmul.f32 v6, v2  }
0xdc: {  	v3 =	vmul.f32 v3, v7  }
0xdd: {  	[tilespmem:s30+$0x8830] =	vst v2;
	v1 =	vmul.f32 v1, v5  }
0xde: {  	[tilespmem:s30+$0x8800] =	vst v3;
	v0 =	vmul.f32 v0, v4  }
0xdf: {  	[tilespmem:s30+$0x8810] =	vst v1  }
0xe0: {  	s29 =	simm.s32 $0x0;
	[tilespmem:s30+$0x8820] =	vst v0  }
0xe1: {  	[hbm4b:s8+s29] =	stream.linear.scatter [tilespmem:s20], [sflag:$0x3], $0x4000, $0x38;
	[tilespmem:$0xC800] =	vst v63  }
0xe2: {  	_ =	swait.ge [sflag:s11], $0x4000  }
0xe3: {  	[sflag:s11] =	ssyncset.done $0x0  }
0xe4: {  	[sflag:s11] =	ssyncadd.s32 $0xFFFFC000  }
0xe5: {  	[tilespmem:s15], [sflag:$0x1] =	stream.indirect.gather [hbm4b:s3+s13], $0x80, s25, s13, $0xb8;
	[tilespmem:$0xC800] =	vst v63  }
0xe6: {  	_ = 	snop  }
0xe7: {  	[tilespmem:s17], [sflag:$0x2] =	stream.indirect.gather [hbm4b:s3+s13], $0x80, s26, s13, $0xb8;
	[tilespmem:$0xC800] =	vst v63  }
0xe8: {  	_ =	swait.ge [sflag:s18], $0x4000  }
0xe9: {  	[sflag:s18] =	ssyncset.done $0x0  }
0xea: {  	[sflag:s18] =	ssyncadd.s32 $0xFFFFC000  }
0xeb: {  	_ =	swait.ge [sflag:s19], $0x4000  }
0xec: {  	[sflag:s19] =	ssyncset.done $0x0  }
0xed: {  	s29 =	simm.s32 $0x0;
	[sflag:s19] =	ssyncadd.s32 $0xFFFFC000  }
0xee: {  	v2 =	vld [tilespmem:s29+$0x830]  }
0xef: {  	v4 =	vld [tilespmem:s29+$0x4830]  }
0xf0: {  	v5 =	vld [tilespmem:s29+$0x800]  }
0xf1: {  	v6 =	vld [tilespmem:s29+$0x4800]  }
0xf2: {  	v1 =	vld [tilespmem:s29+$0x810]  }
0xf3: {  	v3 =	vld [tilespmem:s29+$0x4810]  }
0xf4: {  	v0 =	vld [tilespmem:s29+$0x820];
	v7 =	vmul.f32 v4, v2  }
0xf5: {  	s30 =	simm.s32 $0x80;
	v4 =	vld [tilespmem:s29+$0x4820]  }
0xf6: {  	s31 =	simm.s32 $0x400;
	v2 =	vld [tilespmem:s30+$0x830];
	v5 =	vmul.f32 v6, v5;
	[tilespmem:s29+$0x8830] =	vst v7  }
.LBB2_8:
0xf7: {  	p0 =	sne.s32 s31, $0xFE00;
	v6 =	vld [tilespmem:s30+$0x4830]  }
0xf8: {  	v7 =	vld [tilespmem:s30+$0x800];
	[tilespmem:s29+$0x8800] =	vst v5;
	v3 =	vmul.f32 v3, v1  }
0xf9: {  	v5 =	vld [tilespmem:s30+$0x4800]  }
.Ltmp3:
0xfa: {  	v1 =	vld [tilespmem:s30+$0x810];
	[tilespmem:s29+$0x8810] =	vst v3;
	v4 =	vmul.f32 v4, v0;
	(pc) =	sbr.rel @p0 .LBB2_8-.Ltmp3, $4  }
0xfb: {  	v3 =	vld [tilespmem:s30+$0x4810]  }
0xfc: {  	v0 =	vld [tilespmem:s30+$0x820];
	v6 =	vmul.f32 v6, v2;
	[tilespmem:s29+$0x8820] =	vst v4;
	s29 =	smov.u32 s30  }
0xfd: {  	s30 =	sshra.s32 s31, $0x2;
	v4 =	vld [tilespmem:s29+$0x4820]  }
0xfe: {  	s31 =	sadd.s32 $0x200, s31;
	v2 =	vld [tilespmem:s30+$0x830];
	v5 =	vmul.f32 v5, v7;
	[tilespmem:s29+$0x8830] =	vst v6  }
0xff: {  	v6 =	vld [tilespmem:s30+$0x4830]  }
0x100: {  	v7 =	vld [tilespmem:s30+$0x800];
	[tilespmem:s29+$0x8800] =	vst v5;
	v1 =	vmul.f32 v3, v1  }
0x101: {  	v62 =	vld [tilespmem:s30+$0x4800]  }
0x102: {  	v5 =	vld [tilespmem:s30+$0x810];
	[tilespmem:s29+$0x8810] =	vst v1;
	v0 =	vmul.f32 v4, v0  }
0x103: {  	v1 =	vld [tilespmem:s30+$0x4810]  }
0x104: {  	v63 =	vld [tilespmem:s30+$0x820];
	[tilespmem:s29+$0x8820] =	vst v0  }
0x105: {  	v0 =	vld [tilespmem:s30+$0x4820];
	_ =	sdelay $0x1  }
0x106: {  	v2 =	vmul.f32 v6, v2  }
0x107: {  	v3 =	vmul.f32 v62, v7  }
0x108: {  	[tilespmem:s30+$0x8830] =	vst v2;
	v1 =	vmul.f32 v1, v5  }
0x109: {  	s28 =	sadd.s32 $0x1, s28;
	[tilespmem:s30+$0x8800] =	vst v3;
	v0 =	vmul.f32 v0, v63  }
0x10a: {  	p0 =	sne.s32 s28, s10;
	[tilespmem:s30+$0x8810] =	vst v1  }
.Ltmp4:
0x10b: {  	[tilespmem:s30+$0x8820] =	vst v0;
	(pc) =	sbr.rel @p0 .LBB2_1-.Ltmp4, $4  }
0x10c: {  	[hbm4b:s9+s2] =	stream.linear.scatter [tilespmem:s20], [sflag:$0x3], $0x4000, $0x38;
	[tilespmem:$0xC800] =	vst v63  }
0x10d: {  	_ =	swait.ge [sflag:s11], $0x4000  }
0x10e: {  	[sflag:s11] =	ssyncset.done $0x0  }
0x10f: {  	[sflag:s11] =	ssyncadd.s32 $0xFFFFC000  }
0x110: {  	_ =	sfence.sel $0x180000  }
0x111: {  	[bflag:$0x0] =	sbarrier.arrive $0xFFFF  }
0x112: {  	p0 =	sne.s32 s1, $0x0;
	_ =	strace $0x9000004A  }
0x113: {  	s0 =	sadd.s32 @!p0 $0x100000, s0;
	[bflag:$0x2] =	sbarrier.arrive $0xFFFF  }
0x114: {  	[sflag:s0] =	ssyncadd.tile.s32 @!p0 $0x1;
	_ =	shalt  }
.Lfunc_end2:
_tile_overlayer_lowered:
.L_overlay_start_2:
0x115: {  	(tag) =	ssettag $0x2  }
0x116: {  	s0 =	rddreg [dreg:$0x0];
	s2 =	stileid.u32  }
0x117: {  	s1 =	rddreg [dreg:$0x1];
	p0 =	sne.s32 s2, $0x0  }
0x118: {  	s3 =	rddreg [dreg:$0x2];
	[bflag:$0x3] =	sbarrier.arrive $0xFFFF;
	s2 =	simm.s32 @!p0 $0x1C03  }
0x119: {  	[timem:s3], [sflag:s2] =	dma.local @!p0 [hbm:s0], s1  }
0x11a: {  	s0 =	simm.s32 @!p0 $0x3  }
0x11b: {  	_ =	swait.ge @!p0 [sflag:s0], s1  }
0x11c: {  	s1 =	ssub.s32 @!p0 $0x0, s1;
	[sflag:s0] =	ssyncset.done @!p0 $0x0  }
0x11d: {  	[sflag:s0] =	ssyncadd.s32 @!p0 s1  }
0x11e: {  	[bflag:$0x3] =	sbarrier.arrive $0xFFFF  }
0x11f: {  	_ =	shalt  }

// kernel: kernel.16.cloned.1.call-start
scs
__scs_entry_jumppad:
0x0: {  	(pc) =	sbr.rel $0x88, $3  }
0x1: {  	(tag) =	ssettag $0x0;
	lr =	simm.s32 $0x1  }
0x2: {  	[smem:$0x3F88] =	sst lr;
	_ =	strace $0xD0000000  }
0x3: {  	_ = 	snop  }
0x4: {  	_ = 	snop  }
0x5: {  	_ = 	snop  }
0x6: {  	_ = 	snop  }
0x7: {  	_ = 	snop  }
__scs_overlays_trampoline_lowered:
0x8: {  	[smem:$0x3F97] =	sst s0  }
0x9: {  	[smem:$0x3F98] =	sst s1  }
0xa: {  	[smem:$0x3F99] =	sst s2  }
0xb: {  	[smem:$0x3F9A] =	sst s3  }
0xc: {  	[smem:$0x3F9B] =	sst s4  }
0xd: {  	[smem:$0x3F9C] =	sst s5  }
0xe: {  	[smem:$0x3F9D] =	sst s6  }
0xf: {  	[smem:$0x3F9E] =	sst s7  }
0x10: {  	[smem:$0x3F9F] =	sst s8  }
0x11: {  	[smem:$0x3FA0] =	sst s9;
	s0 =	simm.s32 @!p0 $0x0  }
0x12: {  	s1 =	sld [smem:$0x3F86];
	s0 =	simm.s32 @p0 $0x1  }
0x13: {  	[smem:$0x3FA1] =	sst s0;
	s0 =	simm.s32 @!p1 $0x0  }
0x14: {  	s2 =	sld [smem:$0x3F85];
	s0 =	simm.s32 @p1 $0x1  }
0x15: {  	[smem:$0x3FA2] =	sst s0;
	s0 =	simm.s32 @!p2 $0x0  }
0x16: {  	s3 =	sld [smem:$0x3FDB];
	s0 =	simm.s32 @p2 $0x1  }
0x17: {  	s4 =	simm.s32 $0x1BF5;
	[smem:$0x3FA4] =	sst s0  }
0x18: {  	s0 =	sld [smem:$0x3F87];
	_ =	swait.ge [sflag:s4], $0x0  }
0x19: {  	s7 =	sld [smem:$0x3F88]  }
0x1a: {  	s8 =	sadd.s32 $0xFFFFE003, lr  }
0x1b: {  	s9 =	sadd.s32 $0xFFFFFEF7, lr;
	s5 =	simm.s32 $0xFFFFFFFF;
	p2 =	slt.u32 s8, $0xFFFFF086  }
0x1c: {  	p1 =	slt.u32 s9, $0xF7A;
	s5 =	simm.s32 @!p2 $0x0  }
0x1d: {  	s5 =	simm.s32 @p1 $0x1;
	p0 =	seq.s32 s7, s2  }
0x1e: {  	s7 =	smul.u32 @!p0 $0xF7A, s2;
	p2 =	seq.s32 @!p0 s5, $0x0  }
0x1f: {  	s9 =	smul.u32 $0xF7A, s1;
	s8 =	simm.s32 @!p0 $0x1BF5;
	p2 =	por !p2, p0  }
0x20: {  	[sflag:s8] =	ssyncset.s32 @!p0 $0xFFFFF086;
	s6 =	sadd.s32 @!p0 s3, s7;
	s7 =	simm.s32 @!p0 $0x108  }
0x21: {  	s3 =	sadd.s32 s3, s9;
	s6 =	sadd.s32 @!p0 $0x88, s6;
	s7 =	simm.s32 @p2 $0x1082  }
0x22: {  	[simem:s7], [sflag:s8] =	dma.local @!p0 [hbm:s6], $0xF7A  }
0x23: {  	s9 =	sor.u32 $0xD0000000, s2;
	s6 =	simm.s32 $0x108;
	_ =	swait.ge @!p0 [sflag:s8], $0x0  }
0x24: {  	s3 =	sadd.s32 $0x88, s3;
	s6 =	simm.s32 @!p1 $0x1082;
	[sflag:s4] =	ssyncset.s32 $0xFFFFF086  }
0x25: {  	[simem:s6], [sflag:s4] =	dma.local [hbm:s3], $0xF7A  }
0x26: {  	[smem:$0x3F88] =	sst s1;
	(tag) =	ssettag s2;
	_ =	strace s9  }
0x27: {  	s1 =	sld [smem:$0x3F98]  }
0x28: {  	s2 =	sld [smem:$0x3F99]  }
0x29: {  	s4 =	sld [smem:$0x3F9B]  }
0x2a: {  	p0 =	seq.s32 s5, $0x0;
	s5 =	sld [smem:$0x3F9C]  }
0x2b: {  	s6 =	sld [smem:$0x3F9D]  }
0x2c: {  	s7 =	sld [smem:$0x3F9E]  }
0x2d: {  	s3 =	simm.s32 $0x108;
	s8 =	sld [smem:$0x3F9F]  }
0x2e: {  	s3 =	simm.s32 @!p0 $0x1082;
	s9 =	sld [smem:$0x3FA0]  }
0x2f: {  	lr =	sadd.s32 s0, s3;
	s0 =	sld [smem:$0x3F97]  }
0x30: {  	s3 =	sld [smem:$0x3F9A]  }
0x31: {  	[smem:$0x3FA3] =	sst s10  }
0x32: {  	s10 =	sld [smem:$0x3FA1];
	_ =	sdelay $0x3  }
0x33: {  	p0 =	seq.s32 s10, $0x1;
	s10 =	sld [smem:$0x3FA3];
	_ =	sdelay $0x3  }
0x34: {  	[smem:$0x3FA3] =	sst s10  }
0x35: {  	s10 =	sld [smem:$0x3FA2];
	_ =	sdelay $0x3  }
0x36: {  	p1 =	seq.s32 s10, $0x1;
	s10 =	sld [smem:$0x3FA3];
	_ =	sdelay $0x3  }
0x37: {  	[smem:$0x3FA3] =	sst s10  }
0x38: {  	s10 =	sld [smem:$0x3FA4]  }
0x39: {  	_ = 	snop;
	(pc) =	sbr.ind lr, $3  }
0x3a: {  	_ = 	snop  }
0x3b: {  	_ = 	snop  }
0x3c: {  	p2 =	seq.s32 s10, $0x1;
	s10 =	sld [smem:$0x3FA3]  }
0x3d: {  	_ =	shalt  }
0x3e: {  	_ =	shalt  }
0x3f: {  	_ =	shalt  }
0x40: {  	_ =	shalt  }
0x41: {  	_ =	shalt  }
0x42: {  	_ =	shalt  }
0x43: {  	_ =	shalt  }
0x44: {  	_ =	shalt  }
0x45: {  	_ =	shalt  }
0x46: {  	_ =	shalt  }
0x47: {  	_ =	shalt  }
0x48: {  	_ =	shalt  }
0x49: {  	_ =	shalt  }
0x4a: {  	_ =	shalt  }
0x4b: {  	_ =	shalt  }
0x4c: {  	_ =	shalt  }
0x4d: {  	_ =	shalt  }
0x4e: {  	_ =	shalt  }
0x4f: {  	_ =	shalt  }
0x50: {  	_ =	shalt  }
0x51: {  	_ =	shalt  }
0x52: {  	_ =	shalt  }
0x53: {  	_ =	shalt  }
0x54: {  	_ =	shalt  }
0x55: {  	_ =	shalt  }
0x56: {  	_ =	shalt  }
0x57: {  	_ =	shalt  }
0x58: {  	_ =	shalt  }
0x59: {  	_ =	shalt  }
0x5a: {  	_ =	shalt  }
0x5b: {  	_ =	shalt  }
0x5c: {  	_ =	shalt  }
0x5d: {  	_ =	shalt  }
0x5e: {  	_ =	shalt  }
0x5f: {  	_ =	shalt  }
0x60: {  	_ =	shalt  }
0x61: {  	_ =	shalt  }
0x62: {  	_ =	shalt  }
0x63: {  	_ =	shalt  }
0x64: {  	_ =	shalt  }
0x65: {  	_ =	shalt  }
0x66: {  	_ =	shalt  }
0x67: {  	_ =	shalt  }
0x68: {  	_ =	shalt  }
0x69: {  	_ =	shalt  }
0x6a: {  	_ =	shalt  }
0x6b: {  	_ =	shalt  }
0x6c: {  	_ =	shalt  }
0x6d: {  	_ =	shalt  }
0x6e: {  	_ =	shalt  }
0x6f: {  	_ =	shalt  }
0x70: {  	_ =	shalt  }
0x71: {  	_ =	shalt  }
0x72: {  	_ =	shalt  }
0x73: {  	_ =	shalt  }
0x74: {  	_ =	shalt  }
0x75: {  	_ =	shalt  }
0x76: {  	_ =	shalt  }
0x77: {  	_ =	shalt  }
0x78: {  	_ =	shalt  }
0x79: {  	_ =	shalt  }
0x7a: {  	_ =	shalt  }
0x7b: {  	_ =	shalt  }
0x7c: {  	_ =	shalt  }
0x7d: {  	_ =	shalt  }
0x7e: {  	_ =	shalt  }
0x7f: {  	_ =	shalt  }
0x80: {  	_ =	shalt  }
0x81: {  	_ =	shalt  }
0x82: {  	_ =	shalt  }
0x83: {  	_ =	shalt  }
0x84: {  	_ =	shalt  }
0x85: {  	_ =	shalt  }
0x86: {  	_ =	shalt  }
0x87: {  	_ =	shalt  }
.Lfunc_end0:
.L_simem_size_0:
called_computation.2_lowered:
.L_overlay_start_0:
0x88: {  	s2 =	sld [smem:$0x3FD9]  }
0x89: {  	s3 =	sld [smem:$0x3FFE];
	_ =	sdelay $0x1  }
0x8a: {  	s1 =	srdreg.scid  }
0x8b: {  	s0 =	sand.u32 $0x1, s1  }
0x8c: {  	s17 =	sshll.u32 s0, $0xA;
	s2 =	sadd.s32 s3, s2  }
0x8d: {  	s2 =	sadd.s32 s2, s17  }
0x8e: {  	[smem:$0x3FAF] =	sst s2  }
0x8f: {  	_ = 	snop  }
0x90: {  	(tm) =	ssettm $0x1  }
0x91: {  	s18 =	sld [smem:$0x3FFB];
	_ =	sdelay $0x3  }
0x92: {  	_ =	strace s18  }
0x93: {  	s2 =	sld [smem:$0x3FFC];
	_ =	sdelay $0x3  }
0x94: {  	_ =	strace s2  }
0x95: {  	s2 =	sld [smem:$0x3FFD];
	_ =	sdelay $0x3  }
0x96: {  	_ =	strace s2  }
0x97: {  	_ =	strace $0x8FFFFFFF  }
0x98: {  	s19 =	sld [smem:$0x3FDB];
	_ =	sdelay $0x1  }
0x99: {  	s20 =	simm.s32 $_scs_section_size  }
0x9a: {  	s4 =	simm.s32 $_size__tile_overlayer_lowered;
	s5 =	simm.s32 $_tile_overlayer_lowered  }
0x9b: {  	s6 =	simm.s32 $0x1BFF;
	s21 =	sshll.u32 s5, $0x1;
	s3 =	sadd.s32 s20, s19  }
0x9c: {  	s22 =	simm.s32 $0x0;
	s4 =	sshll.u32 s4, $0x1;
	s5 =	sadd.s32 s21, s3  }
0x9d: {  	[timem:s22], [sflag:s6] =	dma.local [hbm:s5], s4  }
0x9e: {  	_ =	swait.ge [sflag:s6], s4  }
0x9f: {  	s4 =	ssub.s32 $0x0, s4;
	[sflag:s6] =	ssyncset.done $0x0  }
0xa0: {  	[sflag:s6] =	ssyncadd.s32 s4;
	_ =	sdelay $0x1  }
0xa1: {  	s23 =	simm.s32 $0x1B8B  }
0xa2: {  	_ =	swait.ge [sflag:s23], $0x1  }
0xa3: {  	[sflag:s23] =	ssyncset.done $0x0  }
0xa4: {  	[sflag:s23] =	ssyncadd.s32 $0xFFFFFFFF  }
0xa5: {  	s4 =	sld [smem:$0x0]  }
0xa6: {  	s5 =	sand.u32 $0xFFFFFFFE, s1  }
0xa7: {  	p0 =	sne.s32 s1, s5  }
0xa8: {  	s5 =	sshll.u32 @p0 s5, $0xE  }
0xa9: {  	s5 =	sadd.s32 @p0 $0x11B8D, s5;
	s6 =	sshll.u32 @p0 s4, $0x11  }
0xaa: {  	s5 =	sor.u32 @p0 s6, s5  }
0xab: {  	[sflag:s5] =	ssyncadd.remote.s32 @p0 $0x1;
	_ =	sdelay $0x1  }
0xac: {  	s5 =	simm.s32 @p0 $0x1B8D  }
0xad: {  	_ =	swait.eq @p0 [sflag:s5], $0x1  }
0xae: {  	[sflag:s5] =	ssyncadd.s32 @p0 $0xFFFFFFFF  }
0xaf: {  	s6 =	sshll.u32 @!p0 s1, $0xE  }
0xb0: {  	s6 =	sor.u32 @!p0 $0x4000, s6;
	s5 =	simm.s32 @!p0 $0x1B8D  }
0xb1: {  	s4 =	sshll.u32 @!p0 s4, $0x11;
	s6 =	sadd.s32 @!p0 $0x11B8D, s6;
	_ =	swait.eq @!p0 [sflag:s5], $0x1  }
0xb2: {  	s4 =	sor.u32 @!p0 s4, s6;
	[sflag:s5] =	ssyncadd.s32 @!p0 $0xFFFFFFFF  }
0xb3: {  	s25 =	simm.s32 $0x1B8E;
	s24 =	sld [smem:$0x3FFE];
	[sflag:s4] =	ssyncadd.remote.s32 @!p0 $0x1  }
0xb4: {  	s26 =	simm.s32 $execute0_lowered;
	[smem:$0x3FD2] =	sst s25  }
0xb5: {  	s5 =	sshll.u32 s26, $0x1;
	_ =	strace $0x8000004C;
	[dreg:$0x1] =	wrdreg $0xFFFFFFFF  }
0xb6: {  	s28 =	simm.s32 $_size_execute0_lowered;
	s3 =	sadd.s32 s3, s5;
	[dreg:$0x0] =	wrdreg $0x0  }
0xb7: {  	s5 =	sshll.u32 s28, $0x1;
	[dreg:$0x2] =	wrdreg s3  }
0xb8: {  	[dreg:$0x3] =	wrdreg s5  }
0xb9: {  	[dreg:$0x4] =	wrdreg $0xC0  }
0xba: {  	_ =	task [dreg:s22], $0x5FFFF  }
0xbb: {  	[dreg:$0x1] =	wrdreg $0xFFFFFFFF  }
0xbc: {  	[dreg:$0x0] =	wrdreg $0x60  }
0xbd: {  	[dreg:$0x2] =	wrdreg s24  }
0xbe: {  	[dreg:$0x3] =	wrdreg $0xA  }
0xbf: {  	_ =	task.clear_ibuf [dreg:s22], $0x4FFFF;
	_ =	strace $0x9000004C  }
0xc0: {  	s29 =	simm.s32 $0xA;
	_ =	strace $0x8000004E  }
0xc1: {  	_ =	swait.ge [sflag:s29], $0x1  }
0xc2: {  	[sflag:s29] =	ssyncadd.s32 $0xFFFFFFFF  }
0xc3: {  	_ =	strace $0x9000004E  }
0xc4: {  	_ =	sfence  }
0xc5: {  	s30 =	sld [smem:$0x0];
	_ =	sdelay $0x2  }
0xc6: {  	s31 =	sshll.u32 s1, $0xD;
	s1 =	sshrl.u32 s1, $0x2  }
0xc7: {  	s4 =	sand.u32 $0x4000, s31;
	s1 =	sadd.s32 s1, s30  }
0xc8: {  	s0 =	sor.u32 s4, s0;
	s1 =	sshll.u32 s1, $0x11  }
0xc9: {  	s0 =	sor.u32 s1, s0  }
0xca: {  	s0 =	sadd.s32 $0x8F2B, s0  }
0xcb: {  	[sflag:s0] =	ssyncadd.remote.s32 $0x1  }
0xcc: {  	_ =	sfence.sel $0xFFFF  }
0xcd: {  	[dreg:$0x0] =	wrdreg $0xFFFFFFFF;
	(pc) =	sbr.abs _section_cstart, $3  }
0xce: {  	[dreg:$0x1] =	wrdreg $0xFFFFFFFF  }
0xcf: {  	_ =	task.clear_ibuf [dreg:s22], $0x2FFFF;
	_ =	strace $0x9FFFFFFF  }
0xd0: {  	(tm) =	ssettm $0x7FFFFFFF  }
0xd1: {  	_ =	shalt  }
tec
execute0_lowered:
.L_overlay_start_1:
0x0: {  	(tag) =	ssettag $0x1  }
0x1: {  	s4 =	rddreg [dreg:$0x0]  }
0x2: {  	s1 =	srdreg.scid;
	s0 =	rddreg [dreg:$0x1];
	s2 =	simm.s32 $0x0  }
0x3: {  	s11 =	simm.s32 $0x3;
	s12 =	simm.s32 $0x200;
	s13 =	simm.s32 $0x80  }
0x4: {  	s14 =	simm.s32 $0x400;
	s15 =	simm.s32 $0x800;
	s16 =	simm.s32 $0x600  }
0x5: {  	s17 =	simm.s32 $0x4800;
	s18 =	simm.s32 $0x1;
	s19 =	simm.s32 $0x2  }
0x6: {  	s20 =	simm.s32 $0x8800;
	s21 =	simm.s32 $0x480;
	s22 =	simm.s32 $0x680  }
0x7: {  	s23 =	simm.s32 $0x500;
	s24 =	simm.s32 $0x700;
	s25 =	simm.s32 $0x580  }
0x8: {  	s26 =	simm.s32 $0x780;
	s28 =	simm.s32 $0x0;
	s5 =	sand.u32 $0x1, s1  }
0x9: {  	[smem:$0x7FF] =	sst s2;
	s1 =	stileid.u32;
	s3 =	sshll.u32 s5, $0x4  }
0xa: {  	_ =	strace $0x8000004D;
	s8 =	sshll.u32 s1, $0x6;
	s6 =	sor.u32 s1, s3  }
0xb: {  	s5 =	ssub.s32 $0x2, s5;
	s3 =	sadd.s32 $0x5C00, s4;
	s7 =	sshll.u32 s6, $0x6  }
0xc: {  	s8 =	sand.u32 $0x40, s8;
	s31 =	sshrl.u32 s5, $0x1;
	s7 =	sand.u32 $0x780, s7  }
0xd: {  	s6 =	sshll.u32 s6, $0xD;
	s10 =	ssub.s32 s5, s31;
	s7 =	sor.u32 s8, s7  }
0xe: {  	s9 =	sadd.s32 s6, s4;
	s10 =	smax.u32 s10, $0x1;
	s7 =	sadd.s32 s7, s4  }
0xf: {  	s6 =	sadd.s32 $0xDC00, s9;
	s8 =	sadd.s32 $0xEC00, s9;
	s4 =	sadd.s32 $0x5400, s7  }
0x10: {  	s5 =	sadd.s32 $0x4C00, s7;
	s7 =	sadd.s32 $0xE400, s9;
	s9 =	sadd.s32 $0xF400, s9  }
.LBB2_1:
0x11: {  	[tilespmem:s2], [sflag:$0x3] =	stream.linear.gather [hbm4b:s4+s2], $0x200, $0x38;
	[tilespmem:$0xC800] =	vst v63  }
0x12: {  	_ =	swait.ge [sflag:s11], $0x200  }
0x13: {  	[sflag:s11] =	ssyncset.done $0x0  }
0x14: {  	[sflag:s11] =	ssyncadd.s32 $0xFFFFFE00  }
0x15: {  	v0 =	vld [tilespmem:$0x0]  }
0x16: {  	v1 =	vld [tilespmem:$0x10]  }
0x17: {  	v2 =	vld [tilespmem:$0x20]  }
0x18: {  	v3 =	vld [tilespmem:$0x30]  }
0x19: {  	v4 =	vld [tilespmem:$0x40]  }
0x1a: {  	[tilespmem:$0x400] =	vst v0;
	v0 =	vld [tilespmem:$0x50]  }
0x1b: {  	[tilespmem:$0x410] =	vst v1;
	v1 =	vld [tilespmem:$0x60]  }
0x1c: {  	[tilespmem:$0x420] =	vst v2;
	v2 =	vld [tilespmem:$0x70]  }
0x1d: {  	[tilespmem:$0x430] =	vst v3;
	v3 =	vld [tilespmem:$0x80]  }
0x1e: {  	[tilespmem:$0x440] =	vst v4;
	v4 =	vld [tilespmem:$0x90]  }
0x1f: {  	[tilespmem:$0x450] =	vst v0;
	v0 =	vld [tilespmem:$0xA0]  }
0x20: {  	[tilespmem:$0x460] =	vst v1;
	v1 =	vld [tilespmem:$0xB0]  }
0x21: {  	[tilespmem:$0x470] =	vst v2;
	v2 =	vld [tilespmem:$0xC0]  }
0x22: {  	[tilespmem:$0x480] =	vst v3;
	v3 =	vld [tilespmem:$0xD0]  }
0x23: {  	[tilespmem:$0x490] =	vst v4;
	v4 =	vld [tilespmem:$0xE0]  }
0x24: {  	[tilespmem:$0x4A0] =	vst v0;
	v0 =	vld [tilespmem:$0xF0]  }
0x25: {  	[tilespmem:$0x4B0] =	vst v1;
	v1 =	vld [tilespmem:$0x100]  }
0x26: {  	[tilespmem:$0x4C0] =	vst v2;
	v2 =	vld [tilespmem:$0x110]  }
0x27: {  	[tilespmem:$0x4D0] =	vst v3;
	v3 =	vld [tilespmem:$0x120]  }
0x28: {  	[tilespmem:$0x4E0] =	vst v4;
	v4 =	vld [tilespmem:$0x130]  }
0x29: {  	[tilespmem:$0x4F0] =	vst v0;
	v0 =	vld [tilespmem:$0x140]  }
0x2a: {  	[tilespmem:$0x500] =	vst v1;
	v1 =	vld [tilespmem:$0x150]  }
0x2b: {  	[tilespmem:$0x510] =	vst v2;
	v2 =	vld [tilespmem:$0x160]  }
0x2c: {  	[tilespmem:$0x520] =	vst v3;
	v3 =	vld [tilespmem:$0x170]  }
0x2d: {  	[tilespmem:$0x530] =	vst v4;
	v4 =	vld [tilespmem:$0x180]  }
0x2e: {  	[tilespmem:$0x540] =	vst v0;
	v0 =	vld [tilespmem:$0x190]  }
0x2f: {  	[tilespmem:$0x550] =	vst v1;
	v1 =	vld [tilespmem:$0x1A0]  }
0x30: {  	[tilespmem:$0x560] =	vst v2;
	v2 =	vld [tilespmem:$0x1B0]  }
0x31: {  	[tilespmem:$0x570] =	vst v3;
	v3 =	vld [tilespmem:$0x1C0]  }
0x32: {  	[tilespmem:$0x580] =	vst v4;
	v4 =	vld [tilespmem:$0x1D0]  }
0x33: {  	[tilespmem:$0x590] =	vst v0;
	v0 =	vld [tilespmem:$0x1E0]  }
0x34: {  	[tilespmem:$0x5A0] =	vst v1;
	v1 =	vld [tilespmem:$0x1F0]  }
0x35: {  	[tilespmem:$0x5B0] =	vst v2  }
0x36: {  	[tilespmem:$0x5C0] =	vst v3  }
0x37: {  	[tilespmem:$0x5D0] =	vst v4  }
0x38: {  	[tilespmem:$0x5E0] =	vst v0  }
0x39: {  	[tilespmem:$0x5F0] =	vst v1  }
0x3a: {  	[tilespmem:s12], [sflag:$0x3] =	stream.linear.gather [hbm4b:s5+s2], $0x200, $0x38;
	[tilespmem:$0xC800] =	vst v63  }
0x3b: {  	_ =	swait.ge [sflag:s11], $0x200  }
0x3c: {  	[sflag:s11] =	ssyncset.done $0x0  }
0x3d: {  	[sflag:s11] =	ssyncadd.s32 $0xFFFFFE00  }
0x3e: {  	v0 =	vld [tilespmem:$0x200]  }
0x3f: {  	v1 =	vld [tilespmem:$0x210]  }
0x40: {  	v2 =	vld [tilespmem:$0x220]  }
0x41: {  	v3 =	vld [tilespmem:$0x230]  }
0x42: {  	v4 =	vld [tilespmem:$0x240]  }
0x43: {  	[tilespmem:$0x600] =	vst v0;
	v0 =	vld [tilespmem:$0x250]  }
0x44: {  	[tilespmem:$0x610] =	vst v1;
	v1 =	vld [tilespmem:$0x260]  }
0x45: {  	[tilespmem:$0x620] =	vst v2;
	v2 =	vld [tilespmem:$0x270]  }
0x46: {  	[tilespmem:$0x630] =	vst v3;
	v3 =	vld [tilespmem:$0x280]  }
0x47: {  	[tilespmem:$0x640] =	vst v4;
	v4 =	vld [tilespmem:$0x290]  }
0x48: {  	[tilespmem:$0x650] =	vst v0;
	v0 =	vld [tilespmem:$0x2A0]  }
0x49: {  	[tilespmem:$0x660] =	vst v1;
	v1 =	vld [tilespmem:$0x2B0]  }
0x4a: {  	[tilespmem:$0x670] =	vst v2;
	v2 =	vld [tilespmem:$0x2C0]  }
0x4b: {  	[tilespmem:$0x680] =	vst v3;
	v3 =	vld [tilespmem:$0x2D0]  }
0x4c: {  	[tilespmem:$0x690] =	vst v4;
	v4 =	vld [tilespmem:$0x2E0]  }
0x4d: {  	[tilespmem:$0x6A0] =	vst v0;
	v0 =	vld [tilespmem:$0x2F0]  }
0x4e: {  	[tilespmem:$0x6B0] =	vst v1;
	v1 =	vld [tilespmem:$0x300]  }
0x4f: {  	[tilespmem:$0x6C0] =	vst v2;
	v2 =	vld [tilespmem:$0x310]  }
0x50: {  	[tilespmem:$0x6D0] =	vst v3;
	v3 =	vld [tilespmem:$0x320]  }
0x51: {  	[tilespmem:$0x6E0] =	vst v4;
	v4 =	vld [tilespmem:$0x330]  }
0x52: {  	[tilespmem:$0x6F0] =	vst v0;
	v0 =	vld [tilespmem:$0x340]  }
0x53: {  	[tilespmem:$0x700] =	vst v1;
	v1 =	vld [tilespmem:$0x350]  }
0x54: {  	[tilespmem:$0x710] =	vst v2;
	v2 =	vld [tilespmem:$0x360]  }
0x55: {  	[tilespmem:$0x720] =	vst v3;
	v3 =	vld [tilespmem:$0x370]  }
0x56: {  	[tilespmem:$0x730] =	vst v4;
	v4 =	vld [tilespmem:$0x380]  }
0x57: {  	[tilespmem:$0x740] =	vst v0;
	v0 =	vld [tilespmem:$0x390]  }
0x58: {  	[tilespmem:$0x750] =	vst v1;
	v1 =	vld [tilespmem:$0x3A0]  }
0x59: {  	[tilespmem:$0x760] =	vst v2;
	v2 =	vld [tilespmem:$0x3B0]  }
0x5a: {  	[tilespmem:$0x770] =	vst v3;
	v3 =	vld [tilespmem:$0x3C0]  }
0x5b: {  	[tilespmem:$0x780] =	vst v4;
	v4 =	vld [tilespmem:$0x3D0]  }
0x5c: {  	[tilespmem:$0x790] =	vst v0;
	v0 =	vld [tilespmem:$0x3E0]  }
0x5d: {  	[tilespmem:$0x7A0] =	vst v1;
	v1 =	vld [tilespmem:$0x3F0]  }
0x5e: {  	[tilespmem:$0x7B0] =	vst v2  }
0x5f: {  	[tilespmem:$0x7C0] =	vst v3  }
0x60: {  	[tilespmem:$0x7D0] =	vst v4  }
0x61: {  	[tilespmem:$0x7E0] =	vst v0  }
0x62: {  	[tilespmem:$0x7F0] =	vst v1  }
0x63: {  	[tilespmem:s15], [sflag:$0x1] =	stream.indirect.gather [hbm4b:s3+s13], $0x80, s14, s13, $0xb8;
	[tilespmem:$0xC800] =	vst v63  }
0x64: {  	_ = 	snop  }
0x65: {  	[tilespmem:s17], [sflag:$0x2] =	stream.indirect.gather [hbm4b:s3+s13], $0x80, s16, s13, $0xb8;
	[tilespmem:$0xC800] =	vst v63  }
0x66: {  	_ =	swait.ge [sflag:s18], $0x4000  }
0x67: {  	[sflag:s18] =	ssyncset.done $0x0  }
0x68: {  	[sflag:s18] =	ssyncadd.s32 $0xFFFFC000  }
0x69: {  	_ =	swait.ge [sflag:s19], $0x4000  }
0x6a: {  	[sflag:s19] =	ssyncset.done $0x0  }
0x6b: {  	s29 =	simm.s32 $0x0;
	[sflag:s19] =	ssyncadd.s32 $0xFFFFC000  }
0x6c: {  	v2 =	vld [tilespmem:s29+$0x830]  }
0x6d: {  	v4 =	vld [tilespmem:s29+$0x4830]  }
0x6e: {  	v5 =	vld [tilespmem:s29+$0x800]  }
0x6f: {  	v6 =	vld [tilespmem:s29+$0x4800]  }
0x70: {  	v1 =	vld [tilespmem:s29+$0x810]  }
0x71: {  	v3 =	vld [tilespmem:s29+$0x4810]  }
0x72: {  	v0 =	vld [tilespmem:s29+$0x820];
	v7 =	vmul.f32 v4, v2  }
0x73: {  	s30 =	simm.s32 $0x80;
	v4 =	vld [tilespmem:s29+$0x4820]  }
0x74: {  	s31 =	simm.s32 $0x400;
	v2 =	vld [tilespmem:s30+$0x830];
	v5 =	vmul.f32 v6, v5;
	[tilespmem:s29+$0x8830] =	vst v7  }
.LBB2_2:
0x75: {  	p0 =	sne.s32 s31, $0xFE00;
	v6 =	vld [tilespmem:s30+$0x4830]  }
0x76: {  	v7 =	vld [tilespmem:s30+$0x800];
	[tilespmem:s29+$0x8800] =	vst v5;
	v3 =	vmul.f32 v3, v1  }
0x77: {  	v5 =	vld [tilespmem:s30+$0x4800]  }
.Ltmp0:
0x78: {  	v1 =	vld [tilespmem:s30+$0x810];
	[tilespmem:s29+$0x8810] =	vst v3;
	v4 =	vmul.f32 v4, v0;
	(pc) =	sbr.rel @p0 .LBB2_2-.Ltmp0, $4  }
0x79: {  	v3 =	vld [tilespmem:s30+$0x4810]  }
0x7a: {  	v0 =	vld [tilespmem:s30+$0x820];
	v6 =	vmul.f32 v6, v2;
	[tilespmem:s29+$0x8820] =	vst v4;
	s29 =	smov.u32 s30  }
0x7b: {  	s30 =	sshra.s32 s31, $0x2;
	v4 =	vld [tilespmem:s29+$0x4820]  }
0x7c: {  	s31 =	sadd.s32 $0x200, s31;
	v2 =	vld [tilespmem:s30+$0x830];
	v5 =	vmul.f32 v5, v7;
	[tilespmem:s29+$0x8830] =	vst v6  }
0x7d: {  	v6 =	vld [tilespmem:s30+$0x4830]  }
0x7e: {  	v7 =	vld [tilespmem:s30+$0x800];
	[tilespmem:s29+$0x8800] =	vst v5;
	v1 =	vmul.f32 v3, v1  }
0x7f: {  	v3 =	vld [tilespmem:s30+$0x4800]  }
0x80: {  	v5 =	vld [tilespmem:s30+$0x810];
	[tilespmem:s29+$0x8810] =	vst v1;
	v0 =	vmul.f32 v4, v0  }
0x81: {  	v1 =	vld [tilespmem:s30+$0x4810]  }
0x82: {  	v4 =	vld [tilespmem:s30+$0x820];
	[tilespmem:s29+$0x8820] =	vst v0  }
0x83: {  	v0 =	vld [tilespmem:s30+$0x4820];
	_ =	sdelay $0x1  }
0x84: {  	v2 =	vmul.f32 v6, v2  }
0x85: {  	v3 =	vmul.f32 v3, v7  }
0x86: {  	[tilespmem:s30+$0x8830] =	vst v2;
	v1 =	vmul.f32 v1, v5  }
0x87: {  	[tilespmem:s30+$0x8800] =	vst v3;
	v0 =	vmul.f32 v0, v4  }
0x88: {  	[tilespmem:s30+$0x8810] =	vst v1  }
0x89: {  	s29 =	simm.s32 $0x0;
	[tilespmem:s30+$0x8820] =	vst v0  }
0x8a: {  	[hbm4b:s6+s29] =	stream.linear.scatter [tilespmem:s20], [sflag:$0x3], $0x4000, $0x38;
	[tilespmem:$0xC800] =	vst v63  }
0x8b: {  	_ =	swait.ge [sflag:s11], $0x4000  }
0x8c: {  	[sflag:s11] =	ssyncset.done $0x0  }
0x8d: {  	[sflag:s11] =	ssyncadd.s32 $0xFFFFC000  }
0x8e: {  	[tilespmem:s15], [sflag:$0x1] =	stream.indirect.gather [hbm4b:s3+s13], $0x80, s21, s13, $0xb8;
	[tilespmem:$0xC800] =	vst v63  }
0x8f: {  	_ = 	snop  }
0x90: {  	[tilespmem:s17], [sflag:$0x2] =	stream.indirect.gather [hbm4b:s3+s13], $0x80, s22, s13, $0xb8;
	[tilespmem:$0xC800] =	vst v63  }
0x91: {  	_ =	swait.ge [sflag:s18], $0x4000  }
0x92: {  	[sflag:s18] =	ssyncset.done $0x0  }
0x93: {  	[sflag:s18] =	ssyncadd.s32 $0xFFFFC000  }
0x94: {  	_ =	swait.ge [sflag:s19], $0x4000  }
0x95: {  	[sflag:s19] =	ssyncset.done $0x0  }
0x96: {  	s29 =	simm.s32 $0x0;
	[sflag:s19] =	ssyncadd.s32 $0xFFFFC000  }
0x97: {  	v2 =	vld [tilespmem:s29+$0x830]  }
0x98: {  	v4 =	vld [tilespmem:s29+$0x4830]  }
0x99: {  	v5 =	vld [tilespmem:s29+$0x800]  }
0x9a: {  	v6 =	vld [tilespmem:s29+$0x4800]  }
0x9b: {  	v1 =	vld [tilespmem:s29+$0x810]  }
0x9c: {  	v3 =	vld [tilespmem:s29+$0x4810]  }
0x9d: {  	v0 =	vld [tilespmem:s29+$0x820];
	v7 =	vmul.f32 v4, v2  }
0x9e: {  	s30 =	simm.s32 $0x80;
	v4 =	vld [tilespmem:s29+$0x4820]  }
0x9f: {  	s31 =	simm.s32 $0x400;
	v2 =	vld [tilespmem:s30+$0x830];
	v5 =	vmul.f32 v6, v5;
	[tilespmem:s29+$0x8830] =	vst v7  }
.LBB2_4:
0xa0: {  	p0 =	sne.s32 s31, $0xFE00;
	v6 =	vld [tilespmem:s30+$0x4830]  }
0xa1: {  	v7 =	vld [tilespmem:s30+$0x800];
	[tilespmem:s29+$0x8800] =	vst v5;
	v3 =	vmul.f32 v3, v1  }
0xa2: {  	v5 =	vld [tilespmem:s30+$0x4800]  }
.Ltmp1:
0xa3: {  	v1 =	vld [tilespmem:s30+$0x810];
	[tilespmem:s29+$0x8810] =	vst v3;
	v4 =	vmul.f32 v4, v0;
	(pc) =	sbr.rel @p0 .LBB2_4-.Ltmp1, $4  }
0xa4: {  	v3 =	vld [tilespmem:s30+$0x4810]  }
0xa5: {  	v0 =	vld [tilespmem:s30+$0x820];
	v6 =	vmul.f32 v6, v2;
	[tilespmem:s29+$0x8820] =	vst v4;
	s29 =	smov.u32 s30  }
0xa6: {  	s30 =	sshra.s32 s31, $0x2;
	v4 =	vld [tilespmem:s29+$0x4820]  }
0xa7: {  	s31 =	sadd.s32 $0x200, s31;
	v2 =	vld [tilespmem:s30+$0x830];
	v5 =	vmul.f32 v5, v7;
	[tilespmem:s29+$0x8830] =	vst v6  }
0xa8: {  	v6 =	vld [tilespmem:s30+$0x4830]  }
0xa9: {  	v7 =	vld [tilespmem:s30+$0x800];
	[tilespmem:s29+$0x8800] =	vst v5;
	v1 =	vmul.f32 v3, v1  }
0xaa: {  	v3 =	vld [tilespmem:s30+$0x4800]  }
0xab: {  	v5 =	vld [tilespmem:s30+$0x810];
	[tilespmem:s29+$0x8810] =	vst v1;
	v0 =	vmul.f32 v4, v0  }
0xac: {  	v1 =	vld [tilespmem:s30+$0x4810]  }
0xad: {  	v4 =	vld [tilespmem:s30+$0x820];
	[tilespmem:s29+$0x8820] =	vst v0  }
0xae: {  	v0 =	vld [tilespmem:s30+$0x4820];
	_ =	sdelay $0x1  }
0xaf: {  	v2 =	vmul.f32 v6, v2  }
0xb0: {  	v3 =	vmul.f32 v3, v7  }
0xb1: {  	[tilespmem:s30+$0x8830] =	vst v2;
	v1 =	vmul.f32 v1, v5  }
0xb2: {  	[tilespmem:s30+$0x8800] =	vst v3;
	v0 =	vmul.f32 v0, v4  }
0xb3: {  	[tilespmem:s30+$0x8810] =	vst v1  }
0xb4: {  	s29 =	simm.s32 $0x0;
	[tilespmem:s30+$0x8820] =	vst v0  }
0xb5: {  	[hbm4b:s7+s29] =	stream.linear.scatter [tilespmem:s20], [sflag:$0x3], $0x4000, $0x38;
	[tilespmem:$0xC800] =	vst v63  }
0xb6: {  	_ =	swait.ge [sflag:s11], $0x4000  }
0xb7: {  	[sflag:s11] =	ssyncset.done $0x0  }
0xb8: {  	[sflag:s11] =	ssyncadd.s32 $0xFFFFC000  }
0xb9: {  	[tilespmem:s15], [sflag:$0x1] =	stream.indirect.gather [hbm4b:s3+s13], $0x80, s23, s13, $0xb8;
	[tilespmem:$0xC800] =	vst v63  }
0xba: {  	_ = 	snop  }
0xbb: {  	[tilespmem:s17], [sflag:$0x2] =	stream.indirect.gather [hbm4b:s3+s13], $0x80, s24, s13, $0xb8;
	[tilespmem:$0xC800] =	vst v63  }
0xbc: {  	_ =	swait.ge [sflag:s18], $0x4000  }
0xbd: {  	[sflag:s18] =	ssyncset.done $0x0  }
0xbe: {  	[sflag:s18] =	ssyncadd.s32 $0xFFFFC000  }
0xbf: {  	_ =	swait.ge [sflag:s19], $0x4000  }
0xc0: {  	[sflag:s19] =	ssyncset.done $0x0  }
0xc1: {  	s29 =	simm.s32 $0x0;
	[sflag:s19] =	ssyncadd.s32 $0xFFFFC000  }
0xc2: {  	v2 =	vld [tilespmem:s29+$0x830]  }
0xc3: {  	v4 =	vld [tilespmem:s29+$0x4830]  }
0xc4: {  	v5 =	vld [tilespmem:s29+$0x800]  }
0xc5: {  	v6 =	vld [tilespmem:s29+$0x4800]  }
0xc6: {  	v1 =	vld [tilespmem:s29+$0x810]  }
0xc7: {  	v3 =	vld [tilespmem:s29+$0x4810]  }
0xc8: {  	v0 =	vld [tilespmem:s29+$0x820];
	v7 =	vmul.f32 v4, v2  }
0xc9: {  	s30 =	simm.s32 $0x80;
	v4 =	vld [tilespmem:s29+$0x4820]  }
0xca: {  	s31 =	simm.s32 $0x400;
	v2 =	vld [tilespmem:s30+$0x830];
	v5 =	vmul.f32 v6, v5;
	[tilespmem:s29+$0x8830] =	vst v7  }
.LBB2_6:
0xcb: {  	p0 =	sne.s32 s31, $0xFE00;
	v6 =	vld [tilespmem:s30+$0x4830]  }
0xcc: {  	v7 =	vld [tilespmem:s30+$0x800];
	[tilespmem:s29+$0x8800] =	vst v5;
	v3 =	vmul.f32 v3, v1  }
0xcd: {  	v5 =	vld [tilespmem:s30+$0x4800]  }
.Ltmp2:
0xce: {  	v1 =	vld [tilespmem:s30+$0x810];
	[tilespmem:s29+$0x8810] =	vst v3;
	v4 =	vmul.f32 v4, v0;
	(pc) =	sbr.rel @p0 .LBB2_6-.Ltmp2, $4  }
0xcf: {  	v3 =	vld [tilespmem:s30+$0x4810]  }
0xd0: {  	v0 =	vld [tilespmem:s30+$0x820];
	v6 =	vmul.f32 v6, v2;
	[tilespmem:s29+$0x8820] =	vst v4;
	s29 =	smov.u32 s30  }
0xd1: {  	s30 =	sshra.s32 s31, $0x2;
	v4 =	vld [tilespmem:s29+$0x4820]  }
0xd2: {  	s31 =	sadd.s32 $0x200, s31;
	v2 =	vld [tilespmem:s30+$0x830];
	v5 =	vmul.f32 v5, v7;
	[tilespmem:s29+$0x8830] =	vst v6  }
0xd3: {  	v6 =	vld [tilespmem:s30+$0x4830]  }
0xd4: {  	v7 =	vld [tilespmem:s30+$0x800];
	[tilespmem:s29+$0x8800] =	vst v5;
	v1 =	vmul.f32 v3, v1  }
0xd5: {  	v3 =	vld [tilespmem:s30+$0x4800]  }
0xd6: {  	v5 =	vld [tilespmem:s30+$0x810];
	[tilespmem:s29+$0x8810] =	vst v1;
	v0 =	vmul.f32 v4, v0  }
0xd7: {  	v1 =	vld [tilespmem:s30+$0x4810]  }
0xd8: {  	v4 =	vld [tilespmem:s30+$0x820];
	[tilespmem:s29+$0x8820] =	vst v0  }
0xd9: {  	v0 =	vld [tilespmem:s30+$0x4820];
	_ =	sdelay $0x1  }
0xda: {  	v2 =	vmul.f32 v6, v2  }
0xdb: {  	v3 =	vmul.f32 v3, v7  }
0xdc: {  	[tilespmem:s30+$0x8830] =	vst v2;
	v1 =	vmul.f32 v1, v5  }
0xdd: {  	[tilespmem:s30+$0x8800] =	vst v3;
	v0 =	vmul.f32 v0, v4  }
0xde: {  	[tilespmem:s30+$0x8810] =	vst v1  }
0xdf: {  	s29 =	simm.s32 $0x0;
	[tilespmem:s30+$0x8820] =	vst v0  }
0xe0: {  	[hbm4b:s8+s29] =	stream.linear.scatter [tilespmem:s20], [sflag:$0x3], $0x4000, $0x38;
	[tilespmem:$0xC800] =	vst v63  }
0xe1: {  	_ =	swait.ge [sflag:s11], $0x4000  }
0xe2: {  	[sflag:s11] =	ssyncset.done $0x0  }
0xe3: {  	[sflag:s11] =	ssyncadd.s32 $0xFFFFC000  }
0xe4: {  	[tilespmem:s15], [sflag:$0x1] =	stream.indirect.gather [hbm4b:s3+s13], $0x80, s25, s13, $0xb8;
	[tilespmem:$0xC800] =	vst v63  }
0xe5: {  	_ = 	snop  }
0xe6: {  	[tilespmem:s17], [sflag:$0x2] =	stream.indirect.gather [hbm4b:s3+s13], $0x80, s26, s13, $0xb8;
	[tilespmem:$0xC800] =	vst v63  }
0xe7: {  	_ =	swait.ge [sflag:s18], $0x4000  }
0xe8: {  	[sflag:s18] =	ssyncset.done $0x0  }
0xe9: {  	[sflag:s18] =	ssyncadd.s32 $0xFFFFC000  }
0xea: {  	_ =	swait.ge [sflag:s19], $0x4000  }
0xeb: {  	[sflag:s19] =	ssyncset.done $0x0  }
0xec: {  	s29 =	simm.s32 $0x0;
	[sflag:s19] =	ssyncadd.s32 $0xFFFFC000  }
0xed: {  	v2 =	vld [tilespmem:s29+$0x830]  }
0xee: {  	v4 =	vld [tilespmem:s29+$0x4830]  }
0xef: {  	v5 =	vld [tilespmem:s29+$0x800]  }
0xf0: {  	v6 =	vld [tilespmem:s29+$0x4800]  }
0xf1: {  	v1 =	vld [tilespmem:s29+$0x810]  }
0xf2: {  	v3 =	vld [tilespmem:s29+$0x4810]  }
0xf3: {  	v0 =	vld [tilespmem:s29+$0x820];
	v7 =	vmul.f32 v4, v2  }
0xf4: {  	s30 =	simm.s32 $0x80;
	v4 =	vld [tilespmem:s29+$0x4820]  }
0xf5: {  	s31 =	simm.s32 $0x400;
	v2 =	vld [tilespmem:s30+$0x830];
	v5 =	vmul.f32 v6, v5;
	[tilespmem:s29+$0x8830] =	vst v7  }
.LBB2_8:
0xf6: {  	p0 =	sne.s32 s31, $0xFE00;
	v6 =	vld [tilespmem:s30+$0x4830]  }
0xf7: {  	v7 =	vld [tilespmem:s30+$0x800];
	[tilespmem:s29+$0x8800] =	vst v5;
	v3 =	vmul.f32 v3, v1  }
0xf8: {  	v5 =	vld [tilespmem:s30+$0x4800]  }
.Ltmp3:
0xf9: {  	v1 =	vld [tilespmem:s30+$0x810];
	[tilespmem:s29+$0x8810] =	vst v3;
	v4 =	vmul.f32 v4, v0;
	(pc) =	sbr.rel @p0 .LBB2_8-.Ltmp3, $4  }
0xfa: {  	v3 =	vld [tilespmem:s30+$0x4810]  }
0xfb: {  	v0 =	vld [tilespmem:s30+$0x820];
	v6 =	vmul.f32 v6, v2;
	[tilespmem:s29+$0x8820] =	vst v4;
	s29 =	smov.u32 s30  }
0xfc: {  	s30 =	sshra.s32 s31, $0x2;
	v4 =	vld [tilespmem:s29+$0x4820]  }
0xfd: {  	s31 =	sadd.s32 $0x200, s31;
	v2 =	vld [tilespmem:s30+$0x830];
	v5 =	vmul.f32 v5, v7;
	[tilespmem:s29+$0x8830] =	vst v6  }
0xfe: {  	v6 =	vld [tilespmem:s30+$0x4830]  }
0xff: {  	v7 =	vld [tilespmem:s30+$0x800];
	[tilespmem:s29+$0x8800] =	vst v5;
	v1 =	vmul.f32 v3, v1  }
0x100: {  	v62 =	vld [tilespmem:s30+$0x4800]  }
0x101: {  	v5 =	vld [tilespmem:s30+$0x810];
	[tilespmem:s29+$0x8810] =	vst v1;
	v0 =	vmul.f32 v4, v0  }
0x102: {  	v1 =	vld [tilespmem:s30+$0x4810]  }
0x103: {  	v63 =	vld [tilespmem:s30+$0x820];
	[tilespmem:s29+$0x8820] =	vst v0  }
0x104: {  	v0 =	vld [tilespmem:s30+$0x4820];
	_ =	sdelay $0x1  }
0x105: {  	v2 =	vmul.f32 v6, v2  }
0x106: {  	v3 =	vmul.f32 v62, v7  }
0x107: {  	[tilespmem:s30+$0x8830] =	vst v2;
	v1 =	vmul.f32 v1, v5  }
0x108: {  	s28 =	sadd.s32 $0x1, s28;
	[tilespmem:s30+$0x8800] =	vst v3;
	v0 =	vmul.f32 v0, v63  }
0x109: {  	p0 =	sne.s32 s28, s10;
	[tilespmem:s30+$0x8810] =	vst v1  }
.Ltmp4:
0x10a: {  	[tilespmem:s30+$0x8820] =	vst v0;
	(pc) =	sbr.rel @p0 .LBB2_1-.Ltmp4, $4  }
0x10b: {  	[hbm4b:s9+s2] =	stream.linear.scatter [tilespmem:s20], [sflag:$0x3], $0x4000, $0x38;
	[tilespmem:$0xC800] =	vst v63  }
0x10c: {  	_ =	swait.ge [sflag:s11], $0x4000  }
0x10d: {  	[sflag:s11] =	ssyncset.done $0x0  }
0x10e: {  	[sflag:s11] =	ssyncadd.s32 $0xFFFFC000  }
0x10f: {  	_ =	sfence.sel $0x180000  }
0x110: {  	[bflag:$0x0] =	sbarrier.arrive $0xFFFF  }
0x111: {  	p0 =	sne.s32 s1, $0x0;
	_ =	strace $0x9000004D  }
0x112: {  	s0 =	sadd.s32 @!p0 $0x100000, s0;
	[bflag:$0x2] =	sbarrier.arrive $0xFFFF  }
0x113: {  	[sflag:s0] =	ssyncadd.tile.s32 @!p0 $0x1;
	_ =	shalt  }
.Lfunc_end2:
_tile_overlayer_lowered:
.L_overlay_start_2:
0x114: {  	(tag) =	ssettag $0x2  }
0x115: {  	s0 =	rddreg [dreg:$0x0];
	s2 =	stileid.u32  }
0x116: {  	s1 =	rddreg [dreg:$0x1];
	p0 =	sne.s32 s2, $0x0  }
0x117: {  	s3 =	rddreg [dreg:$0x2];
	[bflag:$0x3] =	sbarrier.arrive $0xFFFF;
	s2 =	simm.s32 @!p0 $0x1C03  }
0x118: {  	[timem:s3], [sflag:s2] =	dma.local @!p0 [hbm:s0], s1  }
0x119: {  	s0 =	simm.s32 @!p0 $0x3  }
0x11a: {  	_ =	swait.ge @!p0 [sflag:s0], s1  }
0x11b: {  	s1 =	ssub.s32 @!p0 $0x0, s1;
	[sflag:s0] =	ssyncset.done @!p0 $0x0  }
0x11c: {  	[sflag:s0] =	ssyncadd.s32 @!p0 s1  }
0x11d: {  	[bflag:$0x3] =	sbarrier.arrive $0xFFFF  }
0x11e: {  	_ =	shalt  }

</sc_bundles>
